<compile_context>
chip_gen: v7x
topology: tpu7x:2x2x1
jax: 0.10.2.dev20260603
libtpu: 0.0.44.dev20260713+nightly
codegen_flags: <defaults>
</compile_context>

<pallas_src>
import jax
import jax.numpy as jnp
from jax import lax
from jax.experimental import pallas as pl
from jax.experimental.pallas import tpu as pltpu
from jax.experimental.pallas import tpu_sc as plsc

_MAX_POSITION = 2048
_DEPTH = 64
_LENGTH = 1024

_NC = 2
_NS = 16
_NW = _NC * _NS
_ROWS_PER_W = _LENGTH // _NW
_QS = 8
_BLK = 256
_WIN = 1280
_DG = 16
_FWD_W = 1288
_SUB = 8
_LAN = 128


def _sc_body(tab_hbm, out_hbm, fwd_v, rev_v, wsem):
    cid = lax.axis_index("c")
    sid = lax.axis_index("s")
    wid = sid * _NC + cid
    q = wid % _QS
    blk = wid // _QS
    row0 = blk * _BLK + q

    fwd_lo = pl.multiple_of(1016 + blk * _BLK, 8)
    rev_top = 1279 + q

    lanes = lax.iota(jnp.int32, 16)
    for g in range(_DEPTH // _DG):
        pltpu.sync_copy(
            tab_hbm.at[pl.ds(g * _DG, _DG), pl.ds(fwd_lo, _FWD_W)],
            fwd_v,
        )
        for dl in range(_DG):
            d = g * _DG + dl
            d_idx = jnp.full((16,), dl, jnp.int32)

            def _rev_chunk(c, carry, d_idx=d_idx, d=d):
                src = (rev_top - 16 * c) - lanes
                rev_v[d // _SUB, d % _SUB,
                      pl.ds(pl.multiple_of(16 * c, 16), 16)] = (
                    plsc.load_gather(fwd_v, [d_idx, src])
                )
                return carry

            lax.fori_loop(0, _WIN // 16, _rev_chunk, 0)

    def _row(t, carry):
        s = pl.multiple_of((_ROWS_PER_W - 1 - t) * _QS, 8)
        fired = [
            pltpu.async_copy(
                rev_v.at[:, :, pl.ds(s + jt * _LAN, _LAN)],
                out_hbm.at[row0 + t * _QS, :, jt],
                wsem,
            )
            for jt in range(_DEPTH // _SUB)
        ]
        for cp in fired:
            cp.wait()
        return carry

    lax.fori_loop(0, _ROWS_PER_W, _row, 0)


@jax.jit
def _rel_pos_sc(table_t):
    mesh = plsc.VectorSubcoreMesh(core_axis_name="c", subcore_axis_name="s")
    return pl.kernel(
        _sc_body,
        out_type=jax.ShapeDtypeStruct(
            (_LENGTH, _SUB, _LENGTH // _LAN, _SUB, _LAN), jnp.float32
        ),
        mesh=mesh,
        scratch_types=[
            pltpu.VMEM((_DG, _FWD_W), jnp.float32),
            pltpu.VMEM((_SUB, _SUB, _WIN), jnp.float32),
            pltpu.SemaphoreType.DMA,
        ],
        compiler_params=pltpu.CompilerParams(
            use_tc_tiling_on_sc=False, needs_layout_passes=False
        ),
    )(table_t)


def kernel(inputs, rel_embeddings):
    del inputs
    table_t = jnp.transpose(rel_embeddings)
    out5 = _rel_pos_sc(table_t)
    out_t = jnp.transpose(out5, (0, 2, 4, 1, 3))
    return jnp.reshape(out_t, (_LENGTH, _LENGTH, _DEPTH))

# --- scband reference (transcript-rebuilt; emitter-appended) ---
"""Pipeline reference for scband-relative-position-encoding-13288628814036 (READ-ONLY COPY).

The authoritative reference and input builder live on the scoring server;
editing this copy changes nothing except your own understanding.
"""

import jax, jax.numpy as jnp
import numpy as np

MAX_POSITION = 2048
DEPTH = 64

def setup_inputs(seed: int = 0) -> dict:
    key = jax.random.key(seed)
    k1, k2 = jax.random.split(key)
    inputs = jax.random.normal(k1, (2, 1024, 64), dtype=jnp.float32)
    rel_embeddings = jax.random.normal(k2, (2 * MAX_POSITION - 1, DEPTH), dtype=jnp.float32) * 0.02
    return {"inputs": inputs, "rel_embeddings": rel_embeddings}

def reference(inputs, rel_embeddings):
    length = inputs.shape[1]
    pos_range = jnp.arange(length)
    pos_indices = pos_range[:, None] - pos_range[None, :] + MAX_POSITION - 1
    return jnp.take(rel_embeddings, pos_indices, axis=0)

if __name__ == "__main__":
    import jax
    _d = setup_inputs()
    print(jax.jit(kernel)(*tuple(_d.values())))

</pallas_src>

<mosaic_0001>
#map = affine_map<(d0, d1) -> (0, 0)>
#map1 = affine_map<(d0, d1) -> (0, 0, 0, 0, 0)>
module attributes {stable_mosaic.version = 14 : i64} {
  func.func @_sc_body(%arg0: i32, %arg1: i32, %arg2: memref<64x4095xf32, #tpu.memory_space<hbm>>, %arg3: memref<1024x8x8x8x128xf32, #tpu.memory_space<hbm>>, %arg4: memref<16x1288xf32, #tpu.memory_space<vmem>>, %arg5: memref<8x8x1280xf32, #tpu.memory_space<vmem>>, %arg6: memref<!tpu.dma_semaphore, #tpu.memory_space<semaphore_mem>>) attributes {dimension_semantics = [#tpu.dimension_semantics<core_parallel>, #tpu.dimension_semantics<subcore_parallel>], iteration_bounds = array<i64: 2, 16>, scalar_prefetch = 0 : i64, scratch_operands = 3 : i64, tpu.core_type = #tpu.core_type<sc_vector_subcore>, window_params = [{transform_indices = #map}, {transform_indices = #map1}]} {
    %mul3A = arith.constant 2 : i32
    %mul3A_0 = arith.muli %arg1, %mul3A : i32
    %add3A = arith.addi %mul3A_0, %arg0 : i32
    %jit3A = arith.constant 8 : i32
    %eq3A = arith.constant 0 : i32
    %eq3A_1 = arith.cmpi eq, %jit3A, %eq3A : i32
    %jit3A_2 = arith.constant 1 : i32
    %select_n3A = arith.select %eq3A_1, %jit3A_2, %jit3A : i32
    %rem3A = arith.remsi %add3A, %select_n3A : i32
    %ne3A = arith.constant 0 : i32
    %ne3A_3 = arith.cmpi ne, %rem3A, %ne3A : i32
    %lt3A = arith.constant 0 : i32
    %lt3A_4 = arith.cmpi slt, %rem3A, %lt3A : i32
    %lt3A_5 = arith.constant 0 : i32
    %lt3A_6 = arith.cmpi slt, %select_n3A, %lt3A_5 : i32
    %ne3A_7 = arith.xori %lt3A_4, %lt3A_6 : i1
    %and3A = arith.andi %ne3A_7, %ne3A_3 : i1
    %add3A_8 = arith.addi %rem3A, %select_n3A : i32
    %select_n3A_9 = arith.select %and3A, %add3A_8, %rem3A : i32
    %jit3A_10 = arith.constant 8 : i32
    %div3A = arith.divsi %add3A, %jit3A_10 : i32
    %sign3A = arith.constant 0 : i32
    %sign3A_11 = arith.cmpi sgt, %add3A, %sign3A : i32
    %sign3A_12 = arith.extui %sign3A_11 : i1 to i32
    %sign3A_13 = arith.constant 0 : i32
    %sign3A_14 = arith.cmpi slt, %add3A, %sign3A_13 : i32
    %sign3A_15 = arith.extui %sign3A_14 : i1 to i32
    %sign3A_16 = arith.subi %sign3A_12, %sign3A_15 : i32
    %sign3A_17 = arith.constant 0 : i32
    %sign3A_18 = arith.cmpi sgt, %jit3A_10, %sign3A_17 : i32
    %sign3A_19 = arith.extui %sign3A_18 : i1 to i32
    %sign3A_20 = arith.constant 0 : i32
    %sign3A_21 = arith.cmpi slt, %jit3A_10, %sign3A_20 : i32
    %sign3A_22 = arith.extui %sign3A_21 : i1 to i32
    %sign3A_23 = arith.subi %sign3A_19, %sign3A_22 : i32
    %ne3A_24 = arith.cmpi ne, %sign3A_16, %sign3A_23 : i32
    %rem3A_25 = arith.remsi %add3A, %jit3A_10 : i32
    %ne3A_26 = arith.constant 0 : i32
    %ne3A_27 = arith.cmpi ne, %rem3A_25, %ne3A_26 : i32
    %and3A_28 = arith.andi %ne3A_24, %ne3A_27 : i1
    %sub3A = arith.constant 1 : i32
    %sub3A_29 = arith.subi %div3A, %sub3A : i32
    %select_n3A_30 = arith.select %and3A_28, %sub3A_29, %div3A : i32
    %mul3A_31 = arith.constant 256 : i32
    %mul3A_32 = arith.muli %select_n3A_30, %mul3A_31 : i32
    %add3A_33 = arith.addi %mul3A_32, %select_n3A_9 : i32
    %mul3A_34 = arith.constant 256 : i32
    %mul3A_35 = arith.muli %select_n3A_30, %mul3A_34 : i32
    %add3A_36 = arith.constant 1016 : i32
    %add3A_37 = arith.addi %add3A_36, %mul3A_35 : i32
    %multiple_of3A = tpu.assume_multiple %add3A_37, 8 : i32
    %add3A_38 = arith.constant 1279 : i32
    %add3A_39 = arith.addi %add3A_38, %select_n3A_9 : i32
    %iota3A = tpu.iota {dimensions = array<i32: 0>} : vector<16xi32>
    "tpu.region"() ({
      %run_scoped3A = tpu.sem_alloc : memref<!tpu.dma_semaphore, #tpu.memory_space<semaphore_mem>>
      %dma_start3A = arith.constant 0 : i32
      %dma_start3A_556 = tpu.memref_slice %arg2[%dma_start3A, %multiple_of3A] : memref<64x4095xf32, #tpu.memory_space<hbm>> -> memref<16x1288xf32, #tpu.memory_space<hbm>>
      %dma_start3A_557 = arith.constant 0 : i32
      %dma_start3A_558 = tpu.memref_slice %arg2[%dma_start3A_557, %multiple_of3A] : memref<64x4095xf32, #tpu.memory_space<hbm>> -> memref<16x1288xf32, #tpu.memory_space<hbm>>
      tpu.enqueue_dma source(%dma_start3A_558 : memref<16x1288xf32, #tpu.memory_space<hbm>>) target(%arg4 : memref<16x1288xf32, #tpu.memory_space<vmem>>) target_semaphore(%run_scoped3A : memref<!tpu.dma_semaphore, #tpu.memory_space<semaphore_mem>>)
      %dma_wait3A = arith.constant 0 : i32
      %dma_wait3A_559 = tpu.memref_slice %arg2[%dma_wait3A, %multiple_of3A] : memref<64x4095xf32, #tpu.memory_space<hbm>> -> memref<16x1288xf32, #tpu.memory_space<hbm>>
      %dma_wait3A_560 = arith.constant 0 : i32
      %dma_wait3A_561 = tpu.memref_slice %arg2[%dma_wait3A_560, %multiple_of3A] : memref<64x4095xf32, #tpu.memory_space<hbm>> -> memref<16x1288xf32, #tpu.memory_space<hbm>>
      tpu.wait_dma2 semaphore(%run_scoped3A : memref<!tpu.dma_semaphore, #tpu.memory_space<semaphore_mem>>) src(%dma_wait3A_561 : memref<16x1288xf32, #tpu.memory_space<hbm>>) dst(%arg4 : memref<16x1288xf32, #tpu.memory_space<vmem>>)
      tpu.yield
    }) : () -> ()
    %broadcast_in_dim3A = arith.constant 0 : i32
    %broadcast_in_dim3A_40 = vector.broadcast %broadcast_in_dim3A : i32 to vector<16xi32>
    %scan3A = arith.constant 0 : i32
    %scan3A_41 = arith.constant 0 : i32
    %scan3A_42 = arith.constant 80 : i32
    %scan3A_43 = arith.addi %scan3A_41, %scan3A_42 : i32
    %scan3A_44 = arith.constant 1 : i32
    scf.for %scan3A_556 = %scan3A_41 to %scan3A_43 step %scan3A_44  : i32 {
      %mul3A_557 = arith.constant 16 : i32
      %mul3A_558 = arith.muli %mul3A_557, %scan3A_556 : i32
      %sub3A_559 = arith.subi %add3A_39, %mul3A_558 : i32
      %sub3A_560 = vector.broadcast %sub3A_559 : i32 to vector<16xi32>
      %sub3A_561 = arith.subi %sub3A_560, %iota3A : vector<16xi32>
      %gather3A = tpu.vector_load_idx %arg4[%broadcast_in_dim3A_40, %sub3A_561] : memref<16x1288xf32, #tpu.memory_space<vmem>>[vector<16xi32>, vector<16xi32>], vector<16xf32>,
      %mul3A_562 = arith.constant 16 : i32
      %mul3A_563 = arith.muli %mul3A_562, %scan3A_556 : i32
      %multiple_of3A_564 = tpu.assume_multiple %mul3A_563, 16 : i32
      %swap3A = arith.constant 0 : i32
      %swap3A_565 = arith.constant 0 : i32
      %swap3A_566 = arith.index_cast %swap3A : i32 to index
      %swap3A_567 = arith.index_cast %swap3A_565 : i32 to index
      %swap3A_568 = arith.index_cast %multiple_of3A_564 : i32 to index
      %swap3A_569 = tpu.vector_load %arg5[%swap3A_566, %swap3A_567, %swap3A_568] {strides = array<i32>} : memref<8x8x1280xf32, #tpu.memory_space<vmem>>, vector<16xf32>,
      tpu.vector_store %arg5[%swap3A_566, %swap3A_567, %swap3A_568], %gather3A {strides = array<i32>} : memref<8x8x1280xf32, #tpu.memory_space<vmem>>, vector<16xf32>,
    }
    %scan3A_45 = arith.constant 80 : i32
    %broadcast_in_dim3A_46 = arith.constant 1 : i32
    %broadcast_in_dim3A_47 = vector.broadcast %broadcast_in_dim3A_46 : i32 to vector<16xi32>
    %scan3A_48 = arith.constant 0 : i32
    %scan3A_49 = arith.constant 0 : i32
    %scan3A_50 = arith.constant 80 : i32
    %scan3A_51 = arith.addi %scan3A_49, %scan3A_50 : i32
    %scan3A_52 = arith.constant 1 : i32
    scf.for %scan3A_556 = %scan3A_49 to %scan3A_51 step %scan3A_52  : i32 {
      %mul3A_557 = arith.constant 16 : i32
      %mul3A_558 = arith.muli %mul3A_557, %scan3A_556 : i32
      %sub3A_559 = arith.subi %add3A_39, %mul3A_558 : i32
      %sub3A_560 = vector.broadcast %sub3A_559 : i32 to vector<16xi32>
      %sub3A_561 = arith.subi %sub3A_560, %iota3A : vector<16xi32>
      %gather3A = tpu.vector_load_idx %arg4[%broadcast_in_dim3A_47, %sub3A_561] : memref<16x1288xf32, #tpu.memory_space<vmem>>[vector<16xi32>, vector<16xi32>], vector<16xf32>,
      %mul3A_562 = arith.constant 16 : i32
      %mul3A_563 = arith.muli %mul3A_562, %scan3A_556 : i32
      %multiple_of3A_564 = tpu.assume_multiple %mul3A_563, 16 : i32
      %swap3A = arith.constant 0 : i32
      %swap3A_565 = arith.constant 1 : i32
      %swap3A_566 = arith.index_cast %swap3A : i32 to index
      %swap3A_567 = arith.index_cast %swap3A_565 : i32 to index
      %swap3A_568 = arith.index_cast %multiple_of3A_564 : i32 to index
      %swap3A_569 = tpu.vector_load %arg5[%swap3A_566, %swap3A_567, %swap3A_568] {strides = array<i32>} : memref<8x8x1280xf32, #tpu.memory_space<vmem>>, vector<16xf32>,
      tpu.vector_store %arg5[%swap3A_566, %swap3A_567, %swap3A_568], %gather3A {strides = array<i32>} : memref<8x8x1280xf32, #tpu.memory_space<vmem>>, vector<16xf32>,
    }
    %scan3A_53 = arith.constant 80 : i32
    %broadcast_in_dim3A_54 = arith.constant 2 : i32
    %broadcast_in_dim3A_55 = vector.broadcast %broadcast_in_dim3A_54 : i32 to vector<16xi32>
    %scan3A_56 = arith.constant 0 : i32
    %scan3A_57 = arith.constant 0 : i32
    %scan3A_58 = arith.constant 80 : i32
    %scan3A_59 = arith.addi %scan3A_57, %scan3A_58 : i32
    %scan3A_60 = arith.constant 1 : i32
    scf.for %scan3A_556 = %scan3A_57 to %scan3A_59 step %scan3A_60  : i32 {
      %mul3A_557 = arith.constant 16 : i32
      %mul3A_558 = arith.muli %mul3A_557, %scan3A_556 : i32
      %sub3A_559 = arith.subi %add3A_39, %mul3A_558 : i32
      %sub3A_560 = vector.broadcast %sub3A_559 : i32 to vector<16xi32>
      %sub3A_561 = arith.subi %sub3A_560, %iota3A : vector<16xi32>
      %gather3A = tpu.vector_load_idx %arg4[%broadcast_in_dim3A_55, %sub3A_561] : memref<16x1288xf32, #tpu.memory_space<vmem>>[vector<16xi32>, vector<16xi32>], vector<16xf32>,
      %mul3A_562 = arith.constant 16 : i32
      %mul3A_563 = arith.muli %mul3A_562, %scan3A_556 : i32
      %multiple_of3A_564 = tpu.assume_multiple %mul3A_563, 16 : i32
      %swap3A = arith.constant 0 : i32
      %swap3A_565 = arith.constant 2 : i32
      %swap3A_566 = arith.index_cast %swap3A : i32 to index
      %swap3A_567 = arith.index_cast %swap3A_565 : i32 to index
      %swap3A_568 = arith.index_cast %multiple_of3A_564 : i32 to index
      %swap3A_569 = tpu.vector_load %arg5[%swap3A_566, %swap3A_567, %swap3A_568] {strides = array<i32>} : memref<8x8x1280xf32, #tpu.memory_space<vmem>>, vector<16xf32>,
      tpu.vector_store %arg5[%swap3A_566, %swap3A_567, %swap3A_568], %gather3A {strides = array<i32>} : memref<8x8x1280xf32, #tpu.memory_space<vmem>>, vector<16xf32>,
    }
    %scan3A_61 = arith.constant 80 : i32
    %broadcast_in_dim3A_62 = arith.constant 3 : i32
    %broadcast_in_dim3A_63 = vector.broadcast %broadcast_in_dim3A_62 : i32 to vector<16xi32>
    %scan3A_64 = arith.constant 0 : i32
    %scan3A_65 = arith.constant 0 : i32
    %scan3A_66 = arith.constant 80 : i32
    %scan3A_67 = arith.addi %scan3A_65, %scan3A_66 : i32
    %scan3A_68 = arith.constant 1 : i32
    scf.for %scan3A_556 = %scan3A_65 to %scan3A_67 step %scan3A_68  : i32 {
      %mul3A_557 = arith.constant 16 : i32
      %mul3A_558 = arith.muli %mul3A_557, %scan3A_556 : i32
      %sub3A_559 = arith.subi %add3A_39, %mul3A_558 : i32
      %sub3A_560 = vector.broadcast %sub3A_559 : i32 to vector<16xi32>
      %sub3A_561 = arith.subi %sub3A_560, %iota3A : vector<16xi32>
      %gather3A = tpu.vector_load_idx %arg4[%broadcast_in_dim3A_63, %sub3A_561] : memref<16x1288xf32, #tpu.memory_space<vmem>>[vector<16xi32>, vector<16xi32>], vector<16xf32>,
      %mul3A_562 = arith.constant 16 : i32
      %mul3A_563 = arith.muli %mul3A_562, %scan3A_556 : i32
      %multiple_of3A_564 = tpu.assume_multiple %mul3A_563, 16 : i32
      %swap3A = arith.constant 0 : i32
      %swap3A_565 = arith.constant 3 : i32
      %swap3A_566 = arith.index_cast %swap3A : i32 to index
      %swap3A_567 = arith.index_cast %swap3A_565 : i32 to index
      %swap3A_568 = arith.index_cast %multiple_of3A_564 : i32 to index
      %swap3A_569 = tpu.vector_load %arg5[%swap3A_566, %swap3A_567, %swap3A_568] {strides = array<i32>} : memref<8x8x1280xf32, #tpu.memory_space<vmem>>, vector<16xf32>,
      tpu.vector_store %arg5[%swap3A_566, %swap3A_567, %swap3A_568], %gather3A {strides = array<i32>} : memref<8x8x1280xf32, #tpu.memory_space<vmem>>, vector<16xf32>,
    }
    %scan3A_69 = arith.constant 80 : i32
    %broadcast_in_dim3A_70 = arith.constant 4 : i32
    %broadcast_in_dim3A_71 = vector.broadcast %broadcast_in_dim3A_70 : i32 to vector<16xi32>
    %scan3A_72 = arith.constant 0 : i32
    %scan3A_73 = arith.constant 0 : i32
    %scan3A_74 = arith.constant 80 : i32
    %scan3A_75 = arith.addi %scan3A_73, %scan3A_74 : i32
    %scan3A_76 = arith.constant 1 : i32
    scf.for %scan3A_556 = %scan3A_73 to %scan3A_75 step %scan3A_76  : i32 {
      %mul3A_557 = arith.constant 16 : i32
      %mul3A_558 = arith.muli %mul3A_557, %scan3A_556 : i32
      %sub3A_559 = arith.subi %add3A_39, %mul3A_558 : i32
      %sub3A_560 = vector.broadcast %sub3A_559 : i32 to vector<16xi32>
      %sub3A_561 = arith.subi %sub3A_560, %iota3A : vector<16xi32>
      %gather3A = tpu.vector_load_idx %arg4[%broadcast_in_dim3A_71, %sub3A_561] : memref<16x1288xf32, #tpu.memory_space<vmem>>[vector<16xi32>, vector<16xi32>], vector<16xf32>,
      %mul3A_562 = arith.constant 16 : i32
      %mul3A_563 = arith.muli %mul3A_562, %scan3A_556 : i32
      %multiple_of3A_564 = tpu.assume_multiple %mul3A_563, 16 : i32
      %swap3A = arith.constant 0 : i32
      %swap3A_565 = arith.constant 4 : i32
      %swap3A_566 = arith.index_cast %swap3A : i32 to index
      %swap3A_567 = arith.index_cast %swap3A_565 : i32 to index
      %swap3A_568 = arith.index_cast %multiple_of3A_564 : i32 to index
      %swap3A_569 = tpu.vector_load %arg5[%swap3A_566, %swap3A_567, %swap3A_568] {strides = array<i32>} : memref<8x8x1280xf32, #tpu.memory_space<vmem>>, vector<16xf32>,
      tpu.vector_store %arg5[%swap3A_566, %swap3A_567, %swap3A_568], %gather3A {strides = array<i32>} : memref<8x8x1280xf32, #tpu.memory_space<vmem>>, vector<16xf32>,
    }
    %scan3A_77 = arith.constant 80 : i32
    %broadcast_in_dim3A_78 = arith.constant 5 : i32
    %broadcast_in_dim3A_79 = vector.broadcast %broadcast_in_dim3A_78 : i32 to vector<16xi32>
    %scan3A_80 = arith.constant 0 : i32
    %scan3A_81 = arith.constant 0 : i32
    %scan3A_82 = arith.constant 80 : i32
    %scan3A_83 = arith.addi %scan3A_81, %scan3A_82 : i32
    %scan3A_84 = arith.constant 1 : i32
    scf.for %scan3A_556 = %scan3A_81 to %scan3A_83 step %scan3A_84  : i32 {
      %mul3A_557 = arith.constant 16 : i32
      %mul3A_558 = arith.muli %mul3A_557, %scan3A_556 : i32
      %sub3A_559 = arith.subi %add3A_39, %mul3A_558 : i32
      %sub3A_560 = vector.broadcast %sub3A_559 : i32 to vector<16xi32>
      %sub3A_561 = arith.subi %sub3A_560, %iota3A : vector<16xi32>
      %gather3A = tpu.vector_load_idx %arg4[%broadcast_in_dim3A_79, %sub3A_561] : memref<16x1288xf32, #tpu.memory_space<vmem>>[vector<16xi32>, vector<16xi32>], vector<16xf32>,
      %mul3A_562 = arith.constant 16 : i32
      %mul3A_563 = arith.muli %mul3A_562, %scan3A_556 : i32
      %multiple_of3A_564 = tpu.assume_multiple %mul3A_563, 16 : i32
      %swap3A = arith.constant 0 : i32
      %swap3A_565 = arith.constant 5 : i32
      %swap3A_566 = arith.index_cast %swap3A : i32 to index
      %swap3A_567 = arith.index_cast %swap3A_565 : i32 to index
      %swap3A_568 = arith.index_cast %multiple_of3A_564 : i32 to index
      %swap3A_569 = tpu.vector_load %arg5[%swap3A_566, %swap3A_567, %swap3A_568] {strides = array<i32>} : memref<8x8x1280xf32, #tpu.memory_space<vmem>>, vector<16xf32>,
      tpu.vector_store %arg5[%swap3A_566, %swap3A_567, %swap3A_568], %gather3A {strides = array<i32>} : memref<8x8x1280xf32, #tpu.memory_space<vmem>>, vector<16xf32>,
    }
    %scan3A_85 = arith.constant 80 : i32
    %broadcast_in_dim3A_86 = arith.constant 6 : i32
    %broadcast_in_dim3A_87 = vector.broadcast %broadcast_in_dim3A_86 : i32 to vector<16xi32>
    %scan3A_88 = arith.constant 0 : i32
    %scan3A_89 = arith.constant 0 : i32
    %scan3A_90 = arith.constant 80 : i32
    %scan3A_91 = arith.addi %scan3A_89, %scan3A_90 : i32
    %scan3A_92 = arith.constant 1 : i32
    scf.for %scan3A_556 = %scan3A_89 to %scan3A_91 step %scan3A_92  : i32 {
      %mul3A_557 = arith.constant 16 : i32
      %mul3A_558 = arith.muli %mul3A_557, %scan3A_556 : i32
      %sub3A_559 = arith.subi %add3A_39, %mul3A_558 : i32
      %sub3A_560 = vector.broadcast %sub3A_559 : i32 to vector<16xi32>
      %sub3A_561 = arith.subi %sub3A_560, %iota3A : vector<16xi32>
      %gather3A = tpu.vector_load_idx %arg4[%broadcast_in_dim3A_87, %sub3A_561] : memref<16x1288xf32, #tpu.memory_space<vmem>>[vector<16xi32>, vector<16xi32>], vector<16xf32>,
      %mul3A_562 = arith.constant 16 : i32
      %mul3A_563 = arith.muli %mul3A_562, %scan3A_556 : i32
      %multiple_of3A_564 = tpu.assume_multiple %mul3A_563, 16 : i32
      %swap3A = arith.constant 0 : i32
      %swap3A_565 = arith.constant 6 : i32
      %swap3A_566 = arith.index_cast %swap3A : i32 to index
      %swap3A_567 = arith.index_cast %swap3A_565 : i32 to index
      %swap3A_568 = arith.index_cast %multiple_of3A_564 : i32 to index
      %swap3A_569 = tpu.vector_load %arg5[%swap3A_566, %swap3A_567, %swap3A_568] {strides = array<i32>} : memref<8x8x1280xf32, #tpu.memory_space<vmem>>, vector<16xf32>,
      tpu.vector_store %arg5[%swap3A_566, %swap3A_567, %swap3A_568], %gather3A {strides = array<i32>} : memref<8x8x1280xf32, #tpu.memory_space<vmem>>, vector<16xf32>,
    }
    %scan3A_93 = arith.constant 80 : i32
    %broadcast_in_dim3A_94 = arith.constant 7 : i32
    %broadcast_in_dim3A_95 = vector.broadcast %broadcast_in_dim3A_94 : i32 to vector<16xi32>
    %scan3A_96 = arith.constant 0 : i32
    %scan3A_97 = arith.constant 0 : i32
    %scan3A_98 = arith.constant 80 : i32
    %scan3A_99 = arith.addi %scan3A_97, %scan3A_98 : i32
    %scan3A_100 = arith.constant 1 : i32
    scf.for %scan3A_556 = %scan3A_97 to %scan3A_99 step %scan3A_100  : i32 {
      %mul3A_557 = arith.constant 16 : i32
      %mul3A_558 = arith.muli %mul3A_557, %scan3A_556 : i32
      %sub3A_559 = arith.subi %add3A_39, %mul3A_558 : i32
      %sub3A_560 = vector.broadcast %sub3A_559 : i32 to vector<16xi32>
      %sub3A_561 = arith.subi %sub3A_560, %iota3A : vector<16xi32>
      %gather3A = tpu.vector_load_idx %arg4[%broadcast_in_dim3A_95, %sub3A_561] : memref<16x1288xf32, #tpu.memory_space<vmem>>[vector<16xi32>, vector<16xi32>], vector<16xf32>,
      %mul3A_562 = arith.constant 16 : i32
      %mul3A_563 = arith.muli %mul3A_562, %scan3A_556 : i32
      %multiple_of3A_564 = tpu.assume_multiple %mul3A_563, 16 : i32
      %swap3A = arith.constant 0 : i32
      %swap3A_565 = arith.constant 7 : i32
      %swap3A_566 = arith.index_cast %swap3A : i32 to index
      %swap3A_567 = arith.index_cast %swap3A_565 : i32 to index
      %swap3A_568 = arith.index_cast %multiple_of3A_564 : i32 to index
      %swap3A_569 = tpu.vector_load %arg5[%swap3A_566, %swap3A_567, %swap3A_568] {strides = array<i32>} : memref<8x8x1280xf32, #tpu.memory_space<vmem>>, vector<16xf32>,
      tpu.vector_store %arg5[%swap3A_566, %swap3A_567, %swap3A_568], %gather3A {strides = array<i32>} : memref<8x8x1280xf32, #tpu.memory_space<vmem>>, vector<16xf32>,
    }
    %scan3A_101 = arith.constant 80 : i32
    %broadcast_in_dim3A_102 = arith.constant 8 : i32
    %broadcast_in_dim3A_103 = vector.broadcast %broadcast_in_dim3A_102 : i32 to vector<16xi32>
    %scan3A_104 = arith.constant 0 : i32
    %scan3A_105 = arith.constant 0 : i32
    %scan3A_106 = arith.constant 80 : i32
    %scan3A_107 = arith.addi %scan3A_105, %scan3A_106 : i32
    %scan3A_108 = arith.constant 1 : i32
    scf.for %scan3A_556 = %scan3A_105 to %scan3A_107 step %scan3A_108  : i32 {
      %mul3A_557 = arith.constant 16 : i32
      %mul3A_558 = arith.muli %mul3A_557, %scan3A_556 : i32
      %sub3A_559 = arith.subi %add3A_39, %mul3A_558 : i32
      %sub3A_560 = vector.broadcast %sub3A_559 : i32 to vector<16xi32>
      %sub3A_561 = arith.subi %sub3A_560, %iota3A : vector<16xi32>
      %gather3A = tpu.vector_load_idx %arg4[%broadcast_in_dim3A_103, %sub3A_561] : memref<16x1288xf32, #tpu.memory_space<vmem>>[vector<16xi32>, vector<16xi32>], vector<16xf32>,
      %mul3A_562 = arith.constant 16 : i32
      %mul3A_563 = arith.muli %mul3A_562, %scan3A_556 : i32
      %multiple_of3A_564 = tpu.assume_multiple %mul3A_563, 16 : i32
      %swap3A = arith.constant 1 : i32
      %swap3A_565 = arith.constant 0 : i32
      %swap3A_566 = arith.index_cast %swap3A : i32 to index
      %swap3A_567 = arith.index_cast %swap3A_565 : i32 to index
      %swap3A_568 = arith.index_cast %multiple_of3A_564 : i32 to index
      %swap3A_569 = tpu.vector_load %arg5[%swap3A_566, %swap3A_567, %swap3A_568] {strides = array<i32>} : memref<8x8x1280xf32, #tpu.memory_space<vmem>>, vector<16xf32>,
      tpu.vector_store %arg5[%swap3A_566, %swap3A_567, %swap3A_568], %gather3A {strides = array<i32>} : memref<8x8x1280xf32, #tpu.memory_space<vmem>>, vector<16xf32>,
    }
    %scan3A_109 = arith.constant 80 : i32
    %broadcast_in_dim3A_110 = arith.constant 9 : i32
    %broadcast_in_dim3A_111 = vector.broadcast %broadcast_in_dim3A_110 : i32 to vector<16xi32>
    %scan3A_112 = arith.constant 0 : i32
    %scan3A_113 = arith.constant 0 : i32
    %scan3A_114 = arith.constant 80 : i32
    %scan3A_115 = arith.addi %scan3A_113, %scan3A_114 : i32
    %scan3A_116 = arith.constant 1 : i32
    scf.for %scan3A_556 = %scan3A_113 to %scan3A_115 step %scan3A_116  : i32 {
      %mul3A_557 = arith.constant 16 : i32
      %mul3A_558 = arith.muli %mul3A_557, %scan3A_556 : i32
      %sub3A_559 = arith.subi %add3A_39, %mul3A_558 : i32
      %sub3A_560 = vector.broadcast %sub3A_559 : i32 to vector<16xi32>
      %sub3A_561 = arith.subi %sub3A_560, %iota3A : vector<16xi32>
      %gather3A = tpu.vector_load_idx %arg4[%broadcast_in_dim3A_111, %sub3A_561] : memref<16x1288xf32, #tpu.memory_space<vmem>>[vector<16xi32>, vector<16xi32>], vector<16xf32>,
      %mul3A_562 = arith.constant 16 : i32
      %mul3A_563 = arith.muli %mul3A_562, %scan3A_556 : i32
      %multiple_of3A_564 = tpu.assume_multiple %mul3A_563, 16 : i32
      %swap3A = arith.constant 1 : i32
      %swap3A_565 = arith.constant 1 : i32
      %swap3A_566 = arith.index_cast %swap3A : i32 to index
      %swap3A_567 = arith.index_cast %swap3A_565 : i32 to index
      %swap3A_568 = arith.index_cast %multiple_of3A_564 : i32 to index
      %swap3A_569 = tpu.vector_load %arg5[%swap3A_566, %swap3A_567, %swap3A_568] {strides = array<i32>} : memref<8x8x1280xf32, #tpu.memory_space<vmem>>, vector<16xf32>,
      tpu.vector_store %arg5[%swap3A_566, %swap3A_567, %swap3A_568], %gather3A {strides = array<i32>} : memref<8x8x1280xf32, #tpu.memory_space<vmem>>, vector<16xf32>,
    }
    %scan3A_117 = arith.constant 80 : i32
    %broadcast_in_dim3A_118 = arith.constant 10 : i32
    %broadcast_in_dim3A_119 = vector.broadcast %broadcast_in_dim3A_118 : i32 to vector<16xi32>
    %scan3A_120 = arith.constant 0 : i32
    %scan3A_121 = arith.constant 0 : i32
    %scan3A_122 = arith.constant 80 : i32
    %scan3A_123 = arith.addi %scan3A_121, %scan3A_122 : i32
    %scan3A_124 = arith.constant 1 : i32
    scf.for %scan3A_556 = %scan3A_121 to %scan3A_123 step %scan3A_124  : i32 {
      %mul3A_557 = arith.constant 16 : i32
      %mul3A_558 = arith.muli %mul3A_557, %scan3A_556 : i32
      %sub3A_559 = arith.subi %add3A_39, %mul3A_558 : i32
      %sub3A_560 = vector.broadcast %sub3A_559 : i32 to vector<16xi32>
      %sub3A_561 = arith.subi %sub3A_560, %iota3A : vector<16xi32>
      %gather3A = tpu.vector_load_idx %arg4[%broadcast_in_dim3A_119, %sub3A_561] : memref<16x1288xf32, #tpu.memory_space<vmem>>[vector<16xi32>, vector<16xi32>], vector<16xf32>,
      %mul3A_562 = arith.constant 16 : i32
      %mul3A_563 = arith.muli %mul3A_562, %scan3A_556 : i32
      %multiple_of3A_564 = tpu.assume_multiple %mul3A_563, 16 : i32
      %swap3A = arith.constant 1 : i32
      %swap3A_565 = arith.constant 2 : i32
      %swap3A_566 = arith.index_cast %swap3A : i32 to index
      %swap3A_567 = arith.index_cast %swap3A_565 : i32 to index
      %swap3A_568 = arith.index_cast %multiple_of3A_564 : i32 to index
      %swap3A_569 = tpu.vector_load %arg5[%swap3A_566, %swap3A_567, %swap3A_568] {strides = array<i32>} : memref<8x8x1280xf32, #tpu.memory_space<vmem>>, vector<16xf32>,
      tpu.vector_store %arg5[%swap3A_566, %swap3A_567, %swap3A_568], %gather3A {strides = array<i32>} : memref<8x8x1280xf32, #tpu.memory_space<vmem>>, vector<16xf32>,
    }
    %scan3A_125 = arith.constant 80 : i32
    %broadcast_in_dim3A_126 = arith.constant 11 : i32
    %broadcast_in_dim3A_127 = vector.broadcast %broadcast_in_dim3A_126 : i32 to vector<16xi32>
    %scan3A_128 = arith.constant 0 : i32
    %scan3A_129 = arith.constant 0 : i32
    %scan3A_130 = arith.constant 80 : i32
    %scan3A_131 = arith.addi %scan3A_129, %scan3A_130 : i32
    %scan3A_132 = arith.constant 1 : i32
    scf.for %scan3A_556 = %scan3A_129 to %scan3A_131 step %scan3A_132  : i32 {
      %mul3A_557 = arith.constant 16 : i32
      %mul3A_558 = arith.muli %mul3A_557, %scan3A_556 : i32
      %sub3A_559 = arith.subi %add3A_39, %mul3A_558 : i32
      %sub3A_560 = vector.broadcast %sub3A_559 : i32 to vector<16xi32>
      %sub3A_561 = arith.subi %sub3A_560, %iota3A : vector<16xi32>
      %gather3A = tpu.vector_load_idx %arg4[%broadcast_in_dim3A_127, %sub3A_561] : memref<16x1288xf32, #tpu.memory_space<vmem>>[vector<16xi32>, vector<16xi32>], vector<16xf32>,
      %mul3A_562 = arith.constant 16 : i32
      %mul3A_563 = arith.muli %mul3A_562, %scan3A_556 : i32
      %multiple_of3A_564 = tpu.assume_multiple %mul3A_563, 16 : i32
      %swap3A = arith.constant 1 : i32
      %swap3A_565 = arith.constant 3 : i32
      %swap3A_566 = arith.index_cast %swap3A : i32 to index
      %swap3A_567 = arith.index_cast %swap3A_565 : i32 to index
      %swap3A_568 = arith.index_cast %multiple_of3A_564 : i32 to index
      %swap3A_569 = tpu.vector_load %arg5[%swap3A_566, %swap3A_567, %swap3A_568] {strides = array<i32>} : memref<8x8x1280xf32, #tpu.memory_space<vmem>>, vector<16xf32>,
      tpu.vector_store %arg5[%swap3A_566, %swap3A_567, %swap3A_568], %gather3A {strides = array<i32>} : memref<8x8x1280xf32, #tpu.memory_space<vmem>>, vector<16xf32>,
    }
    %scan3A_133 = arith.constant 80 : i32
    %broadcast_in_dim3A_134 = arith.constant 12 : i32
    %broadcast_in_dim3A_135 = vector.broadcast %broadcast_in_dim3A_134 : i32 to vector<16xi32>
    %scan3A_136 = arith.constant 0 : i32
    %scan3A_137 = arith.constant 0 : i32
    %scan3A_138 = arith.constant 80 : i32
    %scan3A_139 = arith.addi %scan3A_137, %scan3A_138 : i32
    %scan3A_140 = arith.constant 1 : i32
    scf.for %scan3A_556 = %scan3A_137 to %scan3A_139 step %scan3A_140  : i32 {
      %mul3A_557 = arith.constant 16 : i32
      %mul3A_558 = arith.muli %mul3A_557, %scan3A_556 : i32
      %sub3A_559 = arith.subi %add3A_39, %mul3A_558 : i32
      %sub3A_560 = vector.broadcast %sub3A_559 : i32 to vector<16xi32>
      %sub3A_561 = arith.subi %sub3A_560, %iota3A : vector<16xi32>
      %gather3A = tpu.vector_load_idx %arg4[%broadcast_in_dim3A_135, %sub3A_561] : memref<16x1288xf32, #tpu.memory_space<vmem>>[vector<16xi32>, vector<16xi32>], vector<16xf32>,
      %mul3A_562 = arith.constant 16 : i32
      %mul3A_563 = arith.muli %mul3A_562, %scan3A_556 : i32
      %multiple_of3A_564 = tpu.assume_multiple %mul3A_563, 16 : i32
      %swap3A = arith.constant 1 : i32
      %swap3A_565 = arith.constant 4 : i32
      %swap3A_566 = arith.index_cast %swap3A : i32 to index
      %swap3A_567 = arith.index_cast %swap3A_565 : i32 to index
      %swap3A_568 = arith.index_cast %multiple_of3A_564 : i32 to index
      %swap3A_569 = tpu.vector_load %arg5[%swap3A_566, %swap3A_567, %swap3A_568] {strides = array<i32>} : memref<8x8x1280xf32, #tpu.memory_space<vmem>>, vector<16xf32>,
      tpu.vector_store %arg5[%swap3A_566, %swap3A_567, %swap3A_568], %gather3A {strides = array<i32>} : memref<8x8x1280xf32, #tpu.memory_space<vmem>>, vector<16xf32>,
    }
    %scan3A_141 = arith.constant 80 : i32
    %broadcast_in_dim3A_142 = arith.constant 13 : i32
    %broadcast_in_dim3A_143 = vector.broadcast %broadcast_in_dim3A_142 : i32 to vector<16xi32>
    %scan3A_144 = arith.constant 0 : i32
    %scan3A_145 = arith.constant 0 : i32
    %scan3A_146 = arith.constant 80 : i32
    %scan3A_147 = arith.addi %scan3A_145, %scan3A_146 : i32
    %scan3A_148 = arith.constant 1 : i32
    scf.for %scan3A_556 = %scan3A_145 to %scan3A_147 step %scan3A_148  : i32 {
      %mul3A_557 = arith.constant 16 : i32
      %mul3A_558 = arith.muli %mul3A_557, %scan3A_556 : i32
      %sub3A_559 = arith.subi %add3A_39, %mul3A_558 : i32
      %sub3A_560 = vector.broadcast %sub3A_559 : i32 to vector<16xi32>
      %sub3A_561 = arith.subi %sub3A_560, %iota3A : vector<16xi32>
      %gather3A = tpu.vector_load_idx %arg4[%broadcast_in_dim3A_143, %sub3A_561] : memref<16x1288xf32, #tpu.memory_space<vmem>>[vector<16xi32>, vector<16xi32>], vector<16xf32>,
      %mul3A_562 = arith.constant 16 : i32
      %mul3A_563 = arith.muli %mul3A_562, %scan3A_556 : i32
      %multiple_of3A_564 = tpu.assume_multiple %mul3A_563, 16 : i32
      %swap3A = arith.constant 1 : i32
      %swap3A_565 = arith.constant 5 : i32
      %swap3A_566 = arith.index_cast %swap3A : i32 to index
      %swap3A_567 = arith.index_cast %swap3A_565 : i32 to index
      %swap3A_568 = arith.index_cast %multiple_of3A_564 : i32 to index
      %swap3A_569 = tpu.vector_load %arg5[%swap3A_566, %swap3A_567, %swap3A_568] {strides = array<i32>} : memref<8x8x1280xf32, #tpu.memory_space<vmem>>, vector<16xf32>,
      tpu.vector_store %arg5[%swap3A_566, %swap3A_567, %swap3A_568], %gather3A {strides = array<i32>} : memref<8x8x1280xf32, #tpu.memory_space<vmem>>, vector<16xf32>,
    }
    %scan3A_149 = arith.constant 80 : i32
    %broadcast_in_dim3A_150 = arith.constant 14 : i32
    %broadcast_in_dim3A_151 = vector.broadcast %broadcast_in_dim3A_150 : i32 to vector<16xi32>
    %scan3A_152 = arith.constant 0 : i32
    %scan3A_153 = arith.constant 0 : i32
    %scan3A_154 = arith.constant 80 : i32
    %scan3A_155 = arith.addi %scan3A_153, %scan3A_154 : i32
    %scan3A_156 = arith.constant 1 : i32
    scf.for %scan3A_556 = %scan3A_153 to %scan3A_155 step %scan3A_156  : i32 {
      %mul3A_557 = arith.constant 16 : i32
      %mul3A_558 = arith.muli %mul3A_557, %scan3A_556 : i32
      %sub3A_559 = arith.subi %add3A_39, %mul3A_558 : i32
      %sub3A_560 = vector.broadcast %sub3A_559 : i32 to vector<16xi32>
      %sub3A_561 = arith.subi %sub3A_560, %iota3A : vector<16xi32>
      %gather3A = tpu.vector_load_idx %arg4[%broadcast_in_dim3A_151, %sub3A_561] : memref<16x1288xf32, #tpu.memory_space<vmem>>[vector<16xi32>, vector<16xi32>], vector<16xf32>,
      %mul3A_562 = arith.constant 16 : i32
      %mul3A_563 = arith.muli %mul3A_562, %scan3A_556 : i32
      %multiple_of3A_564 = tpu.assume_multiple %mul3A_563, 16 : i32
      %swap3A = arith.constant 1 : i32
      %swap3A_565 = arith.constant 6 : i32
      %swap3A_566 = arith.index_cast %swap3A : i32 to index
      %swap3A_567 = arith.index_cast %swap3A_565 : i32 to index
      %swap3A_568 = arith.index_cast %multiple_of3A_564 : i32 to index
      %swap3A_569 = tpu.vector_load %arg5[%swap3A_566, %swap3A_567, %swap3A_568] {strides = array<i32>} : memref<8x8x1280xf32, #tpu.memory_space<vmem>>, vector<16xf32>,
      tpu.vector_store %arg5[%swap3A_566, %swap3A_567, %swap3A_568], %gather3A {strides = array<i32>} : memref<8x8x1280xf32, #tpu.memory_space<vmem>>, vector<16xf32>,
    }
    %scan3A_157 = arith.constant 80 : i32
    %broadcast_in_dim3A_158 = arith.constant 15 : i32
    %broadcast_in_dim3A_159 = vector.broadcast %broadcast_in_dim3A_158 : i32 to vector<16xi32>
    %scan3A_160 = arith.constant 0 : i32
    %scan3A_161 = arith.constant 0 : i32
    %scan3A_162 = arith.constant 80 : i32
    %scan3A_163 = arith.addi %scan3A_161, %scan3A_162 : i32
    %scan3A_164 = arith.constant 1 : i32
    scf.for %scan3A_556 = %scan3A_161 to %scan3A_163 step %scan3A_164  : i32 {
      %mul3A_557 = arith.constant 16 : i32
      %mul3A_558 = arith.muli %mul3A_557, %scan3A_556 : i32
      %sub3A_559 = arith.subi %add3A_39, %mul3A_558 : i32
      %sub3A_560 = vector.broadcast %sub3A_559 : i32 to vector<16xi32>
      %sub3A_561 = arith.subi %sub3A_560, %iota3A : vector<16xi32>
      %gather3A = tpu.vector_load_idx %arg4[%broadcast_in_dim3A_159, %sub3A_561] : memref<16x1288xf32, #tpu.memory_space<vmem>>[vector<16xi32>, vector<16xi32>], vector<16xf32>,
      %mul3A_562 = arith.constant 16 : i32
      %mul3A_563 = arith.muli %mul3A_562, %scan3A_556 : i32
      %multiple_of3A_564 = tpu.assume_multiple %mul3A_563, 16 : i32
      %swap3A = arith.constant 1 : i32
      %swap3A_565 = arith.constant 7 : i32
      %swap3A_566 = arith.index_cast %swap3A : i32 to index
      %swap3A_567 = arith.index_cast %swap3A_565 : i32 to index
      %swap3A_568 = arith.index_cast %multiple_of3A_564 : i32 to index
      %swap3A_569 = tpu.vector_load %arg5[%swap3A_566, %swap3A_567, %swap3A_568] {strides = array<i32>} : memref<8x8x1280xf32, #tpu.memory_space<vmem>>, vector<16xf32>,
      tpu.vector_store %arg5[%swap3A_566, %swap3A_567, %swap3A_568], %gather3A {strides = array<i32>} : memref<8x8x1280xf32, #tpu.memory_space<vmem>>, vector<16xf32>,
    }
    %scan3A_165 = arith.constant 80 : i32
    "tpu.region"() ({
      %run_scoped3A = tpu.sem_alloc : memref<!tpu.dma_semaphore, #tpu.memory_space<semaphore_mem>>
      %dma_start3A = arith.constant 16 : i32
      %dma_start3A_556 = tpu.memref_slice %arg2[%dma_start3A, %multiple_of3A] : memref<64x4095xf32, #tpu.memory_space<hbm>> -> memref<16x1288xf32, #tpu.memory_space<hbm>>
      %dma_start3A_557 = arith.constant 16 : i32
      %dma_start3A_558 = tpu.memref_slice %arg2[%dma_start3A_557, %multiple_of3A] : memref<64x4095xf32, #tpu.memory_space<hbm>> -> memref<16x1288xf32, #tpu.memory_space<hbm>>
      tpu.enqueue_dma source(%dma_start3A_558 : memref<16x1288xf32, #tpu.memory_space<hbm>>) target(%arg4 : memref<16x1288xf32, #tpu.memory_space<vmem>>) target_semaphore(%run_scoped3A : memref<!tpu.dma_semaphore, #tpu.memory_space<semaphore_mem>>)
      %dma_wait3A = arith.constant 16 : i32
      %dma_wait3A_559 = tpu.memref_slice %arg2[%dma_wait3A, %multiple_of3A] : memref<64x4095xf32, #tpu.memory_space<hbm>> -> memref<16x1288xf32, #tpu.memory_space<hbm>>
      %dma_wait3A_560 = arith.constant 16 : i32
      %dma_wait3A_561 = tpu.memref_slice %arg2[%dma_wait3A_560, %multiple_of3A] : memref<64x4095xf32, #tpu.memory_space<hbm>> -> memref<16x1288xf32, #tpu.memory_space<hbm>>
      tpu.wait_dma2 semaphore(%run_scoped3A : memref<!tpu.dma_semaphore, #tpu.memory_space<semaphore_mem>>) src(%dma_wait3A_561 : memref<16x1288xf32, #tpu.memory_space<hbm>>) dst(%arg4 : memref<16x1288xf32, #tpu.memory_space<vmem>>)
      tpu.yield
    }) : () -> ()
    %broadcast_in_dim3A_166 = arith.constant 0 : i32
    %broadcast_in_dim3A_167 = vector.broadcast %broadcast_in_dim3A_166 : i32 to vector<16xi32>
    %scan3A_168 = arith.constant 0 : i32
    %scan3A_169 = arith.constant 0 : i32
    %scan3A_170 = arith.constant 80 : i32
    %scan3A_171 = arith.addi %scan3A_169, %scan3A_170 : i32
    %scan3A_172 = arith.constant 1 : i32
    scf.for %scan3A_556 = %scan3A_169 to %scan3A_171 step %scan3A_172  : i32 {
      %mul3A_557 = arith.constant 16 : i32
      %mul3A_558 = arith.muli %mul3A_557, %scan3A_556 : i32
      %sub3A_559 = arith.subi %add3A_39, %mul3A_558 : i32
      %sub3A_560 = vector.broadcast %sub3A_559 : i32 to vector<16xi32>
      %sub3A_561 = arith.subi %sub3A_560, %iota3A : vector<16xi32>
      %gather3A = tpu.vector_load_idx %arg4[%broadcast_in_dim3A_167, %sub3A_561] : memref<16x1288xf32, #tpu.memory_space<vmem>>[vector<16xi32>, vector<16xi32>], vector<16xf32>,
      %mul3A_562 = arith.constant 16 : i32
      %mul3A_563 = arith.muli %mul3A_562, %scan3A_556 : i32
      %multiple_of3A_564 = tpu.assume_multiple %mul3A_563, 16 : i32
      %swap3A = arith.constant 2 : i32
      %swap3A_565 = arith.constant 0 : i32
      %swap3A_566 = arith.index_cast %swap3A : i32 to index
      %swap3A_567 = arith.index_cast %swap3A_565 : i32 to index
      %swap3A_568 = arith.index_cast %multiple_of3A_564 : i32 to index
      %swap3A_569 = tpu.vector_load %arg5[%swap3A_566, %swap3A_567, %swap3A_568] {strides = array<i32>} : memref<8x8x1280xf32, #tpu.memory_space<vmem>>, vector<16xf32>,
      tpu.vector_store %arg5[%swap3A_566, %swap3A_567, %swap3A_568], %gather3A {strides = array<i32>} : memref<8x8x1280xf32, #tpu.memory_space<vmem>>, vector<16xf32>,
    }
    %scan3A_173 = arith.constant 80 : i32
    %broadcast_in_dim3A_174 = arith.constant 1 : i32
    %broadcast_in_dim3A_175 = vector.broadcast %broadcast_in_dim3A_174 : i32 to vector<16xi32>
    %scan3A_176 = arith.constant 0 : i32
    %scan3A_177 = arith.constant 0 : i32
    %scan3A_178 = arith.constant 80 : i32
    %scan3A_179 = arith.addi %scan3A_177, %scan3A_178 : i32
    %scan3A_180 = arith.constant 1 : i32
    scf.for %scan3A_556 = %scan3A_177 to %scan3A_179 step %scan3A_180  : i32 {
      %mul3A_557 = arith.constant 16 : i32
      %mul3A_558 = arith.muli %mul3A_557, %scan3A_556 : i32
      %sub3A_559 = arith.subi %add3A_39, %mul3A_558 : i32
      %sub3A_560 = vector.broadcast %sub3A_559 : i32 to vector<16xi32>
      %sub3A_561 = arith.subi %sub3A_560, %iota3A : vector<16xi32>
      %gather3A = tpu.vector_load_idx %arg4[%broadcast_in_dim3A_175, %sub3A_561] : memref<16x1288xf32, #tpu.memory_space<vmem>>[vector<16xi32>, vector<16xi32>], vector<16xf32>,
      %mul3A_562 = arith.constant 16 : i32
      %mul3A_563 = arith.muli %mul3A_562, %scan3A_556 : i32
      %multiple_of3A_564 = tpu.assume_multiple %mul3A_563, 16 : i32
      %swap3A = arith.constant 2 : i32
      %swap3A_565 = arith.constant 1 : i32
      %swap3A_566 = arith.index_cast %swap3A : i32 to index
      %swap3A_567 = arith.index_cast %swap3A_565 : i32 to index
      %swap3A_568 = arith.index_cast %multiple_of3A_564 : i32 to index
      %swap3A_569 = tpu.vector_load %arg5[%swap3A_566, %swap3A_567, %swap3A_568] {strides = array<i32>} : memref<8x8x1280xf32, #tpu.memory_space<vmem>>, vector<16xf32>,
      tpu.vector_store %arg5[%swap3A_566, %swap3A_567, %swap3A_568], %gather3A {strides = array<i32>} : memref<8x8x1280xf32, #tpu.memory_space<vmem>>, vector<16xf32>,
    }
    %scan3A_181 = arith.constant 80 : i32
    %broadcast_in_dim3A_182 = arith.constant 2 : i32
    %broadcast_in_dim3A_183 = vector.broadcast %broadcast_in_dim3A_182 : i32 to vector<16xi32>
    %scan3A_184 = arith.constant 0 : i32
    %scan3A_185 = arith.constant 0 : i32
    %scan3A_186 = arith.constant 80 : i32
    %scan3A_187 = arith.addi %scan3A_185, %scan3A_186 : i32
    %scan3A_188 = arith.constant 1 : i32
    scf.for %scan3A_556 = %scan3A_185 to %scan3A_187 step %scan3A_188  : i32 {
      %mul3A_557 = arith.constant 16 : i32
      %mul3A_558 = arith.muli %mul3A_557, %scan3A_556 : i32
      %sub3A_559 = arith.subi %add3A_39, %mul3A_558 : i32
      %sub3A_560 = vector.broadcast %sub3A_559 : i32 to vector<16xi32>
      %sub3A_561 = arith.subi %sub3A_560, %iota3A : vector<16xi32>
      %gather3A = tpu.vector_load_idx %arg4[%broadcast_in_dim3A_183, %sub3A_561] : memref<16x1288xf32, #tpu.memory_space<vmem>>[vector<16xi32>, vector<16xi32>], vector<16xf32>,
      %mul3A_562 = arith.constant 16 : i32
      %mul3A_563 = arith.muli %mul3A_562, %scan3A_556 : i32
      %multiple_of3A_564 = tpu.assume_multiple %mul3A_563, 16 : i32
      %swap3A = arith.constant 2 : i32
      %swap3A_565 = arith.constant 2 : i32
      %swap3A_566 = arith.index_cast %swap3A : i32 to index
      %swap3A_567 = arith.index_cast %swap3A_565 : i32 to index
      %swap3A_568 = arith.index_cast %multiple_of3A_564 : i32 to index
      %swap3A_569 = tpu.vector_load %arg5[%swap3A_566, %swap3A_567, %swap3A_568] {strides = array<i32>} : memref<8x8x1280xf32, #tpu.memory_space<vmem>>, vector<16xf32>,
      tpu.vector_store %arg5[%swap3A_566, %swap3A_567, %swap3A_568], %gather3A {strides = array<i32>} : memref<8x8x1280xf32, #tpu.memory_space<vmem>>, vector<16xf32>,
    }
    %scan3A_189 = arith.constant 80 : i32
    %broadcast_in_dim3A_190 = arith.constant 3 : i32
    %broadcast_in_dim3A_191 = vector.broadcast %broadcast_in_dim3A_190 : i32 to vector<16xi32>
    %scan3A_192 = arith.constant 0 : i32
    %scan3A_193 = arith.constant 0 : i32
    %scan3A_194 = arith.constant 80 : i32
    %scan3A_195 = arith.addi %scan3A_193, %scan3A_194 : i32
    %scan3A_196 = arith.constant 1 : i32
    scf.for %scan3A_556 = %scan3A_193 to %scan3A_195 step %scan3A_196  : i32 {
      %mul3A_557 = arith.constant 16 : i32
      %mul3A_558 = arith.muli %mul3A_557, %scan3A_556 : i32
      %sub3A_559 = arith.subi %add3A_39, %mul3A_558 : i32
      %sub3A_560 = vector.broadcast %sub3A_559 : i32 to vector<16xi32>
      %sub3A_561 = arith.subi %sub3A_560, %iota3A : vector<16xi32>
      %gather3A = tpu.vector_load_idx %arg4[%broadcast_in_dim3A_191, %sub3A_561] : memref<16x1288xf32, #tpu.memory_space<vmem>>[vector<16xi32>, vector<16xi32>], vector<16xf32>,
      %mul3A_562 = arith.constant 16 : i32
      %mul3A_563 = arith.muli %mul3A_562, %scan3A_556 : i32
      %multiple_of3A_564 = tpu.assume_multiple %mul3A_563, 16 : i32
      %swap3A = arith.constant 2 : i32
      %swap3A_565 = arith.constant 3 : i32
      %swap3A_566 = arith.index_cast %swap3A : i32 to index
      %swap3A_567 = arith.index_cast %swap3A_565 : i32 to index
      %swap3A_568 = arith.index_cast %multiple_of3A_564 : i32 to index
      %swap3A_569 = tpu.vector_load %arg5[%swap3A_566, %swap3A_567, %swap3A_568] {strides = array<i32>} : memref<8x8x1280xf32, #tpu.memory_space<vmem>>, vector<16xf32>,
      tpu.vector_store %arg5[%swap3A_566, %swap3A_567, %swap3A_568], %gather3A {strides = array<i32>} : memref<8x8x1280xf32, #tpu.memory_space<vmem>>, vector<16xf32>,
    }
    %scan3A_197 = arith.constant 80 : i32
    %broadcast_in_dim3A_198 = arith.constant 4 : i32
    %broadcast_in_dim3A_199 = vector.broadcast %broadcast_in_dim3A_198 : i32 to vector<16xi32>
    %scan3A_200 = arith.constant 0 : i32
    %scan3A_201 = arith.constant 0 : i32
    %scan3A_202 = arith.constant 80 : i32
    %scan3A_203 = arith.addi %scan3A_201, %scan3A_202 : i32
    %scan3A_204 = arith.constant 1 : i32
    scf.for %scan3A_556 = %scan3A_201 to %scan3A_203 step %scan3A_204  : i32 {
      %mul3A_557 = arith.constant 16 : i32
      %mul3A_558 = arith.muli %mul3A_557, %scan3A_556 : i32
      %sub3A_559 = arith.subi %add3A_39, %mul3A_558 : i32
      %sub3A_560 = vector.broadcast %sub3A_559 : i32 to vector<16xi32>
      %sub3A_561 = arith.subi %sub3A_560, %iota3A : vector<16xi32>
      %gather3A = tpu.vector_load_idx %arg4[%broadcast_in_dim3A_199, %sub3A_561] : memref<16x1288xf32, #tpu.memory_space<vmem>>[vector<16xi32>, vector<16xi32>], vector<16xf32>,
      %mul3A_562 = arith.constant 16 : i32
      %mul3A_563 = arith.muli %mul3A_562, %scan3A_556 : i32
      %multiple_of3A_564 = tpu.assume_multiple %mul3A_563, 16 : i32
      %swap3A = arith.constant 2 : i32
      %swap3A_565 = arith.constant 4 : i32
      %swap3A_566 = arith.index_cast %swap3A : i32 to index
      %swap3A_567 = arith.index_cast %swap3A_565 : i32 to index
      %swap3A_568 = arith.index_cast %multiple_of3A_564 : i32 to index
      %swap3A_569 = tpu.vector_load %arg5[%swap3A_566, %swap3A_567, %swap3A_568] {strides = array<i32>} : memref<8x8x1280xf32, #tpu.memory_space<vmem>>, vector<16xf32>,
      tpu.vector_store %arg5[%swap3A_566, %swap3A_567, %swap3A_568], %gather3A {strides = array<i32>} : memref<8x8x1280xf32, #tpu.memory_space<vmem>>, vector<16xf32>,
    }
    %scan3A_205 = arith.constant 80 : i32
    %broadcast_in_dim3A_206 = arith.constant 5 : i32
    %broadcast_in_dim3A_207 = vector.broadcast %broadcast_in_dim3A_206 : i32 to vector<16xi32>
    %scan3A_208 = arith.constant 0 : i32
    %scan3A_209 = arith.constant 0 : i32
    %scan3A_210 = arith.constant 80 : i32
    %scan3A_211 = arith.addi %scan3A_209, %scan3A_210 : i32
    %scan3A_212 = arith.constant 1 : i32
    scf.for %scan3A_556 = %scan3A_209 to %scan3A_211 step %scan3A_212  : i32 {
      %mul3A_557 = arith.constant 16 : i32
      %mul3A_558 = arith.muli %mul3A_557, %scan3A_556 : i32
      %sub3A_559 = arith.subi %add3A_39, %mul3A_558 : i32
      %sub3A_560 = vector.broadcast %sub3A_559 : i32 to vector<16xi32>
      %sub3A_561 = arith.subi %sub3A_560, %iota3A : vector<16xi32>
      %gather3A = tpu.vector_load_idx %arg4[%broadcast_in_dim3A_207, %sub3A_561] : memref<16x1288xf32, #tpu.memory_space<vmem>>[vector<16xi32>, vector<16xi32>], vector<16xf32>,
      %mul3A_562 = arith.constant 16 : i32
      %mul3A_563 = arith.muli %mul3A_562, %scan3A_556 : i32
      %multiple_of3A_564 = tpu.assume_multiple %mul3A_563, 16 : i32
      %swap3A = arith.constant 2 : i32
      %swap3A_565 = arith.constant 5 : i32
      %swap3A_566 = arith.index_cast %swap3A : i32 to index
      %swap3A_567 = arith.index_cast %swap3A_565 : i32 to index
      %swap3A_568 = arith.index_cast %multiple_of3A_564 : i32 to index
      %swap3A_569 = tpu.vector_load %arg5[%swap3A_566, %swap3A_567, %swap3A_568] {strides = array<i32>} : memref<8x8x1280xf32, #tpu.memory_space<vmem>>, vector<16xf32>,
      tpu.vector_store %arg5[%swap3A_566, %swap3A_567, %swap3A_568], %gather3A {strides = array<i32>} : memref<8x8x1280xf32, #tpu.memory_space<vmem>>, vector<16xf32>,
    }
    %scan3A_213 = arith.constant 80 : i32
    %broadcast_in_dim3A_214 = arith.constant 6 : i32
    %broadcast_in_dim3A_215 = vector.broadcast %broadcast_in_dim3A_214 : i32 to vector<16xi32>
    %scan3A_216 = arith.constant 0 : i32
    %scan3A_217 = arith.constant 0 : i32
    %scan3A_218 = arith.constant 80 : i32
    %scan3A_219 = arith.addi %scan3A_217, %scan3A_218 : i32
    %scan3A_220 = arith.constant 1 : i32
    scf.for %scan3A_556 = %scan3A_217 to %scan3A_219 step %scan3A_220  : i32 {
      %mul3A_557 = arith.constant 16 : i32
      %mul3A_558 = arith.muli %mul3A_557, %scan3A_556 : i32
      %sub3A_559 = arith.subi %add3A_39, %mul3A_558 : i32
      %sub3A_560 = vector.broadcast %sub3A_559 : i32 to vector<16xi32>
      %sub3A_561 = arith.subi %sub3A_560, %iota3A : vector<16xi32>
      %gather3A = tpu.vector_load_idx %arg4[%broadcast_in_dim3A_215, %sub3A_561] : memref<16x1288xf32, #tpu.memory_space<vmem>>[vector<16xi32>, vector<16xi32>], vector<16xf32>,
      %mul3A_562 = arith.constant 16 : i32
      %mul3A_563 = arith.muli %mul3A_562, %scan3A_556 : i32
      %multiple_of3A_564 = tpu.assume_multiple %mul3A_563, 16 : i32
      %swap3A = arith.constant 2 : i32
      %swap3A_565 = arith.constant 6 : i32
      %swap3A_566 = arith.index_cast %swap3A : i32 to index
      %swap3A_567 = arith.index_cast %swap3A_565 : i32 to index
      %swap3A_568 = arith.index_cast %multiple_of3A_564 : i32 to index
      %swap3A_569 = tpu.vector_load %arg5[%swap3A_566, %swap3A_567, %swap3A_568] {strides = array<i32>} : memref<8x8x1280xf32, #tpu.memory_space<vmem>>, vector<16xf32>,
      tpu.vector_store %arg5[%swap3A_566, %swap3A_567, %swap3A_568], %gather3A {strides = array<i32>} : memref<8x8x1280xf32, #tpu.memory_space<vmem>>, vector<16xf32>,
    }
    %scan3A_221 = arith.constant 80 : i32
    %broadcast_in_dim3A_222 = arith.constant 7 : i32
    %broadcast_in_dim3A_223 = vector.broadcast %broadcast_in_dim3A_222 : i32 to vector<16xi32>
    %scan3A_224 = arith.constant 0 : i32
    %scan3A_225 = arith.constant 0 : i32
    %scan3A_226 = arith.constant 80 : i32
    %scan3A_227 = arith.addi %scan3A_225, %scan3A_226 : i32
    %scan3A_228 = arith.constant 1 : i32
    scf.for %scan3A_556 = %scan3A_225 to %scan3A_227 step %scan3A_228  : i32 {
      %mul3A_557 = arith.constant 16 : i32
      %mul3A_558 = arith.muli %mul3A_557, %scan3A_556 : i32
      %sub3A_559 = arith.subi %add3A_39, %mul3A_558 : i32
      %sub3A_560 = vector.broadcast %sub3A_559 : i32 to vector<16xi32>
      %sub3A_561 = arith.subi %sub3A_560, %iota3A : vector<16xi32>
      %gather3A = tpu.vector_load_idx %arg4[%broadcast_in_dim3A_223, %sub3A_561] : memref<16x1288xf32, #tpu.memory_space<vmem>>[vector<16xi32>, vector<16xi32>], vector<16xf32>,
      %mul3A_562 = arith.constant 16 : i32
      %mul3A_563 = arith.muli %mul3A_562, %scan3A_556 : i32
      %multiple_of3A_564 = tpu.assume_multiple %mul3A_563, 16 : i32
      %swap3A = arith.constant 2 : i32
      %swap3A_565 = arith.constant 7 : i32
      %swap3A_566 = arith.index_cast %swap3A : i32 to index
      %swap3A_567 = arith.index_cast %swap3A_565 : i32 to index
      %swap3A_568 = arith.index_cast %multiple_of3A_564 : i32 to index
      %swap3A_569 = tpu.vector_load %arg5[%swap3A_566, %swap3A_567, %swap3A_568] {strides = array<i32>} : memref<8x8x1280xf32, #tpu.memory_space<vmem>>, vector<16xf32>,
      tpu.vector_store %arg5[%swap3A_566, %swap3A_567, %swap3A_568], %gather3A {strides = array<i32>} : memref<8x8x1280xf32, #tpu.memory_space<vmem>>, vector<16xf32>,
    }
    %scan3A_229 = arith.constant 80 : i32
    %broadcast_in_dim3A_230 = arith.constant 8 : i32
    %broadcast_in_dim3A_231 = vector.broadcast %broadcast_in_dim3A_230 : i32 to vector<16xi32>
    %scan3A_232 = arith.constant 0 : i32
    %scan3A_233 = arith.constant 0 : i32
    %scan3A_234 = arith.constant 80 : i32
    %scan3A_235 = arith.addi %scan3A_233, %scan3A_234 : i32
    %scan3A_236 = arith.constant 1 : i32
    scf.for %scan3A_556 = %scan3A_233 to %scan3A_235 step %scan3A_236  : i32 {
      %mul3A_557 = arith.constant 16 : i32
      %mul3A_558 = arith.muli %mul3A_557, %scan3A_556 : i32
      %sub3A_559 = arith.subi %add3A_39, %mul3A_558 : i32
      %sub3A_560 = vector.broadcast %sub3A_559 : i32 to vector<16xi32>
      %sub3A_561 = arith.subi %sub3A_560, %iota3A : vector<16xi32>
      %gather3A = tpu.vector_load_idx %arg4[%broadcast_in_dim3A_231, %sub3A_561] : memref<16x1288xf32, #tpu.memory_space<vmem>>[vector<16xi32>, vector<16xi32>], vector<16xf32>,
      %mul3A_562 = arith.constant 16 : i32
      %mul3A_563 = arith.muli %mul3A_562, %scan3A_556 : i32
      %multiple_of3A_564 = tpu.assume_multiple %mul3A_563, 16 : i32
      %swap3A = arith.constant 3 : i32
      %swap3A_565 = arith.constant 0 : i32
      %swap3A_566 = arith.index_cast %swap3A : i32 to index
      %swap3A_567 = arith.index_cast %swap3A_565 : i32 to index
      %swap3A_568 = arith.index_cast %multiple_of3A_564 : i32 to index
      %swap3A_569 = tpu.vector_load %arg5[%swap3A_566, %swap3A_567, %swap3A_568] {strides = array<i32>} : memref<8x8x1280xf32, #tpu.memory_space<vmem>>, vector<16xf32>,
      tpu.vector_store %arg5[%swap3A_566, %swap3A_567, %swap3A_568], %gather3A {strides = array<i32>} : memref<8x8x1280xf32, #tpu.memory_space<vmem>>, vector<16xf32>,
    }
    %scan3A_237 = arith.constant 80 : i32
    %broadcast_in_dim3A_238 = arith.constant 9 : i32
    %broadcast_in_dim3A_239 = vector.broadcast %broadcast_in_dim3A_238 : i32 to vector<16xi32>
    %scan3A_240 = arith.constant 0 : i32
    %scan3A_241 = arith.constant 0 : i32
    %scan3A_242 = arith.constant 80 : i32
    %scan3A_243 = arith.addi %scan3A_241, %scan3A_242 : i32
    %scan3A_244 = arith.constant 1 : i32
    scf.for %scan3A_556 = %scan3A_241 to %scan3A_243 step %scan3A_244  : i32 {
      %mul3A_557 = arith.constant 16 : i32
      %mul3A_558 = arith.muli %mul3A_557, %scan3A_556 : i32
      %sub3A_559 = arith.subi %add3A_39, %mul3A_558 : i32
      %sub3A_560 = vector.broadcast %sub3A_559 : i32 to vector<16xi32>
      %sub3A_561 = arith.subi %sub3A_560, %iota3A : vector<16xi32>
      %gather3A = tpu.vector_load_idx %arg4[%broadcast_in_dim3A_239, %sub3A_561] : memref<16x1288xf32, #tpu.memory_space<vmem>>[vector<16xi32>, vector<16xi32>], vector<16xf32>,
      %mul3A_562 = arith.constant 16 : i32
      %mul3A_563 = arith.muli %mul3A_562, %scan3A_556 : i32
      %multiple_of3A_564 = tpu.assume_multiple %mul3A_563, 16 : i32
      %swap3A = arith.constant 3 : i32
      %swap3A_565 = arith.constant 1 : i32
      %swap3A_566 = arith.index_cast %swap3A : i32 to index
      %swap3A_567 = arith.index_cast %swap3A_565 : i32 to index
      %swap3A_568 = arith.index_cast %multiple_of3A_564 : i32 to index
      %swap3A_569 = tpu.vector_load %arg5[%swap3A_566, %swap3A_567, %swap3A_568] {strides = array<i32>} : memref<8x8x1280xf32, #tpu.memory_space<vmem>>, vector<16xf32>,
      tpu.vector_store %arg5[%swap3A_566, %swap3A_567, %swap3A_568], %gather3A {strides = array<i32>} : memref<8x8x1280xf32, #tpu.memory_space<vmem>>, vector<16xf32>,
    }
    %scan3A_245 = arith.constant 80 : i32
    %broadcast_in_dim3A_246 = arith.constant 10 : i32
    %broadcast_in_dim3A_247 = vector.broadcast %broadcast_in_dim3A_246 : i32 to vector<16xi32>
    %scan3A_248 = arith.constant 0 : i32
    %scan3A_249 = arith.constant 0 : i32
    %scan3A_250 = arith.constant 80 : i32
    %scan3A_251 = arith.addi %scan3A_249, %scan3A_250 : i32
    %scan3A_252 = arith.constant 1 : i32
    scf.for %scan3A_556 = %scan3A_249 to %scan3A_251 step %scan3A_252  : i32 {
      %mul3A_557 = arith.constant 16 : i32
      %mul3A_558 = arith.muli %mul3A_557, %scan3A_556 : i32
      %sub3A_559 = arith.subi %add3A_39, %mul3A_558 : i32
      %sub3A_560 = vector.broadcast %sub3A_559 : i32 to vector<16xi32>
      %sub3A_561 = arith.subi %sub3A_560, %iota3A : vector<16xi32>
      %gather3A = tpu.vector_load_idx %arg4[%broadcast_in_dim3A_247, %sub3A_561] : memref<16x1288xf32, #tpu.memory_space<vmem>>[vector<16xi32>, vector<16xi32>], vector<16xf32>,
      %mul3A_562 = arith.constant 16 : i32
      %mul3A_563 = arith.muli %mul3A_562, %scan3A_556 : i32
      %multiple_of3A_564 = tpu.assume_multiple %mul3A_563, 16 : i32
      %swap3A = arith.constant 3 : i32
      %swap3A_565 = arith.constant 2 : i32
      %swap3A_566 = arith.index_cast %swap3A : i32 to index
      %swap3A_567 = arith.index_cast %swap3A_565 : i32 to index
      %swap3A_568 = arith.index_cast %multiple_of3A_564 : i32 to index
      %swap3A_569 = tpu.vector_load %arg5[%swap3A_566, %swap3A_567, %swap3A_568] {strides = array<i32>} : memref<8x8x1280xf32, #tpu.memory_space<vmem>>, vector<16xf32>,
      tpu.vector_store %arg5[%swap3A_566, %swap3A_567, %swap3A_568], %gather3A {strides = array<i32>} : memref<8x8x1280xf32, #tpu.memory_space<vmem>>, vector<16xf32>,
    }
    %scan3A_253 = arith.constant 80 : i32
    %broadcast_in_dim3A_254 = arith.constant 11 : i32
    %broadcast_in_dim3A_255 = vector.broadcast %broadcast_in_dim3A_254 : i32 to vector<16xi32>
    %scan3A_256 = arith.constant 0 : i32
    %scan3A_257 = arith.constant 0 : i32
    %scan3A_258 = arith.constant 80 : i32
    %scan3A_259 = arith.addi %scan3A_257, %scan3A_258 : i32
    %scan3A_260 = arith.constant 1 : i32
    scf.for %scan3A_556 = %scan3A_257 to %scan3A_259 step %scan3A_260  : i32 {
      %mul3A_557 = arith.constant 16 : i32
      %mul3A_558 = arith.muli %mul3A_557, %scan3A_556 : i32
      %sub3A_559 = arith.subi %add3A_39, %mul3A_558 : i32
      %sub3A_560 = vector.broadcast %sub3A_559 : i32 to vector<16xi32>
      %sub3A_561 = arith.subi %sub3A_560, %iota3A : vector<16xi32>
      %gather3A = tpu.vector_load_idx %arg4[%broadcast_in_dim3A_255, %sub3A_561] : memref<16x1288xf32, #tpu.memory_space<vmem>>[vector<16xi32>, vector<16xi32>], vector<16xf32>,
      %mul3A_562 = arith.constant 16 : i32
      %mul3A_563 = arith.muli %mul3A_562, %scan3A_556 : i32
      %multiple_of3A_564 = tpu.assume_multiple %mul3A_563, 16 : i32
      %swap3A = arith.constant 3 : i32
      %swap3A_565 = arith.constant 3 : i32
      %swap3A_566 = arith.index_cast %swap3A : i32 to index
      %swap3A_567 = arith.index_cast %swap3A_565 : i32 to index
      %swap3A_568 = arith.index_cast %multiple_of3A_564 : i32 to index
      %swap3A_569 = tpu.vector_load %arg5[%swap3A_566, %swap3A_567, %swap3A_568] {strides = array<i32>} : memref<8x8x1280xf32, #tpu.memory_space<vmem>>, vector<16xf32>,
      tpu.vector_store %arg5[%swap3A_566, %swap3A_567, %swap3A_568], %gather3A {strides = array<i32>} : memref<8x8x1280xf32, #tpu.memory_space<vmem>>, vector<16xf32>,
    }
    %scan3A_261 = arith.constant 80 : i32
    %broadcast_in_dim3A_262 = arith.constant 12 : i32
    %broadcast_in_dim3A_263 = vector.broadcast %broadcast_in_dim3A_262 : i32 to vector<16xi32>
    %scan3A_264 = arith.constant 0 : i32
    %scan3A_265 = arith.constant 0 : i32
    %scan3A_266 = arith.constant 80 : i32
    %scan3A_267 = arith.addi %scan3A_265, %scan3A_266 : i32
    %scan3A_268 = arith.constant 1 : i32
    scf.for %scan3A_556 = %scan3A_265 to %scan3A_267 step %scan3A_268  : i32 {
      %mul3A_557 = arith.constant 16 : i32
      %mul3A_558 = arith.muli %mul3A_557, %scan3A_556 : i32
      %sub3A_559 = arith.subi %add3A_39, %mul3A_558 : i32
      %sub3A_560 = vector.broadcast %sub3A_559 : i32 to vector<16xi32>
      %sub3A_561 = arith.subi %sub3A_560, %iota3A : vector<16xi32>
      %gather3A = tpu.vector_load_idx %arg4[%broadcast_in_dim3A_263, %sub3A_561] : memref<16x1288xf32, #tpu.memory_space<vmem>>[vector<16xi32>, vector<16xi32>], vector<16xf32>,
      %mul3A_562 = arith.constant 16 : i32
      %mul3A_563 = arith.muli %mul3A_562, %scan3A_556 : i32
      %multiple_of3A_564 = tpu.assume_multiple %mul3A_563, 16 : i32
      %swap3A = arith.constant 3 : i32
      %swap3A_565 = arith.constant 4 : i32
      %swap3A_566 = arith.index_cast %swap3A : i32 to index
      %swap3A_567 = arith.index_cast %swap3A_565 : i32 to index
      %swap3A_568 = arith.index_cast %multiple_of3A_564 : i32 to index
      %swap3A_569 = tpu.vector_load %arg5[%swap3A_566, %swap3A_567, %swap3A_568] {strides = array<i32>} : memref<8x8x1280xf32, #tpu.memory_space<vmem>>, vector<16xf32>,
      tpu.vector_store %arg5[%swap3A_566, %swap3A_567, %swap3A_568], %gather3A {strides = array<i32>} : memref<8x8x1280xf32, #tpu.memory_space<vmem>>, vector<16xf32>,
    }
    %scan3A_269 = arith.constant 80 : i32
    %broadcast_in_dim3A_270 = arith.constant 13 : i32
    %broadcast_in_dim3A_271 = vector.broadcast %broadcast_in_dim3A_270 : i32 to vector<16xi32>
    %scan3A_272 = arith.constant 0 : i32
    %scan3A_273 = arith.constant 0 : i32
    %scan3A_274 = arith.constant 80 : i32
    %scan3A_275 = arith.addi %scan3A_273, %scan3A_274 : i32
    %scan3A_276 = arith.constant 1 : i32
    scf.for %scan3A_556 = %scan3A_273 to %scan3A_275 step %scan3A_276  : i32 {
      %mul3A_557 = arith.constant 16 : i32
      %mul3A_558 = arith.muli %mul3A_557, %scan3A_556 : i32
      %sub3A_559 = arith.subi %add3A_39, %mul3A_558 : i32
      %sub3A_560 = vector.broadcast %sub3A_559 : i32 to vector<16xi32>
      %sub3A_561 = arith.subi %sub3A_560, %iota3A : vector<16xi32>
      %gather3A = tpu.vector_load_idx %arg4[%broadcast_in_dim3A_271, %sub3A_561] : memref<16x1288xf32, #tpu.memory_space<vmem>>[vector<16xi32>, vector<16xi32>], vector<16xf32>,
      %mul3A_562 = arith.constant 16 : i32
      %mul3A_563 = arith.muli %mul3A_562, %scan3A_556 : i32
      %multiple_of3A_564 = tpu.assume_multiple %mul3A_563, 16 : i32
      %swap3A = arith.constant 3 : i32
      %swap3A_565 = arith.constant 5 : i32
      %swap3A_566 = arith.index_cast %swap3A : i32 to index
      %swap3A_567 = arith.index_cast %swap3A_565 : i32 to index
      %swap3A_568 = arith.index_cast %multiple_of3A_564 : i32 to index
      %swap3A_569 = tpu.vector_load %arg5[%swap3A_566, %swap3A_567, %swap3A_568] {strides = array<i32>} : memref<8x8x1280xf32, #tpu.memory_space<vmem>>, vector<16xf32>,
      tpu.vector_store %arg5[%swap3A_566, %swap3A_567, %swap3A_568], %gather3A {strides = array<i32>} : memref<8x8x1280xf32, #tpu.memory_space<vmem>>, vector<16xf32>,
    }
    %scan3A_277 = arith.constant 80 : i32
    %broadcast_in_dim3A_278 = arith.constant 14 : i32
    %broadcast_in_dim3A_279 = vector.broadcast %broadcast_in_dim3A_278 : i32 to vector<16xi32>
    %scan3A_280 = arith.constant 0 : i32
    %scan3A_281 = arith.constant 0 : i32
    %scan3A_282 = arith.constant 80 : i32
    %scan3A_283 = arith.addi %scan3A_281, %scan3A_282 : i32
    %scan3A_284 = arith.constant 1 : i32
    scf.for %scan3A_556 = %scan3A_281 to %scan3A_283 step %scan3A_284  : i32 {
      %mul3A_557 = arith.constant 16 : i32
      %mul3A_558 = arith.muli %mul3A_557, %scan3A_556 : i32
      %sub3A_559 = arith.subi %add3A_39, %mul3A_558 : i32
      %sub3A_560 = vector.broadcast %sub3A_559 : i32 to vector<16xi32>
      %sub3A_561 = arith.subi %sub3A_560, %iota3A : vector<16xi32>
      %gather3A = tpu.vector_load_idx %arg4[%broadcast_in_dim3A_279, %sub3A_561] : memref<16x1288xf32, #tpu.memory_space<vmem>>[vector<16xi32>, vector<16xi32>], vector<16xf32>,
      %mul3A_562 = arith.constant 16 : i32
      %mul3A_563 = arith.muli %mul3A_562, %scan3A_556 : i32
      %multiple_of3A_564 = tpu.assume_multiple %mul3A_563, 16 : i32
      %swap3A = arith.constant 3 : i32
      %swap3A_565 = arith.constant 6 : i32
      %swap3A_566 = arith.index_cast %swap3A : i32 to index
      %swap3A_567 = arith.index_cast %swap3A_565 : i32 to index
      %swap3A_568 = arith.index_cast %multiple_of3A_564 : i32 to index
      %swap3A_569 = tpu.vector_load %arg5[%swap3A_566, %swap3A_567, %swap3A_568] {strides = array<i32>} : memref<8x8x1280xf32, #tpu.memory_space<vmem>>, vector<16xf32>,
      tpu.vector_store %arg5[%swap3A_566, %swap3A_567, %swap3A_568], %gather3A {strides = array<i32>} : memref<8x8x1280xf32, #tpu.memory_space<vmem>>, vector<16xf32>,
    }
    %scan3A_285 = arith.constant 80 : i32
    %broadcast_in_dim3A_286 = arith.constant 15 : i32
    %broadcast_in_dim3A_287 = vector.broadcast %broadcast_in_dim3A_286 : i32 to vector<16xi32>
    %scan3A_288 = arith.constant 0 : i32
    %scan3A_289 = arith.constant 0 : i32
    %scan3A_290 = arith.constant 80 : i32
    %scan3A_291 = arith.addi %scan3A_289, %scan3A_290 : i32
    %scan3A_292 = arith.constant 1 : i32
    scf.for %scan3A_556 = %scan3A_289 to %scan3A_291 step %scan3A_292  : i32 {
      %mul3A_557 = arith.constant 16 : i32
      %mul3A_558 = arith.muli %mul3A_557, %scan3A_556 : i32
      %sub3A_559 = arith.subi %add3A_39, %mul3A_558 : i32
      %sub3A_560 = vector.broadcast %sub3A_559 : i32 to vector<16xi32>
      %sub3A_561 = arith.subi %sub3A_560, %iota3A : vector<16xi32>
      %gather3A = tpu.vector_load_idx %arg4[%broadcast_in_dim3A_287, %sub3A_561] : memref<16x1288xf32, #tpu.memory_space<vmem>>[vector<16xi32>, vector<16xi32>], vector<16xf32>,
      %mul3A_562 = arith.constant 16 : i32
      %mul3A_563 = arith.muli %mul3A_562, %scan3A_556 : i32
      %multiple_of3A_564 = tpu.assume_multiple %mul3A_563, 16 : i32
      %swap3A = arith.constant 3 : i32
      %swap3A_565 = arith.constant 7 : i32
      %swap3A_566 = arith.index_cast %swap3A : i32 to index
      %swap3A_567 = arith.index_cast %swap3A_565 : i32 to index
      %swap3A_568 = arith.index_cast %multiple_of3A_564 : i32 to index
      %swap3A_569 = tpu.vector_load %arg5[%swap3A_566, %swap3A_567, %swap3A_568] {strides = array<i32>} : memref<8x8x1280xf32, #tpu.memory_space<vmem>>, vector<16xf32>,
      tpu.vector_store %arg5[%swap3A_566, %swap3A_567, %swap3A_568], %gather3A {strides = array<i32>} : memref<8x8x1280xf32, #tpu.memory_space<vmem>>, vector<16xf32>,
    }
    %scan3A_293 = arith.constant 80 : i32
    "tpu.region"() ({
      %run_scoped3A = tpu.sem_alloc : memref<!tpu.dma_semaphore, #tpu.memory_space<semaphore_mem>>
      %dma_start3A = arith.constant 32 : i32
      %dma_start3A_556 = tpu.memref_slice %arg2[%dma_start3A, %multiple_of3A] : memref<64x4095xf32, #tpu.memory_space<hbm>> -> memref<16x1288xf32, #tpu.memory_space<hbm>>
      %dma_start3A_557 = arith.constant 32 : i32
      %dma_start3A_558 = tpu.memref_slice %arg2[%dma_start3A_557, %multiple_of3A] : memref<64x4095xf32, #tpu.memory_space<hbm>> -> memref<16x1288xf32, #tpu.memory_space<hbm>>
      tpu.enqueue_dma source(%dma_start3A_558 : memref<16x1288xf32, #tpu.memory_space<hbm>>) target(%arg4 : memref<16x1288xf32, #tpu.memory_space<vmem>>) target_semaphore(%run_scoped3A : memref<!tpu.dma_semaphore, #tpu.memory_space<semaphore_mem>>)
      %dma_wait3A = arith.constant 32 : i32
      %dma_wait3A_559 = tpu.memref_slice %arg2[%dma_wait3A, %multiple_of3A] : memref<64x4095xf32, #tpu.memory_space<hbm>> -> memref<16x1288xf32, #tpu.memory_space<hbm>>
      %dma_wait3A_560 = arith.constant 32 : i32
      %dma_wait3A_561 = tpu.memref_slice %arg2[%dma_wait3A_560, %multiple_of3A] : memref<64x4095xf32, #tpu.memory_space<hbm>> -> memref<16x1288xf32, #tpu.memory_space<hbm>>
      tpu.wait_dma2 semaphore(%run_scoped3A : memref<!tpu.dma_semaphore, #tpu.memory_space<semaphore_mem>>) src(%dma_wait3A_561 : memref<16x1288xf32, #tpu.memory_space<hbm>>) dst(%arg4 : memref<16x1288xf32, #tpu.memory_space<vmem>>)
      tpu.yield
    }) : () -> ()
    %broadcast_in_dim3A_294 = arith.constant 0 : i32
    %broadcast_in_dim3A_295 = vector.broadcast %broadcast_in_dim3A_294 : i32 to vector<16xi32>
    %scan3A_296 = arith.constant 0 : i32
    %scan3A_297 = arith.constant 0 : i32
    %scan3A_298 = arith.constant 80 : i32
    %scan3A_299 = arith.addi %scan3A_297, %scan3A_298 : i32
    %scan3A_300 = arith.constant 1 : i32
    scf.for %scan3A_556 = %scan3A_297 to %scan3A_299 step %scan3A_300  : i32 {
      %mul3A_557 = arith.constant 16 : i32
      %mul3A_558 = arith.muli %mul3A_557, %scan3A_556 : i32
      %sub3A_559 = arith.subi %add3A_39, %mul3A_558 : i32
      %sub3A_560 = vector.broadcast %sub3A_559 : i32 to vector<16xi32>
      %sub3A_561 = arith.subi %sub3A_560, %iota3A : vector<16xi32>
      %gather3A = tpu.vector_load_idx %arg4[%broadcast_in_dim3A_295, %sub3A_561] : memref<16x1288xf32, #tpu.memory_space<vmem>>[vector<16xi32>, vector<16xi32>], vector<16xf32>,
      %mul3A_562 = arith.constant 16 : i32
      %mul3A_563 = arith.muli %mul3A_562, %scan3A_556 : i32
      %multiple_of3A_564 = tpu.assume_multiple %mul3A_563, 16 : i32
      %swap3A = arith.constant 4 : i32
      %swap3A_565 = arith.constant 0 : i32
      %swap3A_566 = arith.index_cast %swap3A : i32 to index
      %swap3A_567 = arith.index_cast %swap3A_565 : i32 to index
      %swap3A_568 = arith.index_cast %multiple_of3A_564 : i32 to index
      %swap3A_569 = tpu.vector_load %arg5[%swap3A_566, %swap3A_567, %swap3A_568] {strides = array<i32>} : memref<8x8x1280xf32, #tpu.memory_space<vmem>>, vector<16xf32>,
      tpu.vector_store %arg5[%swap3A_566, %swap3A_567, %swap3A_568], %gather3A {strides = array<i32>} : memref<8x8x1280xf32, #tpu.memory_space<vmem>>, vector<16xf32>,
    }
    %scan3A_301 = arith.constant 80 : i32
    %broadcast_in_dim3A_302 = arith.constant 1 : i32
    %broadcast_in_dim3A_303 = vector.broadcast %broadcast_in_dim3A_302 : i32 to vector<16xi32>
    %scan3A_304 = arith.constant 0 : i32
    %scan3A_305 = arith.constant 0 : i32
    %scan3A_306 = arith.constant 80 : i32
    %scan3A_307 = arith.addi %scan3A_305, %scan3A_306 : i32
    %scan3A_308 = arith.constant 1 : i32
    scf.for %scan3A_556 = %scan3A_305 to %scan3A_307 step %scan3A_308  : i32 {
      %mul3A_557 = arith.constant 16 : i32
      %mul3A_558 = arith.muli %mul3A_557, %scan3A_556 : i32
      %sub3A_559 = arith.subi %add3A_39, %mul3A_558 : i32
      %sub3A_560 = vector.broadcast %sub3A_559 : i32 to vector<16xi32>
      %sub3A_561 = arith.subi %sub3A_560, %iota3A : vector<16xi32>
      %gather3A = tpu.vector_load_idx %arg4[%broadcast_in_dim3A_303, %sub3A_561] : memref<16x1288xf32, #tpu.memory_space<vmem>>[vector<16xi32>, vector<16xi32>], vector<16xf32>,
      %mul3A_562 = arith.constant 16 : i32
      %mul3A_563 = arith.muli %mul3A_562, %scan3A_556 : i32
      %multiple_of3A_564 = tpu.assume_multiple %mul3A_563, 16 : i32
      %swap3A = arith.constant 4 : i32
      %swap3A_565 = arith.constant 1 : i32
      %swap3A_566 = arith.index_cast %swap3A : i32 to index
      %swap3A_567 = arith.index_cast %swap3A_565 : i32 to index
      %swap3A_568 = arith.index_cast %multiple_of3A_564 : i32 to index
      %swap3A_569 = tpu.vector_load %arg5[%swap3A_566, %swap3A_567, %swap3A_568] {strides = array<i32>} : memref<8x8x1280xf32, #tpu.memory_space<vmem>>, vector<16xf32>,
      tpu.vector_store %arg5[%swap3A_566, %swap3A_567, %swap3A_568], %gather3A {strides = array<i32>} : memref<8x8x1280xf32, #tpu.memory_space<vmem>>, vector<16xf32>,
    }
    %scan3A_309 = arith.constant 80 : i32
    %broadcast_in_dim3A_310 = arith.constant 2 : i32
    %broadcast_in_dim3A_311 = vector.broadcast %broadcast_in_dim3A_310 : i32 to vector<16xi32>
    %scan3A_312 = arith.constant 0 : i32
    %scan3A_313 = arith.constant 0 : i32
    %scan3A_314 = arith.constant 80 : i32
    %scan3A_315 = arith.addi %scan3A_313, %scan3A_314 : i32
    %scan3A_316 = arith.constant 1 : i32
    scf.for %scan3A_556 = %scan3A_313 to %scan3A_315 step %scan3A_316  : i32 {
      %mul3A_557 = arith.constant 16 : i32
      %mul3A_558 = arith.muli %mul3A_557, %scan3A_556 : i32
      %sub3A_559 = arith.subi %add3A_39, %mul3A_558 : i32
      %sub3A_560 = vector.broadcast %sub3A_559 : i32 to vector<16xi32>
      %sub3A_561 = arith.subi %sub3A_560, %iota3A : vector<16xi32>
      %gather3A = tpu.vector_load_idx %arg4[%broadcast_in_dim3A_311, %sub3A_561] : memref<16x1288xf32, #tpu.memory_space<vmem>>[vector<16xi32>, vector<16xi32>], vector<16xf32>,
      %mul3A_562 = arith.constant 16 : i32
      %mul3A_563 = arith.muli %mul3A_562, %scan3A_556 : i32
      %multiple_of3A_564 = tpu.assume_multiple %mul3A_563, 16 : i32
      %swap3A = arith.constant 4 : i32
      %swap3A_565 = arith.constant 2 : i32
      %swap3A_566 = arith.index_cast %swap3A : i32 to index
      %swap3A_567 = arith.index_cast %swap3A_565 : i32 to index
      %swap3A_568 = arith.index_cast %multiple_of3A_564 : i32 to index
      %swap3A_569 = tpu.vector_load %arg5[%swap3A_566, %swap3A_567, %swap3A_568] {strides = array<i32>} : memref<8x8x1280xf32, #tpu.memory_space<vmem>>, vector<16xf32>,
      tpu.vector_store %arg5[%swap3A_566, %swap3A_567, %swap3A_568], %gather3A {strides = array<i32>} : memref<8x8x1280xf32, #tpu.memory_space<vmem>>, vector<16xf32>,
    }
    %scan3A_317 = arith.constant 80 : i32
    %broadcast_in_dim3A_318 = arith.constant 3 : i32
    %broadcast_in_dim3A_319 = vector.broadcast %broadcast_in_dim3A_318 : i32 to vector<16xi32>
    %scan3A_320 = arith.constant 0 : i32
    %scan3A_321 = arith.constant 0 : i32
    %scan3A_322 = arith.constant 80 : i32
    %scan3A_323 = arith.addi %scan3A_321, %scan3A_322 : i32
    %scan3A_324 = arith.constant 1 : i32
    scf.for %scan3A_556 = %scan3A_321 to %scan3A_323 step %scan3A_324  : i32 {
      %mul3A_557 = arith.constant 16 : i32
      %mul3A_558 = arith.muli %mul3A_557, %scan3A_556 : i32
      %sub3A_559 = arith.subi %add3A_39, %mul3A_558 : i32
      %sub3A_560 = vector.broadcast %sub3A_559 : i32 to vector<16xi32>
      %sub3A_561 = arith.subi %sub3A_560, %iota3A : vector<16xi32>
      %gather3A = tpu.vector_load_idx %arg4[%broadcast_in_dim3A_319, %sub3A_561] : memref<16x1288xf32, #tpu.memory_space<vmem>>[vector<16xi32>, vector<16xi32>], vector<16xf32>,
      %mul3A_562 = arith.constant 16 : i32
      %mul3A_563 = arith.muli %mul3A_562, %scan3A_556 : i32
      %multiple_of3A_564 = tpu.assume_multiple %mul3A_563, 16 : i32
      %swap3A = arith.constant 4 : i32
      %swap3A_565 = arith.constant 3 : i32
      %swap3A_566 = arith.index_cast %swap3A : i32 to index
      %swap3A_567 = arith.index_cast %swap3A_565 : i32 to index
      %swap3A_568 = arith.index_cast %multiple_of3A_564 : i32 to index
      %swap3A_569 = tpu.vector_load %arg5[%swap3A_566, %swap3A_567, %swap3A_568] {strides = array<i32>} : memref<8x8x1280xf32, #tpu.memory_space<vmem>>, vector<16xf32>,
      tpu.vector_store %arg5[%swap3A_566, %swap3A_567, %swap3A_568], %gather3A {strides = array<i32>} : memref<8x8x1280xf32, #tpu.memory_space<vmem>>, vector<16xf32>,
    }
    %scan3A_325 = arith.constant 80 : i32
    %broadcast_in_dim3A_326 = arith.constant 4 : i32
    %broadcast_in_dim3A_327 = vector.broadcast %broadcast_in_dim3A_326 : i32 to vector<16xi32>
    %scan3A_328 = arith.constant 0 : i32
    %scan3A_329 = arith.constant 0 : i32
    %scan3A_330 = arith.constant 80 : i32
    %scan3A_331 = arith.addi %scan3A_329, %scan3A_330 : i32
    %scan3A_332 = arith.constant 1 : i32
    scf.for %scan3A_556 = %scan3A_329 to %scan3A_331 step %scan3A_332  : i32 {
      %mul3A_557 = arith.constant 16 : i32
      %mul3A_558 = arith.muli %mul3A_557, %scan3A_556 : i32
      %sub3A_559 = arith.subi %add3A_39, %mul3A_558 : i32
      %sub3A_560 = vector.broadcast %sub3A_559 : i32 to vector<16xi32>
      %sub3A_561 = arith.subi %sub3A_560, %iota3A : vector<16xi32>
      %gather3A = tpu.vector_load_idx %arg4[%broadcast_in_dim3A_327, %sub3A_561] : memref<16x1288xf32, #tpu.memory_space<vmem>>[vector<16xi32>, vector<16xi32>], vector<16xf32>,
      %mul3A_562 = arith.constant 16 : i32
      %mul3A_563 = arith.muli %mul3A_562, %scan3A_556 : i32
      %multiple_of3A_564 = tpu.assume_multiple %mul3A_563, 16 : i32
      %swap3A = arith.constant 4 : i32
      %swap3A_565 = arith.constant 4 : i32
      %swap3A_566 = arith.index_cast %swap3A : i32 to index
      %swap3A_567 = arith.index_cast %swap3A_565 : i32 to index
      %swap3A_568 = arith.index_cast %multiple_of3A_564 : i32 to index
      %swap3A_569 = tpu.vector_load %arg5[%swap3A_566, %swap3A_567, %swap3A_568] {strides = array<i32>} : memref<8x8x1280xf32, #tpu.memory_space<vmem>>, vector<16xf32>,
      tpu.vector_store %arg5[%swap3A_566, %swap3A_567, %swap3A_568], %gather3A {strides = array<i32>} : memref<8x8x1280xf32, #tpu.memory_space<vmem>>, vector<16xf32>,
    }
    %scan3A_333 = arith.constant 80 : i32
    %broadcast_in_dim3A_334 = arith.constant 5 : i32
    %broadcast_in_dim3A_335 = vector.broadcast %broadcast_in_dim3A_334 : i32 to vector<16xi32>
    %scan3A_336 = arith.constant 0 : i32
    %scan3A_337 = arith.constant 0 : i32
    %scan3A_338 = arith.constant 80 : i32
    %scan3A_339 = arith.addi %scan3A_337, %scan3A_338 : i32
    %scan3A_340 = arith.constant 1 : i32
    scf.for %scan3A_556 = %scan3A_337 to %scan3A_339 step %scan3A_340  : i32 {
      %mul3A_557 = arith.constant 16 : i32
      %mul3A_558 = arith.muli %mul3A_557, %scan3A_556 : i32
      %sub3A_559 = arith.subi %add3A_39, %mul3A_558 : i32
      %sub3A_560 = vector.broadcast %sub3A_559 : i32 to vector<16xi32>
      %sub3A_561 = arith.subi %sub3A_560, %iota3A : vector<16xi32>
      %gather3A = tpu.vector_load_idx %arg4[%broadcast_in_dim3A_335, %sub3A_561] : memref<16x1288xf32, #tpu.memory_space<vmem>>[vector<16xi32>, vector<16xi32>], vector<16xf32>,
      %mul3A_562 = arith.constant 16 : i32
      %mul3A_563 = arith.muli %mul3A_562, %scan3A_556 : i32
      %multiple_of3A_564 = tpu.assume_multiple %mul3A_563, 16 : i32
      %swap3A = arith.constant 4 : i32
      %swap3A_565 = arith.constant 5 : i32
      %swap3A_566 = arith.index_cast %swap3A : i32 to index
      %swap3A_567 = arith.index_cast %swap3A_565 : i32 to index
      %swap3A_568 = arith.index_cast %multiple_of3A_564 : i32 to index
      %swap3A_569 = tpu.vector_load %arg5[%swap3A_566, %swap3A_567, %swap3A_568] {strides = array<i32>} : memref<8x8x1280xf32, #tpu.memory_space<vmem>>, vector<16xf32>,
      tpu.vector_store %arg5[%swap3A_566, %swap3A_567, %swap3A_568], %gather3A {strides = array<i32>} : memref<8x8x1280xf32, #tpu.memory_space<vmem>>, vector<16xf32>,
    }
    %scan3A_341 = arith.constant 80 : i32
    %broadcast_in_dim3A_342 = arith.constant 6 : i32
    %broadcast_in_dim3A_343 = vector.broadcast %broadcast_in_dim3A_342 : i32 to vector<16xi32>
    %scan3A_344 = arith.constant 0 : i32
    %scan3A_345 = arith.constant 0 : i32
    %scan3A_346 = arith.constant 80 : i32
    %scan3A_347 = arith.addi %scan3A_345, %scan3A_346 : i32
    %scan3A_348 = arith.constant 1 : i32
    scf.for %scan3A_556 = %scan3A_345 to %scan3A_347 step %scan3A_348  : i32 {
      %mul3A_557 = arith.constant 16 : i32
      %mul3A_558 = arith.muli %mul3A_557, %scan3A_556 : i32
      %sub3A_559 = arith.subi %add3A_39, %mul3A_558 : i32
      %sub3A_560 = vector.broadcast %sub3A_559 : i32 to vector<16xi32>
      %sub3A_561 = arith.subi %sub3A_560, %iota3A : vector<16xi32>
      %gather3A = tpu.vector_load_idx %arg4[%broadcast_in_dim3A_343, %sub3A_561] : memref<16x1288xf32, #tpu.memory_space<vmem>>[vector<16xi32>, vector<16xi32>], vector<16xf32>,
      %mul3A_562 = arith.constant 16 : i32
      %mul3A_563 = arith.muli %mul3A_562, %scan3A_556 : i32
      %multiple_of3A_564 = tpu.assume_multiple %mul3A_563, 16 : i32
      %swap3A = arith.constant 4 : i32
      %swap3A_565 = arith.constant 6 : i32
      %swap3A_566 = arith.index_cast %swap3A : i32 to index
      %swap3A_567 = arith.index_cast %swap3A_565 : i32 to index
      %swap3A_568 = arith.index_cast %multiple_of3A_564 : i32 to index
      %swap3A_569 = tpu.vector_load %arg5[%swap3A_566, %swap3A_567, %swap3A_568] {strides = array<i32>} : memref<8x8x1280xf32, #tpu.memory_space<vmem>>, vector<16xf32>,
      tpu.vector_store %arg5[%swap3A_566, %swap3A_567, %swap3A_568], %gather3A {strides = array<i32>} : memref<8x8x1280xf32, #tpu.memory_space<vmem>>, vector<16xf32>,
    }
    %scan3A_349 = arith.constant 80 : i32
    %broadcast_in_dim3A_350 = arith.constant 7 : i32
    %broadcast_in_dim3A_351 = vector.broadcast %broadcast_in_dim3A_350 : i32 to vector<16xi32>
    %scan3A_352 = arith.constant 0 : i32
    %scan3A_353 = arith.constant 0 : i32
    %scan3A_354 = arith.constant 80 : i32
    %scan3A_355 = arith.addi %scan3A_353, %scan3A_354 : i32
    %scan3A_356 = arith.constant 1 : i32
    scf.for %scan3A_556 = %scan3A_353 to %scan3A_355 step %scan3A_356  : i32 {
      %mul3A_557 = arith.constant 16 : i32
      %mul3A_558 = arith.muli %mul3A_557, %scan3A_556 : i32
      %sub3A_559 = arith.subi %add3A_39, %mul3A_558 : i32
      %sub3A_560 = vector.broadcast %sub3A_559 : i32 to vector<16xi32>
      %sub3A_561 = arith.subi %sub3A_560, %iota3A : vector<16xi32>
      %gather3A = tpu.vector_load_idx %arg4[%broadcast_in_dim3A_351, %sub3A_561] : memref<16x1288xf32, #tpu.memory_space<vmem>>[vector<16xi32>, vector<16xi32>], vector<16xf32>,
      %mul3A_562 = arith.constant 16 : i32
      %mul3A_563 = arith.muli %mul3A_562, %scan3A_556 : i32
      %multiple_of3A_564 = tpu.assume_multiple %mul3A_563, 16 : i32
      %swap3A = arith.constant 4 : i32
      %swap3A_565 = arith.constant 7 : i32
      %swap3A_566 = arith.index_cast %swap3A : i32 to index
      %swap3A_567 = arith.index_cast %swap3A_565 : i32 to index
      %swap3A_568 = arith.index_cast %multiple_of3A_564 : i32 to index
      %swap3A_569 = tpu.vector_load %arg5[%swap3A_566, %swap3A_567, %swap3A_568] {strides = array<i32>} : memref<8x8x1280xf32, #tpu.memory_space<vmem>>, vector<16xf32>,
      tpu.vector_store %arg5[%swap3A_566, %swap3A_567, %swap3A_568], %gather3A {strides = array<i32>} : memref<8x8x1280xf32, #tpu.memory_space<vmem>>, vector<16xf32>,
    }
    %scan3A_357 = arith.constant 80 : i32
    %broadcast_in_dim3A_358 = arith.constant 8 : i32
    %broadcast_in_dim3A_359 = vector.broadcast %broadcast_in_dim3A_358 : i32 to vector<16xi32>
    %scan3A_360 = arith.constant 0 : i32
    %scan3A_361 = arith.constant 0 : i32
    %scan3A_362 = arith.constant 80 : i32
    %scan3A_363 = arith.addi %scan3A_361, %scan3A_362 : i32
    %scan3A_364 = arith.constant 1 : i32
    scf.for %scan3A_556 = %scan3A_361 to %scan3A_363 step %scan3A_364  : i32 {
      %mul3A_557 = arith.constant 16 : i32
      %mul3A_558 = arith.muli %mul3A_557, %scan3A_556 : i32
      %sub3A_559 = arith.subi %add3A_39, %mul3A_558 : i32
      %sub3A_560 = vector.broadcast %sub3A_559 : i32 to vector<16xi32>
      %sub3A_561 = arith.subi %sub3A_560, %iota3A : vector<16xi32>
      %gather3A = tpu.vector_load_idx %arg4[%broadcast_in_dim3A_359, %sub3A_561] : memref<16x1288xf32, #tpu.memory_space<vmem>>[vector<16xi32>, vector<16xi32>], vector<16xf32>,
      %mul3A_562 = arith.constant 16 : i32
      %mul3A_563 = arith.muli %mul3A_562, %scan3A_556 : i32
      %multiple_of3A_564 = tpu.assume_multiple %mul3A_563, 16 : i32
      %swap3A = arith.constant 5 : i32
      %swap3A_565 = arith.constant 0 : i32
      %swap3A_566 = arith.index_cast %swap3A : i32 to index
      %swap3A_567 = arith.index_cast %swap3A_565 : i32 to index
      %swap3A_568 = arith.index_cast %multiple_of3A_564 : i32 to index
      %swap3A_569 = tpu.vector_load %arg5[%swap3A_566, %swap3A_567, %swap3A_568] {strides = array<i32>} : memref<8x8x1280xf32, #tpu.memory_space<vmem>>, vector<16xf32>,
      tpu.vector_store %arg5[%swap3A_566, %swap3A_567, %swap3A_568], %gather3A {strides = array<i32>} : memref<8x8x1280xf32, #tpu.memory_space<vmem>>, vector<16xf32>,
    }
    %scan3A_365 = arith.constant 80 : i32
    %broadcast_in_dim3A_366 = arith.constant 9 : i32
    %broadcast_in_dim3A_367 = vector.broadcast %broadcast_in_dim3A_366 : i32 to vector<16xi32>
    %scan3A_368 = arith.constant 0 : i32
    %scan3A_369 = arith.constant 0 : i32
    %scan3A_370 = arith.constant 80 : i32
    %scan3A_371 = arith.addi %scan3A_369, %scan3A_370 : i32
    %scan3A_372 = arith.constant 1 : i32
    scf.for %scan3A_556 = %scan3A_369 to %scan3A_371 step %scan3A_372  : i32 {
      %mul3A_557 = arith.constant 16 : i32
      %mul3A_558 = arith.muli %mul3A_557, %scan3A_556 : i32
      %sub3A_559 = arith.subi %add3A_39, %mul3A_558 : i32
      %sub3A_560 = vector.broadcast %sub3A_559 : i32 to vector<16xi32>
      %sub3A_561 = arith.subi %sub3A_560, %iota3A : vector<16xi32>
      %gather3A = tpu.vector_load_idx %arg4[%broadcast_in_dim3A_367, %sub3A_561] : memref<16x1288xf32, #tpu.memory_space<vmem>>[vector<16xi32>, vector<16xi32>], vector<16xf32>,
      %mul3A_562 = arith.constant 16 : i32
      %mul3A_563 = arith.muli %mul3A_562, %scan3A_556 : i32
      %multiple_of3A_564 = tpu.assume_multiple %mul3A_563, 16 : i32
      %swap3A = arith.constant 5 : i32
      %swap3A_565 = arith.constant 1 : i32
      %swap3A_566 = arith.index_cast %swap3A : i32 to index
      %swap3A_567 = arith.index_cast %swap3A_565 : i32 to index
      %swap3A_568 = arith.index_cast %multiple_of3A_564 : i32 to index
      %swap3A_569 = tpu.vector_load %arg5[%swap3A_566, %swap3A_567, %swap3A_568] {strides = array<i32>} : memref<8x8x1280xf32, #tpu.memory_space<vmem>>, vector<16xf32>,
      tpu.vector_store %arg5[%swap3A_566, %swap3A_567, %swap3A_568], %gather3A {strides = array<i32>} : memref<8x8x1280xf32, #tpu.memory_space<vmem>>, vector<16xf32>,
    }
    %scan3A_373 = arith.constant 80 : i32
    %broadcast_in_dim3A_374 = arith.constant 10 : i32
    %broadcast_in_dim3A_375 = vector.broadcast %broadcast_in_dim3A_374 : i32 to vector<16xi32>
    %scan3A_376 = arith.constant 0 : i32
    %scan3A_377 = arith.constant 0 : i32
    %scan3A_378 = arith.constant 80 : i32
    %scan3A_379 = arith.addi %scan3A_377, %scan3A_378 : i32
    %scan3A_380 = arith.constant 1 : i32
    scf.for %scan3A_556 = %scan3A_377 to %scan3A_379 step %scan3A_380  : i32 {
      %mul3A_557 = arith.constant 16 : i32
      %mul3A_558 = arith.muli %mul3A_557, %scan3A_556 : i32
      %sub3A_559 = arith.subi %add3A_39, %mul3A_558 : i32
      %sub3A_560 = vector.broadcast %sub3A_559 : i32 to vector<16xi32>
      %sub3A_561 = arith.subi %sub3A_560, %iota3A : vector<16xi32>
      %gather3A = tpu.vector_load_idx %arg4[%broadcast_in_dim3A_375, %sub3A_561] : memref<16x1288xf32, #tpu.memory_space<vmem>>[vector<16xi32>, vector<16xi32>], vector<16xf32>,
      %mul3A_562 = arith.constant 16 : i32
      %mul3A_563 = arith.muli %mul3A_562, %scan3A_556 : i32
      %multiple_of3A_564 = tpu.assume_multiple %mul3A_563, 16 : i32
      %swap3A = arith.constant 5 : i32
      %swap3A_565 = arith.constant 2 : i32
      %swap3A_566 = arith.index_cast %swap3A : i32 to index
      %swap3A_567 = arith.index_cast %swap3A_565 : i32 to index
      %swap3A_568 = arith.index_cast %multiple_of3A_564 : i32 to index
      %swap3A_569 = tpu.vector_load %arg5[%swap3A_566, %swap3A_567, %swap3A_568] {strides = array<i32>} : memref<8x8x1280xf32, #tpu.memory_space<vmem>>, vector<16xf32>,
      tpu.vector_store %arg5[%swap3A_566, %swap3A_567, %swap3A_568], %gather3A {strides = array<i32>} : memref<8x8x1280xf32, #tpu.memory_space<vmem>>, vector<16xf32>,
    }
    %scan3A_381 = arith.constant 80 : i32
    %broadcast_in_dim3A_382 = arith.constant 11 : i32
    %broadcast_in_dim3A_383 = vector.broadcast %broadcast_in_dim3A_382 : i32 to vector<16xi32>
    %scan3A_384 = arith.constant 0 : i32
    %scan3A_385 = arith.constant 0 : i32
    %scan3A_386 = arith.constant 80 : i32
    %scan3A_387 = arith.addi %scan3A_385, %scan3A_386 : i32
    %scan3A_388 = arith.constant 1 : i32
    scf.for %scan3A_556 = %scan3A_385 to %scan3A_387 step %scan3A_388  : i32 {
      %mul3A_557 = arith.constant 16 : i32
      %mul3A_558 = arith.muli %mul3A_557, %scan3A_556 : i32
      %sub3A_559 = arith.subi %add3A_39, %mul3A_558 : i32
      %sub3A_560 = vector.broadcast %sub3A_559 : i32 to vector<16xi32>
      %sub3A_561 = arith.subi %sub3A_560, %iota3A : vector<16xi32>
      %gather3A = tpu.vector_load_idx %arg4[%broadcast_in_dim3A_383, %sub3A_561] : memref<16x1288xf32, #tpu.memory_space<vmem>>[vector<16xi32>, vector<16xi32>], vector<16xf32>,
      %mul3A_562 = arith.constant 16 : i32
      %mul3A_563 = arith.muli %mul3A_562, %scan3A_556 : i32
      %multiple_of3A_564 = tpu.assume_multiple %mul3A_563, 16 : i32
      %swap3A = arith.constant 5 : i32
      %swap3A_565 = arith.constant 3 : i32
      %swap3A_566 = arith.index_cast %swap3A : i32 to index
      %swap3A_567 = arith.index_cast %swap3A_565 : i32 to index
      %swap3A_568 = arith.index_cast %multiple_of3A_564 : i32 to index
      %swap3A_569 = tpu.vector_load %arg5[%swap3A_566, %swap3A_567, %swap3A_568] {strides = array<i32>} : memref<8x8x1280xf32, #tpu.memory_space<vmem>>, vector<16xf32>,
      tpu.vector_store %arg5[%swap3A_566, %swap3A_567, %swap3A_568], %gather3A {strides = array<i32>} : memref<8x8x1280xf32, #tpu.memory_space<vmem>>, vector<16xf32>,
    }
    %scan3A_389 = arith.constant 80 : i32
    %broadcast_in_dim3A_390 = arith.constant 12 : i32
    %broadcast_in_dim3A_391 = vector.broadcast %broadcast_in_dim3A_390 : i32 to vector<16xi32>
    %scan3A_392 = arith.constant 0 : i32
    %scan3A_393 = arith.constant 0 : i32
    %scan3A_394 = arith.constant 80 : i32
    %scan3A_395 = arith.addi %scan3A_393, %scan3A_394 : i32
    %scan3A_396 = arith.constant 1 : i32
    scf.for %scan3A_556 = %scan3A_393 to %scan3A_395 step %scan3A_396  : i32 {
      %mul3A_557 = arith.constant 16 : i32
      %mul3A_558 = arith.muli %mul3A_557, %scan3A_556 : i32
      %sub3A_559 = arith.subi %add3A_39, %mul3A_558 : i32
      %sub3A_560 = vector.broadcast %sub3A_559 : i32 to vector<16xi32>
      %sub3A_561 = arith.subi %sub3A_560, %iota3A : vector<16xi32>
      %gather3A = tpu.vector_load_idx %arg4[%broadcast_in_dim3A_391, %sub3A_561] : memref<16x1288xf32, #tpu.memory_space<vmem>>[vector<16xi32>, vector<16xi32>], vector<16xf32>,
      %mul3A_562 = arith.constant 16 : i32
      %mul3A_563 = arith.muli %mul3A_562, %scan3A_556 : i32
      %multiple_of3A_564 = tpu.assume_multiple %mul3A_563, 16 : i32
      %swap3A = arith.constant 5 : i32
      %swap3A_565 = arith.constant 4 : i32
      %swap3A_566 = arith.index_cast %swap3A : i32 to index
      %swap3A_567 = arith.index_cast %swap3A_565 : i32 to index
      %swap3A_568 = arith.index_cast %multiple_of3A_564 : i32 to index
      %swap3A_569 = tpu.vector_load %arg5[%swap3A_566, %swap3A_567, %swap3A_568] {strides = array<i32>} : memref<8x8x1280xf32, #tpu.memory_space<vmem>>, vector<16xf32>,
      tpu.vector_store %arg5[%swap3A_566, %swap3A_567, %swap3A_568], %gather3A {strides = array<i32>} : memref<8x8x1280xf32, #tpu.memory_space<vmem>>, vector<16xf32>,
    }
    %scan3A_397 = arith.constant 80 : i32
    %broadcast_in_dim3A_398 = arith.constant 13 : i32
    %broadcast_in_dim3A_399 = vector.broadcast %broadcast_in_dim3A_398 : i32 to vector<16xi32>
    %scan3A_400 = arith.constant 0 : i32
    %scan3A_401 = arith.constant 0 : i32
    %scan3A_402 = arith.constant 80 : i32
    %scan3A_403 = arith.addi %scan3A_401, %scan3A_402 : i32
    %scan3A_404 = arith.constant 1 : i32
    scf.for %scan3A_556 = %scan3A_401 to %scan3A_403 step %scan3A_404  : i32 {
      %mul3A_557 = arith.constant 16 : i32
      %mul3A_558 = arith.muli %mul3A_557, %scan3A_556 : i32
      %sub3A_559 = arith.subi %add3A_39, %mul3A_558 : i32
      %sub3A_560 = vector.broadcast %sub3A_559 : i32 to vector<16xi32>
      %sub3A_561 = arith.subi %sub3A_560, %iota3A : vector<16xi32>
      %gather3A = tpu.vector_load_idx %arg4[%broadcast_in_dim3A_399, %sub3A_561] : memref<16x1288xf32, #tpu.memory_space<vmem>>[vector<16xi32>, vector<16xi32>], vector<16xf32>,
      %mul3A_562 = arith.constant 16 : i32
      %mul3A_563 = arith.muli %mul3A_562, %scan3A_556 : i32
      %multiple_of3A_564 = tpu.assume_multiple %mul3A_563, 16 : i32
      %swap3A = arith.constant 5 : i32
      %swap3A_565 = arith.constant 5 : i32
      %swap3A_566 = arith.index_cast %swap3A : i32 to index
      %swap3A_567 = arith.index_cast %swap3A_565 : i32 to index
      %swap3A_568 = arith.index_cast %multiple_of3A_564 : i32 to index
      %swap3A_569 = tpu.vector_load %arg5[%swap3A_566, %swap3A_567, %swap3A_568] {strides = array<i32>} : memref<8x8x1280xf32, #tpu.memory_space<vmem>>, vector<16xf32>,
      tpu.vector_store %arg5[%swap3A_566, %swap3A_567, %swap3A_568], %gather3A {strides = array<i32>} : memref<8x8x1280xf32, #tpu.memory_space<vmem>>, vector<16xf32>,
    }
    %scan3A_405 = arith.constant 80 : i32
    %broadcast_in_dim3A_406 = arith.constant 14 : i32
    %broadcast_in_dim3A_407 = vector.broadcast %broadcast_in_dim3A_406 : i32 to vector<16xi32>
    %scan3A_408 = arith.constant 0 : i32
    %scan3A_409 = arith.constant 0 : i32
    %scan3A_410 = arith.constant 80 : i32
    %scan3A_411 = arith.addi %scan3A_409, %scan3A_410 : i32
    %scan3A_412 = arith.constant 1 : i32
    scf.for %scan3A_556 = %scan3A_409 to %scan3A_411 step %scan3A_412  : i32 {
      %mul3A_557 = arith.constant 16 : i32
      %mul3A_558 = arith.muli %mul3A_557, %scan3A_556 : i32
      %sub3A_559 = arith.subi %add3A_39, %mul3A_558 : i32
      %sub3A_560 = vector.broadcast %sub3A_559 : i32 to vector<16xi32>
      %sub3A_561 = arith.subi %sub3A_560, %iota3A : vector<16xi32>
      %gather3A = tpu.vector_load_idx %arg4[%broadcast_in_dim3A_407, %sub3A_561] : memref<16x1288xf32, #tpu.memory_space<vmem>>[vector<16xi32>, vector<16xi32>], vector<16xf32>,
      %mul3A_562 = arith.constant 16 : i32
      %mul3A_563 = arith.muli %mul3A_562, %scan3A_556 : i32
      %multiple_of3A_564 = tpu.assume_multiple %mul3A_563, 16 : i32
      %swap3A = arith.constant 5 : i32
      %swap3A_565 = arith.constant 6 : i32
      %swap3A_566 = arith.index_cast %swap3A : i32 to index
      %swap3A_567 = arith.index_cast %swap3A_565 : i32 to index
      %swap3A_568 = arith.index_cast %multiple_of3A_564 : i32 to index
      %swap3A_569 = tpu.vector_load %arg5[%swap3A_566, %swap3A_567, %swap3A_568] {strides = array<i32>} : memref<8x8x1280xf32, #tpu.memory_space<vmem>>, vector<16xf32>,
      tpu.vector_store %arg5[%swap3A_566, %swap3A_567, %swap3A_568], %gather3A {strides = array<i32>} : memref<8x8x1280xf32, #tpu.memory_space<vmem>>, vector<16xf32>,
    }
    %scan3A_413 = arith.constant 80 : i32
    %broadcast_in_dim3A_414 = arith.constant 15 : i32
    %broadcast_in_dim3A_415 = vector.broadcast %broadcast_in_dim3A_414 : i32 to vector<16xi32>
    %scan3A_416 = arith.constant 0 : i32
    %scan3A_417 = arith.constant 0 : i32
    %scan3A_418 = arith.constant 80 : i32
    %scan3A_419 = arith.addi %scan3A_417, %scan3A_418 : i32
    %scan3A_420 = arith.constant 1 : i32
    scf.for %scan3A_556 = %scan3A_417 to %scan3A_419 step %scan3A_420  : i32 {
      %mul3A_557 = arith.constant 16 : i32
      %mul3A_558 = arith.muli %mul3A_557, %scan3A_556 : i32
      %sub3A_559 = arith.subi %add3A_39, %mul3A_558 : i32
      %sub3A_560 = vector.broadcast %sub3A_559 : i32 to vector<16xi32>
      %sub3A_561 = arith.subi %sub3A_560, %iota3A : vector<16xi32>
      %gather3A = tpu.vector_load_idx %arg4[%broadcast_in_dim3A_415, %sub3A_561] : memref<16x1288xf32, #tpu.memory_space<vmem>>[vector<16xi32>, vector<16xi32>], vector<16xf32>,
      %mul3A_562 = arith.constant 16 : i32
      %mul3A_563 = arith.muli %mul3A_562, %scan3A_556 : i32
      %multiple_of3A_564 = tpu.assume_multiple %mul3A_563, 16 : i32
      %swap3A = arith.constant 5 : i32
      %swap3A_565 = arith.constant 7 : i32
      %swap3A_566 = arith.index_cast %swap3A : i32 to index
      %swap3A_567 = arith.index_cast %swap3A_565 : i32 to index
      %swap3A_568 = arith.index_cast %multiple_of3A_564 : i32 to index
      %swap3A_569 = tpu.vector_load %arg5[%swap3A_566, %swap3A_567, %swap3A_568] {strides = array<i32>} : memref<8x8x1280xf32, #tpu.memory_space<vmem>>, vector<16xf32>,
      tpu.vector_store %arg5[%swap3A_566, %swap3A_567, %swap3A_568], %gather3A {strides = array<i32>} : memref<8x8x1280xf32, #tpu.memory_space<vmem>>, vector<16xf32>,
    }
    %scan3A_421 = arith.constant 80 : i32
    "tpu.region"() ({
      %run_scoped3A = tpu.sem_alloc : memref<!tpu.dma_semaphore, #tpu.memory_space<semaphore_mem>>
      %dma_start3A = arith.constant 48 : i32
      %dma_start3A_556 = tpu.memref_slice %arg2[%dma_start3A, %multiple_of3A] : memref<64x4095xf32, #tpu.memory_space<hbm>> -> memref<16x1288xf32, #tpu.memory_space<hbm>>
      %dma_start3A_557 = arith.constant 48 : i32
      %dma_start3A_558 = tpu.memref_slice %arg2[%dma_start3A_557, %multiple_of3A] : memref<64x4095xf32, #tpu.memory_space<hbm>> -> memref<16x1288xf32, #tpu.memory_space<hbm>>
      tpu.enqueue_dma source(%dma_start3A_558 : memref<16x1288xf32, #tpu.memory_space<hbm>>) target(%arg4 : memref<16x1288xf32, #tpu.memory_space<vmem>>) target_semaphore(%run_scoped3A : memref<!tpu.dma_semaphore, #tpu.memory_space<semaphore_mem>>)
      %dma_wait3A = arith.constant 48 : i32
      %dma_wait3A_559 = tpu.memref_slice %arg2[%dma_wait3A, %multiple_of3A] : memref<64x4095xf32, #tpu.memory_space<hbm>> -> memref<16x1288xf32, #tpu.memory_space<hbm>>
      %dma_wait3A_560 = arith.constant 48 : i32
      %dma_wait3A_561 = tpu.memref_slice %arg2[%dma_wait3A_560, %multiple_of3A] : memref<64x4095xf32, #tpu.memory_space<hbm>> -> memref<16x1288xf32, #tpu.memory_space<hbm>>
      tpu.wait_dma2 semaphore(%run_scoped3A : memref<!tpu.dma_semaphore, #tpu.memory_space<semaphore_mem>>) src(%dma_wait3A_561 : memref<16x1288xf32, #tpu.memory_space<hbm>>) dst(%arg4 : memref<16x1288xf32, #tpu.memory_space<vmem>>)
      tpu.yield
    }) : () -> ()
    %broadcast_in_dim3A_422 = arith.constant 0 : i32
    %broadcast_in_dim3A_423 = vector.broadcast %broadcast_in_dim3A_422 : i32 to vector<16xi32>
    %scan3A_424 = arith.constant 0 : i32
    %scan3A_425 = arith.constant 0 : i32
    %scan3A_426 = arith.constant 80 : i32
    %scan3A_427 = arith.addi %scan3A_425, %scan3A_426 : i32
    %scan3A_428 = arith.constant 1 : i32
    scf.for %scan3A_556 = %scan3A_425 to %scan3A_427 step %scan3A_428  : i32 {
      %mul3A_557 = arith.constant 16 : i32
      %mul3A_558 = arith.muli %mul3A_557, %scan3A_556 : i32
      %sub3A_559 = arith.subi %add3A_39, %mul3A_558 : i32
      %sub3A_560 = vector.broadcast %sub3A_559 : i32 to vector<16xi32>
      %sub3A_561 = arith.subi %sub3A_560, %iota3A : vector<16xi32>
      %gather3A = tpu.vector_load_idx %arg4[%broadcast_in_dim3A_423, %sub3A_561] : memref<16x1288xf32, #tpu.memory_space<vmem>>[vector<16xi32>, vector<16xi32>], vector<16xf32>,
      %mul3A_562 = arith.constant 16 : i32
      %mul3A_563 = arith.muli %mul3A_562, %scan3A_556 : i32
      %multiple_of3A_564 = tpu.assume_multiple %mul3A_563, 16 : i32
      %swap3A = arith.constant 6 : i32
      %swap3A_565 = arith.constant 0 : i32
      %swap3A_566 = arith.index_cast %swap3A : i32 to index
      %swap3A_567 = arith.index_cast %swap3A_565 : i32 to index
      %swap3A_568 = arith.index_cast %multiple_of3A_564 : i32 to index
      %swap3A_569 = tpu.vector_load %arg5[%swap3A_566, %swap3A_567, %swap3A_568] {strides = array<i32>} : memref<8x8x1280xf32, #tpu.memory_space<vmem>>, vector<16xf32>,
      tpu.vector_store %arg5[%swap3A_566, %swap3A_567, %swap3A_568], %gather3A {strides = array<i32>} : memref<8x8x1280xf32, #tpu.memory_space<vmem>>, vector<16xf32>,
    }
    %scan3A_429 = arith.constant 80 : i32
    %broadcast_in_dim3A_430 = arith.constant 1 : i32
    %broadcast_in_dim3A_431 = vector.broadcast %broadcast_in_dim3A_430 : i32 to vector<16xi32>
    %scan3A_432 = arith.constant 0 : i32
    %scan3A_433 = arith.constant 0 : i32
    %scan3A_434 = arith.constant 80 : i32
    %scan3A_435 = arith.addi %scan3A_433, %scan3A_434 : i32
    %scan3A_436 = arith.constant 1 : i32
    scf.for %scan3A_556 = %scan3A_433 to %scan3A_435 step %scan3A_436  : i32 {
      %mul3A_557 = arith.constant 16 : i32
      %mul3A_558 = arith.muli %mul3A_557, %scan3A_556 : i32
      %sub3A_559 = arith.subi %add3A_39, %mul3A_558 : i32
      %sub3A_560 = vector.broadcast %sub3A_559 : i32 to vector<16xi32>
      %sub3A_561 = arith.subi %sub3A_560, %iota3A : vector<16xi32>
      %gather3A = tpu.vector_load_idx %arg4[%broadcast_in_dim3A_431, %sub3A_561] : memref<16x1288xf32, #tpu.memory_space<vmem>>[vector<16xi32>, vector<16xi32>], vector<16xf32>,
      %mul3A_562 = arith.constant 16 : i32
      %mul3A_563 = arith.muli %mul3A_562, %scan3A_556 : i32
      %multiple_of3A_564 = tpu.assume_multiple %mul3A_563, 16 : i32
      %swap3A = arith.constant 6 : i32
      %swap3A_565 = arith.constant 1 : i32
      %swap3A_566 = arith.index_cast %swap3A : i32 to index
      %swap3A_567 = arith.index_cast %swap3A_565 : i32 to index
      %swap3A_568 = arith.index_cast %multiple_of3A_564 : i32 to index
      %swap3A_569 = tpu.vector_load %arg5[%swap3A_566, %swap3A_567, %swap3A_568] {strides = array<i32>} : memref<8x8x1280xf32, #tpu.memory_space<vmem>>, vector<16xf32>,
      tpu.vector_store %arg5[%swap3A_566, %swap3A_567, %swap3A_568], %gather3A {strides = array<i32>} : memref<8x8x1280xf32, #tpu.memory_space<vmem>>, vector<16xf32>,
    }
    %scan3A_437 = arith.constant 80 : i32
    %broadcast_in_dim3A_438 = arith.constant 2 : i32
    %broadcast_in_dim3A_439 = vector.broadcast %broadcast_in_dim3A_438 : i32 to vector<16xi32>
    %scan3A_440 = arith.constant 0 : i32
    %scan3A_441 = arith.constant 0 : i32
    %scan3A_442 = arith.constant 80 : i32
    %scan3A_443 = arith.addi %scan3A_441, %scan3A_442 : i32
    %scan3A_444 = arith.constant 1 : i32
    scf.for %scan3A_556 = %scan3A_441 to %scan3A_443 step %scan3A_444  : i32 {
      %mul3A_557 = arith.constant 16 : i32
      %mul3A_558 = arith.muli %mul3A_557, %scan3A_556 : i32
      %sub3A_559 = arith.subi %add3A_39, %mul3A_558 : i32
      %sub3A_560 = vector.broadcast %sub3A_559 : i32 to vector<16xi32>
      %sub3A_561 = arith.subi %sub3A_560, %iota3A : vector<16xi32>
      %gather3A = tpu.vector_load_idx %arg4[%broadcast_in_dim3A_439, %sub3A_561] : memref<16x1288xf32, #tpu.memory_space<vmem>>[vector<16xi32>, vector<16xi32>], vector<16xf32>,
      %mul3A_562 = arith.constant 16 : i32
      %mul3A_563 = arith.muli %mul3A_562, %scan3A_556 : i32
      %multiple_of3A_564 = tpu.assume_multiple %mul3A_563, 16 : i32
      %swap3A = arith.constant 6 : i32
      %swap3A_565 = arith.constant 2 : i32
      %swap3A_566 = arith.index_cast %swap3A : i32 to index
      %swap3A_567 = arith.index_cast %swap3A_565 : i32 to index
      %swap3A_568 = arith.index_cast %multiple_of3A_564 : i32 to index
      %swap3A_569 = tpu.vector_load %arg5[%swap3A_566, %swap3A_567, %swap3A_568] {strides = array<i32>} : memref<8x8x1280xf32, #tpu.memory_space<vmem>>, vector<16xf32>,
      tpu.vector_store %arg5[%swap3A_566, %swap3A_567, %swap3A_568], %gather3A {strides = array<i32>} : memref<8x8x1280xf32, #tpu.memory_space<vmem>>, vector<16xf32>,
    }
    %scan3A_445 = arith.constant 80 : i32
    %broadcast_in_dim3A_446 = arith.constant 3 : i32
    %broadcast_in_dim3A_447 = vector.broadcast %broadcast_in_dim3A_446 : i32 to vector<16xi32>
    %scan3A_448 = arith.constant 0 : i32
    %scan3A_449 = arith.constant 0 : i32
    %scan3A_450 = arith.constant 80 : i32
    %scan3A_451 = arith.addi %scan3A_449, %scan3A_450 : i32
    %scan3A_452 = arith.constant 1 : i32
    scf.for %scan3A_556 = %scan3A_449 to %scan3A_451 step %scan3A_452  : i32 {
      %mul3A_557 = arith.constant 16 : i32
      %mul3A_558 = arith.muli %mul3A_557, %scan3A_556 : i32
      %sub3A_559 = arith.subi %add3A_39, %mul3A_558 : i32
      %sub3A_560 = vector.broadcast %sub3A_559 : i32 to vector<16xi32>
      %sub3A_561 = arith.subi %sub3A_560, %iota3A : vector<16xi32>
      %gather3A = tpu.vector_load_idx %arg4[%broadcast_in_dim3A_447, %sub3A_561] : memref<16x1288xf32, #tpu.memory_space<vmem>>[vector<16xi32>, vector<16xi32>], vector<16xf32>,
      %mul3A_562 = arith.constant 16 : i32
      %mul3A_563 = arith.muli %mul3A_562, %scan3A_556 : i32
      %multiple_of3A_564 = tpu.assume_multiple %mul3A_563, 16 : i32
      %swap3A = arith.constant 6 : i32
      %swap3A_565 = arith.constant 3 : i32
      %swap3A_566 = arith.index_cast %swap3A : i32 to index
      %swap3A_567 = arith.index_cast %swap3A_565 : i32 to index
      %swap3A_568 = arith.index_cast %multiple_of3A_564 : i32 to index
      %swap3A_569 = tpu.vector_load %arg5[%swap3A_566, %swap3A_567, %swap3A_568] {strides = array<i32>} : memref<8x8x1280xf32, #tpu.memory_space<vmem>>, vector<16xf32>,
      tpu.vector_store %arg5[%swap3A_566, %swap3A_567, %swap3A_568], %gather3A {strides = array<i32>} : memref<8x8x1280xf32, #tpu.memory_space<vmem>>, vector<16xf32>,
    }
    %scan3A_453 = arith.constant 80 : i32
    %broadcast_in_dim3A_454 = arith.constant 4 : i32
    %broadcast_in_dim3A_455 = vector.broadcast %broadcast_in_dim3A_454 : i32 to vector<16xi32>
    %scan3A_456 = arith.constant 0 : i32
    %scan3A_457 = arith.constant 0 : i32
    %scan3A_458 = arith.constant 80 : i32
    %scan3A_459 = arith.addi %scan3A_457, %scan3A_458 : i32
    %scan3A_460 = arith.constant 1 : i32
    scf.for %scan3A_556 = %scan3A_457 to %scan3A_459 step %scan3A_460  : i32 {
      %mul3A_557 = arith.constant 16 : i32
      %mul3A_558 = arith.muli %mul3A_557, %scan3A_556 : i32
      %sub3A_559 = arith.subi %add3A_39, %mul3A_558 : i32
      %sub3A_560 = vector.broadcast %sub3A_559 : i32 to vector<16xi32>
      %sub3A_561 = arith.subi %sub3A_560, %iota3A : vector<16xi32>
      %gather3A = tpu.vector_load_idx %arg4[%broadcast_in_dim3A_455, %sub3A_561] : memref<16x1288xf32, #tpu.memory_space<vmem>>[vector<16xi32>, vector<16xi32>], vector<16xf32>,
      %mul3A_562 = arith.constant 16 : i32
      %mul3A_563 = arith.muli %mul3A_562, %scan3A_556 : i32
      %multiple_of3A_564 = tpu.assume_multiple %mul3A_563, 16 : i32
      %swap3A = arith.constant 6 : i32
      %swap3A_565 = arith.constant 4 : i32
      %swap3A_566 = arith.index_cast %swap3A : i32 to index
      %swap3A_567 = arith.index_cast %swap3A_565 : i32 to index
      %swap3A_568 = arith.index_cast %multiple_of3A_564 : i32 to index
      %swap3A_569 = tpu.vector_load %arg5[%swap3A_566, %swap3A_567, %swap3A_568] {strides = array<i32>} : memref<8x8x1280xf32, #tpu.memory_space<vmem>>, vector<16xf32>,
      tpu.vector_store %arg5[%swap3A_566, %swap3A_567, %swap3A_568], %gather3A {strides = array<i32>} : memref<8x8x1280xf32, #tpu.memory_space<vmem>>, vector<16xf32>,
    }
    %scan3A_461 = arith.constant 80 : i32
    %broadcast_in_dim3A_462 = arith.constant 5 : i32
    %broadcast_in_dim3A_463 = vector.broadcast %broadcast_in_dim3A_462 : i32 to vector<16xi32>
    %scan3A_464 = arith.constant 0 : i32
    %scan3A_465 = arith.constant 0 : i32
    %scan3A_466 = arith.constant 80 : i32
    %scan3A_467 = arith.addi %scan3A_465, %scan3A_466 : i32
    %scan3A_468 = arith.constant 1 : i32
    scf.for %scan3A_556 = %scan3A_465 to %scan3A_467 step %scan3A_468  : i32 {
      %mul3A_557 = arith.constant 16 : i32
      %mul3A_558 = arith.muli %mul3A_557, %scan3A_556 : i32
      %sub3A_559 = arith.subi %add3A_39, %mul3A_558 : i32
      %sub3A_560 = vector.broadcast %sub3A_559 : i32 to vector<16xi32>
      %sub3A_561 = arith.subi %sub3A_560, %iota3A : vector<16xi32>
      %gather3A = tpu.vector_load_idx %arg4[%broadcast_in_dim3A_463, %sub3A_561] : memref<16x1288xf32, #tpu.memory_space<vmem>>[vector<16xi32>, vector<16xi32>], vector<16xf32>,
      %mul3A_562 = arith.constant 16 : i32
      %mul3A_563 = arith.muli %mul3A_562, %scan3A_556 : i32
      %multiple_of3A_564 = tpu.assume_multiple %mul3A_563, 16 : i32
      %swap3A = arith.constant 6 : i32
      %swap3A_565 = arith.constant 5 : i32
      %swap3A_566 = arith.index_cast %swap3A : i32 to index
      %swap3A_567 = arith.index_cast %swap3A_565 : i32 to index
      %swap3A_568 = arith.index_cast %multiple_of3A_564 : i32 to index
      %swap3A_569 = tpu.vector_load %arg5[%swap3A_566, %swap3A_567, %swap3A_568] {strides = array<i32>} : memref<8x8x1280xf32, #tpu.memory_space<vmem>>, vector<16xf32>,
      tpu.vector_store %arg5[%swap3A_566, %swap3A_567, %swap3A_568], %gather3A {strides = array<i32>} : memref<8x8x1280xf32, #tpu.memory_space<vmem>>, vector<16xf32>,
    }
    %scan3A_469 = arith.constant 80 : i32
    %broadcast_in_dim3A_470 = arith.constant 6 : i32
    %broadcast_in_dim3A_471 = vector.broadcast %broadcast_in_dim3A_470 : i32 to vector<16xi32>
    %scan3A_472 = arith.constant 0 : i32
    %scan3A_473 = arith.constant 0 : i32
    %scan3A_474 = arith.constant 80 : i32
    %scan3A_475 = arith.addi %scan3A_473, %scan3A_474 : i32
    %scan3A_476 = arith.constant 1 : i32
    scf.for %scan3A_556 = %scan3A_473 to %scan3A_475 step %scan3A_476  : i32 {
      %mul3A_557 = arith.constant 16 : i32
      %mul3A_558 = arith.muli %mul3A_557, %scan3A_556 : i32
      %sub3A_559 = arith.subi %add3A_39, %mul3A_558 : i32
      %sub3A_560 = vector.broadcast %sub3A_559 : i32 to vector<16xi32>
      %sub3A_561 = arith.subi %sub3A_560, %iota3A : vector<16xi32>
      %gather3A = tpu.vector_load_idx %arg4[%broadcast_in_dim3A_471, %sub3A_561] : memref<16x1288xf32, #tpu.memory_space<vmem>>[vector<16xi32>, vector<16xi32>], vector<16xf32>,
      %mul3A_562 = arith.constant 16 : i32
      %mul3A_563 = arith.muli %mul3A_562, %scan3A_556 : i32
      %multiple_of3A_564 = tpu.assume_multiple %mul3A_563, 16 : i32
      %swap3A = arith.constant 6 : i32
      %swap3A_565 = arith.constant 6 : i32
      %swap3A_566 = arith.index_cast %swap3A : i32 to index
      %swap3A_567 = arith.index_cast %swap3A_565 : i32 to index
      %swap3A_568 = arith.index_cast %multiple_of3A_564 : i32 to index
      %swap3A_569 = tpu.vector_load %arg5[%swap3A_566, %swap3A_567, %swap3A_568] {strides = array<i32>} : memref<8x8x1280xf32, #tpu.memory_space<vmem>>, vector<16xf32>,
      tpu.vector_store %arg5[%swap3A_566, %swap3A_567, %swap3A_568], %gather3A {strides = array<i32>} : memref<8x8x1280xf32, #tpu.memory_space<vmem>>, vector<16xf32>,
    }
    %scan3A_477 = arith.constant 80 : i32
    %broadcast_in_dim3A_478 = arith.constant 7 : i32
    %broadcast_in_dim3A_479 = vector.broadcast %broadcast_in_dim3A_478 : i32 to vector<16xi32>
    %scan3A_480 = arith.constant 0 : i32
    %scan3A_481 = arith.constant 0 : i32
    %scan3A_482 = arith.constant 80 : i32
    %scan3A_483 = arith.addi %scan3A_481, %scan3A_482 : i32
    %scan3A_484 = arith.constant 1 : i32
    scf.for %scan3A_556 = %scan3A_481 to %scan3A_483 step %scan3A_484  : i32 {
      %mul3A_557 = arith.constant 16 : i32
      %mul3A_558 = arith.muli %mul3A_557, %scan3A_556 : i32
      %sub3A_559 = arith.subi %add3A_39, %mul3A_558 : i32
      %sub3A_560 = vector.broadcast %sub3A_559 : i32 to vector<16xi32>
      %sub3A_561 = arith.subi %sub3A_560, %iota3A : vector<16xi32>
      %gather3A = tpu.vector_load_idx %arg4[%broadcast_in_dim3A_479, %sub3A_561] : memref<16x1288xf32, #tpu.memory_space<vmem>>[vector<16xi32>, vector<16xi32>], vector<16xf32>,
      %mul3A_562 = arith.constant 16 : i32
      %mul3A_563 = arith.muli %mul3A_562, %scan3A_556 : i32
      %multiple_of3A_564 = tpu.assume_multiple %mul3A_563, 16 : i32
      %swap3A = arith.constant 6 : i32
      %swap3A_565 = arith.constant 7 : i32
      %swap3A_566 = arith.index_cast %swap3A : i32 to index
      %swap3A_567 = arith.index_cast %swap3A_565 : i32 to index
      %swap3A_568 = arith.index_cast %multiple_of3A_564 : i32 to index
      %swap3A_569 = tpu.vector_load %arg5[%swap3A_566, %swap3A_567, %swap3A_568] {strides = array<i32>} : memref<8x8x1280xf32, #tpu.memory_space<vmem>>, vector<16xf32>,
      tpu.vector_store %arg5[%swap3A_566, %swap3A_567, %swap3A_568], %gather3A {strides = array<i32>} : memref<8x8x1280xf32, #tpu.memory_space<vmem>>, vector<16xf32>,
    }
    %scan3A_485 = arith.constant 80 : i32
    %broadcast_in_dim3A_486 = arith.constant 8 : i32
    %broadcast_in_dim3A_487 = vector.broadcast %broadcast_in_dim3A_486 : i32 to vector<16xi32>
    %scan3A_488 = arith.constant 0 : i32
    %scan3A_489 = arith.constant 0 : i32
    %scan3A_490 = arith.constant 80 : i32
    %scan3A_491 = arith.addi %scan3A_489, %scan3A_490 : i32
    %scan3A_492 = arith.constant 1 : i32
    scf.for %scan3A_556 = %scan3A_489 to %scan3A_491 step %scan3A_492  : i32 {
      %mul3A_557 = arith.constant 16 : i32
      %mul3A_558 = arith.muli %mul3A_557, %scan3A_556 : i32
      %sub3A_559 = arith.subi %add3A_39, %mul3A_558 : i32
      %sub3A_560 = vector.broadcast %sub3A_559 : i32 to vector<16xi32>
      %sub3A_561 = arith.subi %sub3A_560, %iota3A : vector<16xi32>
      %gather3A = tpu.vector_load_idx %arg4[%broadcast_in_dim3A_487, %sub3A_561] : memref<16x1288xf32, #tpu.memory_space<vmem>>[vector<16xi32>, vector<16xi32>], vector<16xf32>,
      %mul3A_562 = arith.constant 16 : i32
      %mul3A_563 = arith.muli %mul3A_562, %scan3A_556 : i32
      %multiple_of3A_564 = tpu.assume_multiple %mul3A_563, 16 : i32
      %swap3A = arith.constant 7 : i32
      %swap3A_565 = arith.constant 0 : i32
      %swap3A_566 = arith.index_cast %swap3A : i32 to index
      %swap3A_567 = arith.index_cast %swap3A_565 : i32 to index
      %swap3A_568 = arith.index_cast %multiple_of3A_564 : i32 to index
      %swap3A_569 = tpu.vector_load %arg5[%swap3A_566, %swap3A_567, %swap3A_568] {strides = array<i32>} : memref<8x8x1280xf32, #tpu.memory_space<vmem>>, vector<16xf32>,
      tpu.vector_store %arg5[%swap3A_566, %swap3A_567, %swap3A_568], %gather3A {strides = array<i32>} : memref<8x8x1280xf32, #tpu.memory_space<vmem>>, vector<16xf32>,
    }
    %scan3A_493 = arith.constant 80 : i32
    %broadcast_in_dim3A_494 = arith.constant 9 : i32
    %broadcast_in_dim3A_495 = vector.broadcast %broadcast_in_dim3A_494 : i32 to vector<16xi32>
    %scan3A_496 = arith.constant 0 : i32
    %scan3A_497 = arith.constant 0 : i32
    %scan3A_498 = arith.constant 80 : i32
    %scan3A_499 = arith.addi %scan3A_497, %scan3A_498 : i32
    %scan3A_500 = arith.constant 1 : i32
    scf.for %scan3A_556 = %scan3A_497 to %scan3A_499 step %scan3A_500  : i32 {
      %mul3A_557 = arith.constant 16 : i32
      %mul3A_558 = arith.muli %mul3A_557, %scan3A_556 : i32
      %sub3A_559 = arith.subi %add3A_39, %mul3A_558 : i32
      %sub3A_560 = vector.broadcast %sub3A_559 : i32 to vector<16xi32>
      %sub3A_561 = arith.subi %sub3A_560, %iota3A : vector<16xi32>
      %gather3A = tpu.vector_load_idx %arg4[%broadcast_in_dim3A_495, %sub3A_561] : memref<16x1288xf32, #tpu.memory_space<vmem>>[vector<16xi32>, vector<16xi32>], vector<16xf32>,
      %mul3A_562 = arith.constant 16 : i32
      %mul3A_563 = arith.muli %mul3A_562, %scan3A_556 : i32
      %multiple_of3A_564 = tpu.assume_multiple %mul3A_563, 16 : i32
      %swap3A = arith.constant 7 : i32
      %swap3A_565 = arith.constant 1 : i32
      %swap3A_566 = arith.index_cast %swap3A : i32 to index
      %swap3A_567 = arith.index_cast %swap3A_565 : i32 to index
      %swap3A_568 = arith.index_cast %multiple_of3A_564 : i32 to index
      %swap3A_569 = tpu.vector_load %arg5[%swap3A_566, %swap3A_567, %swap3A_568] {strides = array<i32>} : memref<8x8x1280xf32, #tpu.memory_space<vmem>>, vector<16xf32>,
      tpu.vector_store %arg5[%swap3A_566, %swap3A_567, %swap3A_568], %gather3A {strides = array<i32>} : memref<8x8x1280xf32, #tpu.memory_space<vmem>>, vector<16xf32>,
    }
    %scan3A_501 = arith.constant 80 : i32
    %broadcast_in_dim3A_502 = arith.constant 10 : i32
    %broadcast_in_dim3A_503 = vector.broadcast %broadcast_in_dim3A_502 : i32 to vector<16xi32>
    %scan3A_504 = arith.constant 0 : i32
    %scan3A_505 = arith.constant 0 : i32
    %scan3A_506 = arith.constant 80 : i32
    %scan3A_507 = arith.addi %scan3A_505, %scan3A_506 : i32
    %scan3A_508 = arith.constant 1 : i32
    scf.for %scan3A_556 = %scan3A_505 to %scan3A_507 step %scan3A_508  : i32 {
      %mul3A_557 = arith.constant 16 : i32
      %mul3A_558 = arith.muli %mul3A_557, %scan3A_556 : i32
      %sub3A_559 = arith.subi %add3A_39, %mul3A_558 : i32
      %sub3A_560 = vector.broadcast %sub3A_559 : i32 to vector<16xi32>
      %sub3A_561 = arith.subi %sub3A_560, %iota3A : vector<16xi32>
      %gather3A = tpu.vector_load_idx %arg4[%broadcast_in_dim3A_503, %sub3A_561] : memref<16x1288xf32, #tpu.memory_space<vmem>>[vector<16xi32>, vector<16xi32>], vector<16xf32>,
      %mul3A_562 = arith.constant 16 : i32
      %mul3A_563 = arith.muli %mul3A_562, %scan3A_556 : i32
      %multiple_of3A_564 = tpu.assume_multiple %mul3A_563, 16 : i32
      %swap3A = arith.constant 7 : i32
      %swap3A_565 = arith.constant 2 : i32
      %swap3A_566 = arith.index_cast %swap3A : i32 to index
      %swap3A_567 = arith.index_cast %swap3A_565 : i32 to index
      %swap3A_568 = arith.index_cast %multiple_of3A_564 : i32 to index
      %swap3A_569 = tpu.vector_load %arg5[%swap3A_566, %swap3A_567, %swap3A_568] {strides = array<i32>} : memref<8x8x1280xf32, #tpu.memory_space<vmem>>, vector<16xf32>,
      tpu.vector_store %arg5[%swap3A_566, %swap3A_567, %swap3A_568], %gather3A {strides = array<i32>} : memref<8x8x1280xf32, #tpu.memory_space<vmem>>, vector<16xf32>,
    }
    %scan3A_509 = arith.constant 80 : i32
    %broadcast_in_dim3A_510 = arith.constant 11 : i32
    %broadcast_in_dim3A_511 = vector.broadcast %broadcast_in_dim3A_510 : i32 to vector<16xi32>
    %scan3A_512 = arith.constant 0 : i32
    %scan3A_513 = arith.constant 0 : i32
    %scan3A_514 = arith.constant 80 : i32
    %scan3A_515 = arith.addi %scan3A_513, %scan3A_514 : i32
    %scan3A_516 = arith.constant 1 : i32
    scf.for %scan3A_556 = %scan3A_513 to %scan3A_515 step %scan3A_516  : i32 {
      %mul3A_557 = arith.constant 16 : i32
      %mul3A_558 = arith.muli %mul3A_557, %scan3A_556 : i32
      %sub3A_559 = arith.subi %add3A_39, %mul3A_558 : i32
      %sub3A_560 = vector.broadcast %sub3A_559 : i32 to vector<16xi32>
      %sub3A_561 = arith.subi %sub3A_560, %iota3A : vector<16xi32>
      %gather3A = tpu.vector_load_idx %arg4[%broadcast_in_dim3A_511, %sub3A_561] : memref<16x1288xf32, #tpu.memory_space<vmem>>[vector<16xi32>, vector<16xi32>], vector<16xf32>,
      %mul3A_562 = arith.constant 16 : i32
      %mul3A_563 = arith.muli %mul3A_562, %scan3A_556 : i32
      %multiple_of3A_564 = tpu.assume_multiple %mul3A_563, 16 : i32
      %swap3A = arith.constant 7 : i32
      %swap3A_565 = arith.constant 3 : i32
      %swap3A_566 = arith.index_cast %swap3A : i32 to index
      %swap3A_567 = arith.index_cast %swap3A_565 : i32 to index
      %swap3A_568 = arith.index_cast %multiple_of3A_564 : i32 to index
      %swap3A_569 = tpu.vector_load %arg5[%swap3A_566, %swap3A_567, %swap3A_568] {strides = array<i32>} : memref<8x8x1280xf32, #tpu.memory_space<vmem>>, vector<16xf32>,
      tpu.vector_store %arg5[%swap3A_566, %swap3A_567, %swap3A_568], %gather3A {strides = array<i32>} : memref<8x8x1280xf32, #tpu.memory_space<vmem>>, vector<16xf32>,
    }
    %scan3A_517 = arith.constant 80 : i32
    %broadcast_in_dim3A_518 = arith.constant 12 : i32
    %broadcast_in_dim3A_519 = vector.broadcast %broadcast_in_dim3A_518 : i32 to vector<16xi32>
    %scan3A_520 = arith.constant 0 : i32
    %scan3A_521 = arith.constant 0 : i32
    %scan3A_522 = arith.constant 80 : i32
    %scan3A_523 = arith.addi %scan3A_521, %scan3A_522 : i32
    %scan3A_524 = arith.constant 1 : i32
    scf.for %scan3A_556 = %scan3A_521 to %scan3A_523 step %scan3A_524  : i32 {
      %mul3A_557 = arith.constant 16 : i32
      %mul3A_558 = arith.muli %mul3A_557, %scan3A_556 : i32
      %sub3A_559 = arith.subi %add3A_39, %mul3A_558 : i32
      %sub3A_560 = vector.broadcast %sub3A_559 : i32 to vector<16xi32>
      %sub3A_561 = arith.subi %sub3A_560, %iota3A : vector<16xi32>
      %gather3A = tpu.vector_load_idx %arg4[%broadcast_in_dim3A_519, %sub3A_561] : memref<16x1288xf32, #tpu.memory_space<vmem>>[vector<16xi32>, vector<16xi32>], vector<16xf32>,
      %mul3A_562 = arith.constant 16 : i32
      %mul3A_563 = arith.muli %mul3A_562, %scan3A_556 : i32
      %multiple_of3A_564 = tpu.assume_multiple %mul3A_563, 16 : i32
      %swap3A = arith.constant 7 : i32
      %swap3A_565 = arith.constant 4 : i32
      %swap3A_566 = arith.index_cast %swap3A : i32 to index
      %swap3A_567 = arith.index_cast %swap3A_565 : i32 to index
      %swap3A_568 = arith.index_cast %multiple_of3A_564 : i32 to index
      %swap3A_569 = tpu.vector_load %arg5[%swap3A_566, %swap3A_567, %swap3A_568] {strides = array<i32>} : memref<8x8x1280xf32, #tpu.memory_space<vmem>>, vector<16xf32>,
      tpu.vector_store %arg5[%swap3A_566, %swap3A_567, %swap3A_568], %gather3A {strides = array<i32>} : memref<8x8x1280xf32, #tpu.memory_space<vmem>>, vector<16xf32>,
    }
    %scan3A_525 = arith.constant 80 : i32
    %broadcast_in_dim3A_526 = arith.constant 13 : i32
    %broadcast_in_dim3A_527 = vector.broadcast %broadcast_in_dim3A_526 : i32 to vector<16xi32>
    %scan3A_528 = arith.constant 0 : i32
    %scan3A_529 = arith.constant 0 : i32
    %scan3A_530 = arith.constant 80 : i32
    %scan3A_531 = arith.addi %scan3A_529, %scan3A_530 : i32
    %scan3A_532 = arith.constant 1 : i32
    scf.for %scan3A_556 = %scan3A_529 to %scan3A_531 step %scan3A_532  : i32 {
      %mul3A_557 = arith.constant 16 : i32
      %mul3A_558 = arith.muli %mul3A_557, %scan3A_556 : i32
      %sub3A_559 = arith.subi %add3A_39, %mul3A_558 : i32
      %sub3A_560 = vector.broadcast %sub3A_559 : i32 to vector<16xi32>
      %sub3A_561 = arith.subi %sub3A_560, %iota3A : vector<16xi32>
      %gather3A = tpu.vector_load_idx %arg4[%broadcast_in_dim3A_527, %sub3A_561] : memref<16x1288xf32, #tpu.memory_space<vmem>>[vector<16xi32>, vector<16xi32>], vector<16xf32>,
      %mul3A_562 = arith.constant 16 : i32
      %mul3A_563 = arith.muli %mul3A_562, %scan3A_556 : i32
      %multiple_of3A_564 = tpu.assume_multiple %mul3A_563, 16 : i32
      %swap3A = arith.constant 7 : i32
      %swap3A_565 = arith.constant 5 : i32
      %swap3A_566 = arith.index_cast %swap3A : i32 to index
      %swap3A_567 = arith.index_cast %swap3A_565 : i32 to index
      %swap3A_568 = arith.index_cast %multiple_of3A_564 : i32 to index
      %swap3A_569 = tpu.vector_load %arg5[%swap3A_566, %swap3A_567, %swap3A_568] {strides = array<i32>} : memref<8x8x1280xf32, #tpu.memory_space<vmem>>, vector<16xf32>,
      tpu.vector_store %arg5[%swap3A_566, %swap3A_567, %swap3A_568], %gather3A {strides = array<i32>} : memref<8x8x1280xf32, #tpu.memory_space<vmem>>, vector<16xf32>,
    }
    %scan3A_533 = arith.constant 80 : i32
    %broadcast_in_dim3A_534 = arith.constant 14 : i32
    %broadcast_in_dim3A_535 = vector.broadcast %broadcast_in_dim3A_534 : i32 to vector<16xi32>
    %scan3A_536 = arith.constant 0 : i32
    %scan3A_537 = arith.constant 0 : i32
    %scan3A_538 = arith.constant 80 : i32
    %scan3A_539 = arith.addi %scan3A_537, %scan3A_538 : i32
    %scan3A_540 = arith.constant 1 : i32
    scf.for %scan3A_556 = %scan3A_537 to %scan3A_539 step %scan3A_540  : i32 {
      %mul3A_557 = arith.constant 16 : i32
      %mul3A_558 = arith.muli %mul3A_557, %scan3A_556 : i32
      %sub3A_559 = arith.subi %add3A_39, %mul3A_558 : i32
      %sub3A_560 = vector.broadcast %sub3A_559 : i32 to vector<16xi32>
      %sub3A_561 = arith.subi %sub3A_560, %iota3A : vector<16xi32>
      %gather3A = tpu.vector_load_idx %arg4[%broadcast_in_dim3A_535, %sub3A_561] : memref<16x1288xf32, #tpu.memory_space<vmem>>[vector<16xi32>, vector<16xi32>], vector<16xf32>,
      %mul3A_562 = arith.constant 16 : i32
      %mul3A_563 = arith.muli %mul3A_562, %scan3A_556 : i32
      %multiple_of3A_564 = tpu.assume_multiple %mul3A_563, 16 : i32
      %swap3A = arith.constant 7 : i32
      %swap3A_565 = arith.constant 6 : i32
      %swap3A_566 = arith.index_cast %swap3A : i32 to index
      %swap3A_567 = arith.index_cast %swap3A_565 : i32 to index
      %swap3A_568 = arith.index_cast %multiple_of3A_564 : i32 to index
      %swap3A_569 = tpu.vector_load %arg5[%swap3A_566, %swap3A_567, %swap3A_568] {strides = array<i32>} : memref<8x8x1280xf32, #tpu.memory_space<vmem>>, vector<16xf32>,
      tpu.vector_store %arg5[%swap3A_566, %swap3A_567, %swap3A_568], %gather3A {strides = array<i32>} : memref<8x8x1280xf32, #tpu.memory_space<vmem>>, vector<16xf32>,
    }
    %scan3A_541 = arith.constant 80 : i32
    %broadcast_in_dim3A_542 = arith.constant 15 : i32
    %broadcast_in_dim3A_543 = vector.broadcast %broadcast_in_dim3A_542 : i32 to vector<16xi32>
    %scan3A_544 = arith.constant 0 : i32
    %scan3A_545 = arith.constant 0 : i32
    %scan3A_546 = arith.constant 80 : i32
    %scan3A_547 = arith.addi %scan3A_545, %scan3A_546 : i32
    %scan3A_548 = arith.constant 1 : i32
    scf.for %scan3A_556 = %scan3A_545 to %scan3A_547 step %scan3A_548  : i32 {
      %mul3A_557 = arith.constant 16 : i32
      %mul3A_558 = arith.muli %mul3A_557, %scan3A_556 : i32
      %sub3A_559 = arith.subi %add3A_39, %mul3A_558 : i32
      %sub3A_560 = vector.broadcast %sub3A_559 : i32 to vector<16xi32>
      %sub3A_561 = arith.subi %sub3A_560, %iota3A : vector<16xi32>
      %gather3A = tpu.vector_load_idx %arg4[%broadcast_in_dim3A_543, %sub3A_561] : memref<16x1288xf32, #tpu.memory_space<vmem>>[vector<16xi32>, vector<16xi32>], vector<16xf32>,
      %mul3A_562 = arith.constant 16 : i32
      %mul3A_563 = arith.muli %mul3A_562, %scan3A_556 : i32
      %multiple_of3A_564 = tpu.assume_multiple %mul3A_563, 16 : i32
      %swap3A = arith.constant 7 : i32
      %swap3A_565 = arith.constant 7 : i32
      %swap3A_566 = arith.index_cast %swap3A : i32 to index
      %swap3A_567 = arith.index_cast %swap3A_565 : i32 to index
      %swap3A_568 = arith.index_cast %multiple_of3A_564 : i32 to index
      %swap3A_569 = tpu.vector_load %arg5[%swap3A_566, %swap3A_567, %swap3A_568] {strides = array<i32>} : memref<8x8x1280xf32, #tpu.memory_space<vmem>>, vector<16xf32>,
      tpu.vector_store %arg5[%swap3A_566, %swap3A_567, %swap3A_568], %gather3A {strides = array<i32>} : memref<8x8x1280xf32, #tpu.memory_space<vmem>>, vector<16xf32>,
    }
    %scan3A_549 = arith.constant 80 : i32
    %scan3A_550 = arith.constant 0 : i32
    %scan3A_551 = arith.constant 0 : i32
    %scan3A_552 = arith.constant 32 : i32
    %scan3A_553 = arith.addi %scan3A_551, %scan3A_552 : i32
    %scan3A_554 = arith.constant 1 : i32
    scf.for %scan3A_556 = %scan3A_551 to %scan3A_553 step %scan3A_554  : i32 {
      %sub3A_557 = arith.constant 31 : i32
      %sub3A_558 = arith.subi %sub3A_557, %scan3A_556 : i32
      %mul3A_559 = arith.constant 8 : i32
      %mul3A_560 = arith.muli %sub3A_558, %mul3A_559 : i32
      %multiple_of3A_561 = tpu.assume_multiple %mul3A_560, 8 : i32
      %add3A_562 = arith.constant 0 : i32
      %add3A_563 = arith.addi %multiple_of3A_561, %add3A_562 : i32
      %mul3A_564 = arith.constant 8 : i32
      %mul3A_565 = arith.muli %scan3A_556, %mul3A_564 : i32
      %add3A_566 = arith.addi %add3A_33, %mul3A_565 : i32
      %dma_start3A = arith.constant 0 : i32
      %dma_start3A_567 = arith.constant 0 : i32
      %dma_start3A_568 = arith.constant 0 : i32
      %dma_start3A_569 = tpu.memref_slice %arg5[%dma_start3A_567, %dma_start3A_568, %add3A_563] : memref<8x8x1280xf32, #tpu.memory_space<vmem>> -> memref<8x8x128xf32, #tpu.memory_space<vmem>>
      %dma_start3A_570 = arith.constant 0 : i32
      %dma_start3A_571 = arith.constant 0 : i32
      %dma_start3A_572 = arith.constant 0 : i32
      %dma_start3A_573 = tpu.memref_slice %arg3[%add3A_566, %dma_start3A_570, %dma_start3A, %dma_start3A_571, %dma_start3A_572] : memref<1024x8x8x8x128xf32, #tpu.memory_space<hbm>> -> memref<1x8x1x8x128xf32, #tpu.memory_space<hbm>>
      %dma_start3A_574 = tpu.memref_squeeze %dma_start3A_573 : memref<1x8x1x8x128xf32, #tpu.memory_space<hbm>> -> memref<8x8x128xf32, #tpu.memory_space<hbm>>
      %dma_start3A_575 = arith.constant 0 : i32
      %dma_start3A_576 = arith.constant 0 : i32
      %dma_start3A_577 = arith.constant 0 : i32
      %dma_start3A_578 = tpu.memref_slice %arg3[%add3A_566, %dma_start3A_575, %dma_start3A, %dma_start3A_576, %dma_start3A_577] : memref<1024x8x8x8x128xf32, #tpu.memory_space<hbm>> -> memref<1x8x1x8x128xf32, #tpu.memory_space<hbm>>
      %dma_start3A_579 = tpu.memref_squeeze %dma_start3A_578 : memref<1x8x1x8x128xf32, #tpu.memory_space<hbm>> -> memref<8x8x128xf32, #tpu.memory_space<hbm>>
      %dma_start3A_580 = arith.constant 0 : i32
      %dma_start3A_581 = arith.constant 0 : i32
      %dma_start3A_582 = tpu.memref_slice %arg5[%dma_start3A_580, %dma_start3A_581, %add3A_563] : memref<8x8x1280xf32, #tpu.memory_space<vmem>> -> memref<8x8x128xf32, #tpu.memory_space<vmem>>
      tpu.enqueue_dma source(%dma_start3A_582 : memref<8x8x128xf32, #tpu.memory_space<vmem>>) target(%dma_start3A_579 : memref<8x8x128xf32, #tpu.memory_space<hbm>>) target_semaphore(%arg6 : memref<!tpu.dma_semaphore, #tpu.memory_space<semaphore_mem>>)
      %add3A_583 = arith.constant 128 : i32
      %add3A_584 = arith.addi %multiple_of3A_561, %add3A_583 : i32
      %mul3A_585 = arith.constant 8 : i32
      %mul3A_586 = arith.muli %scan3A_556, %mul3A_585 : i32
      %add3A_587 = arith.addi %add3A_33, %mul3A_586 : i32
      %dma_start3A_588 = arith.constant 1 : i32
      %dma_start3A_589 = arith.constant 0 : i32
      %dma_start3A_590 = arith.constant 0 : i32
      %dma_start3A_591 = tpu.memref_slice %arg5[%dma_start3A_589, %dma_start3A_590, %add3A_584] : memref<8x8x1280xf32, #tpu.memory_space<vmem>> -> memref<8x8x128xf32, #tpu.memory_space<vmem>>
      %dma_start3A_592 = arith.constant 0 : i32
      %dma_start3A_593 = arith.constant 0 : i32
      %dma_start3A_594 = arith.constant 0 : i32
      %dma_start3A_595 = tpu.memref_slice %arg3[%add3A_587, %dma_start3A_592, %dma_start3A_588, %dma_start3A_593, %dma_start3A_594] : memref<1024x8x8x8x128xf32, #tpu.memory_space<hbm>> -> memref<1x8x1x8x128xf32, #tpu.memory_space<hbm>>
      %dma_start3A_596 = tpu.memref_squeeze %dma_start3A_595 : memref<1x8x1x8x128xf32, #tpu.memory_space<hbm>> -> memref<8x8x128xf32, #tpu.memory_space<hbm>>
      %dma_start3A_597 = arith.constant 0 : i32
      %dma_start3A_598 = arith.constant 0 : i32
      %dma_start3A_599 = arith.constant 0 : i32
      %dma_start3A_600 = tpu.memref_slice %arg3[%add3A_587, %dma_start3A_597, %dma_start3A_588, %dma_start3A_598, %dma_start3A_599] : memref<1024x8x8x8x128xf32, #tpu.memory_space<hbm>> -> memref<1x8x1x8x128xf32, #tpu.memory_space<hbm>>
      %dma_start3A_601 = tpu.memref_squeeze %dma_start3A_600 : memref<1x8x1x8x128xf32, #tpu.memory_space<hbm>> -> memref<8x8x128xf32, #tpu.memory_space<hbm>>
      %dma_start3A_602 = arith.constant 0 : i32
      %dma_start3A_603 = arith.constant 0 : i32
      %dma_start3A_604 = tpu.memref_slice %arg5[%dma_start3A_602, %dma_start3A_603, %add3A_584] : memref<8x8x1280xf32, #tpu.memory_space<vmem>> -> memref<8x8x128xf32, #tpu.memory_space<vmem>>
      tpu.enqueue_dma source(%dma_start3A_604 : memref<8x8x128xf32, #tpu.memory_space<vmem>>) target(%dma_start3A_601 : memref<8x8x128xf32, #tpu.memory_space<hbm>>) target_semaphore(%arg6 : memref<!tpu.dma_semaphore, #tpu.memory_space<semaphore_mem>>)
      %add3A_605 = arith.constant 256 : i32
      %add3A_606 = arith.addi %multiple_of3A_561, %add3A_605 : i32
      %mul3A_607 = arith.constant 8 : i32
      %mul3A_608 = arith.muli %scan3A_556, %mul3A_607 : i32
      %add3A_609 = arith.addi %add3A_33, %mul3A_608 : i32
      %dma_start3A_610 = arith.constant 2 : i32
      %dma_start3A_611 = arith.constant 0 : i32
      %dma_start3A_612 = arith.constant 0 : i32
      %dma_start3A_613 = tpu.memref_slice %arg5[%dma_start3A_611, %dma_start3A_612, %add3A_606] : memref<8x8x1280xf32, #tpu.memory_space<vmem>> -> memref<8x8x128xf32, #tpu.memory_space<vmem>>
      %dma_start3A_614 = arith.constant 0 : i32
      %dma_start3A_615 = arith.constant 0 : i32
      %dma_start3A_616 = arith.constant 0 : i32
      %dma_start3A_617 = tpu.memref_slice %arg3[%add3A_609, %dma_start3A_614, %dma_start3A_610, %dma_start3A_615, %dma_start3A_616] : memref<1024x8x8x8x128xf32, #tpu.memory_space<hbm>> -> memref<1x8x1x8x128xf32, #tpu.memory_space<hbm>>
      %dma_start3A_618 = tpu.memref_squeeze %dma_start3A_617 : memref<1x8x1x8x128xf32, #tpu.memory_space<hbm>> -> memref<8x8x128xf32, #tpu.memory_space<hbm>>
      %dma_start3A_619 = arith.constant 0 : i32
      %dma_start3A_620 = arith.constant 0 : i32
      %dma_start3A_621 = arith.constant 0 : i32
      %dma_start3A_622 = tpu.memref_slice %arg3[%add3A_609, %dma_start3A_619, %dma_start3A_610, %dma_start3A_620, %dma_start3A_621] : memref<1024x8x8x8x128xf32, #tpu.memory_space<hbm>> -> memref<1x8x1x8x128xf32, #tpu.memory_space<hbm>>
      %dma_start3A_623 = tpu.memref_squeeze %dma_start3A_622 : memref<1x8x1x8x128xf32, #tpu.memory_space<hbm>> -> memref<8x8x128xf32, #tpu.memory_space<hbm>>
      %dma_start3A_624 = arith.constant 0 : i32
      %dma_start3A_625 = arith.constant 0 : i32
      %dma_start3A_626 = tpu.memref_slice %arg5[%dma_start3A_624, %dma_start3A_625, %add3A_606] : memref<8x8x1280xf32, #tpu.memory_space<vmem>> -> memref<8x8x128xf32, #tpu.memory_space<vmem>>
      tpu.enqueue_dma source(%dma_start3A_626 : memref<8x8x128xf32, #tpu.memory_space<vmem>>) target(%dma_start3A_623 : memref<8x8x128xf32, #tpu.memory_space<hbm>>) target_semaphore(%arg6 : memref<!tpu.dma_semaphore, #tpu.memory_space<semaphore_mem>>)
      %add3A_627 = arith.constant 384 : i32
      %add3A_628 = arith.addi %multiple_of3A_561, %add3A_627 : i32
      %mul3A_629 = arith.constant 8 : i32
      %mul3A_630 = arith.muli %scan3A_556, %mul3A_629 : i32
      %add3A_631 = arith.addi %add3A_33, %mul3A_630 : i32
      %dma_start3A_632 = arith.constant 3 : i32
      %dma_start3A_633 = arith.constant 0 : i32
      %dma_start3A_634 = arith.constant 0 : i32
      %dma_start3A_635 = tpu.memref_slice %arg5[%dma_start3A_633, %dma_start3A_634, %add3A_628] : memref<8x8x1280xf32, #tpu.memory_space<vmem>> -> memref<8x8x128xf32, #tpu.memory_space<vmem>>
      %dma_start3A_636 = arith.constant 0 : i32
      %dma_start3A_637 = arith.constant 0 : i32
      %dma_start3A_638 = arith.constant 0 : i32
      %dma_start3A_639 = tpu.memref_slice %arg3[%add3A_631, %dma_start3A_636, %dma_start3A_632, %dma_start3A_637, %dma_start3A_638] : memref<1024x8x8x8x128xf32, #tpu.memory_space<hbm>> -> memref<1x8x1x8x128xf32, #tpu.memory_space<hbm>>
      %dma_start3A_640 = tpu.memref_squeeze %dma_start3A_639 : memref<1x8x1x8x128xf32, #tpu.memory_space<hbm>> -> memref<8x8x128xf32, #tpu.memory_space<hbm>>
      %dma_start3A_641 = arith.constant 0 : i32
      %dma_start3A_642 = arith.constant 0 : i32
      %dma_start3A_643 = arith.constant 0 : i32
      %dma_start3A_644 = tpu.memref_slice %arg3[%add3A_631, %dma_start3A_641, %dma_start3A_632, %dma_start3A_642, %dma_start3A_643] : memref<1024x8x8x8x128xf32, #tpu.memory_space<hbm>> -> memref<1x8x1x8x128xf32, #tpu.memory_space<hbm>>
      %dma_start3A_645 = tpu.memref_squeeze %dma_start3A_644 : memref<1x8x1x8x128xf32, #tpu.memory_space<hbm>> -> memref<8x8x128xf32, #tpu.memory_space<hbm>>
      %dma_start3A_646 = arith.constant 0 : i32
      %dma_start3A_647 = arith.constant 0 : i32
      %dma_start3A_648 = tpu.memref_slice %arg5[%dma_start3A_646, %dma_start3A_647, %add3A_628] : memref<8x8x1280xf32, #tpu.memory_space<vmem>> -> memref<8x8x128xf32, #tpu.memory_space<vmem>>
      tpu.enqueue_dma source(%dma_start3A_648 : memref<8x8x128xf32, #tpu.memory_space<vmem>>) target(%dma_start3A_645 : memref<8x8x128xf32, #tpu.memory_space<hbm>>) target_semaphore(%arg6 : memref<!tpu.dma_semaphore, #tpu.memory_space<semaphore_mem>>)
      %add3A_649 = arith.constant 512 : i32
      %add3A_650 = arith.addi %multiple_of3A_561, %add3A_649 : i32
      %mul3A_651 = arith.constant 8 : i32
      %mul3A_652 = arith.muli %scan3A_556, %mul3A_651 : i32
      %add3A_653 = arith.addi %add3A_33, %mul3A_652 : i32
      %dma_start3A_654 = arith.constant 4 : i32
      %dma_start3A_655 = arith.constant 0 : i32
      %dma_start3A_656 = arith.constant 0 : i32
      %dma_start3A_657 = tpu.memref_slice %arg5[%dma_start3A_655, %dma_start3A_656, %add3A_650] : memref<8x8x1280xf32, #tpu.memory_space<vmem>> -> memref<8x8x128xf32, #tpu.memory_space<vmem>>
      %dma_start3A_658 = arith.constant 0 : i32
      %dma_start3A_659 = arith.constant 0 : i32
      %dma_start3A_660 = arith.constant 0 : i32
      %dma_start3A_661 = tpu.memref_slice %arg3[%add3A_653, %dma_start3A_658, %dma_start3A_654, %dma_start3A_659, %dma_start3A_660] : memref<1024x8x8x8x128xf32, #tpu.memory_space<hbm>> -> memref<1x8x1x8x128xf32, #tpu.memory_space<hbm>>
      %dma_start3A_662 = tpu.memref_squeeze %dma_start3A_661 : memref<1x8x1x8x128xf32, #tpu.memory_space<hbm>> -> memref<8x8x128xf32, #tpu.memory_space<hbm>>
      %dma_start3A_663 = arith.constant 0 : i32
      %dma_start3A_664 = arith.constant 0 : i32
      %dma_start3A_665 = arith.constant 0 : i32
      %dma_start3A_666 = tpu.memref_slice %arg3[%add3A_653, %dma_start3A_663, %dma_start3A_654, %dma_start3A_664, %dma_start3A_665] : memref<1024x8x8x8x128xf32, #tpu.memory_space<hbm>> -> memref<1x8x1x8x128xf32, #tpu.memory_space<hbm>>
      %dma_start3A_667 = tpu.memref_squeeze %dma_start3A_666 : memref<1x8x1x8x128xf32, #tpu.memory_space<hbm>> -> memref<8x8x128xf32, #tpu.memory_space<hbm>>
      %dma_start3A_668 = arith.constant 0 : i32
      %dma_start3A_669 = arith.constant 0 : i32
      %dma_start3A_670 = tpu.memref_slice %arg5[%dma_start3A_668, %dma_start3A_669, %add3A_650] : memref<8x8x1280xf32, #tpu.memory_space<vmem>> -> memref<8x8x128xf32, #tpu.memory_space<vmem>>
      tpu.enqueue_dma source(%dma_start3A_670 : memref<8x8x128xf32, #tpu.memory_space<vmem>>) target(%dma_start3A_667 : memref<8x8x128xf32, #tpu.memory_space<hbm>>) target_semaphore(%arg6 : memref<!tpu.dma_semaphore, #tpu.memory_space<semaphore_mem>>)
      %add3A_671 = arith.constant 640 : i32
      %add3A_672 = arith.addi %multiple_of3A_561, %add3A_671 : i32
      %mul3A_673 = arith.constant 8 : i32
      %mul3A_674 = arith.muli %scan3A_556, %mul3A_673 : i32
      %add3A_675 = arith.addi %add3A_33, %mul3A_674 : i32
      %dma_start3A_676 = arith.constant 5 : i32
      %dma_start3A_677 = arith.constant 0 : i32
      %dma_start3A_678 = arith.constant 0 : i32
      %dma_start3A_679 = tpu.memref_slice %arg5[%dma_start3A_677, %dma_start3A_678, %add3A_672] : memref<8x8x1280xf32, #tpu.memory_space<vmem>> -> memref<8x8x128xf32, #tpu.memory_space<vmem>>
      %dma_start3A_680 = arith.constant 0 : i32
      %dma_start3A_681 = arith.constant 0 : i32
      %dma_start3A_682 = arith.constant 0 : i32
      %dma_start3A_683 = tpu.memref_slice %arg3[%add3A_675, %dma_start3A_680, %dma_start3A_676, %dma_start3A_681, %dma_start3A_682] : memref<1024x8x8x8x128xf32, #tpu.memory_space<hbm>> -> memref<1x8x1x8x128xf32, #tpu.memory_space<hbm>>
      %dma_start3A_684 = tpu.memref_squeeze %dma_start3A_683 : memref<1x8x1x8x128xf32, #tpu.memory_space<hbm>> -> memref<8x8x128xf32, #tpu.memory_space<hbm>>
      %dma_start3A_685 = arith.constant 0 : i32
      %dma_start3A_686 = arith.constant 0 : i32
      %dma_start3A_687 = arith.constant 0 : i32
      %dma_start3A_688 = tpu.memref_slice %arg3[%add3A_675, %dma_start3A_685, %dma_start3A_676, %dma_start3A_686, %dma_start3A_687] : memref<1024x8x8x8x128xf32, #tpu.memory_space<hbm>> -> memref<1x8x1x8x128xf32, #tpu.memory_space<hbm>>
      %dma_start3A_689 = tpu.memref_squeeze %dma_start3A_688 : memref<1x8x1x8x128xf32, #tpu.memory_space<hbm>> -> memref<8x8x128xf32, #tpu.memory_space<hbm>>
      %dma_start3A_690 = arith.constant 0 : i32
      %dma_start3A_691 = arith.constant 0 : i32
      %dma_start3A_692 = tpu.memref_slice %arg5[%dma_start3A_690, %dma_start3A_691, %add3A_672] : memref<8x8x1280xf32, #tpu.memory_space<vmem>> -> memref<8x8x128xf32, #tpu.memory_space<vmem>>
      tpu.enqueue_dma source(%dma_start3A_692 : memref<8x8x128xf32, #tpu.memory_space<vmem>>) target(%dma_start3A_689 : memref<8x8x128xf32, #tpu.memory_space<hbm>>) target_semaphore(%arg6 : memref<!tpu.dma_semaphore, #tpu.memory_space<semaphore_mem>>)
      %add3A_693 = arith.constant 768 : i32
      %add3A_694 = arith.addi %multiple_of3A_561, %add3A_693 : i32
      %mul3A_695 = arith.constant 8 : i32
      %mul3A_696 = arith.muli %scan3A_556, %mul3A_695 : i32
      %add3A_697 = arith.addi %add3A_33, %mul3A_696 : i32
      %dma_start3A_698 = arith.constant 6 : i32
      %dma_start3A_699 = arith.constant 0 : i32
      %dma_start3A_700 = arith.constant 0 : i32
      %dma_start3A_701 = tpu.memref_slice %arg5[%dma_start3A_699, %dma_start3A_700, %add3A_694] : memref<8x8x1280xf32, #tpu.memory_space<vmem>> -> memref<8x8x128xf32, #tpu.memory_space<vmem>>
      %dma_start3A_702 = arith.constant 0 : i32
      %dma_start3A_703 = arith.constant 0 : i32
      %dma_start3A_704 = arith.constant 0 : i32
      %dma_start3A_705 = tpu.memref_slice %arg3[%add3A_697, %dma_start3A_702, %dma_start3A_698, %dma_start3A_703, %dma_start3A_704] : memref<1024x8x8x8x128xf32, #tpu.memory_space<hbm>> -> memref<1x8x1x8x128xf32, #tpu.memory_space<hbm>>
      %dma_start3A_706 = tpu.memref_squeeze %dma_start3A_705 : memref<1x8x1x8x128xf32, #tpu.memory_space<hbm>> -> memref<8x8x128xf32, #tpu.memory_space<hbm>>
      %dma_start3A_707 = arith.constant 0 : i32
      %dma_start3A_708 = arith.constant 0 : i32
      %dma_start3A_709 = arith.constant 0 : i32
      %dma_start3A_710 = tpu.memref_slice %arg3[%add3A_697, %dma_start3A_707, %dma_start3A_698, %dma_start3A_708, %dma_start3A_709] : memref<1024x8x8x8x128xf32, #tpu.memory_space<hbm>> -> memref<1x8x1x8x128xf32, #tpu.memory_space<hbm>>
      %dma_start3A_711 = tpu.memref_squeeze %dma_start3A_710 : memref<1x8x1x8x128xf32, #tpu.memory_space<hbm>> -> memref<8x8x128xf32, #tpu.memory_space<hbm>>
      %dma_start3A_712 = arith.constant 0 : i32
      %dma_start3A_713 = arith.constant 0 : i32
      %dma_start3A_714 = tpu.memref_slice %arg5[%dma_start3A_712, %dma_start3A_713, %add3A_694] : memref<8x8x1280xf32, #tpu.memory_space<vmem>> -> memref<8x8x128xf32, #tpu.memory_space<vmem>>
      tpu.enqueue_dma source(%dma_start3A_714 : memref<8x8x128xf32, #tpu.memory_space<vmem>>) target(%dma_start3A_711 : memref<8x8x128xf32, #tpu.memory_space<hbm>>) target_semaphore(%arg6 : memref<!tpu.dma_semaphore, #tpu.memory_space<semaphore_mem>>)
      %add3A_715 = arith.constant 896 : i32
      %add3A_716 = arith.addi %multiple_of3A_561, %add3A_715 : i32
      %mul3A_717 = arith.constant 8 : i32
      %mul3A_718 = arith.muli %scan3A_556, %mul3A_717 : i32
      %add3A_719 = arith.addi %add3A_33, %mul3A_718 : i32
      %dma_start3A_720 = arith.constant 7 : i32
      %dma_start3A_721 = arith.constant 0 : i32
      %dma_start3A_722 = arith.constant 0 : i32
      %dma_start3A_723 = tpu.memref_slice %arg5[%dma_start3A_721, %dma_start3A_722, %add3A_716] : memref<8x8x1280xf32, #tpu.memory_space<vmem>> -> memref<8x8x128xf32, #tpu.memory_space<vmem>>
      %dma_start3A_724 = arith.constant 0 : i32
      %dma_start3A_725 = arith.constant 0 : i32
      %dma_start3A_726 = arith.constant 0 : i32
      %dma_start3A_727 = tpu.memref_slice %arg3[%add3A_719, %dma_start3A_724, %dma_start3A_720, %dma_start3A_725, %dma_start3A_726] : memref<1024x8x8x8x128xf32, #tpu.memory_space<hbm>> -> memref<1x8x1x8x128xf32, #tpu.memory_space<hbm>>
      %dma_start3A_728 = tpu.memref_squeeze %dma_start3A_727 : memref<1x8x1x8x128xf32, #tpu.memory_space<hbm>> -> memref<8x8x128xf32, #tpu.memory_space<hbm>>
      %dma_start3A_729 = arith.constant 0 : i32
      %dma_start3A_730 = arith.constant 0 : i32
      %dma_start3A_731 = arith.constant 0 : i32
      %dma_start3A_732 = tpu.memref_slice %arg3[%add3A_719, %dma_start3A_729, %dma_start3A_720, %dma_start3A_730, %dma_start3A_731] : memref<1024x8x8x8x128xf32, #tpu.memory_space<hbm>> -> memref<1x8x1x8x128xf32, #tpu.memory_space<hbm>>
      %dma_start3A_733 = tpu.memref_squeeze %dma_start3A_732 : memref<1x8x1x8x128xf32, #tpu.memory_space<hbm>> -> memref<8x8x128xf32, #tpu.memory_space<hbm>>
      %dma_start3A_734 = arith.constant 0 : i32
      %dma_start3A_735 = arith.constant 0 : i32
      %dma_start3A_736 = tpu.memref_slice %arg5[%dma_start3A_734, %dma_start3A_735, %add3A_716] : memref<8x8x1280xf32, #tpu.memory_space<vmem>> -> memref<8x8x128xf32, #tpu.memory_space<vmem>>
      tpu.enqueue_dma source(%dma_start3A_736 : memref<8x8x128xf32, #tpu.memory_space<vmem>>) target(%dma_start3A_733 : memref<8x8x128xf32, #tpu.memory_space<hbm>>) target_semaphore(%arg6 : memref<!tpu.dma_semaphore, #tpu.memory_space<semaphore_mem>>)
      %dma_wait3A = arith.constant 0 : i32
      %dma_wait3A_737 = arith.constant 0 : i32
      %dma_wait3A_738 = arith.constant 0 : i32
      %dma_wait3A_739 = tpu.memref_slice %arg5[%dma_wait3A_737, %dma_wait3A_738, %add3A_563] : memref<8x8x1280xf32, #tpu.memory_space<vmem>> -> memref<8x8x128xf32, #tpu.memory_space<vmem>>
      %dma_wait3A_740 = arith.constant 0 : i32
      %dma_wait3A_741 = arith.constant 0 : i32
      %dma_wait3A_742 = arith.constant 0 : i32
      %dma_wait3A_743 = tpu.memref_slice %arg3[%add3A_566, %dma_wait3A_740, %dma_wait3A, %dma_wait3A_741, %dma_wait3A_742] : memref<1024x8x8x8x128xf32, #tpu.memory_space<hbm>> -> memref<1x8x1x8x128xf32, #tpu.memory_space<hbm>>
      %dma_wait3A_744 = tpu.memref_squeeze %dma_wait3A_743 : memref<1x8x1x8x128xf32, #tpu.memory_space<hbm>> -> memref<8x8x128xf32, #tpu.memory_space<hbm>>
      %dma_wait3A_745 = arith.constant 0 : i32
      %dma_wait3A_746 = arith.constant 0 : i32
      %dma_wait3A_747 = arith.constant 0 : i32
      %dma_wait3A_748 = tpu.memref_slice %arg3[%add3A_566, %dma_wait3A_745, %dma_wait3A, %dma_wait3A_746, %dma_wait3A_747] : memref<1024x8x8x8x128xf32, #tpu.memory_space<hbm>> -> memref<1x8x1x8x128xf32, #tpu.memory_space<hbm>>
      %dma_wait3A_749 = tpu.memref_squeeze %dma_wait3A_748 : memref<1x8x1x8x128xf32, #tpu.memory_space<hbm>> -> memref<8x8x128xf32, #tpu.memory_space<hbm>>
      %dma_wait3A_750 = arith.constant 0 : i32
      %dma_wait3A_751 = arith.constant 0 : i32
      %dma_wait3A_752 = tpu.memref_slice %arg5[%dma_wait3A_750, %dma_wait3A_751, %add3A_563] : memref<8x8x1280xf32, #tpu.memory_space<vmem>> -> memref<8x8x128xf32, #tpu.memory_space<vmem>>
      tpu.wait_dma2 semaphore(%arg6 : memref<!tpu.dma_semaphore, #tpu.memory_space<semaphore_mem>>) src(%dma_wait3A_752 : memref<8x8x128xf32, #tpu.memory_space<vmem>>) dst(%dma_wait3A_749 : memref<8x8x128xf32, #tpu.memory_space<hbm>>)
      %dma_wait3A_753 = arith.constant 1 : i32
      %dma_wait3A_754 = arith.constant 0 : i32
      %dma_wait3A_755 = arith.constant 0 : i32
      %dma_wait3A_756 = tpu.memref_slice %arg5[%dma_wait3A_754, %dma_wait3A_755, %add3A_584] : memref<8x8x1280xf32, #tpu.memory_space<vmem>> -> memref<8x8x128xf32, #tpu.memory_space<vmem>>
      %dma_wait3A_757 = arith.constant 0 : i32
      %dma_wait3A_758 = arith.constant 0 : i32
      %dma_wait3A_759 = arith.constant 0 : i32
      %dma_wait3A_760 = tpu.memref_slice %arg3[%add3A_587, %dma_wait3A_757, %dma_wait3A_753, %dma_wait3A_758, %dma_wait3A_759] : memref<1024x8x8x8x128xf32, #tpu.memory_space<hbm>> -> memref<1x8x1x8x128xf32, #tpu.memory_space<hbm>>
      %dma_wait3A_761 = tpu.memref_squeeze %dma_wait3A_760 : memref<1x8x1x8x128xf32, #tpu.memory_space<hbm>> -> memref<8x8x128xf32, #tpu.memory_space<hbm>>
      %dma_wait3A_762 = arith.constant 0 : i32
      %dma_wait3A_763 = arith.constant 0 : i32
      %dma_wait3A_764 = arith.constant 0 : i32
      %dma_wait3A_765 = tpu.memref_slice %arg3[%add3A_587, %dma_wait3A_762, %dma_wait3A_753, %dma_wait3A_763, %dma_wait3A_764] : memref<1024x8x8x8x128xf32, #tpu.memory_space<hbm>> -> memref<1x8x1x8x128xf32, #tpu.memory_space<hbm>>
      %dma_wait3A_766 = tpu.memref_squeeze %dma_wait3A_765 : memref<1x8x1x8x128xf32, #tpu.memory_space<hbm>> -> memref<8x8x128xf32, #tpu.memory_space<hbm>>
      %dma_wait3A_767 = arith.constant 0 : i32
      %dma_wait3A_768 = arith.constant 0 : i32
      %dma_wait3A_769 = tpu.memref_slice %arg5[%dma_wait3A_767, %dma_wait3A_768, %add3A_584] : memref<8x8x1280xf32, #tpu.memory_space<vmem>> -> memref<8x8x128xf32, #tpu.memory_space<vmem>>
      tpu.wait_dma2 semaphore(%arg6 : memref<!tpu.dma_semaphore, #tpu.memory_space<semaphore_mem>>) src(%dma_wait3A_769 : memref<8x8x128xf32, #tpu.memory_space<vmem>>) dst(%dma_wait3A_766 : memref<8x8x128xf32, #tpu.memory_space<hbm>>)
      %dma_wait3A_770 = arith.constant 2 : i32
      %dma_wait3A_771 = arith.constant 0 : i32
      %dma_wait3A_772 = arith.constant 0 : i32
      %dma_wait3A_773 = tpu.memref_slice %arg5[%dma_wait3A_771, %dma_wait3A_772, %add3A_606] : memref<8x8x1280xf32, #tpu.memory_space<vmem>> -> memref<8x8x128xf32, #tpu.memory_space<vmem>>
      %dma_wait3A_774 = arith.constant 0 : i32
      %dma_wait3A_775 = arith.constant 0 : i32
      %dma_wait3A_776 = arith.constant 0 : i32
      %dma_wait3A_777 = tpu.memref_slice %arg3[%add3A_609, %dma_wait3A_774, %dma_wait3A_770, %dma_wait3A_775, %dma_wait3A_776] : memref<1024x8x8x8x128xf32, #tpu.memory_space<hbm>> -> memref<1x8x1x8x128xf32, #tpu.memory_space<hbm>>
      %dma_wait3A_778 = tpu.memref_squeeze %dma_wait3A_777 : memref<1x8x1x8x128xf32, #tpu.memory_space<hbm>> -> memref<8x8x128xf32, #tpu.memory_space<hbm>>
      %dma_wait3A_779 = arith.constant 0 : i32
      %dma_wait3A_780 = arith.constant 0 : i32
      %dma_wait3A_781 = arith.constant 0 : i32
      %dma_wait3A_782 = tpu.memref_slice %arg3[%add3A_609, %dma_wait3A_779, %dma_wait3A_770, %dma_wait3A_780, %dma_wait3A_781] : memref<1024x8x8x8x128xf32, #tpu.memory_space<hbm>> -> memref<1x8x1x8x128xf32, #tpu.memory_space<hbm>>
      %dma_wait3A_783 = tpu.memref_squeeze %dma_wait3A_782 : memref<1x8x1x8x128xf32, #tpu.memory_space<hbm>> -> memref<8x8x128xf32, #tpu.memory_space<hbm>>
      %dma_wait3A_784 = arith.constant 0 : i32
      %dma_wait3A_785 = arith.constant 0 : i32
      %dma_wait3A_786 = tpu.memref_slice %arg5[%dma_wait3A_784, %dma_wait3A_785, %add3A_606] : memref<8x8x1280xf32, #tpu.memory_space<vmem>> -> memref<8x8x128xf32, #tpu.memory_space<vmem>>
      tpu.wait_dma2 semaphore(%arg6 : memref<!tpu.dma_semaphore, #tpu.memory_space<semaphore_mem>>) src(%dma_wait3A_786 : memref<8x8x128xf32, #tpu.memory_space<vmem>>) dst(%dma_wait3A_783 : memref<8x8x128xf32, #tpu.memory_space<hbm>>)
      %dma_wait3A_787 = arith.constant 3 : i32
      %dma_wait3A_788 = arith.constant 0 : i32
      %dma_wait3A_789 = arith.constant 0 : i32
      %dma_wait3A_790 = tpu.memref_slice %arg5[%dma_wait3A_788, %dma_wait3A_789, %add3A_628] : memref<8x8x1280xf32, #tpu.memory_space<vmem>> -> memref<8x8x128xf32, #tpu.memory_space<vmem>>
      %dma_wait3A_791 = arith.constant 0 : i32
      %dma_wait3A_792 = arith.constant 0 : i32
      %dma_wait3A_793 = arith.constant 0 : i32
      %dma_wait3A_794 = tpu.memref_slice %arg3[%add3A_631, %dma_wait3A_791, %dma_wait3A_787, %dma_wait3A_792, %dma_wait3A_793] : memref<1024x8x8x8x128xf32, #tpu.memory_space<hbm>> -> memref<1x8x1x8x128xf32, #tpu.memory_space<hbm>>
      %dma_wait3A_795 = tpu.memref_squeeze %dma_wait3A_794 : memref<1x8x1x8x128xf32, #tpu.memory_space<hbm>> -> memref<8x8x128xf32, #tpu.memory_space<hbm>>
      %dma_wait3A_796 = arith.constant 0 : i32
      %dma_wait3A_797 = arith.constant 0 : i32
      %dma_wait3A_798 = arith.constant 0 : i32
      %dma_wait3A_799 = tpu.memref_slice %arg3[%add3A_631, %dma_wait3A_796, %dma_wait3A_787, %dma_wait3A_797, %dma_wait3A_798] : memref<1024x8x8x8x128xf32, #tpu.memory_space<hbm>> -> memref<1x8x1x8x128xf32, #tpu.memory_space<hbm>>
      %dma_wait3A_800 = tpu.memref_squeeze %dma_wait3A_799 : memref<1x8x1x8x128xf32, #tpu.memory_space<hbm>> -> memref<8x8x128xf32, #tpu.memory_space<hbm>>
      %dma_wait3A_801 = arith.constant 0 : i32
      %dma_wait3A_802 = arith.constant 0 : i32
      %dma_wait3A_803 = tpu.memref_slice %arg5[%dma_wait3A_801, %dma_wait3A_802, %add3A_628] : memref<8x8x1280xf32, #tpu.memory_space<vmem>> -> memref<8x8x128xf32, #tpu.memory_space<vmem>>
      tpu.wait_dma2 semaphore(%arg6 : memref<!tpu.dma_semaphore, #tpu.memory_space<semaphore_mem>>) src(%dma_wait3A_803 : memref<8x8x128xf32, #tpu.memory_space<vmem>>) dst(%dma_wait3A_800 : memref<8x8x128xf32, #tpu.memory_space<hbm>>)
      %dma_wait3A_804 = arith.constant 4 : i32
      %dma_wait3A_805 = arith.constant 0 : i32
      %dma_wait3A_806 = arith.constant 0 : i32
      %dma_wait3A_807 = tpu.memref_slice %arg5[%dma_wait3A_805, %dma_wait3A_806, %add3A_650] : memref<8x8x1280xf32, #tpu.memory_space<vmem>> -> memref<8x8x128xf32, #tpu.memory_space<vmem>>
      %dma_wait3A_808 = arith.constant 0 : i32
      %dma_wait3A_809 = arith.constant 0 : i32
      %dma_wait3A_810 = arith.constant 0 : i32
      %dma_wait3A_811 = tpu.memref_slice %arg3[%add3A_653, %dma_wait3A_808, %dma_wait3A_804, %dma_wait3A_809, %dma_wait3A_810] : memref<1024x8x8x8x128xf32, #tpu.memory_space<hbm>> -> memref<1x8x1x8x128xf32, #tpu.memory_space<hbm>>
      %dma_wait3A_812 = tpu.memref_squeeze %dma_wait3A_811 : memref<1x8x1x8x128xf32, #tpu.memory_space<hbm>> -> memref<8x8x128xf32, #tpu.memory_space<hbm>>
      %dma_wait3A_813 = arith.constant 0 : i32
      %dma_wait3A_814 = arith.constant 0 : i32
      %dma_wait3A_815 = arith.constant 0 : i32
      %dma_wait3A_816 = tpu.memref_slice %arg3[%add3A_653, %dma_wait3A_813, %dma_wait3A_804, %dma_wait3A_814, %dma_wait3A_815] : memref<1024x8x8x8x128xf32, #tpu.memory_space<hbm>> -> memref<1x8x1x8x128xf32, #tpu.memory_space<hbm>>
      %dma_wait3A_817 = tpu.memref_squeeze %dma_wait3A_816 : memref<1x8x1x8x128xf32, #tpu.memory_space<hbm>> -> memref<8x8x128xf32, #tpu.memory_space<hbm>>
      %dma_wait3A_818 = arith.constant 0 : i32
      %dma_wait3A_819 = arith.constant 0 : i32
      %dma_wait3A_820 = tpu.memref_slice %arg5[%dma_wait3A_818, %dma_wait3A_819, %add3A_650] : memref<8x8x1280xf32, #tpu.memory_space<vmem>> -> memref<8x8x128xf32, #tpu.memory_space<vmem>>
      tpu.wait_dma2 semaphore(%arg6 : memref<!tpu.dma_semaphore, #tpu.memory_space<semaphore_mem>>) src(%dma_wait3A_820 : memref<8x8x128xf32, #tpu.memory_space<vmem>>) dst(%dma_wait3A_817 : memref<8x8x128xf32, #tpu.memory_space<hbm>>)
      %dma_wait3A_821 = arith.constant 5 : i32
      %dma_wait3A_822 = arith.constant 0 : i32
      %dma_wait3A_823 = arith.constant 0 : i32
      %dma_wait3A_824 = tpu.memref_slice %arg5[%dma_wait3A_822, %dma_wait3A_823, %add3A_672] : memref<8x8x1280xf32, #tpu.memory_space<vmem>> -> memref<8x8x128xf32, #tpu.memory_space<vmem>>
      %dma_wait3A_825 = arith.constant 0 : i32
      %dma_wait3A_826 = arith.constant 0 : i32
      %dma_wait3A_827 = arith.constant 0 : i32
      %dma_wait3A_828 = tpu.memref_slice %arg3[%add3A_675, %dma_wait3A_825, %dma_wait3A_821, %dma_wait3A_826, %dma_wait3A_827] : memref<1024x8x8x8x128xf32, #tpu.memory_space<hbm>> -> memref<1x8x1x8x128xf32, #tpu.memory_space<hbm>>
      %dma_wait3A_829 = tpu.memref_squeeze %dma_wait3A_828 : memref<1x8x1x8x128xf32, #tpu.memory_space<hbm>> -> memref<8x8x128xf32, #tpu.memory_space<hbm>>
      %dma_wait3A_830 = arith.constant 0 : i32
      %dma_wait3A_831 = arith.constant 0 : i32
      %dma_wait3A_832 = arith.constant 0 : i32
      %dma_wait3A_833 = tpu.memref_slice %arg3[%add3A_675, %dma_wait3A_830, %dma_wait3A_821, %dma_wait3A_831, %dma_wait3A_832] : memref<1024x8x8x8x128xf32, #tpu.memory_space<hbm>> -> memref<1x8x1x8x128xf32, #tpu.memory_space<hbm>>
      %dma_wait3A_834 = tpu.memref_squeeze %dma_wait3A_833 : memref<1x8x1x8x128xf32, #tpu.memory_space<hbm>> -> memref<8x8x128xf32, #tpu.memory_space<hbm>>
      %dma_wait3A_835 = arith.constant 0 : i32
      %dma_wait3A_836 = arith.constant 0 : i32
      %dma_wait3A_837 = tpu.memref_slice %arg5[%dma_wait3A_835, %dma_wait3A_836, %add3A_672] : memref<8x8x1280xf32, #tpu.memory_space<vmem>> -> memref<8x8x128xf32, #tpu.memory_space<vmem>>
      tpu.wait_dma2 semaphore(%arg6 : memref<!tpu.dma_semaphore, #tpu.memory_space<semaphore_mem>>) src(%dma_wait3A_837 : memref<8x8x128xf32, #tpu.memory_space<vmem>>) dst(%dma_wait3A_834 : memref<8x8x128xf32, #tpu.memory_space<hbm>>)
      %dma_wait3A_838 = arith.constant 6 : i32
      %dma_wait3A_839 = arith.constant 0 : i32
      %dma_wait3A_840 = arith.constant 0 : i32
      %dma_wait3A_841 = tpu.memref_slice %arg5[%dma_wait3A_839, %dma_wait3A_840, %add3A_694] : memref<8x8x1280xf32, #tpu.memory_space<vmem>> -> memref<8x8x128xf32, #tpu.memory_space<vmem>>
      %dma_wait3A_842 = arith.constant 0 : i32
      %dma_wait3A_843 = arith.constant 0 : i32
      %dma_wait3A_844 = arith.constant 0 : i32
      %dma_wait3A_845 = tpu.memref_slice %arg3[%add3A_697, %dma_wait3A_842, %dma_wait3A_838, %dma_wait3A_843, %dma_wait3A_844] : memref<1024x8x8x8x128xf32, #tpu.memory_space<hbm>> -> memref<1x8x1x8x128xf32, #tpu.memory_space<hbm>>
      %dma_wait3A_846 = tpu.memref_squeeze %dma_wait3A_845 : memref<1x8x1x8x128xf32, #tpu.memory_space<hbm>> -> memref<8x8x128xf32, #tpu.memory_space<hbm>>
      %dma_wait3A_847 = arith.constant 0 : i32
      %dma_wait3A_848 = arith.constant 0 : i32
      %dma_wait3A_849 = arith.constant 0 : i32
      %dma_wait3A_850 = tpu.memref_slice %arg3[%add3A_697, %dma_wait3A_847, %dma_wait3A_838, %dma_wait3A_848, %dma_wait3A_849] : memref<1024x8x8x8x128xf32, #tpu.memory_space<hbm>> -> memref<1x8x1x8x128xf32, #tpu.memory_space<hbm>>
      %dma_wait3A_851 = tpu.memref_squeeze %dma_wait3A_850 : memref<1x8x1x8x128xf32, #tpu.memory_space<hbm>> -> memref<8x8x128xf32, #tpu.memory_space<hbm>>
      %dma_wait3A_852 = arith.constant 0 : i32
      %dma_wait3A_853 = arith.constant 0 : i32
      %dma_wait3A_854 = tpu.memref_slice %arg5[%dma_wait3A_852, %dma_wait3A_853, %add3A_694] : memref<8x8x1280xf32, #tpu.memory_space<vmem>> -> memref<8x8x128xf32, #tpu.memory_space<vmem>>
      tpu.wait_dma2 semaphore(%arg6 : memref<!tpu.dma_semaphore, #tpu.memory_space<semaphore_mem>>) src(%dma_wait3A_854 : memref<8x8x128xf32, #tpu.memory_space<vmem>>) dst(%dma_wait3A_851 : memref<8x8x128xf32, #tpu.memory_space<hbm>>)
      %dma_wait3A_855 = arith.constant 7 : i32
      %dma_wait3A_856 = arith.constant 0 : i32
      %dma_wait3A_857 = arith.constant 0 : i32
      %dma_wait3A_858 = tpu.memref_slice %arg5[%dma_wait3A_856, %dma_wait3A_857, %add3A_716] : memref<8x8x1280xf32, #tpu.memory_space<vmem>> -> memref<8x8x128xf32, #tpu.memory_space<vmem>>
      %dma_wait3A_859 = arith.constant 0 : i32
      %dma_wait3A_860 = arith.constant 0 : i32
      %dma_wait3A_861 = arith.constant 0 : i32
      %dma_wait3A_862 = tpu.memref_slice %arg3[%add3A_719, %dma_wait3A_859, %dma_wait3A_855, %dma_wait3A_860, %dma_wait3A_861] : memref<1024x8x8x8x128xf32, #tpu.memory_space<hbm>> -> memref<1x8x1x8x128xf32, #tpu.memory_space<hbm>>
      %dma_wait3A_863 = tpu.memref_squeeze %dma_wait3A_862 : memref<1x8x1x8x128xf32, #tpu.memory_space<hbm>> -> memref<8x8x128xf32, #tpu.memory_space<hbm>>
      %dma_wait3A_864 = arith.constant 0 : i32
      %dma_wait3A_865 = arith.constant 0 : i32
      %dma_wait3A_866 = arith.constant 0 : i32
      %dma_wait3A_867 = tpu.memref_slice %arg3[%add3A_719, %dma_wait3A_864, %dma_wait3A_855, %dma_wait3A_865, %dma_wait3A_866] : memref<1024x8x8x8x128xf32, #tpu.memory_space<hbm>> -> memref<1x8x1x8x128xf32, #tpu.memory_space<hbm>>
      %dma_wait3A_868 = tpu.memref_squeeze %dma_wait3A_867 : memref<1x8x1x8x128xf32, #tpu.memory_space<hbm>> -> memref<8x8x128xf32, #tpu.memory_space<hbm>>
      %dma_wait3A_869 = arith.constant 0 : i32
      %dma_wait3A_870 = arith.constant 0 : i32
      %dma_wait3A_871 = tpu.memref_slice %arg5[%dma_wait3A_869, %dma_wait3A_870, %add3A_716] : memref<8x8x1280xf32, #tpu.memory_space<vmem>> -> memref<8x8x128xf32, #tpu.memory_space<vmem>>
      tpu.wait_dma2 semaphore(%arg6 : memref<!tpu.dma_semaphore, #tpu.memory_space<semaphore_mem>>) src(%dma_wait3A_871 : memref<8x8x128xf32, #tpu.memory_space<vmem>>) dst(%dma_wait3A_868 : memref<8x8x128xf32, #tpu.memory_space<hbm>>)
    }
    %scan3A_555 = arith.constant 32 : i32
    return
  }
}

</mosaic_0001>

<sc_bundles>
// kernel: _rel_pos_sc.3.cloned.1.call-start
scs
__scs_entry_jumppad:
0x0: {  	(pc) =	sbr.rel $0x88, $3  }
0x1: {  	(tag) =	ssettag $0x0;
	lr =	simm.s32 $0x1  }
0x2: {  	[smem:$0x3FA0] =	sst lr;
	_ =	strace $0xD0000000  }
0x3: {  	_ = 	snop  }
0x4: {  	_ = 	snop  }
0x5: {  	_ = 	snop  }
0x6: {  	_ = 	snop  }
0x7: {  	_ = 	snop  }
__scs_overlays_trampoline_lowered:
0x8: {  	[smem:$0x3FAF] =	sst s0  }
0x9: {  	[smem:$0x3FB0] =	sst s1  }
0xa: {  	[smem:$0x3FB1] =	sst s2  }
0xb: {  	[smem:$0x3FB2] =	sst s3  }
0xc: {  	[smem:$0x3FB3] =	sst s4  }
0xd: {  	[smem:$0x3FB4] =	sst s5  }
0xe: {  	[smem:$0x3FB5] =	sst s6  }
0xf: {  	[smem:$0x3FB6] =	sst s7  }
0x10: {  	[smem:$0x3FB7] =	sst s8  }
0x11: {  	[smem:$0x3FB8] =	sst s9;
	s0 =	simm.s32 @!p0 $0x0  }
0x12: {  	s1 =	sld [smem:$0x3F9E];
	s0 =	simm.s32 @p0 $0x1  }
0x13: {  	[smem:$0x3FB9] =	sst s0;
	s0 =	simm.s32 @!p1 $0x0  }
0x14: {  	s2 =	sld [smem:$0x3F9D];
	s0 =	simm.s32 @p1 $0x1  }
0x15: {  	[smem:$0x3FBA] =	sst s0;
	s0 =	simm.s32 @!p2 $0x0  }
0x16: {  	s3 =	sld [smem:$0x3FDB];
	s0 =	simm.s32 @p2 $0x1  }
0x17: {  	s4 =	simm.s32 $0x1BF5;
	[smem:$0x3FBC] =	sst s0  }
0x18: {  	s0 =	sld [smem:$0x3F9F];
	_ =	swait.ge [sflag:s4], $0x0  }
0x19: {  	s7 =	sld [smem:$0x3FA0]  }
0x1a: {  	s8 =	sadd.s32 $0xFFFFE003, lr  }
0x1b: {  	s9 =	sadd.s32 $0xFFFFFEF7, lr;
	s5 =	simm.s32 $0xFFFFFFFF;
	p2 =	slt.u32 s8, $0xFFFFF086  }
0x1c: {  	p1 =	slt.u32 s9, $0xF7A;
	s5 =	simm.s32 @!p2 $0x0  }
0x1d: {  	s5 =	simm.s32 @p1 $0x1;
	p0 =	seq.s32 s7, s2  }
0x1e: {  	s7 =	smul.u32 @!p0 $0xF7A, s2;
	p2 =	seq.s32 @!p0 s5, $0x0  }
0x1f: {  	s9 =	smul.u32 $0xF7A, s1;
	s8 =	simm.s32 @!p0 $0x1BF5;
	p2 =	por !p2, p0  }
0x20: {  	[sflag:s8] =	ssyncset.s32 @!p0 $0xFFFFF086;
	s6 =	sadd.s32 @!p0 s3, s7;
	s7 =	simm.s32 @!p0 $0x108  }
0x21: {  	s3 =	sadd.s32 s3, s9;
	s6 =	sadd.s32 @!p0 $0x88, s6;
	s7 =	simm.s32 @p2 $0x1082  }
0x22: {  	[simem:s7], [sflag:s8] =	dma.local @!p0 [hbm:s6], $0xF7A  }
0x23: {  	s9 =	sor.u32 $0xD0000000, s2;
	s6 =	simm.s32 $0x108;
	_ =	swait.ge @!p0 [sflag:s8], $0x0  }
0x24: {  	s3 =	sadd.s32 $0x88, s3;
	s6 =	simm.s32 @!p1 $0x1082;
	[sflag:s4] =	ssyncset.s32 $0xFFFFF086  }
0x25: {  	[simem:s6], [sflag:s4] =	dma.local [hbm:s3], $0xF7A  }
0x26: {  	[smem:$0x3FA0] =	sst s1;
	(tag) =	ssettag s2;
	_ =	strace s9  }
0x27: {  	s1 =	sld [smem:$0x3FB0]  }
0x28: {  	s2 =	sld [smem:$0x3FB1]  }
0x29: {  	s4 =	sld [smem:$0x3FB3]  }
0x2a: {  	p0 =	seq.s32 s5, $0x0;
	s5 =	sld [smem:$0x3FB4]  }
0x2b: {  	s6 =	sld [smem:$0x3FB5]  }
0x2c: {  	s7 =	sld [smem:$0x3FB6]  }
0x2d: {  	s3 =	simm.s32 $0x108;
	s8 =	sld [smem:$0x3FB7]  }
0x2e: {  	s3 =	simm.s32 @!p0 $0x1082;
	s9 =	sld [smem:$0x3FB8]  }
0x2f: {  	lr =	sadd.s32 s0, s3;
	s0 =	sld [smem:$0x3FAF]  }
0x30: {  	s3 =	sld [smem:$0x3FB2]  }
0x31: {  	[smem:$0x3FBB] =	sst s10  }
0x32: {  	s10 =	sld [smem:$0x3FB9];
	_ =	sdelay $0x3  }
0x33: {  	p0 =	seq.s32 s10, $0x1;
	s10 =	sld [smem:$0x3FBB];
	_ =	sdelay $0x3  }
0x34: {  	[smem:$0x3FBB] =	sst s10  }
0x35: {  	s10 =	sld [smem:$0x3FBA];
	_ =	sdelay $0x3  }
0x36: {  	p1 =	seq.s32 s10, $0x1;
	s10 =	sld [smem:$0x3FBB];
	_ =	sdelay $0x3  }
0x37: {  	[smem:$0x3FBB] =	sst s10  }
0x38: {  	s10 =	sld [smem:$0x3FBC]  }
0x39: {  	_ = 	snop;
	(pc) =	sbr.ind lr, $3  }
0x3a: {  	_ = 	snop  }
0x3b: {  	_ = 	snop  }
0x3c: {  	p2 =	seq.s32 s10, $0x1;
	s10 =	sld [smem:$0x3FBB]  }
0x3d: {  	_ =	shalt  }
0x3e: {  	_ =	shalt  }
0x3f: {  	_ =	shalt  }
0x40: {  	_ =	shalt  }
0x41: {  	_ =	shalt  }
0x42: {  	_ =	shalt  }
0x43: {  	_ =	shalt  }
0x44: {  	_ =	shalt  }
0x45: {  	_ =	shalt  }
0x46: {  	_ =	shalt  }
0x47: {  	_ =	shalt  }
0x48: {  	_ =	shalt  }
0x49: {  	_ =	shalt  }
0x4a: {  	_ =	shalt  }
0x4b: {  	_ =	shalt  }
0x4c: {  	_ =	shalt  }
0x4d: {  	_ =	shalt  }
0x4e: {  	_ =	shalt  }
0x4f: {  	_ =	shalt  }
0x50: {  	_ =	shalt  }
0x51: {  	_ =	shalt  }
0x52: {  	_ =	shalt  }
0x53: {  	_ =	shalt  }
0x54: {  	_ =	shalt  }
0x55: {  	_ =	shalt  }
0x56: {  	_ =	shalt  }
0x57: {  	_ =	shalt  }
0x58: {  	_ =	shalt  }
0x59: {  	_ =	shalt  }
0x5a: {  	_ =	shalt  }
0x5b: {  	_ =	shalt  }
0x5c: {  	_ =	shalt  }
0x5d: {  	_ =	shalt  }
0x5e: {  	_ =	shalt  }
0x5f: {  	_ =	shalt  }
0x60: {  	_ =	shalt  }
0x61: {  	_ =	shalt  }
0x62: {  	_ =	shalt  }
0x63: {  	_ =	shalt  }
0x64: {  	_ =	shalt  }
0x65: {  	_ =	shalt  }
0x66: {  	_ =	shalt  }
0x67: {  	_ =	shalt  }
0x68: {  	_ =	shalt  }
0x69: {  	_ =	shalt  }
0x6a: {  	_ =	shalt  }
0x6b: {  	_ =	shalt  }
0x6c: {  	_ =	shalt  }
0x6d: {  	_ =	shalt  }
0x6e: {  	_ =	shalt  }
0x6f: {  	_ =	shalt  }
0x70: {  	_ =	shalt  }
0x71: {  	_ =	shalt  }
0x72: {  	_ =	shalt  }
0x73: {  	_ =	shalt  }
0x74: {  	_ =	shalt  }
0x75: {  	_ =	shalt  }
0x76: {  	_ =	shalt  }
0x77: {  	_ =	shalt  }
0x78: {  	_ =	shalt  }
0x79: {  	_ =	shalt  }
0x7a: {  	_ =	shalt  }
0x7b: {  	_ =	shalt  }
0x7c: {  	_ =	shalt  }
0x7d: {  	_ =	shalt  }
0x7e: {  	_ =	shalt  }
0x7f: {  	_ =	shalt  }
0x80: {  	_ =	shalt  }
0x81: {  	_ =	shalt  }
0x82: {  	_ =	shalt  }
0x83: {  	_ =	shalt  }
0x84: {  	_ =	shalt  }
0x85: {  	_ =	shalt  }
0x86: {  	_ =	shalt  }
0x87: {  	_ =	shalt  }
.Lfunc_end0:
.L_simem_size_0:
called_computation_lowered:
.L_overlay_start_0:
0x88: {  	s2 =	sld [smem:$0x3FD9]  }
0x89: {  	s3 =	sld [smem:$0x3FFE];
	_ =	sdelay $0x1  }
0x8a: {  	s1 =	srdreg.scid  }
0x8b: {  	s0 =	sand.u32 $0x1, s1  }
0x8c: {  	s17 =	sshll.u32 s0, $0xA;
	s2 =	sadd.s32 s3, s2  }
0x8d: {  	s2 =	sadd.s32 s2, s17  }
0x8e: {  	[smem:$0x3FC7] =	sst s2  }
0x8f: {  	_ = 	snop  }
0x90: {  	s2 =	sld [smem:$0x3FD0];
	(tm) =	ssettm $0x1  }
0x91: {  	s18 =	sld [smem:$0x3FFB];
	_ =	sdelay $0x3  }
0x92: {  	_ =	strace s18  }
0x93: {  	s3 =	sld [smem:$0x3FFC];
	_ =	sdelay $0x3  }
0x94: {  	_ =	strace s3  }
0x95: {  	s3 =	sld [smem:$0x3FFD];
	_ =	sdelay $0x3  }
0x96: {  	_ =	strace s3  }
0x97: {  	_ =	strace $0x8FFFFFFF  }
0x98: {  	s19 =	sld [smem:$0x3FDB];
	_ =	sdelay $0x1  }
0x99: {  	s4 =	simm.s32 $_scs_section_size  }
0x9a: {  	s5 =	simm.s32 $_size__tile_overlayer_lowered;
	s6 =	simm.s32 $_tile_overlayer_lowered  }
0x9b: {  	s22 =	simm.s32 $0x1BFF;
	s21 =	sshll.u32 s6, $0x1;
	s3 =	sadd.s32 s4, s19  }
0x9c: {  	s7 =	simm.s32 $0x0;
	s20 =	sshll.u32 s5, $0x1;
	s5 =	sadd.s32 s21, s3  }
0x9d: {  	[timem:s7], [sflag:s22] =	dma.local [hbm:s5], s20  }
0x9e: {  	_ =	swait.ge [sflag:s22], s20  }
0x9f: {  	s4 =	ssub.s32 $0x0, s20;
	[sflag:s22] =	ssyncset.done $0x0  }
0xa0: {  	[sflag:s22] =	ssyncadd.s32 s4;
	_ =	sdelay $0x1  }
0xa1: {  	s23 =	simm.s32 $0x1B8B  }
0xa2: {  	_ =	swait.ge [sflag:s23], $0x1  }
0xa3: {  	[sflag:s23] =	ssyncset.done $0x0  }
0xa4: {  	s25 =	simm.s32 $0x1B8E;
	s24 =	sld [smem:$0x3FFE];
	[sflag:s23] =	ssyncadd.s32 $0xFFFFFFFF  }
0xa5: {  	s26 =	simm.s32 $execute0_lowered;
	[smem:$0x3FD2] =	sst s25  }
0xa6: {  	s5 =	sshll.u32 s26, $0x1;
	_ =	strace $0x80000046;
	[dreg:$0x1] =	wrdreg $0xFFFFFFFF  }
0xa7: {  	s28 =	simm.s32 $_size_execute0_lowered;
	s3 =	sadd.s32 s3, s5;
	[dreg:$0x0] =	wrdreg $0x0  }
0xa8: {  	s5 =	sshll.u32 s28, $0x1;
	[dreg:$0x2] =	wrdreg s3  }
0xa9: {  	[dreg:$0x3] =	wrdreg s5  }
0xaa: {  	[dreg:$0x4] =	wrdreg $0xC0  }
0xab: {  	_ =	task [dreg:s7], $0x5FFFF  }
0xac: {  	[dreg:$0x1] =	wrdreg $0xFFFFFFFF  }
0xad: {  	[dreg:$0x0] =	wrdreg $0x60  }
0xae: {  	[dreg:$0x2] =	wrdreg s24  }
0xaf: {  	[dreg:$0x3] =	wrdreg s2  }
0xb0: {  	[dreg:$0x4] =	wrdreg $0x9  }
0xb1: {  	_ =	task.clear_ibuf [dreg:s7], $0x5FFFF;
	_ =	strace $0x90000046  }
0xb2: {  	s29 =	simm.s32 $0x9;
	_ =	strace $0x80000048  }
0xb3: {  	_ =	swait.ge [sflag:s29], $0x1  }
0xb4: {  	[sflag:s29] =	ssyncadd.s32 $0xFFFFFFFF  }
0xb5: {  	_ =	strace $0x90000048  }
0xb6: {  	_ =	sfence  }
0xb7: {  	s30 =	sld [smem:$0x0];
	_ =	sdelay $0x2  }
0xb8: {  	s31 =	sshll.u32 s1, $0xD;
	s1 =	sshrl.u32 s1, $0x2  }
0xb9: {  	s3 =	sand.u32 $0x4000, s31;
	s1 =	sadd.s32 s1, s30  }
0xba: {  	s0 =	sor.u32 s3, s0;
	s1 =	sshll.u32 s1, $0x11  }
0xbb: {  	s0 =	sor.u32 s1, s0  }
0xbc: {  	s0 =	sadd.s32 $0x8F2B, s0  }
0xbd: {  	[sflag:s0] =	ssyncadd.remote.s32 $0x1  }
0xbe: {  	_ =	sfence.sel $0xFFFF  }
0xbf: {  	[dreg:$0x0] =	wrdreg $0xFFFFFFFF;
	(pc) =	sbr.abs _section_cstart, $3  }
0xc0: {  	[dreg:$0x1] =	wrdreg $0xFFFFFFFF  }
0xc1: {  	_ =	task.clear_ibuf [dreg:s7], $0x2FFFF;
	_ =	strace $0x9FFFFFFF  }
0xc2: {  	(tm) =	ssettm $0x7FFFFFFF  }
0xc3: {  	_ =	shalt  }
tec
execute0_lowered:
.L_overlay_start_1:
0x0: {  	(tag) =	ssettag $0x1  }
0x1: {  	s4 =	rddreg [dreg:$0x0]  }
0x2: {  	s1 =	rddreg [dreg:$0x1];
	s3 =	simm.s32 $0x0;
	s0 =	stileid.u32  }
0x3: {  	s25 =	srdreg.scid;
	s18 =	simm.s32 $0x508;
	s19 =	simm.s32 $0x1000  }
0x4: {  	s20 =	simm.s32 $0x2;
	s21 =	simm.s32 $0x1;
	s22 =	simm.s32 $0x0  }
0x5: {  	[smem:$0x7FF] =	sst s3;
	s7 =	sadd.s32 $0x400, s4;
	s5 =	sshll.u32 s0, $0x6  }
0x6: {  	s4 =	sand.u32 $0x1, s25;
	s6 =	sshll.u32 s0, $0x1;
	s11 =	sadd.s32 $0x180, s1  }
0x7: {  	s12 =	sadd.s32 $0x200, s1;
	s13 =	sadd.s32 $0x280, s1;
	s14 =	sadd.s32 $0x300, s1  }
0x8: {  	s15 =	sadd.s32 $0x380, s1;
	_ =	strace $0x80000047;
	s5 =	sand.u32 $0x300, s5  }
0x9: {  	v0 =	vlaneseq.u32;
	s8 =	ssub.s32 $0x2, s4;
	s6 =	sand.u32 $0x6, s6;
	s9 =	sadd.s32 $0x3F8, s5  }
0xa: {  	v0 =	vmul.u32 $0xFFFFFFFF, v0;
	s10 =	sshrl.u32 s8, $0x1;
	s17 =	sor.u32 s4, s6;
	s29 =	sadd.s32 $0x103F8, s5  }
0xb: {  	s30 =	sadd.s32 $0x203F8, s5;
	s26 =	sshrl.u32 s9, $0x3;
	s16 =	ssub.s32 s8, s10  }
.Ltmp0:
0xc: {  	v1 =	vadd.s32 $0x508, v0;
	v2 =	vadd.s32 $0xA10, v0;
	v3 =	vadd.s32 $0xF18, v0;
	s28 =	sor.u32 s5, s17;
	s5 =	sadd.s32 $0x303F8, s5;
	(pc) =	sbr.rel .LBB2_1-.Ltmp0, $4  }
0xd: {  	v4 =	vadd.s32 $0x1420, v0;
	v5 =	vadd.s32 $0x1928, v0;
	v6 =	vadd.s32 $0x1E30, v0;
	s6 =	sshrl.u32 s29, $0x3;
	s9 =	sshrl.u32 s30, $0x3;
	s10 =	sadd.s32 $0x100, s1  }
0xe: {  	v7 =	vadd.s32 $0x2338, v0;
	v8 =	vadd.s32 $0x2840, v0;
	v9 =	vadd.s32 $0x2D48, v0;
	s17 =	sadd.s32 $0x4FF, s17;
	s4 =	sadd.s32 s7, s26;
	s31 =	sshrl.u32 s5, $0x3  }
0xf: {  	v10 =	vadd.s32 $0x3250, v0;
	v11 =	vadd.s32 $0x3758, v0;
	v12 =	vadd.s32 $0x3C60, v0;
	s5 =	sadd.s32 s7, s6;
	s6 =	sadd.s32 s7, s9;
	s8 =	sshll.u32 s28, $0xD  }
0x10: {  	v13 =	vadd.s32 $0x4168, v0;
	v14 =	vadd.s32 $0x4670, v0;
	v15 =	vadd.s32 $0x4B78, v0;
	s9 =	sadd.s32 $0x80, s1;
	s16 =	smax.u32 s16, $0x1;
	s7 =	sadd.s32 s7, s31  }
.LBB2_348:
0x11: {  	s22 =	sadd.s32 $0x1, s22  }
0x12: {  	p0 =	sne.s32 s22, s16  }
.Ltmp1:
0x13: {  	_ = 	snop;
	(pc) =	sbr.rel @!p0 .LBB2_349-.Ltmp1, $1  }
0x14: {  	_ =	sdelay $0x3  }
.LBB2_1:
0x15: {  	v16 =	vadd.s32 s17, v0  }
0x16: {  	[tilespmem:s3], [sflag:$0x2] =	stream.strided.gather [hbm4b:s4+s18], $0x5080, s19, s18, $0x38;
	[tilespmem:$0x19080] =	vst v63  }
0x17: {  	_ =	swait.ge [sflag:s20], $0x5080  }
0x18: {  	[sflag:s20] =	ssyncset.done $0x0  }
0x19: {  	[sflag:s20] =	ssyncadd.s32 $0xFFFFAF80  }
0x1a: {  	s24 =	sadd.s32 $0xFFFFFFF0, s17;
	v17 =	vld.idx.msk [tilespmem:v16+s3+$0x0], $0xffff  }
0x1b: {  	s25 =	simm.s32 $0x40;
	s26 =	simm.s32 $0x80;
	s28 =	simm.s32 $0x0;
	v18 =	vadd.s32 s24, v0  }
.LBB2_2:
0x1c: {  	p0 =	sne.s32 s26, $0x13C0;
	_ =	sdelay $0x1  }
.Ltmp2:
0x1d: {  	s29 =	sshra.s32 s28, $0x2;
	s28 =	smov.u32 s25;
	(pc) =	sbr.rel @p0 .LBB2_2-.Ltmp2, $4  }
0x1e: {  	s23 =	simm.s32 $0x0;
	s25 =	smov.u32 s26;
	[tilespmem:s29+$0x5080] =	vst v17  }
0x1f: {  	v17 =	vld.idx.msk [tilespmem:v18+s23+$0x0], $0xffff  }
0x20: {  	s24 =	sadd.s32 $0xFFFFFFF0, s24  }
0x21: {  	s26 =	sadd.s32 $0x40, s26;
	v18 =	vadd.s32 s24, v0  }
0x22: {  	_ =	sdelay $0x1  }
0x23: {  	s24 =	sshra.s32 s28, $0x2  }
0x24: {  	[tilespmem:s24+$0x5080] =	vst v17  }
0x25: {  	p1 =	por $0x1, $0x1;
	v17 =	vld.idx.msk [tilespmem:v18+s23+$0x0], $0xffff  }
.Ltmp3:
0x26: {  	_ = 	snop;
	(pc) =	sbr.rel @!p1 .LBB2_4-.Ltmp3, $3  }
0x27: {  	_ =	sdelay $0x1  }
0x28: {  	s31 =	sshra.s32 s25, $0x2  }
0x29: {  	p0 =	por $0x0, $0x0;
	s24 =	simm.s32 $0x40;
	[tilespmem:s31+$0x5080] =	vst v17;
	v17 =	vadd.s32 s17, v1  }
0x2a: {  	p3 =	por $0x1, $0x1  }
.Ltmp4:
0x2b: {  	_ = 	snop;
	(pc) =	sbr.rel @!p3 .LBB2_6-.Ltmp4, $3  }
0x2c: {  	_ =	sdelay $0x1  }
0x2d: {  	v18 =	vld.idx.msk [tilespmem:v17+s23+$0x0], $0xffff;
	s28 =	sadd.s32 $0xFFFFFFF0, s17;
	s29 =	simm.s32 $0x80  }
0x2e: {  	p2 =	por $0x1, $0x1;
	s25 =	simm.s32 $0x0;
	s26 =	simm.s32 $0x40;
	v17 =	vadd.s32 s28, v1  }
.LBB2_7:
0x2f: {  	p3 =	sne.s32 s29, $0x13C0;
	_ =	sdelay $0x1  }
.Ltmp5:
0x30: {  	s30 =	sshra.s32 s25, $0x2;
	s25 =	smov.u32 s26;
	(pc) =	sbr.rel @p3 .LBB2_7-.Ltmp5, $4  }
0x31: {  	s26 =	smov.u32 s29;
	[tilespmem:s30+$0x5580] =	vst v18  }
0x32: {  	v18 =	vld.idx.msk [tilespmem:v17+s23+$0x0], $0xffff  }
0x33: {  	s28 =	sadd.s32 $0xFFFFFFF0, s28  }
0x34: {  	s29 =	sadd.s32 $0x40, s29;
	v17 =	vadd.s32 s28, v1  }
.LBB2_8:
0x35: {  	_ =	sdelay $0x1  }
0x36: {  	s25 =	sshra.s32 @p2 s25, $0x2  }
0x37: {  	[tilespmem:s25+$0x5580] =	vst @p2 v18  }
0x38: {  	v17 =	vld.idx.msk [tilespmem:v17+s23+$0x0], $0xffff  }
.Ltmp6:
0x39: {  	_ = 	snop;
	(pc) =	sbr.rel @!p1 .LBB2_9-.Ltmp6, $3  }
0x3a: {  	_ =	sdelay $0x1  }
0x3b: {  	s31 =	sshra.s32 s26, $0x2  }
0x3c: {  	[tilespmem:s31+$0x5580] =	vst v17;
	v17 =	vadd.s32 s17, v2  }
0x3d: {  	p1 =	por $0x1, $0x1  }
.Ltmp7:
0x3e: {  	_ = 	snop;
	(pc) =	sbr.rel @!p1 .LBB2_11-.Ltmp7, $4  }
0x3f: {  	_ = 	snop  }
0x40: {  	s25 =	simm.s32 $0x0  }
0x41: {  	s26 =	sadd.s32 $0xFFFFFFF0, s17;
	v18 =	vld.idx.msk [tilespmem:v17+s25+$0x0], $0xffff  }
0x42: {  	s28 =	simm.s32 $0x80;
	p0 =	por $0x1, $0x1;
	v17 =	vadd.s32 s26, v2  }
.LBB2_12:
0x43: {  	p1 =	sne.s32 s28, $0x13C0;
	_ =	sdelay $0x1  }
.Ltmp8:
0x44: {  	s29 =	sshra.s32 s23, $0x2;
	s23 =	smov.u32 s24;
	(pc) =	sbr.rel @p1 .LBB2_12-.Ltmp8, $4  }
0x45: {  	s24 =	smov.u32 s28;
	[tilespmem:s29+$0x5A80] =	vst v18  }
0x46: {  	v18 =	vld.idx.msk [tilespmem:v17+s25+$0x0], $0xffff  }
0x47: {  	s26 =	sadd.s32 $0xFFFFFFF0, s26  }
0x48: {  	s28 =	sadd.s32 $0x40, s28;
	v17 =	vadd.s32 s26, v2  }
0x49: {  	s25 =	smov.u32 s23;
	s23 =	smov.u32 s24  }
.LBB2_14:
0x4a: {  	_ =	sdelay $0x1  }
0x4b: {  	s25 =	sshra.s32 @p0 s25, $0x2  }
0x4c: {  	s24 =	simm.s32 $0x0;
	[tilespmem:s25+$0x5A80] =	vst @p0 v18  }
0x4d: {  	p1 =	por $0x1, $0x1;
	v17 =	vld.idx.msk [tilespmem:v17+s24+$0x0], $0xffff  }
.Ltmp9:
0x4e: {  	_ = 	snop;
	(pc) =	sbr.rel @!p1 .LBB2_15-.Ltmp9, $3  }
0x4f: {  	_ =	sdelay $0x1  }
0x50: {  	s23 =	sshra.s32 s23, $0x2  }
0x51: {  	p0 =	por $0x0, $0x0;
	[tilespmem:s23+$0x5A80] =	vst v17;
	v17 =	vadd.s32 s17, v3;
	s23 =	simm.s32 $0x40  }
0x52: {  	p3 =	por $0x1, $0x1  }
.Ltmp10:
0x53: {  	_ = 	snop;
	(pc) =	sbr.rel @!p3 .LBB2_17-.Ltmp10, $3  }
0x54: {  	_ =	sdelay $0x1  }
0x55: {  	v18 =	vld.idx.msk [tilespmem:v17+s24+$0x0], $0xffff;
	s28 =	sadd.s32 $0xFFFFFFF0, s17;
	s29 =	simm.s32 $0x80  }
0x56: {  	p2 =	por $0x1, $0x1;
	s25 =	simm.s32 $0x0;
	s26 =	simm.s32 $0x40;
	v17 =	vadd.s32 s28, v3  }
.LBB2_18:
0x57: {  	p3 =	sne.s32 s29, $0x13C0;
	_ =	sdelay $0x1  }
.Ltmp11:
0x58: {  	s30 =	sshra.s32 s25, $0x2;
	s25 =	smov.u32 s26;
	(pc) =	sbr.rel @p3 .LBB2_18-.Ltmp11, $4  }
0x59: {  	s26 =	smov.u32 s29;
	[tilespmem:s30+$0x5F80] =	vst v18  }
0x5a: {  	v18 =	vld.idx.msk [tilespmem:v17+s24+$0x0], $0xffff  }
0x5b: {  	s28 =	sadd.s32 $0xFFFFFFF0, s28  }
0x5c: {  	s29 =	sadd.s32 $0x40, s29;
	v17 =	vadd.s32 s28, v3  }
.LBB2_19:
0x5d: {  	_ =	sdelay $0x1  }
0x5e: {  	s25 =	sshra.s32 @p2 s25, $0x2  }
0x5f: {  	[tilespmem:s25+$0x5F80] =	vst @p2 v18  }
0x60: {  	v17 =	vld.idx.msk [tilespmem:v17+s24+$0x0], $0xffff  }
.Ltmp12:
0x61: {  	_ = 	snop;
	(pc) =	sbr.rel @!p1 .LBB2_20-.Ltmp12, $3  }
0x62: {  	_ =	sdelay $0x1  }
0x63: {  	s31 =	sshra.s32 s26, $0x2  }
0x64: {  	[tilespmem:s31+$0x5F80] =	vst v17;
	v17 =	vadd.s32 s17, v4  }
0x65: {  	p1 =	por $0x1, $0x1  }
.Ltmp13:
0x66: {  	_ = 	snop;
	(pc) =	sbr.rel @!p1 .LBB2_22-.Ltmp13, $4  }
0x67: {  	_ = 	snop  }
0x68: {  	s25 =	simm.s32 $0x0  }
0x69: {  	s26 =	sadd.s32 $0xFFFFFFF0, s17;
	v18 =	vld.idx.msk [tilespmem:v17+s25+$0x0], $0xffff  }
0x6a: {  	s28 =	simm.s32 $0x80;
	p0 =	por $0x1, $0x1;
	v17 =	vadd.s32 s26, v4  }
.LBB2_23:
0x6b: {  	p1 =	sne.s32 s28, $0x13C0;
	_ =	sdelay $0x1  }
.Ltmp14:
0x6c: {  	s29 =	sshra.s32 s24, $0x2;
	s24 =	smov.u32 s23;
	(pc) =	sbr.rel @p1 .LBB2_23-.Ltmp14, $4  }
0x6d: {  	s23 =	smov.u32 s28;
	[tilespmem:s29+$0x6480] =	vst v18  }
0x6e: {  	v18 =	vld.idx.msk [tilespmem:v17+s25+$0x0], $0xffff  }
0x6f: {  	s26 =	sadd.s32 $0xFFFFFFF0, s26  }
0x70: {  	s28 =	sadd.s32 $0x40, s28;
	v17 =	vadd.s32 s26, v4  }
0x71: {  	s25 =	smov.u32 s24;
	s24 =	smov.u32 s23  }
.LBB2_25:
0x72: {  	_ =	sdelay $0x1  }
0x73: {  	s25 =	sshra.s32 @p0 s25, $0x2  }
0x74: {  	s23 =	simm.s32 $0x0;
	[tilespmem:s25+$0x6480] =	vst @p0 v18  }
0x75: {  	p1 =	por $0x1, $0x1;
	v17 =	vld.idx.msk [tilespmem:v17+s23+$0x0], $0xffff  }
.Ltmp15:
0x76: {  	_ = 	snop;
	(pc) =	sbr.rel @!p1 .LBB2_26-.Ltmp15, $3  }
0x77: {  	_ =	sdelay $0x1  }
0x78: {  	s24 =	sshra.s32 s24, $0x2  }
0x79: {  	p0 =	por $0x0, $0x0;
	[tilespmem:s24+$0x6480] =	vst v17;
	v17 =	vadd.s32 s17, v5;
	s24 =	simm.s32 $0x40  }
0x7a: {  	p3 =	por $0x1, $0x1  }
.Ltmp16:
0x7b: {  	_ = 	snop;
	(pc) =	sbr.rel @!p3 .LBB2_28-.Ltmp16, $3  }
0x7c: {  	_ =	sdelay $0x1  }
0x7d: {  	v18 =	vld.idx.msk [tilespmem:v17+s23+$0x0], $0xffff;
	s28 =	sadd.s32 $0xFFFFFFF0, s17;
	s29 =	simm.s32 $0x80  }
0x7e: {  	p2 =	por $0x1, $0x1;
	s25 =	simm.s32 $0x0;
	s26 =	simm.s32 $0x40;
	v17 =	vadd.s32 s28, v5  }
.LBB2_29:
0x7f: {  	p3 =	sne.s32 s29, $0x13C0;
	_ =	sdelay $0x1  }
.Ltmp17:
0x80: {  	s30 =	sshra.s32 s25, $0x2;
	s25 =	smov.u32 s26;
	(pc) =	sbr.rel @p3 .LBB2_29-.Ltmp17, $4  }
0x81: {  	s26 =	smov.u32 s29;
	[tilespmem:s30+$0x6980] =	vst v18  }
0x82: {  	v18 =	vld.idx.msk [tilespmem:v17+s23+$0x0], $0xffff  }
0x83: {  	s28 =	sadd.s32 $0xFFFFFFF0, s28  }
0x84: {  	s29 =	sadd.s32 $0x40, s29;
	v17 =	vadd.s32 s28, v5  }
.LBB2_30:
0x85: {  	_ =	sdelay $0x1  }
0x86: {  	s25 =	sshra.s32 @p2 s25, $0x2  }
0x87: {  	[tilespmem:s25+$0x6980] =	vst @p2 v18  }
0x88: {  	v17 =	vld.idx.msk [tilespmem:v17+s23+$0x0], $0xffff  }
.Ltmp18:
0x89: {  	_ = 	snop;
	(pc) =	sbr.rel @!p1 .LBB2_31-.Ltmp18, $3  }
0x8a: {  	_ =	sdelay $0x1  }
0x8b: {  	s31 =	sshra.s32 s26, $0x2  }
0x8c: {  	[tilespmem:s31+$0x6980] =	vst v17;
	v17 =	vadd.s32 s17, v6  }
0x8d: {  	p1 =	por $0x1, $0x1  }
.Ltmp19:
0x8e: {  	_ = 	snop;
	(pc) =	sbr.rel @!p1 .LBB2_33-.Ltmp19, $4  }
0x8f: {  	_ = 	snop  }
0x90: {  	s25 =	simm.s32 $0x0  }
0x91: {  	s26 =	sadd.s32 $0xFFFFFFF0, s17;
	v18 =	vld.idx.msk [tilespmem:v17+s25+$0x0], $0xffff  }
0x92: {  	s28 =	simm.s32 $0x80;
	p0 =	por $0x1, $0x1;
	v17 =	vadd.s32 s26, v6  }
.LBB2_34:
0x93: {  	p1 =	sne.s32 s28, $0x13C0;
	_ =	sdelay $0x1  }
.Ltmp20:
0x94: {  	s29 =	sshra.s32 s23, $0x2;
	s23 =	smov.u32 s24;
	(pc) =	sbr.rel @p1 .LBB2_34-.Ltmp20, $4  }
0x95: {  	s24 =	smov.u32 s28;
	[tilespmem:s29+$0x6E80] =	vst v18  }
0x96: {  	v18 =	vld.idx.msk [tilespmem:v17+s25+$0x0], $0xffff  }
0x97: {  	s26 =	sadd.s32 $0xFFFFFFF0, s26  }
0x98: {  	s28 =	sadd.s32 $0x40, s28;
	v17 =	vadd.s32 s26, v6  }
0x99: {  	s25 =	smov.u32 s23;
	s23 =	smov.u32 s24  }
.LBB2_36:
0x9a: {  	_ =	sdelay $0x1  }
0x9b: {  	s25 =	sshra.s32 @p0 s25, $0x2  }
0x9c: {  	s24 =	simm.s32 $0x0;
	[tilespmem:s25+$0x6E80] =	vst @p0 v18  }
0x9d: {  	p1 =	por $0x1, $0x1;
	v17 =	vld.idx.msk [tilespmem:v17+s24+$0x0], $0xffff  }
.Ltmp21:
0x9e: {  	_ = 	snop;
	(pc) =	sbr.rel @!p1 .LBB2_37-.Ltmp21, $3  }
0x9f: {  	_ =	sdelay $0x1  }
0xa0: {  	s23 =	sshra.s32 s23, $0x2  }
0xa1: {  	p0 =	por $0x0, $0x0;
	[tilespmem:s23+$0x6E80] =	vst v17;
	v17 =	vadd.s32 s17, v7;
	s23 =	simm.s32 $0x40  }
0xa2: {  	p3 =	por $0x1, $0x1  }
.Ltmp22:
0xa3: {  	_ = 	snop;
	(pc) =	sbr.rel @!p3 .LBB2_39-.Ltmp22, $3  }
0xa4: {  	_ =	sdelay $0x1  }
0xa5: {  	v18 =	vld.idx.msk [tilespmem:v17+s24+$0x0], $0xffff;
	s28 =	sadd.s32 $0xFFFFFFF0, s17;
	s29 =	simm.s32 $0x80  }
0xa6: {  	p2 =	por $0x1, $0x1;
	s25 =	simm.s32 $0x0;
	s26 =	simm.s32 $0x40;
	v17 =	vadd.s32 s28, v7  }
.LBB2_40:
0xa7: {  	p3 =	sne.s32 s29, $0x13C0;
	_ =	sdelay $0x1  }
.Ltmp23:
0xa8: {  	s30 =	sshra.s32 s25, $0x2;
	s25 =	smov.u32 s26;
	(pc) =	sbr.rel @p3 .LBB2_40-.Ltmp23, $4  }
0xa9: {  	s26 =	smov.u32 s29;
	[tilespmem:s30+$0x7380] =	vst v18  }
0xaa: {  	v18 =	vld.idx.msk [tilespmem:v17+s24+$0x0], $0xffff  }
0xab: {  	s28 =	sadd.s32 $0xFFFFFFF0, s28  }
0xac: {  	s29 =	sadd.s32 $0x40, s29;
	v17 =	vadd.s32 s28, v7  }
.LBB2_41:
0xad: {  	_ =	sdelay $0x1  }
0xae: {  	s25 =	sshra.s32 @p2 s25, $0x2  }
0xaf: {  	[tilespmem:s25+$0x7380] =	vst @p2 v18  }
0xb0: {  	v17 =	vld.idx.msk [tilespmem:v17+s24+$0x0], $0xffff  }
.Ltmp24:
0xb1: {  	_ = 	snop;
	(pc) =	sbr.rel @!p1 .LBB2_42-.Ltmp24, $3  }
0xb2: {  	_ =	sdelay $0x1  }
0xb3: {  	s31 =	sshra.s32 s26, $0x2  }
0xb4: {  	[tilespmem:s31+$0x7380] =	vst v17;
	v17 =	vadd.s32 s17, v8  }
0xb5: {  	p1 =	por $0x1, $0x1  }
.Ltmp25:
0xb6: {  	_ = 	snop;
	(pc) =	sbr.rel @!p1 .LBB2_44-.Ltmp25, $4  }
0xb7: {  	_ = 	snop  }
0xb8: {  	s25 =	simm.s32 $0x0  }
0xb9: {  	s26 =	sadd.s32 $0xFFFFFFF0, s17;
	v18 =	vld.idx.msk [tilespmem:v17+s25+$0x0], $0xffff  }
0xba: {  	s28 =	simm.s32 $0x80;
	p0 =	por $0x1, $0x1;
	v17 =	vadd.s32 s26, v8  }
.LBB2_45:
0xbb: {  	p1 =	sne.s32 s28, $0x13C0;
	_ =	sdelay $0x1  }
.Ltmp26:
0xbc: {  	s29 =	sshra.s32 s24, $0x2;
	s24 =	smov.u32 s23;
	(pc) =	sbr.rel @p1 .LBB2_45-.Ltmp26, $4  }
0xbd: {  	s23 =	smov.u32 s28;
	[tilespmem:s29+$0x7880] =	vst v18  }
0xbe: {  	v18 =	vld.idx.msk [tilespmem:v17+s25+$0x0], $0xffff  }
0xbf: {  	s26 =	sadd.s32 $0xFFFFFFF0, s26  }
0xc0: {  	s28 =	sadd.s32 $0x40, s28;
	v17 =	vadd.s32 s26, v8  }
0xc1: {  	s25 =	smov.u32 s24;
	s24 =	smov.u32 s23  }
.LBB2_47:
0xc2: {  	_ =	sdelay $0x1  }
0xc3: {  	s25 =	sshra.s32 @p0 s25, $0x2  }
0xc4: {  	s23 =	simm.s32 $0x0;
	[tilespmem:s25+$0x7880] =	vst @p0 v18  }
0xc5: {  	p1 =	por $0x1, $0x1;
	v17 =	vld.idx.msk [tilespmem:v17+s23+$0x0], $0xffff  }
.Ltmp27:
0xc6: {  	_ = 	snop;
	(pc) =	sbr.rel @!p1 .LBB2_48-.Ltmp27, $3  }
0xc7: {  	_ =	sdelay $0x1  }
0xc8: {  	s24 =	sshra.s32 s24, $0x2  }
0xc9: {  	p0 =	por $0x0, $0x0;
	[tilespmem:s24+$0x7880] =	vst v17;
	v17 =	vadd.s32 s17, v9;
	s24 =	simm.s32 $0x40  }
0xca: {  	p3 =	por $0x1, $0x1  }
.Ltmp28:
0xcb: {  	_ = 	snop;
	(pc) =	sbr.rel @!p3 .LBB2_50-.Ltmp28, $3  }
0xcc: {  	_ =	sdelay $0x1  }
0xcd: {  	v18 =	vld.idx.msk [tilespmem:v17+s23+$0x0], $0xffff;
	s28 =	sadd.s32 $0xFFFFFFF0, s17;
	s29 =	simm.s32 $0x80  }
0xce: {  	p2 =	por $0x1, $0x1;
	s25 =	simm.s32 $0x0;
	s26 =	simm.s32 $0x40;
	v17 =	vadd.s32 s28, v9  }
.LBB2_51:
0xcf: {  	p3 =	sne.s32 s29, $0x13C0;
	_ =	sdelay $0x1  }
.Ltmp29:
0xd0: {  	s30 =	sshra.s32 s25, $0x2;
	s25 =	smov.u32 s26;
	(pc) =	sbr.rel @p3 .LBB2_51-.Ltmp29, $4  }
0xd1: {  	s26 =	smov.u32 s29;
	[tilespmem:s30+$0x7D80] =	vst v18  }
0xd2: {  	v18 =	vld.idx.msk [tilespmem:v17+s23+$0x0], $0xffff  }
0xd3: {  	s28 =	sadd.s32 $0xFFFFFFF0, s28  }
0xd4: {  	s29 =	sadd.s32 $0x40, s29;
	v17 =	vadd.s32 s28, v9  }
.LBB2_52:
0xd5: {  	_ =	sdelay $0x1  }
0xd6: {  	s25 =	sshra.s32 @p2 s25, $0x2  }
0xd7: {  	[tilespmem:s25+$0x7D80] =	vst @p2 v18  }
0xd8: {  	v17 =	vld.idx.msk [tilespmem:v17+s23+$0x0], $0xffff  }
.Ltmp30:
0xd9: {  	_ = 	snop;
	(pc) =	sbr.rel @!p1 .LBB2_53-.Ltmp30, $3  }
0xda: {  	_ =	sdelay $0x1  }
0xdb: {  	s31 =	sshra.s32 s26, $0x2  }
0xdc: {  	[tilespmem:s31+$0x7D80] =	vst v17;
	v17 =	vadd.s32 s17, v10  }
0xdd: {  	p1 =	por $0x1, $0x1  }
.Ltmp31:
0xde: {  	_ = 	snop;
	(pc) =	sbr.rel @!p1 .LBB2_55-.Ltmp31, $4  }
0xdf: {  	_ = 	snop  }
0xe0: {  	s25 =	simm.s32 $0x0  }
0xe1: {  	s26 =	sadd.s32 $0xFFFFFFF0, s17;
	v18 =	vld.idx.msk [tilespmem:v17+s25+$0x0], $0xffff  }
0xe2: {  	s28 =	simm.s32 $0x80;
	p0 =	por $0x1, $0x1;
	v17 =	vadd.s32 s26, v10  }
.LBB2_56:
0xe3: {  	p1 =	sne.s32 s28, $0x13C0;
	_ =	sdelay $0x1  }
.Ltmp32:
0xe4: {  	s29 =	sshra.s32 s23, $0x2;
	s23 =	smov.u32 s24;
	(pc) =	sbr.rel @p1 .LBB2_56-.Ltmp32, $4  }
0xe5: {  	s24 =	smov.u32 s28;
	[tilespmem:s29+$0x8280] =	vst v18  }
0xe6: {  	v18 =	vld.idx.msk [tilespmem:v17+s25+$0x0], $0xffff  }
0xe7: {  	s26 =	sadd.s32 $0xFFFFFFF0, s26  }
0xe8: {  	s28 =	sadd.s32 $0x40, s28;
	v17 =	vadd.s32 s26, v10  }
0xe9: {  	s25 =	smov.u32 s23;
	s23 =	smov.u32 s24  }
.LBB2_58:
0xea: {  	_ =	sdelay $0x1  }
0xeb: {  	s25 =	sshra.s32 @p0 s25, $0x2  }
0xec: {  	s24 =	simm.s32 $0x0;
	[tilespmem:s25+$0x8280] =	vst @p0 v18  }
0xed: {  	p1 =	por $0x1, $0x1;
	v17 =	vld.idx.msk [tilespmem:v17+s24+$0x0], $0xffff  }
.Ltmp33:
0xee: {  	_ = 	snop;
	(pc) =	sbr.rel @!p1 .LBB2_59-.Ltmp33, $3  }
0xef: {  	_ =	sdelay $0x1  }
0xf0: {  	s23 =	sshra.s32 s23, $0x2  }
0xf1: {  	p0 =	por $0x0, $0x0;
	[tilespmem:s23+$0x8280] =	vst v17;
	v17 =	vadd.s32 s17, v11;
	s23 =	simm.s32 $0x40  }
0xf2: {  	p3 =	por $0x1, $0x1  }
.Ltmp34:
0xf3: {  	_ = 	snop;
	(pc) =	sbr.rel @!p3 .LBB2_61-.Ltmp34, $3  }
0xf4: {  	_ =	sdelay $0x1  }
0xf5: {  	v18 =	vld.idx.msk [tilespmem:v17+s24+$0x0], $0xffff;
	s28 =	sadd.s32 $0xFFFFFFF0, s17;
	s29 =	simm.s32 $0x80  }
0xf6: {  	p2 =	por $0x1, $0x1;
	s25 =	simm.s32 $0x0;
	s26 =	simm.s32 $0x40;
	v17 =	vadd.s32 s28, v11  }
.LBB2_62:
0xf7: {  	p3 =	sne.s32 s29, $0x13C0;
	_ =	sdelay $0x1  }
.Ltmp35:
0xf8: {  	s30 =	sshra.s32 s25, $0x2;
	s25 =	smov.u32 s26;
	(pc) =	sbr.rel @p3 .LBB2_62-.Ltmp35, $4  }
0xf9: {  	s26 =	smov.u32 s29;
	[tilespmem:s30+$0x8780] =	vst v18  }
0xfa: {  	v18 =	vld.idx.msk [tilespmem:v17+s24+$0x0], $0xffff  }
0xfb: {  	s28 =	sadd.s32 $0xFFFFFFF0, s28  }
0xfc: {  	s29 =	sadd.s32 $0x40, s29;
	v17 =	vadd.s32 s28, v11  }
.LBB2_63:
0xfd: {  	_ =	sdelay $0x1  }
0xfe: {  	s25 =	sshra.s32 @p2 s25, $0x2  }
0xff: {  	[tilespmem:s25+$0x8780] =	vst @p2 v18  }
0x100: {  	v17 =	vld.idx.msk [tilespmem:v17+s24+$0x0], $0xffff  }
.Ltmp36:
0x101: {  	_ = 	snop;
	(pc) =	sbr.rel @!p1 .LBB2_64-.Ltmp36, $3  }
0x102: {  	_ =	sdelay $0x1  }
0x103: {  	s31 =	sshra.s32 s26, $0x2  }
0x104: {  	[tilespmem:s31+$0x8780] =	vst v17;
	v17 =	vadd.s32 s17, v12  }
0x105: {  	p1 =	por $0x1, $0x1  }
.Ltmp37:
0x106: {  	_ = 	snop;
	(pc) =	sbr.rel @!p1 .LBB2_66-.Ltmp37, $4  }
0x107: {  	_ = 	snop  }
0x108: {  	s25 =	simm.s32 $0x0  }
0x109: {  	s26 =	sadd.s32 $0xFFFFFFF0, s17;
	v18 =	vld.idx.msk [tilespmem:v17+s25+$0x0], $0xffff  }
0x10a: {  	s28 =	simm.s32 $0x80;
	p0 =	por $0x1, $0x1;
	v17 =	vadd.s32 s26, v12  }
.LBB2_67:
0x10b: {  	p1 =	sne.s32 s28, $0x13C0;
	_ =	sdelay $0x1  }
.Ltmp38:
0x10c: {  	s29 =	sshra.s32 s24, $0x2;
	s24 =	smov.u32 s23;
	(pc) =	sbr.rel @p1 .LBB2_67-.Ltmp38, $4  }
0x10d: {  	s23 =	smov.u32 s28;
	[tilespmem:s29+$0x8C80] =	vst v18  }
0x10e: {  	v18 =	vld.idx.msk [tilespmem:v17+s25+$0x0], $0xffff  }
0x10f: {  	s26 =	sadd.s32 $0xFFFFFFF0, s26  }
0x110: {  	s28 =	sadd.s32 $0x40, s28;
	v17 =	vadd.s32 s26, v12  }
0x111: {  	s25 =	smov.u32 s24;
	s24 =	smov.u32 s23  }
.LBB2_69:
0x112: {  	_ =	sdelay $0x1  }
0x113: {  	s23 =	sshra.s32 @p0 s25, $0x2  }
0x114: {  	s25 =	simm.s32 $0x0;
	[tilespmem:s23+$0x8C80] =	vst @p0 v18  }
0x115: {  	p1 =	por $0x1, $0x1;
	v17 =	vld.idx.msk [tilespmem:v17+s25+$0x0], $0xffff  }
.Ltmp39:
0x116: {  	_ = 	snop;
	(pc) =	sbr.rel @!p1 .LBB2_70-.Ltmp39, $3  }
0x117: {  	_ =	sdelay $0x1  }
0x118: {  	s31 =	sshra.s32 s24, $0x2  }
0x119: {  	s23 =	simm.s32 $0x40;
	p0 =	por $0x0, $0x0;
	[tilespmem:s31+$0x8C80] =	vst v17;
	v17 =	vadd.s32 s17, v13  }
0x11a: {  	p3 =	por $0x1, $0x1  }
.Ltmp40:
0x11b: {  	_ = 	snop;
	(pc) =	sbr.rel @!p3 .LBB2_72-.Ltmp40, $3  }
0x11c: {  	_ =	sdelay $0x1  }
0x11d: {  	v18 =	vld.idx.msk [tilespmem:v17+s25+$0x0], $0xffff;
	s28 =	sadd.s32 $0xFFFFFFF0, s17;
	s29 =	simm.s32 $0x80  }
0x11e: {  	p2 =	por $0x1, $0x1;
	s24 =	simm.s32 $0x0;
	s26 =	simm.s32 $0x40;
	v17 =	vadd.s32 s28, v13  }
.LBB2_73:
0x11f: {  	p3 =	sne.s32 s29, $0x13C0;
	_ =	sdelay $0x1  }
.Ltmp41:
0x120: {  	s30 =	sshra.s32 s24, $0x2;
	s24 =	smov.u32 s26;
	(pc) =	sbr.rel @p3 .LBB2_73-.Ltmp41, $4  }
0x121: {  	s26 =	smov.u32 s29;
	[tilespmem:s30+$0x9180] =	vst v18  }
0x122: {  	v18 =	vld.idx.msk [tilespmem:v17+s25+$0x0], $0xffff  }
0x123: {  	s28 =	sadd.s32 $0xFFFFFFF0, s28  }
0x124: {  	s29 =	sadd.s32 $0x40, s29;
	v17 =	vadd.s32 s28, v13  }
.LBB2_74:
0x125: {  	_ =	sdelay $0x1  }
0x126: {  	s24 =	sshra.s32 @p2 s24, $0x2  }
0x127: {  	[tilespmem:s24+$0x9180] =	vst @p2 v18  }
0x128: {  	v17 =	vld.idx.msk [tilespmem:v17+s25+$0x0], $0xffff  }
.Ltmp42:
0x129: {  	_ = 	snop;
	(pc) =	sbr.rel @!p1 .LBB2_75-.Ltmp42, $3  }
0x12a: {  	_ =	sdelay $0x1  }
0x12b: {  	s31 =	sshra.s32 s26, $0x2  }
0x12c: {  	[tilespmem:s31+$0x9180] =	vst v17;
	v17 =	vadd.s32 s17, v14  }
0x12d: {  	p1 =	por $0x1, $0x1  }
.Ltmp43:
0x12e: {  	_ = 	snop;
	(pc) =	sbr.rel @!p1 .LBB2_77-.Ltmp43, $4  }
0x12f: {  	_ = 	snop  }
0x130: {  	s24 =	simm.s32 $0x0  }
0x131: {  	s26 =	sadd.s32 $0xFFFFFFF0, s17;
	v18 =	vld.idx.msk [tilespmem:v17+s24+$0x0], $0xffff  }
0x132: {  	s28 =	simm.s32 $0x80;
	p0 =	por $0x1, $0x1;
	v17 =	vadd.s32 s26, v14  }
.LBB2_78:
0x133: {  	p1 =	sne.s32 s28, $0x13C0;
	_ =	sdelay $0x1  }
.Ltmp44:
0x134: {  	s29 =	sshra.s32 s25, $0x2;
	s25 =	smov.u32 s23;
	(pc) =	sbr.rel @p1 .LBB2_78-.Ltmp44, $4  }
0x135: {  	s23 =	smov.u32 s28;
	[tilespmem:s29+$0x9680] =	vst v18  }
0x136: {  	v18 =	vld.idx.msk [tilespmem:v17+s24+$0x0], $0xffff  }
0x137: {  	s26 =	sadd.s32 $0xFFFFFFF0, s26  }
0x138: {  	s28 =	sadd.s32 $0x40, s28;
	v17 =	vadd.s32 s26, v14  }
0x139: {  	s24 =	smov.u32 s25;
	s25 =	smov.u32 s23  }
.LBB2_80:
0x13a: {  	_ =	sdelay $0x1  }
0x13b: {  	s24 =	sshra.s32 @p0 s24, $0x2  }
0x13c: {  	s23 =	simm.s32 $0x0;
	[tilespmem:s24+$0x9680] =	vst @p0 v18  }
0x13d: {  	p1 =	por $0x1, $0x1;
	v17 =	vld.idx.msk [tilespmem:v17+s23+$0x0], $0xffff  }
.Ltmp45:
0x13e: {  	_ = 	snop;
	(pc) =	sbr.rel @!p1 .LBB2_81-.Ltmp45, $3  }
0x13f: {  	_ =	sdelay $0x1  }
0x140: {  	s31 =	sshra.s32 s25, $0x2  }
0x141: {  	s24 =	simm.s32 $0x40;
	p0 =	por $0x0, $0x0;
	[tilespmem:s31+$0x9680] =	vst v17;
	v17 =	vadd.s32 s17, v15  }
0x142: {  	p1 =	por $0x1, $0x1  }
.Ltmp46:
0x143: {  	_ = 	snop;
	(pc) =	sbr.rel @!p1 .LBB2_83-.Ltmp46, $3  }
0x144: {  	_ =	sdelay $0x1  }
0x145: {  	v18 =	vld.idx.msk [tilespmem:v17+s3+$0x0], $0xffff;
	s28 =	sadd.s32 $0xFFFFFFF0, s17;
	s29 =	simm.s32 $0x80  }
0x146: {  	p0 =	por $0x1, $0x1;
	s25 =	simm.s32 $0x0;
	s26 =	simm.s32 $0x40;
	v17 =	vadd.s32 s28, v15  }
.LBB2_84:
0x147: {  	p1 =	sne.s32 s29, $0x13C0;
	_ =	sdelay $0x1  }
.Ltmp47:
0x148: {  	s30 =	sshra.s32 s25, $0x2;
	s25 =	smov.u32 s26;
	(pc) =	sbr.rel @p1 .LBB2_84-.Ltmp47, $4  }
0x149: {  	s26 =	smov.u32 s29;
	[tilespmem:s30+$0x9B80] =	vst v18  }
0x14a: {  	v18 =	vld.idx.msk [tilespmem:v17+s3+$0x0], $0xffff  }
0x14b: {  	s28 =	sadd.s32 $0xFFFFFFF0, s28  }
0x14c: {  	s29 =	sadd.s32 $0x40, s29;
	v17 =	vadd.s32 s28, v15  }
.LBB2_85:
0x14d: {  	_ =	sdelay $0x1  }
0x14e: {  	s25 =	sshra.s32 @p0 s25, $0x2  }
0x14f: {  	[tilespmem:s25+$0x9B80] =	vst @p0 v18  }
0x150: {  	v17 =	vld.idx.msk [tilespmem:v17+s3+$0x0], $0xffff;
	_ =	sdelay $0x3  }
0x151: {  	s31 =	sshra.s32 s26, $0x2  }
0x152: {  	[tilespmem:s31+$0x9B80] =	vst v17  }
0x153: {  	[tilespmem:s23], [sflag:$0x2] =	stream.strided.gather [hbm4b:s5+s18], $0x5080, s19, s18, $0x38;
	[tilespmem:$0x19080] =	vst v63  }
0x154: {  	_ =	swait.ge [sflag:s20], $0x5080  }
0x155: {  	[sflag:s20] =	ssyncset.done $0x0  }
0x156: {  	[sflag:s20] =	ssyncadd.s32 $0xFFFFAF80  }
0x157: {  	s25 =	sadd.s32 $0xFFFFFFF0, s17;
	v17 =	vld.idx.msk [tilespmem:v16+s23+$0x0], $0xffff  }
0x158: {  	s28 =	simm.s32 $0x80;
	s29 =	simm.s32 $0x0;
	s26 =	simm.s32 $0x40;
	v18 =	vadd.s32 s25, v0  }
.LBB2_86:
0x159: {  	p0 =	sne.s32 s28, $0x13C0;
	_ =	sdelay $0x1  }
.Ltmp48:
0x15a: {  	s30 =	sshra.s32 s29, $0x2;
	s29 =	smov.u32 s26;
	(pc) =	sbr.rel @p0 .LBB2_86-.Ltmp48, $4  }
0x15b: {  	s26 =	smov.u32 s28;
	[tilespmem:s30+$0xA080] =	vst v17  }
0x15c: {  	v17 =	vld.idx.msk [tilespmem:v18+s23+$0x0], $0xffff  }
0x15d: {  	s25 =	sadd.s32 $0xFFFFFFF0, s25  }
0x15e: {  	s28 =	sadd.s32 $0x40, s28;
	v18 =	vadd.s32 s25, v0  }
0x15f: {  	_ =	sdelay $0x1  }
0x160: {  	s25 =	sshra.s32 s29, $0x2  }
0x161: {  	[tilespmem:s25+$0xA080] =	vst v17  }
0x162: {  	v18 =	vld.idx.msk [tilespmem:v18+s23+$0x0], $0xffff  }
0x163: {  	v17 =	vadd.s32 s17, v1;
	_ =	sdelay $0x2  }
0x164: {  	s31 =	sshra.s32 s26, $0x2  }
0x165: {  	s25 =	simm.s32 $0x0;
	[tilespmem:s31+$0xA080] =	vst v18  }
0x166: {  	s26 =	sadd.s32 $0xFFFFFFF0, s17;
	v18 =	vld.idx.msk [tilespmem:v17+s25+$0x0], $0xffff  }
0x167: {  	s28 =	simm.s32 $0x80;
	v19 =	vadd.s32 s26, v1  }
.LBB2_88:
0x168: {  	p0 =	sne.s32 s28, $0x13C0;
	_ =	sdelay $0x1  }
.Ltmp49:
0x169: {  	s29 =	sshra.s32 s23, $0x2;
	s23 =	smov.u32 s24;
	(pc) =	sbr.rel @p0 .LBB2_88-.Ltmp49, $4  }
0x16a: {  	s24 =	smov.u32 s28;
	[tilespmem:s29+$0xA580] =	vst v18  }
0x16b: {  	v18 =	vld.idx.msk [tilespmem:v19+s25+$0x0], $0xffff  }
0x16c: {  	s26 =	sadd.s32 $0xFFFFFFF0, s26  }
0x16d: {  	s28 =	sadd.s32 $0x40, s28;
	v19 =	vadd.s32 s26, v1  }
0x16e: {  	_ =	sdelay $0x1  }
0x16f: {  	s25 =	sshra.s32 s23, $0x2  }
0x170: {  	s23 =	simm.s32 $0x0;
	[tilespmem:s25+$0xA580] =	vst v18  }
0x171: {  	p1 =	por $0x1, $0x1;
	v18 =	vld.idx.msk [tilespmem:v19+s23+$0x0], $0xffff  }
.Ltmp50:
0x172: {  	_ = 	snop;
	(pc) =	sbr.rel @!p1 .LBB2_90-.Ltmp50, $3  }
0x173: {  	_ =	sdelay $0x1  }
0x174: {  	s24 =	sshra.s32 s24, $0x2  }
0x175: {  	p0 =	por $0x0, $0x0;
	[tilespmem:s24+$0xA580] =	vst v18;
	v18 =	vadd.s32 s17, v2;
	s24 =	simm.s32 $0x40  }
0x176: {  	p3 =	por $0x1, $0x1  }
.Ltmp51:
0x177: {  	_ = 	snop;
	(pc) =	sbr.rel @!p3 .LBB2_92-.Ltmp51, $3  }
0x178: {  	_ =	sdelay $0x1  }
0x179: {  	v19 =	vld.idx.msk [tilespmem:v18+s23+$0x0], $0xffff;
	s28 =	sadd.s32 $0xFFFFFFF0, s17;
	s29 =	simm.s32 $0x80  }
0x17a: {  	p2 =	por $0x1, $0x1;
	s25 =	simm.s32 $0x0;
	s26 =	simm.s32 $0x40;
	v18 =	vadd.s32 s28, v2  }
.LBB2_93:
0x17b: {  	p3 =	sne.s32 s29, $0x13C0;
	_ =	sdelay $0x1  }
.Ltmp52:
0x17c: {  	s30 =	sshra.s32 s25, $0x2;
	s25 =	smov.u32 s26;
	(pc) =	sbr.rel @p3 .LBB2_93-.Ltmp52, $4  }
0x17d: {  	s26 =	smov.u32 s29;
	[tilespmem:s30+$0xAA80] =	vst v19  }
0x17e: {  	v19 =	vld.idx.msk [tilespmem:v18+s23+$0x0], $0xffff  }
0x17f: {  	s28 =	sadd.s32 $0xFFFFFFF0, s28  }
0x180: {  	s29 =	sadd.s32 $0x40, s29;
	v18 =	vadd.s32 s28, v2  }
.LBB2_94:
0x181: {  	_ =	sdelay $0x1  }
0x182: {  	s25 =	sshra.s32 @p2 s25, $0x2  }
0x183: {  	[tilespmem:s25+$0xAA80] =	vst @p2 v19  }
0x184: {  	v18 =	vld.idx.msk [tilespmem:v18+s23+$0x0], $0xffff  }
.Ltmp53:
0x185: {  	_ = 	snop;
	(pc) =	sbr.rel @!p1 .LBB2_95-.Ltmp53, $3  }
0x186: {  	_ =	sdelay $0x1  }
0x187: {  	s31 =	sshra.s32 s26, $0x2  }
0x188: {  	[tilespmem:s31+$0xAA80] =	vst v18;
	v18 =	vadd.s32 s17, v3  }
0x189: {  	p1 =	por $0x1, $0x1  }
.Ltmp54:
0x18a: {  	_ = 	snop;
	(pc) =	sbr.rel @!p1 .LBB2_97-.Ltmp54, $4  }
0x18b: {  	_ = 	snop  }
0x18c: {  	s25 =	simm.s32 $0x0  }
0x18d: {  	s26 =	sadd.s32 $0xFFFFFFF0, s17;
	v19 =	vld.idx.msk [tilespmem:v18+s25+$0x0], $0xffff  }
0x18e: {  	s28 =	simm.s32 $0x80;
	p0 =	por $0x1, $0x1;
	v18 =	vadd.s32 s26, v3  }
.LBB2_98:
0x18f: {  	p1 =	sne.s32 s28, $0x13C0;
	_ =	sdelay $0x1  }
.Ltmp55:
0x190: {  	s29 =	sshra.s32 s23, $0x2;
	s23 =	smov.u32 s24;
	(pc) =	sbr.rel @p1 .LBB2_98-.Ltmp55, $4  }
0x191: {  	s24 =	smov.u32 s28;
	[tilespmem:s29+$0xAF80] =	vst v19  }
0x192: {  	v19 =	vld.idx.msk [tilespmem:v18+s25+$0x0], $0xffff  }
0x193: {  	s26 =	sadd.s32 $0xFFFFFFF0, s26  }
0x194: {  	s28 =	sadd.s32 $0x40, s28;
	v18 =	vadd.s32 s26, v3  }
0x195: {  	s25 =	smov.u32 s23;
	s23 =	smov.u32 s24  }
.LBB2_100:
0x196: {  	_ =	sdelay $0x1  }
0x197: {  	s25 =	sshra.s32 @p0 s25, $0x2  }
0x198: {  	s24 =	simm.s32 $0x0;
	[tilespmem:s25+$0xAF80] =	vst @p0 v19  }
0x199: {  	p1 =	por $0x1, $0x1;
	v18 =	vld.idx.msk [tilespmem:v18+s24+$0x0], $0xffff  }
.Ltmp56:
0x19a: {  	_ = 	snop;
	(pc) =	sbr.rel @!p1 .LBB2_101-.Ltmp56, $3  }
0x19b: {  	_ =	sdelay $0x1  }
0x19c: {  	s23 =	sshra.s32 s23, $0x2  }
0x19d: {  	p0 =	por $0x0, $0x0;
	[tilespmem:s23+$0xAF80] =	vst v18;
	v18 =	vadd.s32 s17, v4;
	s23 =	simm.s32 $0x40  }
0x19e: {  	p3 =	por $0x1, $0x1  }
.Ltmp57:
0x19f: {  	_ = 	snop;
	(pc) =	sbr.rel @!p3 .LBB2_103-.Ltmp57, $3  }
0x1a0: {  	_ =	sdelay $0x1  }
0x1a1: {  	v19 =	vld.idx.msk [tilespmem:v18+s24+$0x0], $0xffff;
	s28 =	sadd.s32 $0xFFFFFFF0, s17;
	s29 =	simm.s32 $0x80  }
0x1a2: {  	p2 =	por $0x1, $0x1;
	s25 =	simm.s32 $0x0;
	s26 =	simm.s32 $0x40;
	v18 =	vadd.s32 s28, v4  }
.LBB2_104:
0x1a3: {  	p3 =	sne.s32 s29, $0x13C0;
	_ =	sdelay $0x1  }
.Ltmp58:
0x1a4: {  	s30 =	sshra.s32 s25, $0x2;
	s25 =	smov.u32 s26;
	(pc) =	sbr.rel @p3 .LBB2_104-.Ltmp58, $4  }
0x1a5: {  	s26 =	smov.u32 s29;
	[tilespmem:s30+$0xB480] =	vst v19  }
0x1a6: {  	v19 =	vld.idx.msk [tilespmem:v18+s24+$0x0], $0xffff  }
0x1a7: {  	s28 =	sadd.s32 $0xFFFFFFF0, s28  }
0x1a8: {  	s29 =	sadd.s32 $0x40, s29;
	v18 =	vadd.s32 s28, v4  }
.LBB2_105:
0x1a9: {  	_ =	sdelay $0x1  }
0x1aa: {  	s25 =	sshra.s32 @p2 s25, $0x2  }
0x1ab: {  	[tilespmem:s25+$0xB480] =	vst @p2 v19  }
0x1ac: {  	v18 =	vld.idx.msk [tilespmem:v18+s24+$0x0], $0xffff  }
.Ltmp59:
0x1ad: {  	_ = 	snop;
	(pc) =	sbr.rel @!p1 .LBB2_106-.Ltmp59, $3  }
0x1ae: {  	_ =	sdelay $0x1  }
0x1af: {  	s31 =	sshra.s32 s26, $0x2  }
0x1b0: {  	[tilespmem:s31+$0xB480] =	vst v18;
	v18 =	vadd.s32 s17, v5  }
0x1b1: {  	p1 =	por $0x1, $0x1  }
.Ltmp60:
0x1b2: {  	_ = 	snop;
	(pc) =	sbr.rel @!p1 .LBB2_108-.Ltmp60, $4  }
0x1b3: {  	_ = 	snop  }
0x1b4: {  	s25 =	simm.s32 $0x0  }
0x1b5: {  	s26 =	sadd.s32 $0xFFFFFFF0, s17;
	v19 =	vld.idx.msk [tilespmem:v18+s25+$0x0], $0xffff  }
0x1b6: {  	s28 =	simm.s32 $0x80;
	p0 =	por $0x1, $0x1;
	v18 =	vadd.s32 s26, v5  }
.LBB2_109:
0x1b7: {  	p1 =	sne.s32 s28, $0x13C0;
	_ =	sdelay $0x1  }
.Ltmp61:
0x1b8: {  	s29 =	sshra.s32 s24, $0x2;
	s24 =	smov.u32 s23;
	(pc) =	sbr.rel @p1 .LBB2_109-.Ltmp61, $4  }
0x1b9: {  	s23 =	smov.u32 s28;
	[tilespmem:s29+$0xB980] =	vst v19  }
0x1ba: {  	v19 =	vld.idx.msk [tilespmem:v18+s25+$0x0], $0xffff  }
0x1bb: {  	s26 =	sadd.s32 $0xFFFFFFF0, s26  }
0x1bc: {  	s28 =	sadd.s32 $0x40, s28;
	v18 =	vadd.s32 s26, v5  }
0x1bd: {  	s25 =	smov.u32 s24;
	s24 =	smov.u32 s23  }
.LBB2_111:
0x1be: {  	_ =	sdelay $0x1  }
0x1bf: {  	s25 =	sshra.s32 @p0 s25, $0x2  }
0x1c0: {  	s23 =	simm.s32 $0x0;
	[tilespmem:s25+$0xB980] =	vst @p0 v19  }
0x1c1: {  	p1 =	por $0x1, $0x1;
	v18 =	vld.idx.msk [tilespmem:v18+s23+$0x0], $0xffff  }
.Ltmp62:
0x1c2: {  	_ = 	snop;
	(pc) =	sbr.rel @!p1 .LBB2_112-.Ltmp62, $3  }
0x1c3: {  	_ =	sdelay $0x1  }
0x1c4: {  	s24 =	sshra.s32 s24, $0x2  }
0x1c5: {  	p0 =	por $0x0, $0x0;
	[tilespmem:s24+$0xB980] =	vst v18;
	v18 =	vadd.s32 s17, v6;
	s24 =	simm.s32 $0x40  }
0x1c6: {  	p3 =	por $0x1, $0x1  }
.Ltmp63:
0x1c7: {  	_ = 	snop;
	(pc) =	sbr.rel @!p3 .LBB2_114-.Ltmp63, $3  }
0x1c8: {  	_ =	sdelay $0x1  }
0x1c9: {  	v19 =	vld.idx.msk [tilespmem:v18+s23+$0x0], $0xffff;
	s28 =	sadd.s32 $0xFFFFFFF0, s17;
	s29 =	simm.s32 $0x80  }
0x1ca: {  	p2 =	por $0x1, $0x1;
	s25 =	simm.s32 $0x0;
	s26 =	simm.s32 $0x40;
	v18 =	vadd.s32 s28, v6  }
.LBB2_115:
0x1cb: {  	p3 =	sne.s32 s29, $0x13C0;
	_ =	sdelay $0x1  }
.Ltmp64:
0x1cc: {  	s30 =	sshra.s32 s25, $0x2;
	s25 =	smov.u32 s26;
	(pc) =	sbr.rel @p3 .LBB2_115-.Ltmp64, $4  }
0x1cd: {  	s26 =	smov.u32 s29;
	[tilespmem:s30+$0xBE80] =	vst v19  }
0x1ce: {  	v19 =	vld.idx.msk [tilespmem:v18+s23+$0x0], $0xffff  }
0x1cf: {  	s28 =	sadd.s32 $0xFFFFFFF0, s28  }
0x1d0: {  	s29 =	sadd.s32 $0x40, s29;
	v18 =	vadd.s32 s28, v6  }
.LBB2_116:
0x1d1: {  	_ =	sdelay $0x1  }
0x1d2: {  	s25 =	sshra.s32 @p2 s25, $0x2  }
0x1d3: {  	[tilespmem:s25+$0xBE80] =	vst @p2 v19  }
0x1d4: {  	v18 =	vld.idx.msk [tilespmem:v18+s23+$0x0], $0xffff  }
.Ltmp65:
0x1d5: {  	_ = 	snop;
	(pc) =	sbr.rel @!p1 .LBB2_117-.Ltmp65, $3  }
0x1d6: {  	_ =	sdelay $0x1  }
0x1d7: {  	s31 =	sshra.s32 s26, $0x2  }
0x1d8: {  	[tilespmem:s31+$0xBE80] =	vst v18;
	v18 =	vadd.s32 s17, v7  }
0x1d9: {  	p1 =	por $0x1, $0x1  }
.Ltmp66:
0x1da: {  	_ = 	snop;
	(pc) =	sbr.rel @!p1 .LBB2_119-.Ltmp66, $4  }
0x1db: {  	_ = 	snop  }
0x1dc: {  	s25 =	simm.s32 $0x0  }
0x1dd: {  	s26 =	sadd.s32 $0xFFFFFFF0, s17;
	v19 =	vld.idx.msk [tilespmem:v18+s25+$0x0], $0xffff  }
0x1de: {  	s28 =	simm.s32 $0x80;
	p0 =	por $0x1, $0x1;
	v18 =	vadd.s32 s26, v7  }
.LBB2_120:
0x1df: {  	p1 =	sne.s32 s28, $0x13C0;
	_ =	sdelay $0x1  }
.Ltmp67:
0x1e0: {  	s29 =	sshra.s32 s23, $0x2;
	s23 =	smov.u32 s24;
	(pc) =	sbr.rel @p1 .LBB2_120-.Ltmp67, $4  }
0x1e1: {  	s24 =	smov.u32 s28;
	[tilespmem:s29+$0xC380] =	vst v19  }
0x1e2: {  	v19 =	vld.idx.msk [tilespmem:v18+s25+$0x0], $0xffff  }
0x1e3: {  	s26 =	sadd.s32 $0xFFFFFFF0, s26  }
0x1e4: {  	s28 =	sadd.s32 $0x40, s28;
	v18 =	vadd.s32 s26, v7  }
0x1e5: {  	s25 =	smov.u32 s23;
	s23 =	smov.u32 s24  }
.LBB2_122:
0x1e6: {  	_ =	sdelay $0x1  }
0x1e7: {  	s25 =	sshra.s32 @p0 s25, $0x2  }
0x1e8: {  	s24 =	simm.s32 $0x0;
	[tilespmem:s25+$0xC380] =	vst @p0 v19  }
0x1e9: {  	p1 =	por $0x1, $0x1;
	v18 =	vld.idx.msk [tilespmem:v18+s24+$0x0], $0xffff  }
.Ltmp68:
0x1ea: {  	_ = 	snop;
	(pc) =	sbr.rel @!p1 .LBB2_123-.Ltmp68, $3  }
0x1eb: {  	_ =	sdelay $0x1  }
0x1ec: {  	s23 =	sshra.s32 s23, $0x2  }
0x1ed: {  	p0 =	por $0x0, $0x0;
	[tilespmem:s23+$0xC380] =	vst v18;
	v18 =	vadd.s32 s17, v8;
	s23 =	simm.s32 $0x40  }
0x1ee: {  	p3 =	por $0x1, $0x1  }
.Ltmp69:
0x1ef: {  	_ = 	snop;
	(pc) =	sbr.rel @!p3 .LBB2_125-.Ltmp69, $3  }
0x1f0: {  	_ =	sdelay $0x1  }
0x1f1: {  	v19 =	vld.idx.msk [tilespmem:v18+s24+$0x0], $0xffff;
	s28 =	sadd.s32 $0xFFFFFFF0, s17;
	s29 =	simm.s32 $0x80  }
0x1f2: {  	p2 =	por $0x1, $0x1;
	s25 =	simm.s32 $0x0;
	s26 =	simm.s32 $0x40;
	v18 =	vadd.s32 s28, v8  }
.LBB2_126:
0x1f3: {  	p3 =	sne.s32 s29, $0x13C0;
	_ =	sdelay $0x1  }
.Ltmp70:
0x1f4: {  	s30 =	sshra.s32 s25, $0x2;
	s25 =	smov.u32 s26;
	(pc) =	sbr.rel @p3 .LBB2_126-.Ltmp70, $4  }
0x1f5: {  	s26 =	smov.u32 s29;
	[tilespmem:s30+$0xC880] =	vst v19  }
0x1f6: {  	v19 =	vld.idx.msk [tilespmem:v18+s24+$0x0], $0xffff  }
0x1f7: {  	s28 =	sadd.s32 $0xFFFFFFF0, s28  }
0x1f8: {  	s29 =	sadd.s32 $0x40, s29;
	v18 =	vadd.s32 s28, v8  }
.LBB2_127:
0x1f9: {  	_ =	sdelay $0x1  }
0x1fa: {  	s25 =	sshra.s32 @p2 s25, $0x2  }
0x1fb: {  	[tilespmem:s25+$0xC880] =	vst @p2 v19  }
0x1fc: {  	v18 =	vld.idx.msk [tilespmem:v18+s24+$0x0], $0xffff  }
.Ltmp71:
0x1fd: {  	_ = 	snop;
	(pc) =	sbr.rel @!p1 .LBB2_128-.Ltmp71, $3  }
0x1fe: {  	_ =	sdelay $0x1  }
0x1ff: {  	s31 =	sshra.s32 s26, $0x2  }
0x200: {  	[tilespmem:s31+$0xC880] =	vst v18;
	v18 =	vadd.s32 s17, v9  }
0x201: {  	p1 =	por $0x1, $0x1  }
.Ltmp72:
0x202: {  	_ = 	snop;
	(pc) =	sbr.rel @!p1 .LBB2_130-.Ltmp72, $4  }
0x203: {  	_ = 	snop  }
0x204: {  	s25 =	simm.s32 $0x0  }
0x205: {  	s26 =	sadd.s32 $0xFFFFFFF0, s17;
	v19 =	vld.idx.msk [tilespmem:v18+s25+$0x0], $0xffff  }
0x206: {  	s28 =	simm.s32 $0x80;
	p0 =	por $0x1, $0x1;
	v18 =	vadd.s32 s26, v9  }
.LBB2_131:
0x207: {  	p1 =	sne.s32 s28, $0x13C0;
	_ =	sdelay $0x1  }
.Ltmp73:
0x208: {  	s29 =	sshra.s32 s24, $0x2;
	s24 =	smov.u32 s23;
	(pc) =	sbr.rel @p1 .LBB2_131-.Ltmp73, $4  }
0x209: {  	s23 =	smov.u32 s28;
	[tilespmem:s29+$0xCD80] =	vst v19  }
0x20a: {  	v19 =	vld.idx.msk [tilespmem:v18+s25+$0x0], $0xffff  }
0x20b: {  	s26 =	sadd.s32 $0xFFFFFFF0, s26  }
0x20c: {  	s28 =	sadd.s32 $0x40, s28;
	v18 =	vadd.s32 s26, v9  }
0x20d: {  	s25 =	smov.u32 s24;
	s24 =	smov.u32 s23  }
.LBB2_133:
0x20e: {  	_ =	sdelay $0x1  }
0x20f: {  	s25 =	sshra.s32 @p0 s25, $0x2  }
0x210: {  	s23 =	simm.s32 $0x0;
	[tilespmem:s25+$0xCD80] =	vst @p0 v19  }
0x211: {  	p1 =	por $0x1, $0x1;
	v18 =	vld.idx.msk [tilespmem:v18+s23+$0x0], $0xffff  }
.Ltmp74:
0x212: {  	_ = 	snop;
	(pc) =	sbr.rel @!p1 .LBB2_134-.Ltmp74, $3  }
0x213: {  	_ =	sdelay $0x1  }
0x214: {  	s24 =	sshra.s32 s24, $0x2  }
0x215: {  	p0 =	por $0x0, $0x0;
	[tilespmem:s24+$0xCD80] =	vst v18;
	v18 =	vadd.s32 s17, v10;
	s24 =	simm.s32 $0x40  }
0x216: {  	p3 =	por $0x1, $0x1  }
.Ltmp75:
0x217: {  	_ = 	snop;
	(pc) =	sbr.rel @!p3 .LBB2_136-.Ltmp75, $3  }
0x218: {  	_ =	sdelay $0x1  }
0x219: {  	v19 =	vld.idx.msk [tilespmem:v18+s23+$0x0], $0xffff;
	s28 =	sadd.s32 $0xFFFFFFF0, s17;
	s29 =	simm.s32 $0x80  }
0x21a: {  	p2 =	por $0x1, $0x1;
	s25 =	simm.s32 $0x0;
	s26 =	simm.s32 $0x40;
	v18 =	vadd.s32 s28, v10  }
.LBB2_137:
0x21b: {  	p3 =	sne.s32 s29, $0x13C0;
	_ =	sdelay $0x1  }
.Ltmp76:
0x21c: {  	s30 =	sshra.s32 s25, $0x2;
	s25 =	smov.u32 s26;
	(pc) =	sbr.rel @p3 .LBB2_137-.Ltmp76, $4  }
0x21d: {  	s26 =	smov.u32 s29;
	[tilespmem:s30+$0xD280] =	vst v19  }
0x21e: {  	v19 =	vld.idx.msk [tilespmem:v18+s23+$0x0], $0xffff  }
0x21f: {  	s28 =	sadd.s32 $0xFFFFFFF0, s28  }
0x220: {  	s29 =	sadd.s32 $0x40, s29;
	v18 =	vadd.s32 s28, v10  }
.LBB2_138:
0x221: {  	_ =	sdelay $0x1  }
0x222: {  	s25 =	sshra.s32 @p2 s25, $0x2  }
0x223: {  	[tilespmem:s25+$0xD280] =	vst @p2 v19  }
0x224: {  	v18 =	vld.idx.msk [tilespmem:v18+s23+$0x0], $0xffff  }
.Ltmp77:
0x225: {  	_ = 	snop;
	(pc) =	sbr.rel @!p1 .LBB2_139-.Ltmp77, $3  }
0x226: {  	_ =	sdelay $0x1  }
0x227: {  	s31 =	sshra.s32 s26, $0x2  }
0x228: {  	[tilespmem:s31+$0xD280] =	vst v18;
	v18 =	vadd.s32 s17, v11  }
0x229: {  	p1 =	por $0x1, $0x1  }
.Ltmp78:
0x22a: {  	_ = 	snop;
	(pc) =	sbr.rel @!p1 .LBB2_141-.Ltmp78, $4  }
0x22b: {  	_ = 	snop  }
0x22c: {  	s25 =	simm.s32 $0x0  }
0x22d: {  	s26 =	sadd.s32 $0xFFFFFFF0, s17;
	v19 =	vld.idx.msk [tilespmem:v18+s25+$0x0], $0xffff  }
0x22e: {  	s28 =	simm.s32 $0x80;
	p0 =	por $0x1, $0x1;
	v18 =	vadd.s32 s26, v11  }
.LBB2_142:
0x22f: {  	p1 =	sne.s32 s28, $0x13C0;
	_ =	sdelay $0x1  }
.Ltmp79:
0x230: {  	s29 =	sshra.s32 s23, $0x2;
	s23 =	smov.u32 s24;
	(pc) =	sbr.rel @p1 .LBB2_142-.Ltmp79, $4  }
0x231: {  	s24 =	smov.u32 s28;
	[tilespmem:s29+$0xD780] =	vst v19  }
0x232: {  	v19 =	vld.idx.msk [tilespmem:v18+s25+$0x0], $0xffff  }
0x233: {  	s26 =	sadd.s32 $0xFFFFFFF0, s26  }
0x234: {  	s28 =	sadd.s32 $0x40, s28;
	v18 =	vadd.s32 s26, v11  }
0x235: {  	s25 =	smov.u32 s23;
	s23 =	smov.u32 s24  }
.LBB2_144:
0x236: {  	_ =	sdelay $0x1  }
0x237: {  	s25 =	sshra.s32 @p0 s25, $0x2  }
0x238: {  	s24 =	simm.s32 $0x0;
	[tilespmem:s25+$0xD780] =	vst @p0 v19  }
0x239: {  	p1 =	por $0x1, $0x1;
	v18 =	vld.idx.msk [tilespmem:v18+s24+$0x0], $0xffff  }
.Ltmp80:
0x23a: {  	_ = 	snop;
	(pc) =	sbr.rel @!p1 .LBB2_145-.Ltmp80, $3  }
0x23b: {  	_ =	sdelay $0x1  }
0x23c: {  	s23 =	sshra.s32 s23, $0x2  }
0x23d: {  	p0 =	por $0x0, $0x0;
	[tilespmem:s23+$0xD780] =	vst v18;
	v18 =	vadd.s32 s17, v12;
	s23 =	simm.s32 $0x40  }
0x23e: {  	p3 =	por $0x1, $0x1  }
.Ltmp81:
0x23f: {  	_ = 	snop;
	(pc) =	sbr.rel @!p3 .LBB2_147-.Ltmp81, $3  }
0x240: {  	_ =	sdelay $0x1  }
0x241: {  	v19 =	vld.idx.msk [tilespmem:v18+s24+$0x0], $0xffff;
	s28 =	sadd.s32 $0xFFFFFFF0, s17;
	s29 =	simm.s32 $0x80  }
0x242: {  	p2 =	por $0x1, $0x1;
	s25 =	simm.s32 $0x0;
	s26 =	simm.s32 $0x40;
	v18 =	vadd.s32 s28, v12  }
.LBB2_148:
0x243: {  	p3 =	sne.s32 s29, $0x13C0;
	_ =	sdelay $0x1  }
.Ltmp82:
0x244: {  	s30 =	sshra.s32 s25, $0x2;
	s25 =	smov.u32 s26;
	(pc) =	sbr.rel @p3 .LBB2_148-.Ltmp82, $4  }
0x245: {  	s26 =	smov.u32 s29;
	[tilespmem:s30+$0xDC80] =	vst v19  }
0x246: {  	v19 =	vld.idx.msk [tilespmem:v18+s24+$0x0], $0xffff  }
0x247: {  	s28 =	sadd.s32 $0xFFFFFFF0, s28  }
0x248: {  	s29 =	sadd.s32 $0x40, s29;
	v18 =	vadd.s32 s28, v12  }
.LBB2_149:
0x249: {  	_ =	sdelay $0x1  }
0x24a: {  	s25 =	sshra.s32 @p2 s25, $0x2  }
0x24b: {  	[tilespmem:s25+$0xDC80] =	vst @p2 v19  }
0x24c: {  	v18 =	vld.idx.msk [tilespmem:v18+s24+$0x0], $0xffff  }
.Ltmp83:
0x24d: {  	_ = 	snop;
	(pc) =	sbr.rel @!p1 .LBB2_150-.Ltmp83, $3  }
0x24e: {  	_ =	sdelay $0x1  }
0x24f: {  	s31 =	sshra.s32 s26, $0x2  }
0x250: {  	[tilespmem:s31+$0xDC80] =	vst v18;
	v18 =	vadd.s32 s17, v13  }
0x251: {  	p1 =	por $0x1, $0x1  }
.Ltmp84:
0x252: {  	_ = 	snop;
	(pc) =	sbr.rel @!p1 .LBB2_152-.Ltmp84, $4  }
0x253: {  	_ = 	snop  }
0x254: {  	s25 =	simm.s32 $0x0  }
0x255: {  	s26 =	sadd.s32 $0xFFFFFFF0, s17;
	v19 =	vld.idx.msk [tilespmem:v18+s25+$0x0], $0xffff  }
0x256: {  	s28 =	simm.s32 $0x80;
	p0 =	por $0x1, $0x1;
	v18 =	vadd.s32 s26, v13  }
.LBB2_153:
0x257: {  	p1 =	sne.s32 s28, $0x13C0;
	_ =	sdelay $0x1  }
.Ltmp85:
0x258: {  	s29 =	sshra.s32 s24, $0x2;
	s24 =	smov.u32 s23;
	(pc) =	sbr.rel @p1 .LBB2_153-.Ltmp85, $4  }
0x259: {  	s23 =	smov.u32 s28;
	[tilespmem:s29+$0xE180] =	vst v19  }
0x25a: {  	v19 =	vld.idx.msk [tilespmem:v18+s25+$0x0], $0xffff  }
0x25b: {  	s26 =	sadd.s32 $0xFFFFFFF0, s26  }
0x25c: {  	s28 =	sadd.s32 $0x40, s28;
	v18 =	vadd.s32 s26, v13  }
0x25d: {  	s25 =	smov.u32 s24;
	s24 =	smov.u32 s23  }
.LBB2_155:
0x25e: {  	_ =	sdelay $0x1  }
0x25f: {  	s25 =	sshra.s32 @p0 s25, $0x2  }
0x260: {  	s23 =	simm.s32 $0x0;
	[tilespmem:s25+$0xE180] =	vst @p0 v19  }
0x261: {  	p1 =	por $0x1, $0x1;
	v18 =	vld.idx.msk [tilespmem:v18+s23+$0x0], $0xffff  }
.Ltmp86:
0x262: {  	_ = 	snop;
	(pc) =	sbr.rel @!p1 .LBB2_156-.Ltmp86, $3  }
0x263: {  	_ =	sdelay $0x1  }
0x264: {  	s24 =	sshra.s32 s24, $0x2  }
0x265: {  	p0 =	por $0x0, $0x0;
	[tilespmem:s24+$0xE180] =	vst v18;
	v18 =	vadd.s32 s17, v14;
	s24 =	simm.s32 $0x40  }
0x266: {  	p3 =	por $0x1, $0x1  }
.Ltmp87:
0x267: {  	_ = 	snop;
	(pc) =	sbr.rel @!p3 .LBB2_158-.Ltmp87, $3  }
0x268: {  	_ =	sdelay $0x1  }
0x269: {  	v19 =	vld.idx.msk [tilespmem:v18+s23+$0x0], $0xffff;
	s28 =	sadd.s32 $0xFFFFFFF0, s17;
	s29 =	simm.s32 $0x80  }
0x26a: {  	p2 =	por $0x1, $0x1;
	s25 =	simm.s32 $0x0;
	s26 =	simm.s32 $0x40;
	v18 =	vadd.s32 s28, v14  }
.LBB2_159:
0x26b: {  	p3 =	sne.s32 s29, $0x13C0;
	_ =	sdelay $0x1  }
.Ltmp88:
0x26c: {  	s30 =	sshra.s32 s25, $0x2;
	s25 =	smov.u32 s26;
	(pc) =	sbr.rel @p3 .LBB2_159-.Ltmp88, $4  }
0x26d: {  	s26 =	smov.u32 s29;
	[tilespmem:s30+$0xE680] =	vst v19  }
0x26e: {  	v19 =	vld.idx.msk [tilespmem:v18+s23+$0x0], $0xffff  }
0x26f: {  	s28 =	sadd.s32 $0xFFFFFFF0, s28  }
0x270: {  	s29 =	sadd.s32 $0x40, s29;
	v18 =	vadd.s32 s28, v14  }
.LBB2_160:
0x271: {  	_ =	sdelay $0x1  }
0x272: {  	s25 =	sshra.s32 @p2 s25, $0x2  }
0x273: {  	[tilespmem:s25+$0xE680] =	vst @p2 v19  }
0x274: {  	v18 =	vld.idx.msk [tilespmem:v18+s23+$0x0], $0xffff  }
.Ltmp89:
0x275: {  	_ = 	snop;
	(pc) =	sbr.rel @!p1 .LBB2_161-.Ltmp89, $3  }
0x276: {  	_ =	sdelay $0x1  }
0x277: {  	s31 =	sshra.s32 s26, $0x2  }
0x278: {  	[tilespmem:s31+$0xE680] =	vst v18;
	v18 =	vadd.s32 s17, v15  }
0x279: {  	p1 =	por $0x1, $0x1  }
.Ltmp90:
0x27a: {  	_ = 	snop;
	(pc) =	sbr.rel @!p1 .LBB2_163-.Ltmp90, $3  }
0x27b: {  	_ =	sdelay $0x1  }
0x27c: {  	v19 =	vld.idx.msk [tilespmem:v18+s3+$0x0], $0xffff;
	s25 =	sadd.s32 $0xFFFFFFF0, s17  }
0x27d: {  	s26 =	simm.s32 $0x80;
	p0 =	por $0x1, $0x1;
	v18 =	vadd.s32 s25, v15  }
.LBB2_164:
0x27e: {  	p1 =	sne.s32 s26, $0x13C0;
	_ =	sdelay $0x1  }
.Ltmp91:
0x27f: {  	s28 =	sshra.s32 s23, $0x2;
	s23 =	smov.u32 s24;
	(pc) =	sbr.rel @p1 .LBB2_164-.Ltmp91, $4  }
0x280: {  	s24 =	smov.u32 s26;
	[tilespmem:s28+$0xEB80] =	vst v19  }
0x281: {  	v19 =	vld.idx.msk [tilespmem:v18+s3+$0x0], $0xffff  }
0x282: {  	s25 =	sadd.s32 $0xFFFFFFF0, s25  }
0x283: {  	s26 =	sadd.s32 $0x40, s26;
	v18 =	vadd.s32 s25, v15  }
0x284: {  	s25 =	smov.u32 s23;
	s23 =	smov.u32 s24  }
.LBB2_166:
0x285: {  	_ =	sdelay $0x1  }
0x286: {  	s24 =	sshra.s32 @p0 s25, $0x2  }
0x287: {  	[tilespmem:s24+$0xEB80] =	vst @p0 v19  }
0x288: {  	v18 =	vld.idx.msk [tilespmem:v18+s3+$0x0], $0xffff;
	_ =	sdelay $0x3  }
0x289: {  	s23 =	sshra.s32 s23, $0x2  }
0x28a: {  	[tilespmem:s23+$0xEB80] =	vst v18;
	s23 =	simm.s32 $0x0  }
0x28b: {  	[tilespmem:s23], [sflag:$0x2] =	stream.strided.gather [hbm4b:s6+s18], $0x5080, s19, s18, $0x38;
	[tilespmem:$0x19080] =	vst v63  }
0x28c: {  	_ =	swait.ge [sflag:s20], $0x5080  }
0x28d: {  	[sflag:s20] =	ssyncset.done $0x0  }
0x28e: {  	[sflag:s20] =	ssyncadd.s32 $0xFFFFAF80  }
0x28f: {  	s25 =	sadd.s32 $0xFFFFFFF0, s17;
	s26 =	simm.s32 $0x80;
	v18 =	vld.idx.msk [tilespmem:v16+s23+$0x0], $0xffff  }
0x290: {  	s28 =	simm.s32 $0x0;
	s29 =	simm.s32 $0x40;
	s24 =	simm.s32 $0x40;
	v19 =	vadd.s32 s25, v0  }
.LBB2_167:
0x291: {  	p0 =	sne.s32 s26, $0x13C0;
	_ =	sdelay $0x1  }
.Ltmp92:
0x292: {  	s30 =	sshra.s32 s28, $0x2;
	s28 =	smov.u32 s29;
	(pc) =	sbr.rel @p0 .LBB2_167-.Ltmp92, $4  }
0x293: {  	s29 =	smov.u32 s26;
	[tilespmem:s30+$0xF080] =	vst v18  }
0x294: {  	v18 =	vld.idx.msk [tilespmem:v19+s23+$0x0], $0xffff  }
0x295: {  	s25 =	sadd.s32 $0xFFFFFFF0, s25  }
0x296: {  	s26 =	sadd.s32 $0x40, s26;
	v19 =	vadd.s32 s25, v0  }
0x297: {  	_ =	sdelay $0x1  }
0x298: {  	s25 =	sshra.s32 s28, $0x2  }
0x299: {  	[tilespmem:s25+$0xF080] =	vst v18  }
0x29a: {  	v18 =	vld.idx.msk [tilespmem:v19+s23+$0x0], $0xffff;
	_ =	sdelay $0x3  }
0x29b: {  	s31 =	sshra.s32 s29, $0x2  }
0x29c: {  	s25 =	simm.s32 $0x0;
	[tilespmem:s31+$0xF080] =	vst v18  }
0x29d: {  	s26 =	sadd.s32 $0xFFFFFFF0, s17;
	v18 =	vld.idx.msk [tilespmem:v17+s25+$0x0], $0xffff  }
0x29e: {  	s28 =	simm.s32 $0x80;
	v19 =	vadd.s32 s26, v1  }
.LBB2_169:
0x29f: {  	p0 =	sne.s32 s28, $0x13C0;
	_ =	sdelay $0x1  }
.Ltmp93:
0x2a0: {  	s29 =	sshra.s32 s23, $0x2;
	s23 =	smov.u32 s24;
	(pc) =	sbr.rel @p0 .LBB2_169-.Ltmp93, $4  }
0x2a1: {  	s24 =	smov.u32 s28;
	[tilespmem:s29+$0xF580] =	vst v18  }
0x2a2: {  	v18 =	vld.idx.msk [tilespmem:v19+s25+$0x0], $0xffff  }
0x2a3: {  	s26 =	sadd.s32 $0xFFFFFFF0, s26  }
0x2a4: {  	s28 =	sadd.s32 $0x40, s28;
	v19 =	vadd.s32 s26, v1  }
0x2a5: {  	_ =	sdelay $0x1  }
0x2a6: {  	s25 =	sshra.s32 s23, $0x2  }
0x2a7: {  	s23 =	simm.s32 $0x0;
	[tilespmem:s25+$0xF580] =	vst v18  }
0x2a8: {  	p1 =	por $0x1, $0x1;
	v18 =	vld.idx.msk [tilespmem:v19+s23+$0x0], $0xffff  }
.Ltmp94:
0x2a9: {  	_ = 	snop;
	(pc) =	sbr.rel @!p1 .LBB2_171-.Ltmp94, $3  }
0x2aa: {  	_ =	sdelay $0x1  }
0x2ab: {  	s24 =	sshra.s32 s24, $0x2  }
0x2ac: {  	p0 =	por $0x0, $0x0;
	[tilespmem:s24+$0xF580] =	vst v18;
	v18 =	vadd.s32 s17, v2;
	s24 =	simm.s32 $0x40  }
0x2ad: {  	p3 =	por $0x1, $0x1  }
.Ltmp95:
0x2ae: {  	_ = 	snop;
	(pc) =	sbr.rel @!p3 .LBB2_173-.Ltmp95, $3  }
0x2af: {  	_ =	sdelay $0x1  }
0x2b0: {  	v19 =	vld.idx.msk [tilespmem:v18+s23+$0x0], $0xffff;
	s28 =	sadd.s32 $0xFFFFFFF0, s17;
	s29 =	simm.s32 $0x80  }
0x2b1: {  	p2 =	por $0x1, $0x1;
	s25 =	simm.s32 $0x0;
	s26 =	simm.s32 $0x40;
	v18 =	vadd.s32 s28, v2  }
.LBB2_174:
0x2b2: {  	p3 =	sne.s32 s29, $0x13C0;
	_ =	sdelay $0x1  }
.Ltmp96:
0x2b3: {  	s30 =	sshra.s32 s25, $0x2;
	s25 =	smov.u32 s26;
	(pc) =	sbr.rel @p3 .LBB2_174-.Ltmp96, $4  }
0x2b4: {  	s26 =	smov.u32 s29;
	[tilespmem:s30+$0xFA80] =	vst v19  }
0x2b5: {  	v19 =	vld.idx.msk [tilespmem:v18+s23+$0x0], $0xffff  }
0x2b6: {  	s28 =	sadd.s32 $0xFFFFFFF0, s28  }
0x2b7: {  	s29 =	sadd.s32 $0x40, s29;
	v18 =	vadd.s32 s28, v2  }
.LBB2_175:
0x2b8: {  	_ =	sdelay $0x1  }
0x2b9: {  	s25 =	sshra.s32 @p2 s25, $0x2  }
0x2ba: {  	[tilespmem:s25+$0xFA80] =	vst @p2 v19  }
0x2bb: {  	v18 =	vld.idx.msk [tilespmem:v18+s23+$0x0], $0xffff  }
.Ltmp97:
0x2bc: {  	_ = 	snop;
	(pc) =	sbr.rel @!p1 .LBB2_176-.Ltmp97, $3  }
0x2bd: {  	_ =	sdelay $0x1  }
0x2be: {  	s31 =	sshra.s32 s26, $0x2  }
0x2bf: {  	[tilespmem:s31+$0xFA80] =	vst v18;
	v18 =	vadd.s32 s17, v3  }
0x2c0: {  	p1 =	por $0x1, $0x1  }
.Ltmp98:
0x2c1: {  	_ = 	snop;
	(pc) =	sbr.rel @!p1 .LBB2_178-.Ltmp98, $4  }
0x2c2: {  	_ = 	snop  }
0x2c3: {  	s25 =	simm.s32 $0x0  }
0x2c4: {  	s26 =	sadd.s32 $0xFFFFFFF0, s17;
	v19 =	vld.idx.msk [tilespmem:v18+s25+$0x0], $0xffff  }
0x2c5: {  	s28 =	simm.s32 $0x80;
	p0 =	por $0x1, $0x1;
	v18 =	vadd.s32 s26, v3  }
.LBB2_179:
0x2c6: {  	p1 =	sne.s32 s28, $0x13C0;
	_ =	sdelay $0x1  }
.Ltmp99:
0x2c7: {  	s29 =	sshra.s32 s23, $0x2;
	s23 =	smov.u32 s24;
	(pc) =	sbr.rel @p1 .LBB2_179-.Ltmp99, $4  }
0x2c8: {  	s24 =	smov.u32 s28;
	[tilespmem:s29+$0xFF80] =	vst v19  }
0x2c9: {  	v19 =	vld.idx.msk [tilespmem:v18+s25+$0x0], $0xffff  }
0x2ca: {  	s26 =	sadd.s32 $0xFFFFFFF0, s26  }
0x2cb: {  	s28 =	sadd.s32 $0x40, s28;
	v18 =	vadd.s32 s26, v3  }
0x2cc: {  	s25 =	smov.u32 s23;
	s23 =	smov.u32 s24  }
.LBB2_181:
0x2cd: {  	_ =	sdelay $0x1  }
0x2ce: {  	s25 =	sshra.s32 @p0 s25, $0x2  }
0x2cf: {  	s24 =	simm.s32 $0x0;
	[tilespmem:s25+$0xFF80] =	vst @p0 v19  }
0x2d0: {  	p1 =	por $0x1, $0x1;
	v18 =	vld.idx.msk [tilespmem:v18+s24+$0x0], $0xffff  }
.Ltmp100:
0x2d1: {  	_ = 	snop;
	(pc) =	sbr.rel @!p1 .LBB2_182-.Ltmp100, $3  }
0x2d2: {  	_ =	sdelay $0x1  }
0x2d3: {  	s23 =	sshra.s32 s23, $0x2  }
0x2d4: {  	p0 =	por $0x0, $0x0;
	[tilespmem:s23+$0xFF80] =	vst v18;
	v18 =	vadd.s32 s17, v4;
	s23 =	simm.s32 $0x40  }
0x2d5: {  	p3 =	por $0x1, $0x1  }
.Ltmp101:
0x2d6: {  	_ = 	snop;
	(pc) =	sbr.rel @!p3 .LBB2_184-.Ltmp101, $3  }
0x2d7: {  	_ =	sdelay $0x1  }
0x2d8: {  	v19 =	vld.idx.msk [tilespmem:v18+s24+$0x0], $0xffff;
	s28 =	sadd.s32 $0xFFFFFFF0, s17;
	s29 =	simm.s32 $0x80  }
0x2d9: {  	p2 =	por $0x1, $0x1;
	s25 =	simm.s32 $0x0;
	s26 =	simm.s32 $0x40;
	v18 =	vadd.s32 s28, v4  }
.LBB2_185:
0x2da: {  	p3 =	sne.s32 s29, $0x13C0;
	_ =	sdelay $0x1  }
.Ltmp102:
0x2db: {  	s30 =	sshra.s32 s25, $0x2;
	s25 =	smov.u32 s26;
	(pc) =	sbr.rel @p3 .LBB2_185-.Ltmp102, $4  }
0x2dc: {  	s26 =	smov.u32 s29;
	[tilespmem:s30+$0x10480] =	vst v19  }
0x2dd: {  	v19 =	vld.idx.msk [tilespmem:v18+s24+$0x0], $0xffff  }
0x2de: {  	s28 =	sadd.s32 $0xFFFFFFF0, s28  }
0x2df: {  	s29 =	sadd.s32 $0x40, s29;
	v18 =	vadd.s32 s28, v4  }
.LBB2_186:
0x2e0: {  	_ =	sdelay $0x1  }
0x2e1: {  	s25 =	sshra.s32 @p2 s25, $0x2  }
0x2e2: {  	[tilespmem:s25+$0x10480] =	vst @p2 v19  }
0x2e3: {  	v18 =	vld.idx.msk [tilespmem:v18+s24+$0x0], $0xffff  }
.Ltmp103:
0x2e4: {  	_ = 	snop;
	(pc) =	sbr.rel @!p1 .LBB2_187-.Ltmp103, $3  }
0x2e5: {  	_ =	sdelay $0x1  }
0x2e6: {  	s31 =	sshra.s32 s26, $0x2  }
0x2e7: {  	[tilespmem:s31+$0x10480] =	vst v18;
	v18 =	vadd.s32 s17, v5  }
0x2e8: {  	p1 =	por $0x1, $0x1  }
.Ltmp104:
0x2e9: {  	_ = 	snop;
	(pc) =	sbr.rel @!p1 .LBB2_189-.Ltmp104, $4  }
0x2ea: {  	_ = 	snop  }
0x2eb: {  	s25 =	simm.s32 $0x0  }
0x2ec: {  	s26 =	sadd.s32 $0xFFFFFFF0, s17;
	v19 =	vld.idx.msk [tilespmem:v18+s25+$0x0], $0xffff  }
0x2ed: {  	s28 =	simm.s32 $0x80;
	p0 =	por $0x1, $0x1;
	v18 =	vadd.s32 s26, v5  }
.LBB2_190:
0x2ee: {  	p1 =	sne.s32 s28, $0x13C0;
	_ =	sdelay $0x1  }
.Ltmp105:
0x2ef: {  	s29 =	sshra.s32 s24, $0x2;
	s24 =	smov.u32 s23;
	(pc) =	sbr.rel @p1 .LBB2_190-.Ltmp105, $4  }
0x2f0: {  	s23 =	smov.u32 s28;
	[tilespmem:s29+$0x10980] =	vst v19  }
0x2f1: {  	v19 =	vld.idx.msk [tilespmem:v18+s25+$0x0], $0xffff  }
0x2f2: {  	s26 =	sadd.s32 $0xFFFFFFF0, s26  }
0x2f3: {  	s28 =	sadd.s32 $0x40, s28;
	v18 =	vadd.s32 s26, v5  }
0x2f4: {  	s25 =	smov.u32 s24;
	s24 =	smov.u32 s23  }
.LBB2_192:
0x2f5: {  	_ =	sdelay $0x1  }
0x2f6: {  	s25 =	sshra.s32 @p0 s25, $0x2  }
0x2f7: {  	s23 =	simm.s32 $0x0;
	[tilespmem:s25+$0x10980] =	vst @p0 v19  }
0x2f8: {  	p1 =	por $0x1, $0x1;
	v18 =	vld.idx.msk [tilespmem:v18+s23+$0x0], $0xffff  }
.Ltmp106:
0x2f9: {  	_ = 	snop;
	(pc) =	sbr.rel @!p1 .LBB2_193-.Ltmp106, $3  }
0x2fa: {  	_ =	sdelay $0x1  }
0x2fb: {  	s24 =	sshra.s32 s24, $0x2  }
0x2fc: {  	p0 =	por $0x0, $0x0;
	[tilespmem:s24+$0x10980] =	vst v18;
	v18 =	vadd.s32 s17, v6;
	s24 =	simm.s32 $0x40  }
0x2fd: {  	p3 =	por $0x1, $0x1  }
.Ltmp107:
0x2fe: {  	_ = 	snop;
	(pc) =	sbr.rel @!p3 .LBB2_195-.Ltmp107, $3  }
0x2ff: {  	_ =	sdelay $0x1  }
0x300: {  	v19 =	vld.idx.msk [tilespmem:v18+s23+$0x0], $0xffff;
	s28 =	sadd.s32 $0xFFFFFFF0, s17;
	s29 =	simm.s32 $0x80  }
0x301: {  	p2 =	por $0x1, $0x1;
	s25 =	simm.s32 $0x0;
	s26 =	simm.s32 $0x40;
	v18 =	vadd.s32 s28, v6  }
.LBB2_196:
0x302: {  	p3 =	sne.s32 s29, $0x13C0;
	_ =	sdelay $0x1  }
.Ltmp108:
0x303: {  	s30 =	sshra.s32 s25, $0x2;
	s25 =	smov.u32 s26;
	(pc) =	sbr.rel @p3 .LBB2_196-.Ltmp108, $4  }
0x304: {  	s26 =	smov.u32 s29;
	[tilespmem:s30+$0x10E80] =	vst v19  }
0x305: {  	v19 =	vld.idx.msk [tilespmem:v18+s23+$0x0], $0xffff  }
0x306: {  	s28 =	sadd.s32 $0xFFFFFFF0, s28  }
0x307: {  	s29 =	sadd.s32 $0x40, s29;
	v18 =	vadd.s32 s28, v6  }
.LBB2_197:
0x308: {  	_ =	sdelay $0x1  }
0x309: {  	s25 =	sshra.s32 @p2 s25, $0x2  }
0x30a: {  	[tilespmem:s25+$0x10E80] =	vst @p2 v19  }
0x30b: {  	v18 =	vld.idx.msk [tilespmem:v18+s23+$0x0], $0xffff  }
.Ltmp109:
0x30c: {  	_ = 	snop;
	(pc) =	sbr.rel @!p1 .LBB2_198-.Ltmp109, $3  }
0x30d: {  	_ =	sdelay $0x1  }
0x30e: {  	s31 =	sshra.s32 s26, $0x2  }
0x30f: {  	[tilespmem:s31+$0x10E80] =	vst v18;
	v18 =	vadd.s32 s17, v7  }
0x310: {  	p1 =	por $0x1, $0x1  }
.Ltmp110:
0x311: {  	_ = 	snop;
	(pc) =	sbr.rel @!p1 .LBB2_200-.Ltmp110, $4  }
0x312: {  	_ = 	snop  }
0x313: {  	s25 =	simm.s32 $0x0  }
0x314: {  	s26 =	sadd.s32 $0xFFFFFFF0, s17;
	v19 =	vld.idx.msk [tilespmem:v18+s25+$0x0], $0xffff  }
0x315: {  	s28 =	simm.s32 $0x80;
	p0 =	por $0x1, $0x1;
	v18 =	vadd.s32 s26, v7  }
.LBB2_201:
0x316: {  	p1 =	sne.s32 s28, $0x13C0;
	_ =	sdelay $0x1  }
.Ltmp111:
0x317: {  	s29 =	sshra.s32 s23, $0x2;
	s23 =	smov.u32 s24;
	(pc) =	sbr.rel @p1 .LBB2_201-.Ltmp111, $4  }
0x318: {  	s24 =	smov.u32 s28;
	[tilespmem:s29+$0x11380] =	vst v19  }
0x319: {  	v19 =	vld.idx.msk [tilespmem:v18+s25+$0x0], $0xffff  }
0x31a: {  	s26 =	sadd.s32 $0xFFFFFFF0, s26  }
0x31b: {  	s28 =	sadd.s32 $0x40, s28;
	v18 =	vadd.s32 s26, v7  }
0x31c: {  	s25 =	smov.u32 s23;
	s23 =	smov.u32 s24  }
.LBB2_203:
0x31d: {  	_ =	sdelay $0x1  }
0x31e: {  	s25 =	sshra.s32 @p0 s25, $0x2  }
0x31f: {  	s24 =	simm.s32 $0x0;
	[tilespmem:s25+$0x11380] =	vst @p0 v19  }
0x320: {  	p1 =	por $0x1, $0x1;
	v18 =	vld.idx.msk [tilespmem:v18+s24+$0x0], $0xffff  }
.Ltmp112:
0x321: {  	_ = 	snop;
	(pc) =	sbr.rel @!p1 .LBB2_204-.Ltmp112, $3  }
0x322: {  	_ =	sdelay $0x1  }
0x323: {  	s23 =	sshra.s32 s23, $0x2  }
0x324: {  	p0 =	por $0x0, $0x0;
	[tilespmem:s23+$0x11380] =	vst v18;
	v18 =	vadd.s32 s17, v8;
	s23 =	simm.s32 $0x40  }
0x325: {  	p3 =	por $0x1, $0x1  }
.Ltmp113:
0x326: {  	_ = 	snop;
	(pc) =	sbr.rel @!p3 .LBB2_206-.Ltmp113, $3  }
0x327: {  	_ =	sdelay $0x1  }
0x328: {  	v19 =	vld.idx.msk [tilespmem:v18+s24+$0x0], $0xffff;
	s28 =	sadd.s32 $0xFFFFFFF0, s17;
	s29 =	simm.s32 $0x80  }
0x329: {  	p2 =	por $0x1, $0x1;
	s25 =	simm.s32 $0x0;
	s26 =	simm.s32 $0x40;
	v18 =	vadd.s32 s28, v8  }
.LBB2_207:
0x32a: {  	p3 =	sne.s32 s29, $0x13C0;
	_ =	sdelay $0x1  }
.Ltmp114:
0x32b: {  	s30 =	sshra.s32 s25, $0x2;
	s25 =	smov.u32 s26;
	(pc) =	sbr.rel @p3 .LBB2_207-.Ltmp114, $4  }
0x32c: {  	s26 =	smov.u32 s29;
	[tilespmem:s30+$0x11880] =	vst v19  }
0x32d: {  	v19 =	vld.idx.msk [tilespmem:v18+s24+$0x0], $0xffff  }
0x32e: {  	s28 =	sadd.s32 $0xFFFFFFF0, s28  }
0x32f: {  	s29 =	sadd.s32 $0x40, s29;
	v18 =	vadd.s32 s28, v8  }
.LBB2_208:
0x330: {  	_ =	sdelay $0x1  }
0x331: {  	s25 =	sshra.s32 @p2 s25, $0x2  }
0x332: {  	[tilespmem:s25+$0x11880] =	vst @p2 v19  }
0x333: {  	v18 =	vld.idx.msk [tilespmem:v18+s24+$0x0], $0xffff  }
.Ltmp115:
0x334: {  	_ = 	snop;
	(pc) =	sbr.rel @!p1 .LBB2_209-.Ltmp115, $3  }
0x335: {  	_ =	sdelay $0x1  }
0x336: {  	s31 =	sshra.s32 s26, $0x2  }
0x337: {  	[tilespmem:s31+$0x11880] =	vst v18;
	v18 =	vadd.s32 s17, v9  }
0x338: {  	p1 =	por $0x1, $0x1  }
.Ltmp116:
0x339: {  	_ = 	snop;
	(pc) =	sbr.rel @!p1 .LBB2_211-.Ltmp116, $4  }
0x33a: {  	_ = 	snop  }
0x33b: {  	s25 =	simm.s32 $0x0  }
0x33c: {  	s26 =	sadd.s32 $0xFFFFFFF0, s17;
	v19 =	vld.idx.msk [tilespmem:v18+s25+$0x0], $0xffff  }
0x33d: {  	s28 =	simm.s32 $0x80;
	p0 =	por $0x1, $0x1;
	v18 =	vadd.s32 s26, v9  }
.LBB2_212:
0x33e: {  	p1 =	sne.s32 s28, $0x13C0;
	_ =	sdelay $0x1  }
.Ltmp117:
0x33f: {  	s29 =	sshra.s32 s24, $0x2;
	s24 =	smov.u32 s23;
	(pc) =	sbr.rel @p1 .LBB2_212-.Ltmp117, $4  }
0x340: {  	s23 =	smov.u32 s28;
	[tilespmem:s29+$0x11D80] =	vst v19  }
0x341: {  	v19 =	vld.idx.msk [tilespmem:v18+s25+$0x0], $0xffff  }
0x342: {  	s26 =	sadd.s32 $0xFFFFFFF0, s26  }
0x343: {  	s28 =	sadd.s32 $0x40, s28;
	v18 =	vadd.s32 s26, v9  }
0x344: {  	s25 =	smov.u32 s24;
	s24 =	smov.u32 s23  }
.LBB2_214:
0x345: {  	_ =	sdelay $0x1  }
0x346: {  	s25 =	sshra.s32 @p0 s25, $0x2  }
0x347: {  	s23 =	simm.s32 $0x0;
	[tilespmem:s25+$0x11D80] =	vst @p0 v19  }
0x348: {  	p1 =	por $0x1, $0x1;
	v18 =	vld.idx.msk [tilespmem:v18+s23+$0x0], $0xffff  }
.Ltmp118:
0x349: {  	_ = 	snop;
	(pc) =	sbr.rel @!p1 .LBB2_215-.Ltmp118, $3  }
0x34a: {  	_ =	sdelay $0x1  }
0x34b: {  	s24 =	sshra.s32 s24, $0x2  }
0x34c: {  	p0 =	por $0x0, $0x0;
	[tilespmem:s24+$0x11D80] =	vst v18;
	v18 =	vadd.s32 s17, v10;
	s24 =	simm.s32 $0x40  }
0x34d: {  	p3 =	por $0x1, $0x1  }
.Ltmp119:
0x34e: {  	_ = 	snop;
	(pc) =	sbr.rel @!p3 .LBB2_217-.Ltmp119, $3  }
0x34f: {  	_ =	sdelay $0x1  }
0x350: {  	v19 =	vld.idx.msk [tilespmem:v18+s23+$0x0], $0xffff;
	s28 =	sadd.s32 $0xFFFFFFF0, s17;
	s29 =	simm.s32 $0x80  }
0x351: {  	p2 =	por $0x1, $0x1;
	s25 =	simm.s32 $0x0;
	s26 =	simm.s32 $0x40;
	v18 =	vadd.s32 s28, v10  }
.LBB2_218:
0x352: {  	p3 =	sne.s32 s29, $0x13C0;
	_ =	sdelay $0x1  }
.Ltmp120:
0x353: {  	s30 =	sshra.s32 s25, $0x2;
	s25 =	smov.u32 s26;
	(pc) =	sbr.rel @p3 .LBB2_218-.Ltmp120, $4  }
0x354: {  	s26 =	smov.u32 s29;
	[tilespmem:s30+$0x12280] =	vst v19  }
0x355: {  	v19 =	vld.idx.msk [tilespmem:v18+s23+$0x0], $0xffff  }
0x356: {  	s28 =	sadd.s32 $0xFFFFFFF0, s28  }
0x357: {  	s29 =	sadd.s32 $0x40, s29;
	v18 =	vadd.s32 s28, v10  }
.LBB2_219:
0x358: {  	_ =	sdelay $0x1  }
0x359: {  	s25 =	sshra.s32 @p2 s25, $0x2  }
0x35a: {  	[tilespmem:s25+$0x12280] =	vst @p2 v19  }
0x35b: {  	v18 =	vld.idx.msk [tilespmem:v18+s23+$0x0], $0xffff  }
.Ltmp121:
0x35c: {  	_ = 	snop;
	(pc) =	sbr.rel @!p1 .LBB2_220-.Ltmp121, $3  }
0x35d: {  	_ =	sdelay $0x1  }
0x35e: {  	s31 =	sshra.s32 s26, $0x2  }
0x35f: {  	[tilespmem:s31+$0x12280] =	vst v18;
	v18 =	vadd.s32 s17, v11  }
0x360: {  	p1 =	por $0x1, $0x1  }
.Ltmp122:
0x361: {  	_ = 	snop;
	(pc) =	sbr.rel @!p1 .LBB2_222-.Ltmp122, $4  }
0x362: {  	_ = 	snop  }
0x363: {  	s25 =	simm.s32 $0x0  }
0x364: {  	s26 =	sadd.s32 $0xFFFFFFF0, s17;
	v19 =	vld.idx.msk [tilespmem:v18+s25+$0x0], $0xffff  }
0x365: {  	s28 =	simm.s32 $0x80;
	p0 =	por $0x1, $0x1;
	v18 =	vadd.s32 s26, v11  }
.LBB2_223:
0x366: {  	p1 =	sne.s32 s28, $0x13C0;
	_ =	sdelay $0x1  }
.Ltmp123:
0x367: {  	s29 =	sshra.s32 s23, $0x2;
	s23 =	smov.u32 s24;
	(pc) =	sbr.rel @p1 .LBB2_223-.Ltmp123, $4  }
0x368: {  	s24 =	smov.u32 s28;
	[tilespmem:s29+$0x12780] =	vst v19  }
0x369: {  	v19 =	vld.idx.msk [tilespmem:v18+s25+$0x0], $0xffff  }
0x36a: {  	s26 =	sadd.s32 $0xFFFFFFF0, s26  }
0x36b: {  	s28 =	sadd.s32 $0x40, s28;
	v18 =	vadd.s32 s26, v11  }
0x36c: {  	s25 =	smov.u32 s23;
	s23 =	smov.u32 s24  }
.LBB2_225:
0x36d: {  	_ =	sdelay $0x1  }
0x36e: {  	s25 =	sshra.s32 @p0 s25, $0x2  }
0x36f: {  	s24 =	simm.s32 $0x0;
	[tilespmem:s25+$0x12780] =	vst @p0 v19  }
0x370: {  	p1 =	por $0x1, $0x1;
	v18 =	vld.idx.msk [tilespmem:v18+s24+$0x0], $0xffff  }
.Ltmp124:
0x371: {  	_ = 	snop;
	(pc) =	sbr.rel @!p1 .LBB2_226-.Ltmp124, $3  }
0x372: {  	_ =	sdelay $0x1  }
0x373: {  	s23 =	sshra.s32 s23, $0x2  }
0x374: {  	p0 =	por $0x0, $0x0;
	[tilespmem:s23+$0x12780] =	vst v18;
	v18 =	vadd.s32 s17, v12;
	s23 =	simm.s32 $0x40  }
0x375: {  	p3 =	por $0x1, $0x1  }
.Ltmp125:
0x376: {  	_ = 	snop;
	(pc) =	sbr.rel @!p3 .LBB2_228-.Ltmp125, $3  }
0x377: {  	_ =	sdelay $0x1  }
0x378: {  	v19 =	vld.idx.msk [tilespmem:v18+s24+$0x0], $0xffff;
	s28 =	sadd.s32 $0xFFFFFFF0, s17;
	s29 =	simm.s32 $0x80  }
0x379: {  	p2 =	por $0x1, $0x1;
	s25 =	simm.s32 $0x0;
	s26 =	simm.s32 $0x40;
	v18 =	vadd.s32 s28, v12  }
.LBB2_229:
0x37a: {  	p3 =	sne.s32 s29, $0x13C0;
	_ =	sdelay $0x1  }
.Ltmp126:
0x37b: {  	s30 =	sshra.s32 s25, $0x2;
	s25 =	smov.u32 s26;
	(pc) =	sbr.rel @p3 .LBB2_229-.Ltmp126, $4  }
0x37c: {  	s26 =	smov.u32 s29;
	[tilespmem:s30+$0x12C80] =	vst v19  }
0x37d: {  	v19 =	vld.idx.msk [tilespmem:v18+s24+$0x0], $0xffff  }
0x37e: {  	s28 =	sadd.s32 $0xFFFFFFF0, s28  }
0x37f: {  	s29 =	sadd.s32 $0x40, s29;
	v18 =	vadd.s32 s28, v12  }
.LBB2_230:
0x380: {  	_ =	sdelay $0x1  }
0x381: {  	s25 =	sshra.s32 @p2 s25, $0x2  }
0x382: {  	[tilespmem:s25+$0x12C80] =	vst @p2 v19  }
0x383: {  	v18 =	vld.idx.msk [tilespmem:v18+s24+$0x0], $0xffff  }
.Ltmp127:
0x384: {  	_ = 	snop;
	(pc) =	sbr.rel @!p1 .LBB2_231-.Ltmp127, $3  }
0x385: {  	_ =	sdelay $0x1  }
0x386: {  	s31 =	sshra.s32 s26, $0x2  }
0x387: {  	[tilespmem:s31+$0x12C80] =	vst v18;
	v18 =	vadd.s32 s17, v13  }
0x388: {  	p1 =	por $0x1, $0x1  }
.Ltmp128:
0x389: {  	_ = 	snop;
	(pc) =	sbr.rel @!p1 .LBB2_233-.Ltmp128, $4  }
0x38a: {  	_ = 	snop  }
0x38b: {  	s25 =	simm.s32 $0x0  }
0x38c: {  	s26 =	sadd.s32 $0xFFFFFFF0, s17;
	v19 =	vld.idx.msk [tilespmem:v18+s25+$0x0], $0xffff  }
0x38d: {  	s28 =	simm.s32 $0x80;
	p0 =	por $0x1, $0x1;
	v18 =	vadd.s32 s26, v13  }
.LBB2_234:
0x38e: {  	p1 =	sne.s32 s28, $0x13C0;
	_ =	sdelay $0x1  }
.Ltmp129:
0x38f: {  	s29 =	sshra.s32 s24, $0x2;
	s24 =	smov.u32 s23;
	(pc) =	sbr.rel @p1 .LBB2_234-.Ltmp129, $4  }
0x390: {  	s23 =	smov.u32 s28;
	[tilespmem:s29+$0x13180] =	vst v19  }
0x391: {  	v19 =	vld.idx.msk [tilespmem:v18+s25+$0x0], $0xffff  }
0x392: {  	s26 =	sadd.s32 $0xFFFFFFF0, s26  }
0x393: {  	s28 =	sadd.s32 $0x40, s28;
	v18 =	vadd.s32 s26, v13  }
0x394: {  	s25 =	smov.u32 s24;
	s24 =	smov.u32 s23  }
.LBB2_236:
0x395: {  	_ =	sdelay $0x1  }
0x396: {  	s25 =	sshra.s32 @p0 s25, $0x2  }
0x397: {  	s23 =	simm.s32 $0x0;
	[tilespmem:s25+$0x13180] =	vst @p0 v19  }
0x398: {  	p1 =	por $0x1, $0x1;
	v18 =	vld.idx.msk [tilespmem:v18+s23+$0x0], $0xffff  }
.Ltmp130:
0x399: {  	_ = 	snop;
	(pc) =	sbr.rel @!p1 .LBB2_237-.Ltmp130, $3  }
0x39a: {  	_ =	sdelay $0x1  }
0x39b: {  	s24 =	sshra.s32 s24, $0x2  }
0x39c: {  	p0 =	por $0x0, $0x0;
	[tilespmem:s24+$0x13180] =	vst v18;
	v18 =	vadd.s32 s17, v14;
	s24 =	simm.s32 $0x40  }
0x39d: {  	p3 =	por $0x1, $0x1  }
.Ltmp131:
0x39e: {  	_ = 	snop;
	(pc) =	sbr.rel @!p3 .LBB2_239-.Ltmp131, $3  }
0x39f: {  	_ =	sdelay $0x1  }
0x3a0: {  	v19 =	vld.idx.msk [tilespmem:v18+s23+$0x0], $0xffff;
	s28 =	sadd.s32 $0xFFFFFFF0, s17;
	s29 =	simm.s32 $0x80  }
0x3a1: {  	p2 =	por $0x1, $0x1;
	s25 =	simm.s32 $0x0;
	s26 =	simm.s32 $0x40;
	v18 =	vadd.s32 s28, v14  }
.LBB2_240:
0x3a2: {  	p3 =	sne.s32 s29, $0x13C0;
	_ =	sdelay $0x1  }
.Ltmp132:
0x3a3: {  	s30 =	sshra.s32 s25, $0x2;
	s25 =	smov.u32 s26;
	(pc) =	sbr.rel @p3 .LBB2_240-.Ltmp132, $4  }
0x3a4: {  	s26 =	smov.u32 s29;
	[tilespmem:s30+$0x13680] =	vst v19  }
0x3a5: {  	v19 =	vld.idx.msk [tilespmem:v18+s23+$0x0], $0xffff  }
0x3a6: {  	s28 =	sadd.s32 $0xFFFFFFF0, s28  }
0x3a7: {  	s29 =	sadd.s32 $0x40, s29;
	v18 =	vadd.s32 s28, v14  }
.LBB2_241:
0x3a8: {  	_ =	sdelay $0x1  }
0x3a9: {  	s25 =	sshra.s32 @p2 s25, $0x2  }
0x3aa: {  	[tilespmem:s25+$0x13680] =	vst @p2 v19  }
0x3ab: {  	v18 =	vld.idx.msk [tilespmem:v18+s23+$0x0], $0xffff  }
.Ltmp133:
0x3ac: {  	_ = 	snop;
	(pc) =	sbr.rel @!p1 .LBB2_242-.Ltmp133, $3  }
0x3ad: {  	_ =	sdelay $0x1  }
0x3ae: {  	s31 =	sshra.s32 s26, $0x2  }
0x3af: {  	[tilespmem:s31+$0x13680] =	vst v18;
	v18 =	vadd.s32 s17, v15  }
0x3b0: {  	p1 =	por $0x1, $0x1  }
.Ltmp134:
0x3b1: {  	_ = 	snop;
	(pc) =	sbr.rel @!p1 .LBB2_244-.Ltmp134, $3  }
0x3b2: {  	_ =	sdelay $0x1  }
0x3b3: {  	v19 =	vld.idx.msk [tilespmem:v18+s3+$0x0], $0xffff;
	s25 =	sadd.s32 $0xFFFFFFF0, s17  }
0x3b4: {  	s26 =	simm.s32 $0x80;
	p0 =	por $0x1, $0x1;
	v18 =	vadd.s32 s25, v15  }
.LBB2_245:
0x3b5: {  	p1 =	sne.s32 s26, $0x13C0;
	_ =	sdelay $0x1  }
.Ltmp135:
0x3b6: {  	s28 =	sshra.s32 s23, $0x2;
	s23 =	smov.u32 s24;
	(pc) =	sbr.rel @p1 .LBB2_245-.Ltmp135, $4  }
0x3b7: {  	s24 =	smov.u32 s26;
	[tilespmem:s28+$0x13B80] =	vst v19  }
0x3b8: {  	v19 =	vld.idx.msk [tilespmem:v18+s3+$0x0], $0xffff  }
0x3b9: {  	s25 =	sadd.s32 $0xFFFFFFF0, s25  }
0x3ba: {  	s26 =	sadd.s32 $0x40, s26;
	v18 =	vadd.s32 s25, v15  }
0x3bb: {  	s25 =	smov.u32 s23;
	s23 =	smov.u32 s24  }
.LBB2_247:
0x3bc: {  	_ =	sdelay $0x1  }
0x3bd: {  	s24 =	sshra.s32 @p0 s25, $0x2  }
0x3be: {  	[tilespmem:s24+$0x13B80] =	vst @p0 v19  }
0x3bf: {  	v18 =	vld.idx.msk [tilespmem:v18+s3+$0x0], $0xffff;
	_ =	sdelay $0x3  }
0x3c0: {  	s23 =	sshra.s32 s23, $0x2  }
0x3c1: {  	[tilespmem:s23+$0x13B80] =	vst v18;
	s23 =	simm.s32 $0x0  }
0x3c2: {  	[tilespmem:s23], [sflag:$0x2] =	stream.strided.gather [hbm4b:s7+s18], $0x5080, s19, s18, $0x38;
	[tilespmem:$0x19080] =	vst v63  }
0x3c3: {  	_ =	swait.ge [sflag:s20], $0x5080  }
0x3c4: {  	[sflag:s20] =	ssyncset.done $0x0  }
0x3c5: {  	[sflag:s20] =	ssyncadd.s32 $0xFFFFAF80  }
0x3c6: {  	s25 =	sadd.s32 $0xFFFFFFF0, s17;
	s26 =	simm.s32 $0x80;
	v16 =	vld.idx.msk [tilespmem:v16+s23+$0x0], $0xffff  }
0x3c7: {  	s28 =	simm.s32 $0x0;
	s29 =	simm.s32 $0x40;
	s24 =	simm.s32 $0x40;
	v18 =	vadd.s32 s25, v0  }
.LBB2_248:
0x3c8: {  	p0 =	sne.s32 s26, $0x13C0;
	_ =	sdelay $0x1  }
.Ltmp136:
0x3c9: {  	s30 =	sshra.s32 s28, $0x2;
	s28 =	smov.u32 s29;
	(pc) =	sbr.rel @p0 .LBB2_248-.Ltmp136, $4  }
0x3ca: {  	s29 =	smov.u32 s26;
	[tilespmem:s30+$0x14080] =	vst v16  }
0x3cb: {  	v16 =	vld.idx.msk [tilespmem:v18+s23+$0x0], $0xffff  }
0x3cc: {  	s25 =	sadd.s32 $0xFFFFFFF0, s25  }
0x3cd: {  	s26 =	sadd.s32 $0x40, s26;
	v18 =	vadd.s32 s25, v0  }
0x3ce: {  	_ =	sdelay $0x1  }
0x3cf: {  	s25 =	sshra.s32 s28, $0x2  }
0x3d0: {  	[tilespmem:s25+$0x14080] =	vst v16  }
0x3d1: {  	v16 =	vld.idx.msk [tilespmem:v18+s23+$0x0], $0xffff;
	_ =	sdelay $0x3  }
0x3d2: {  	s31 =	sshra.s32 s29, $0x2  }
0x3d3: {  	s25 =	simm.s32 $0x0;
	[tilespmem:s31+$0x14080] =	vst v16  }
0x3d4: {  	s26 =	sadd.s32 $0xFFFFFFF0, s17;
	v16 =	vld.idx.msk [tilespmem:v17+s25+$0x0], $0xffff  }
0x3d5: {  	s28 =	simm.s32 $0x80;
	v17 =	vadd.s32 s26, v1  }
.LBB2_250:
0x3d6: {  	p0 =	sne.s32 s28, $0x13C0;
	_ =	sdelay $0x1  }
.Ltmp137:
0x3d7: {  	s29 =	sshra.s32 s23, $0x2;
	s23 =	smov.u32 s24;
	(pc) =	sbr.rel @p0 .LBB2_250-.Ltmp137, $4  }
0x3d8: {  	s24 =	smov.u32 s28;
	[tilespmem:s29+$0x14580] =	vst v16  }
0x3d9: {  	v16 =	vld.idx.msk [tilespmem:v17+s25+$0x0], $0xffff  }
0x3da: {  	s26 =	sadd.s32 $0xFFFFFFF0, s26  }
0x3db: {  	s28 =	sadd.s32 $0x40, s28;
	v17 =	vadd.s32 s26, v1  }
0x3dc: {  	_ =	sdelay $0x1  }
0x3dd: {  	s25 =	sshra.s32 s23, $0x2  }
0x3de: {  	s23 =	simm.s32 $0x0;
	[tilespmem:s25+$0x14580] =	vst v16  }
0x3df: {  	p1 =	por $0x1, $0x1;
	v16 =	vld.idx.msk [tilespmem:v17+s23+$0x0], $0xffff  }
.Ltmp138:
0x3e0: {  	_ = 	snop;
	(pc) =	sbr.rel @!p1 .LBB2_252-.Ltmp138, $3  }
0x3e1: {  	_ =	sdelay $0x1  }
0x3e2: {  	s24 =	sshra.s32 s24, $0x2  }
0x3e3: {  	p0 =	por $0x0, $0x0;
	[tilespmem:s24+$0x14580] =	vst v16;
	v16 =	vadd.s32 s17, v2;
	s24 =	simm.s32 $0x40  }
0x3e4: {  	p3 =	por $0x1, $0x1  }
.Ltmp139:
0x3e5: {  	_ = 	snop;
	(pc) =	sbr.rel @!p3 .LBB2_254-.Ltmp139, $3  }
0x3e6: {  	_ =	sdelay $0x1  }
0x3e7: {  	v17 =	vld.idx.msk [tilespmem:v16+s23+$0x0], $0xffff;
	s28 =	sadd.s32 $0xFFFFFFF0, s17;
	s29 =	simm.s32 $0x80  }
0x3e8: {  	p2 =	por $0x1, $0x1;
	s25 =	simm.s32 $0x0;
	s26 =	simm.s32 $0x40;
	v16 =	vadd.s32 s28, v2  }
.LBB2_255:
0x3e9: {  	p3 =	sne.s32 s29, $0x13C0;
	_ =	sdelay $0x1  }
.Ltmp140:
0x3ea: {  	s30 =	sshra.s32 s25, $0x2;
	s25 =	smov.u32 s26;
	(pc) =	sbr.rel @p3 .LBB2_255-.Ltmp140, $4  }
0x3eb: {  	s26 =	smov.u32 s29;
	[tilespmem:s30+$0x14A80] =	vst v17  }
0x3ec: {  	v17 =	vld.idx.msk [tilespmem:v16+s23+$0x0], $0xffff  }
0x3ed: {  	s28 =	sadd.s32 $0xFFFFFFF0, s28  }
0x3ee: {  	s29 =	sadd.s32 $0x40, s29;
	v16 =	vadd.s32 s28, v2  }
.LBB2_256:
0x3ef: {  	_ =	sdelay $0x1  }
0x3f0: {  	s25 =	sshra.s32 @p2 s25, $0x2  }
0x3f1: {  	[tilespmem:s25+$0x14A80] =	vst @p2 v17  }
0x3f2: {  	v16 =	vld.idx.msk [tilespmem:v16+s23+$0x0], $0xffff  }
.Ltmp141:
0x3f3: {  	_ = 	snop;
	(pc) =	sbr.rel @!p1 .LBB2_257-.Ltmp141, $3  }
0x3f4: {  	_ =	sdelay $0x1  }
0x3f5: {  	s31 =	sshra.s32 s26, $0x2  }
0x3f6: {  	[tilespmem:s31+$0x14A80] =	vst v16;
	v16 =	vadd.s32 s17, v3  }
0x3f7: {  	p1 =	por $0x1, $0x1  }
.Ltmp142:
0x3f8: {  	_ = 	snop;
	(pc) =	sbr.rel @!p1 .LBB2_259-.Ltmp142, $4  }
0x3f9: {  	_ = 	snop  }
0x3fa: {  	s25 =	simm.s32 $0x0  }
0x3fb: {  	s26 =	sadd.s32 $0xFFFFFFF0, s17;
	v17 =	vld.idx.msk [tilespmem:v16+s25+$0x0], $0xffff  }
0x3fc: {  	s28 =	simm.s32 $0x80;
	p0 =	por $0x1, $0x1;
	v16 =	vadd.s32 s26, v3  }
.LBB2_260:
0x3fd: {  	p1 =	sne.s32 s28, $0x13C0;
	_ =	sdelay $0x1  }
.Ltmp143:
0x3fe: {  	s29 =	sshra.s32 s23, $0x2;
	s23 =	smov.u32 s24;
	(pc) =	sbr.rel @p1 .LBB2_260-.Ltmp143, $4  }
0x3ff: {  	s24 =	smov.u32 s28;
	[tilespmem:s29+$0x14F80] =	vst v17  }
0x400: {  	v17 =	vld.idx.msk [tilespmem:v16+s25+$0x0], $0xffff  }
0x401: {  	s26 =	sadd.s32 $0xFFFFFFF0, s26  }
0x402: {  	s28 =	sadd.s32 $0x40, s28;
	v16 =	vadd.s32 s26, v3  }
0x403: {  	s25 =	smov.u32 s23;
	s23 =	smov.u32 s24  }
.LBB2_262:
0x404: {  	_ =	sdelay $0x1  }
0x405: {  	s25 =	sshra.s32 @p0 s25, $0x2  }
0x406: {  	s24 =	simm.s32 $0x0;
	[tilespmem:s25+$0x14F80] =	vst @p0 v17  }
0x407: {  	p1 =	por $0x1, $0x1;
	v16 =	vld.idx.msk [tilespmem:v16+s24+$0x0], $0xffff  }
.Ltmp144:
0x408: {  	_ = 	snop;
	(pc) =	sbr.rel @!p1 .LBB2_263-.Ltmp144, $3  }
0x409: {  	_ =	sdelay $0x1  }
0x40a: {  	s23 =	sshra.s32 s23, $0x2  }
0x40b: {  	p0 =	por $0x0, $0x0;
	[tilespmem:s23+$0x14F80] =	vst v16;
	v16 =	vadd.s32 s17, v4;
	s23 =	simm.s32 $0x40  }
0x40c: {  	p3 =	por $0x1, $0x1  }
.Ltmp145:
0x40d: {  	_ = 	snop;
	(pc) =	sbr.rel @!p3 .LBB2_265-.Ltmp145, $3  }
0x40e: {  	_ =	sdelay $0x1  }
0x40f: {  	v17 =	vld.idx.msk [tilespmem:v16+s24+$0x0], $0xffff;
	s28 =	sadd.s32 $0xFFFFFFF0, s17;
	s29 =	simm.s32 $0x80  }
0x410: {  	p2 =	por $0x1, $0x1;
	s25 =	simm.s32 $0x0;
	s26 =	simm.s32 $0x40;
	v16 =	vadd.s32 s28, v4  }
.LBB2_266:
0x411: {  	p3 =	sne.s32 s29, $0x13C0;
	_ =	sdelay $0x1  }
.Ltmp146:
0x412: {  	s30 =	sshra.s32 s25, $0x2;
	s25 =	smov.u32 s26;
	(pc) =	sbr.rel @p3 .LBB2_266-.Ltmp146, $4  }
0x413: {  	s26 =	smov.u32 s29;
	[tilespmem:s30+$0x15480] =	vst v17  }
0x414: {  	v17 =	vld.idx.msk [tilespmem:v16+s24+$0x0], $0xffff  }
0x415: {  	s28 =	sadd.s32 $0xFFFFFFF0, s28  }
0x416: {  	s29 =	sadd.s32 $0x40, s29;
	v16 =	vadd.s32 s28, v4  }
.LBB2_267:
0x417: {  	_ =	sdelay $0x1  }
0x418: {  	s25 =	sshra.s32 @p2 s25, $0x2  }
0x419: {  	[tilespmem:s25+$0x15480] =	vst @p2 v17  }
0x41a: {  	v16 =	vld.idx.msk [tilespmem:v16+s24+$0x0], $0xffff  }
.Ltmp147:
0x41b: {  	_ = 	snop;
	(pc) =	sbr.rel @!p1 .LBB2_268-.Ltmp147, $3  }
0x41c: {  	_ =	sdelay $0x1  }
0x41d: {  	s31 =	sshra.s32 s26, $0x2  }
0x41e: {  	[tilespmem:s31+$0x15480] =	vst v16;
	v16 =	vadd.s32 s17, v5  }
0x41f: {  	p1 =	por $0x1, $0x1  }
.Ltmp148:
0x420: {  	_ = 	snop;
	(pc) =	sbr.rel @!p1 .LBB2_270-.Ltmp148, $4  }
0x421: {  	_ = 	snop  }
0x422: {  	s25 =	simm.s32 $0x0  }
0x423: {  	s26 =	sadd.s32 $0xFFFFFFF0, s17;
	v17 =	vld.idx.msk [tilespmem:v16+s25+$0x0], $0xffff  }
0x424: {  	s28 =	simm.s32 $0x80;
	p0 =	por $0x1, $0x1;
	v16 =	vadd.s32 s26, v5  }
.LBB2_271:
0x425: {  	p1 =	sne.s32 s28, $0x13C0;
	_ =	sdelay $0x1  }
.Ltmp149:
0x426: {  	s29 =	sshra.s32 s24, $0x2;
	s24 =	smov.u32 s23;
	(pc) =	sbr.rel @p1 .LBB2_271-.Ltmp149, $4  }
0x427: {  	s23 =	smov.u32 s28;
	[tilespmem:s29+$0x15980] =	vst v17  }
0x428: {  	v17 =	vld.idx.msk [tilespmem:v16+s25+$0x0], $0xffff  }
0x429: {  	s26 =	sadd.s32 $0xFFFFFFF0, s26  }
0x42a: {  	s28 =	sadd.s32 $0x40, s28;
	v16 =	vadd.s32 s26, v5  }
0x42b: {  	s25 =	smov.u32 s24;
	s24 =	smov.u32 s23  }
.LBB2_273:
0x42c: {  	_ =	sdelay $0x1  }
0x42d: {  	s25 =	sshra.s32 @p0 s25, $0x2  }
0x42e: {  	s23 =	simm.s32 $0x0;
	[tilespmem:s25+$0x15980] =	vst @p0 v17  }
0x42f: {  	p1 =	por $0x1, $0x1;
	v16 =	vld.idx.msk [tilespmem:v16+s23+$0x0], $0xffff  }
.Ltmp150:
0x430: {  	_ = 	snop;
	(pc) =	sbr.rel @!p1 .LBB2_274-.Ltmp150, $3  }
0x431: {  	_ =	sdelay $0x1  }
0x432: {  	s24 =	sshra.s32 s24, $0x2  }
0x433: {  	p0 =	por $0x0, $0x0;
	[tilespmem:s24+$0x15980] =	vst v16;
	v16 =	vadd.s32 s17, v6;
	s24 =	simm.s32 $0x40  }
0x434: {  	p3 =	por $0x1, $0x1  }
.Ltmp151:
0x435: {  	_ = 	snop;
	(pc) =	sbr.rel @!p3 .LBB2_276-.Ltmp151, $3  }
0x436: {  	_ =	sdelay $0x1  }
0x437: {  	v17 =	vld.idx.msk [tilespmem:v16+s23+$0x0], $0xffff;
	s28 =	sadd.s32 $0xFFFFFFF0, s17;
	s29 =	simm.s32 $0x80  }
0x438: {  	p2 =	por $0x1, $0x1;
	s25 =	simm.s32 $0x0;
	s26 =	simm.s32 $0x40;
	v16 =	vadd.s32 s28, v6  }
.LBB2_277:
0x439: {  	p3 =	sne.s32 s29, $0x13C0;
	_ =	sdelay $0x1  }
.Ltmp152:
0x43a: {  	s30 =	sshra.s32 s25, $0x2;
	s25 =	smov.u32 s26;
	(pc) =	sbr.rel @p3 .LBB2_277-.Ltmp152, $4  }
0x43b: {  	s26 =	smov.u32 s29;
	[tilespmem:s30+$0x15E80] =	vst v17  }
0x43c: {  	v17 =	vld.idx.msk [tilespmem:v16+s23+$0x0], $0xffff  }
0x43d: {  	s28 =	sadd.s32 $0xFFFFFFF0, s28  }
0x43e: {  	s29 =	sadd.s32 $0x40, s29;
	v16 =	vadd.s32 s28, v6  }
.LBB2_278:
0x43f: {  	_ =	sdelay $0x1  }
0x440: {  	s25 =	sshra.s32 @p2 s25, $0x2  }
0x441: {  	[tilespmem:s25+$0x15E80] =	vst @p2 v17  }
0x442: {  	v16 =	vld.idx.msk [tilespmem:v16+s23+$0x0], $0xffff  }
.Ltmp153:
0x443: {  	_ = 	snop;
	(pc) =	sbr.rel @!p1 .LBB2_279-.Ltmp153, $3  }
0x444: {  	_ =	sdelay $0x1  }
0x445: {  	s31 =	sshra.s32 s26, $0x2  }
0x446: {  	[tilespmem:s31+$0x15E80] =	vst v16;
	v16 =	vadd.s32 s17, v7  }
0x447: {  	p1 =	por $0x1, $0x1  }
.Ltmp154:
0x448: {  	_ = 	snop;
	(pc) =	sbr.rel @!p1 .LBB2_281-.Ltmp154, $4  }
0x449: {  	_ = 	snop  }
0x44a: {  	s25 =	simm.s32 $0x0  }
0x44b: {  	s26 =	sadd.s32 $0xFFFFFFF0, s17;
	v17 =	vld.idx.msk [tilespmem:v16+s25+$0x0], $0xffff  }
0x44c: {  	s28 =	simm.s32 $0x80;
	p0 =	por $0x1, $0x1;
	v16 =	vadd.s32 s26, v7  }
.LBB2_282:
0x44d: {  	p1 =	sne.s32 s28, $0x13C0;
	_ =	sdelay $0x1  }
.Ltmp155:
0x44e: {  	s29 =	sshra.s32 s23, $0x2;
	s23 =	smov.u32 s24;
	(pc) =	sbr.rel @p1 .LBB2_282-.Ltmp155, $4  }
0x44f: {  	s24 =	smov.u32 s28;
	[tilespmem:s29+$0x16380] =	vst v17  }
0x450: {  	v17 =	vld.idx.msk [tilespmem:v16+s25+$0x0], $0xffff  }
0x451: {  	s26 =	sadd.s32 $0xFFFFFFF0, s26  }
0x452: {  	s28 =	sadd.s32 $0x40, s28;
	v16 =	vadd.s32 s26, v7  }
0x453: {  	s25 =	smov.u32 s23;
	s23 =	smov.u32 s24  }
.LBB2_284:
0x454: {  	_ =	sdelay $0x1  }
0x455: {  	s25 =	sshra.s32 @p0 s25, $0x2  }
0x456: {  	s24 =	simm.s32 $0x0;
	[tilespmem:s25+$0x16380] =	vst @p0 v17  }
0x457: {  	p1 =	por $0x1, $0x1;
	v16 =	vld.idx.msk [tilespmem:v16+s24+$0x0], $0xffff  }
.Ltmp156:
0x458: {  	_ = 	snop;
	(pc) =	sbr.rel @!p1 .LBB2_285-.Ltmp156, $3  }
0x459: {  	_ =	sdelay $0x1  }
0x45a: {  	s23 =	sshra.s32 s23, $0x2  }
0x45b: {  	p0 =	por $0x0, $0x0;
	[tilespmem:s23+$0x16380] =	vst v16;
	v16 =	vadd.s32 s17, v8;
	s23 =	simm.s32 $0x40  }
0x45c: {  	p3 =	por $0x1, $0x1  }
.Ltmp157:
0x45d: {  	_ = 	snop;
	(pc) =	sbr.rel @!p3 .LBB2_287-.Ltmp157, $3  }
0x45e: {  	_ =	sdelay $0x1  }
0x45f: {  	v17 =	vld.idx.msk [tilespmem:v16+s24+$0x0], $0xffff;
	s28 =	sadd.s32 $0xFFFFFFF0, s17;
	s29 =	simm.s32 $0x80  }
0x460: {  	p2 =	por $0x1, $0x1;
	s25 =	simm.s32 $0x0;
	s26 =	simm.s32 $0x40;
	v16 =	vadd.s32 s28, v8  }
.LBB2_288:
0x461: {  	p3 =	sne.s32 s29, $0x13C0;
	_ =	sdelay $0x1  }
.Ltmp158:
0x462: {  	s30 =	sshra.s32 s25, $0x2;
	s25 =	smov.u32 s26;
	(pc) =	sbr.rel @p3 .LBB2_288-.Ltmp158, $4  }
0x463: {  	s26 =	smov.u32 s29;
	[tilespmem:s30+$0x16880] =	vst v17  }
0x464: {  	v17 =	vld.idx.msk [tilespmem:v16+s24+$0x0], $0xffff  }
0x465: {  	s28 =	sadd.s32 $0xFFFFFFF0, s28  }
0x466: {  	s29 =	sadd.s32 $0x40, s29;
	v16 =	vadd.s32 s28, v8  }
.LBB2_289:
0x467: {  	_ =	sdelay $0x1  }
0x468: {  	s25 =	sshra.s32 @p2 s25, $0x2  }
0x469: {  	[tilespmem:s25+$0x16880] =	vst @p2 v17  }
0x46a: {  	v16 =	vld.idx.msk [tilespmem:v16+s24+$0x0], $0xffff  }
.Ltmp159:
0x46b: {  	_ = 	snop;
	(pc) =	sbr.rel @!p1 .LBB2_290-.Ltmp159, $3  }
0x46c: {  	_ =	sdelay $0x1  }
0x46d: {  	s31 =	sshra.s32 s26, $0x2  }
0x46e: {  	[tilespmem:s31+$0x16880] =	vst v16;
	v16 =	vadd.s32 s17, v9  }
0x46f: {  	p1 =	por $0x1, $0x1  }
.Ltmp160:
0x470: {  	_ = 	snop;
	(pc) =	sbr.rel @!p1 .LBB2_292-.Ltmp160, $4  }
0x471: {  	_ = 	snop  }
0x472: {  	s25 =	simm.s32 $0x0  }
0x473: {  	s26 =	sadd.s32 $0xFFFFFFF0, s17;
	v17 =	vld.idx.msk [tilespmem:v16+s25+$0x0], $0xffff  }
0x474: {  	s28 =	simm.s32 $0x80;
	p0 =	por $0x1, $0x1;
	v16 =	vadd.s32 s26, v9  }
.LBB2_293:
0x475: {  	p1 =	sne.s32 s28, $0x13C0;
	_ =	sdelay $0x1  }
.Ltmp161:
0x476: {  	s29 =	sshra.s32 s24, $0x2;
	s24 =	smov.u32 s23;
	(pc) =	sbr.rel @p1 .LBB2_293-.Ltmp161, $4  }
0x477: {  	s23 =	smov.u32 s28;
	[tilespmem:s29+$0x16D80] =	vst v17  }
0x478: {  	v17 =	vld.idx.msk [tilespmem:v16+s25+$0x0], $0xffff  }
0x479: {  	s26 =	sadd.s32 $0xFFFFFFF0, s26  }
0x47a: {  	s28 =	sadd.s32 $0x40, s28;
	v16 =	vadd.s32 s26, v9  }
0x47b: {  	s25 =	smov.u32 s24;
	s24 =	smov.u32 s23  }
.LBB2_295:
0x47c: {  	_ =	sdelay $0x1  }
0x47d: {  	s25 =	sshra.s32 @p0 s25, $0x2  }
0x47e: {  	s23 =	simm.s32 $0x0;
	[tilespmem:s25+$0x16D80] =	vst @p0 v17  }
0x47f: {  	p1 =	por $0x1, $0x1;
	v16 =	vld.idx.msk [tilespmem:v16+s23+$0x0], $0xffff  }
.Ltmp162:
0x480: {  	_ = 	snop;
	(pc) =	sbr.rel @!p1 .LBB2_296-.Ltmp162, $3  }
0x481: {  	_ =	sdelay $0x1  }
0x482: {  	s24 =	sshra.s32 s24, $0x2  }
0x483: {  	p0 =	por $0x0, $0x0;
	[tilespmem:s24+$0x16D80] =	vst v16;
	v16 =	vadd.s32 s17, v10;
	s24 =	simm.s32 $0x40  }
0x484: {  	p3 =	por $0x1, $0x1  }
.Ltmp163:
0x485: {  	_ = 	snop;
	(pc) =	sbr.rel @!p3 .LBB2_298-.Ltmp163, $3  }
0x486: {  	_ =	sdelay $0x1  }
0x487: {  	v17 =	vld.idx.msk [tilespmem:v16+s23+$0x0], $0xffff;
	s28 =	sadd.s32 $0xFFFFFFF0, s17;
	s29 =	simm.s32 $0x80  }
0x488: {  	p2 =	por $0x1, $0x1;
	s25 =	simm.s32 $0x0;
	s26 =	simm.s32 $0x40;
	v16 =	vadd.s32 s28, v10  }
.LBB2_299:
0x489: {  	p3 =	sne.s32 s29, $0x13C0;
	_ =	sdelay $0x1  }
.Ltmp164:
0x48a: {  	s30 =	sshra.s32 s25, $0x2;
	s25 =	smov.u32 s26;
	(pc) =	sbr.rel @p3 .LBB2_299-.Ltmp164, $4  }
0x48b: {  	s26 =	smov.u32 s29;
	[tilespmem:s30+$0x17280] =	vst v17  }
0x48c: {  	v17 =	vld.idx.msk [tilespmem:v16+s23+$0x0], $0xffff  }
0x48d: {  	s28 =	sadd.s32 $0xFFFFFFF0, s28  }
0x48e: {  	s29 =	sadd.s32 $0x40, s29;
	v16 =	vadd.s32 s28, v10  }
.LBB2_300:
0x48f: {  	_ =	sdelay $0x1  }
0x490: {  	s25 =	sshra.s32 @p2 s25, $0x2  }
0x491: {  	[tilespmem:s25+$0x17280] =	vst @p2 v17  }
0x492: {  	v16 =	vld.idx.msk [tilespmem:v16+s23+$0x0], $0xffff  }
.Ltmp165:
0x493: {  	_ = 	snop;
	(pc) =	sbr.rel @!p1 .LBB2_301-.Ltmp165, $3  }
0x494: {  	_ =	sdelay $0x1  }
0x495: {  	s31 =	sshra.s32 s26, $0x2  }
0x496: {  	[tilespmem:s31+$0x17280] =	vst v16;
	v16 =	vadd.s32 s17, v11  }
0x497: {  	p1 =	por $0x1, $0x1  }
.Ltmp166:
0x498: {  	_ = 	snop;
	(pc) =	sbr.rel @!p1 .LBB2_303-.Ltmp166, $4  }
0x499: {  	_ = 	snop  }
0x49a: {  	s25 =	simm.s32 $0x0  }
0x49b: {  	s26 =	sadd.s32 $0xFFFFFFF0, s17;
	v17 =	vld.idx.msk [tilespmem:v16+s25+$0x0], $0xffff  }
0x49c: {  	s28 =	simm.s32 $0x80;
	p0 =	por $0x1, $0x1;
	v16 =	vadd.s32 s26, v11  }
.LBB2_304:
0x49d: {  	p1 =	sne.s32 s28, $0x13C0;
	_ =	sdelay $0x1  }
.Ltmp167:
0x49e: {  	s29 =	sshra.s32 s23, $0x2;
	s23 =	smov.u32 s24;
	(pc) =	sbr.rel @p1 .LBB2_304-.Ltmp167, $4  }
0x49f: {  	s24 =	smov.u32 s28;
	[tilespmem:s29+$0x17780] =	vst v17  }
0x4a0: {  	v17 =	vld.idx.msk [tilespmem:v16+s25+$0x0], $0xffff  }
0x4a1: {  	s26 =	sadd.s32 $0xFFFFFFF0, s26  }
0x4a2: {  	s28 =	sadd.s32 $0x40, s28;
	v16 =	vadd.s32 s26, v11  }
0x4a3: {  	s25 =	smov.u32 s23;
	s23 =	smov.u32 s24  }
.LBB2_306:
0x4a4: {  	_ =	sdelay $0x1  }
0x4a5: {  	s25 =	sshra.s32 @p0 s25, $0x2  }
0x4a6: {  	s24 =	simm.s32 $0x0;
	[tilespmem:s25+$0x17780] =	vst @p0 v17  }
0x4a7: {  	p1 =	por $0x1, $0x1;
	v16 =	vld.idx.msk [tilespmem:v16+s24+$0x0], $0xffff  }
.Ltmp168:
0x4a8: {  	_ = 	snop;
	(pc) =	sbr.rel @!p1 .LBB2_307-.Ltmp168, $3  }
0x4a9: {  	_ =	sdelay $0x1  }
0x4aa: {  	s23 =	sshra.s32 s23, $0x2  }
0x4ab: {  	p0 =	por $0x0, $0x0;
	[tilespmem:s23+$0x17780] =	vst v16;
	v16 =	vadd.s32 s17, v12;
	s23 =	simm.s32 $0x40  }
0x4ac: {  	p3 =	por $0x1, $0x1  }
.Ltmp169:
0x4ad: {  	_ = 	snop;
	(pc) =	sbr.rel @!p3 .LBB2_309-.Ltmp169, $3  }
0x4ae: {  	_ =	sdelay $0x1  }
0x4af: {  	v17 =	vld.idx.msk [tilespmem:v16+s24+$0x0], $0xffff;
	s28 =	sadd.s32 $0xFFFFFFF0, s17;
	s29 =	simm.s32 $0x80  }
0x4b0: {  	p2 =	por $0x1, $0x1;
	s25 =	simm.s32 $0x0;
	s26 =	simm.s32 $0x40;
	v16 =	vadd.s32 s28, v12  }
.LBB2_310:
0x4b1: {  	p3 =	sne.s32 s29, $0x13C0;
	_ =	sdelay $0x1  }
.Ltmp170:
0x4b2: {  	s30 =	sshra.s32 s25, $0x2;
	s25 =	smov.u32 s26;
	(pc) =	sbr.rel @p3 .LBB2_310-.Ltmp170, $4  }
0x4b3: {  	s26 =	smov.u32 s29;
	[tilespmem:s30+$0x17C80] =	vst v17  }
0x4b4: {  	v17 =	vld.idx.msk [tilespmem:v16+s24+$0x0], $0xffff  }
0x4b5: {  	s28 =	sadd.s32 $0xFFFFFFF0, s28  }
0x4b6: {  	s29 =	sadd.s32 $0x40, s29;
	v16 =	vadd.s32 s28, v12  }
.LBB2_311:
0x4b7: {  	_ =	sdelay $0x1  }
0x4b8: {  	s25 =	sshra.s32 @p2 s25, $0x2  }
0x4b9: {  	[tilespmem:s25+$0x17C80] =	vst @p2 v17  }
0x4ba: {  	v16 =	vld.idx.msk [tilespmem:v16+s24+$0x0], $0xffff  }
.Ltmp171:
0x4bb: {  	_ = 	snop;
	(pc) =	sbr.rel @!p1 .LBB2_312-.Ltmp171, $3  }
0x4bc: {  	_ =	sdelay $0x1  }
0x4bd: {  	s31 =	sshra.s32 s26, $0x2  }
0x4be: {  	[tilespmem:s31+$0x17C80] =	vst v16;
	v16 =	vadd.s32 s17, v13  }
0x4bf: {  	p1 =	por $0x1, $0x1  }
.Ltmp172:
0x4c0: {  	_ = 	snop;
	(pc) =	sbr.rel @!p1 .LBB2_314-.Ltmp172, $4  }
0x4c1: {  	_ = 	snop  }
0x4c2: {  	s25 =	simm.s32 $0x0  }
0x4c3: {  	s26 =	sadd.s32 $0xFFFFFFF0, s17;
	v17 =	vld.idx.msk [tilespmem:v16+s25+$0x0], $0xffff  }
0x4c4: {  	s28 =	simm.s32 $0x80;
	p0 =	por $0x1, $0x1;
	v16 =	vadd.s32 s26, v13  }
.LBB2_315:
0x4c5: {  	p1 =	sne.s32 s28, $0x13C0;
	_ =	sdelay $0x1  }
.Ltmp173:
0x4c6: {  	s29 =	sshra.s32 s24, $0x2;
	s24 =	smov.u32 s23;
	(pc) =	sbr.rel @p1 .LBB2_315-.Ltmp173, $4  }
0x4c7: {  	s23 =	smov.u32 s28;
	[tilespmem:s29+$0x18180] =	vst v17  }
0x4c8: {  	v17 =	vld.idx.msk [tilespmem:v16+s25+$0x0], $0xffff  }
0x4c9: {  	s26 =	sadd.s32 $0xFFFFFFF0, s26  }
0x4ca: {  	s28 =	sadd.s32 $0x40, s28;
	v16 =	vadd.s32 s26, v13  }
0x4cb: {  	s25 =	smov.u32 s24;
	s24 =	smov.u32 s23  }
.LBB2_317:
0x4cc: {  	_ =	sdelay $0x1  }
0x4cd: {  	s23 =	sshra.s32 @p0 s25, $0x2  }
0x4ce: {  	s25 =	simm.s32 $0x0;
	[tilespmem:s23+$0x18180] =	vst @p0 v17  }
0x4cf: {  	p1 =	por $0x1, $0x1;
	v16 =	vld.idx.msk [tilespmem:v16+s25+$0x0], $0xffff  }
.Ltmp174:
0x4d0: {  	_ = 	snop;
	(pc) =	sbr.rel @!p1 .LBB2_318-.Ltmp174, $3  }
0x4d1: {  	_ =	sdelay $0x1  }
0x4d2: {  	s31 =	sshra.s32 s24, $0x2  }
0x4d3: {  	s23 =	simm.s32 $0x40;
	p0 =	por $0x0, $0x0;
	[tilespmem:s31+$0x18180] =	vst v16;
	v16 =	vadd.s32 s17, v14  }
0x4d4: {  	p3 =	por $0x1, $0x1  }
.Ltmp175:
0x4d5: {  	_ = 	snop;
	(pc) =	sbr.rel @!p3 .LBB2_320-.Ltmp175, $3  }
0x4d6: {  	_ =	sdelay $0x1  }
0x4d7: {  	v17 =	vld.idx.msk [tilespmem:v16+s25+$0x0], $0xffff;
	s28 =	sadd.s32 $0xFFFFFFF0, s17;
	s29 =	simm.s32 $0x80  }
0x4d8: {  	p2 =	por $0x1, $0x1;
	s24 =	simm.s32 $0x0;
	s26 =	simm.s32 $0x40;
	v16 =	vadd.s32 s28, v14  }
.LBB2_321:
0x4d9: {  	p3 =	sne.s32 s29, $0x13C0;
	_ =	sdelay $0x1  }
.Ltmp176:
0x4da: {  	s30 =	sshra.s32 s24, $0x2;
	s24 =	smov.u32 s26;
	(pc) =	sbr.rel @p3 .LBB2_321-.Ltmp176, $4  }
0x4db: {  	s26 =	smov.u32 s29;
	[tilespmem:s30+$0x18680] =	vst v17  }
0x4dc: {  	v17 =	vld.idx.msk [tilespmem:v16+s25+$0x0], $0xffff  }
0x4dd: {  	s28 =	sadd.s32 $0xFFFFFFF0, s28  }
0x4de: {  	s29 =	sadd.s32 $0x40, s29;
	v16 =	vadd.s32 s28, v14  }
.LBB2_322:
0x4df: {  	_ =	sdelay $0x1  }
0x4e0: {  	s24 =	sshra.s32 @p2 s24, $0x2  }
0x4e1: {  	[tilespmem:s24+$0x18680] =	vst @p2 v17  }
0x4e2: {  	v16 =	vld.idx.msk [tilespmem:v16+s25+$0x0], $0xffff  }
.Ltmp177:
0x4e3: {  	_ = 	snop;
	(pc) =	sbr.rel @!p1 .LBB2_323-.Ltmp177, $3  }
0x4e4: {  	_ =	sdelay $0x1  }
0x4e5: {  	s31 =	sshra.s32 s26, $0x2  }
0x4e6: {  	[tilespmem:s31+$0x18680] =	vst v16;
	v16 =	vadd.s32 s17, v15  }
0x4e7: {  	p1 =	por $0x1, $0x1  }
.Ltmp178:
0x4e8: {  	_ = 	snop;
	(pc) =	sbr.rel @!p1 .LBB2_325-.Ltmp178, $4  }
0x4e9: {  	_ = 	snop  }
0x4ea: {  	s24 =	simm.s32 $0x0  }
0x4eb: {  	s26 =	sadd.s32 $0xFFFFFFF0, s17;
	v17 =	vld.idx.msk [tilespmem:v16+s24+$0x0], $0xffff  }
0x4ec: {  	s28 =	simm.s32 $0x80;
	p0 =	por $0x1, $0x1;
	v16 =	vadd.s32 s26, v15  }
.LBB2_326:
0x4ed: {  	p1 =	sne.s32 s28, $0x13C0;
	_ =	sdelay $0x1  }
.Ltmp179:
0x4ee: {  	s29 =	sshra.s32 s25, $0x2;
	s25 =	smov.u32 s23;
	(pc) =	sbr.rel @p1 .LBB2_326-.Ltmp179, $4  }
0x4ef: {  	s23 =	smov.u32 s28;
	[tilespmem:s29+$0x18B80] =	vst v17  }
0x4f0: {  	v17 =	vld.idx.msk [tilespmem:v16+s24+$0x0], $0xffff  }
0x4f1: {  	s26 =	sadd.s32 $0xFFFFFFF0, s26  }
0x4f2: {  	s28 =	sadd.s32 $0x40, s28;
	v16 =	vadd.s32 s26, v15  }
0x4f3: {  	s24 =	smov.u32 s25;
	s25 =	smov.u32 s23  }
.LBB2_328:
0x4f4: {  	_ =	sdelay $0x1  }
0x4f5: {  	s24 =	sshra.s32 @p0 s24, $0x2  }
0x4f6: {  	s23 =	simm.s32 $0x0;
	[tilespmem:s24+$0x18B80] =	vst @p0 v17  }
0x4f7: {  	v16 =	vld.idx.msk [tilespmem:v16+s23+$0x0], $0xffff;
	_ =	sdelay $0x3  }
0x4f8: {  	s31 =	sshra.s32 s25, $0x2  }
0x4f9: {  	s24 =	simm.s32 $0x5080;
	[tilespmem:s31+$0x18B80] =	vst v16  }
.LBB2_329:
0x4fa: {  	p1 =	por $0x1, $0x1  }
.Ltmp180:
0x4fb: {  	_ = 	snop;
	(pc) =	sbr.rel @!p1 .LBB2_330-.Ltmp180, $4  }
0x4fc: {  	_ = 	snop  }
0x4fd: {  	s25 =	sshll.u32 s23, $0x10  }
0x4fe: {  	s25 =	sadd.s32 s8, s25  }
0x4ff: {  	s28 =	simm.s32 $0x0;
	p0 =	por $0x0, $0x0;
	s26 =	sadd.s32 s1, s25  }
0x500: {  	s31 =	sadd.s32 $0x0, s24  }
0x501: {  	s28 =	sadd.s32 $0xF8, s31  }
0x502: {  	[hbm4b:s26+s3] =	stream.linear.scatter [tilespmem:s28], [sflag:$0x1], $0x80, $0x38;
	[tilespmem:$0x19080] =	vst v63  }
0x503: {  	s29 =	sadd.s32 $0x10, s26;
	s28 =	sadd.s32 $0x5F8, s31  }
0x504: {  	[hbm4b:s29+s3] =	stream.linear.scatter [tilespmem:s28], [sflag:$0x1], $0x80, $0x38;
	[tilespmem:$0x19080] =	vst v63  }
0x505: {  	s30 =	sadd.s32 $0x60, s26;
	s28 =	sadd.s32 $0xAF8, s31;
	s29 =	sadd.s32 $0x20, s26  }
0x506: {  	[hbm4b:s29+s3] =	stream.linear.scatter [tilespmem:s28], [sflag:$0x1], $0x80, $0x38;
	[tilespmem:$0x19080] =	vst v63  }
0x507: {  	p1 =	por $0x1, $0x1;
	s28 =	sadd.s32 $0xFF8, s31;
	s29 =	sadd.s32 $0x30, s26  }
0x508: {  	[hbm4b:s29+s3] =	stream.linear.scatter [tilespmem:s28], [sflag:$0x1], $0x80, $0x38;
	[tilespmem:$0x19080] =	vst v63  }
0x509: {  	p0 =	por $0x1, $0x1;
	s28 =	sadd.s32 $0x14F8, s31;
	s29 =	sadd.s32 $0x40, s26  }
0x50a: {  	[hbm4b:s29+s3] =	stream.linear.scatter [tilespmem:s28], [sflag:$0x1], $0x80, $0x38;
	[tilespmem:$0x19080] =	vst v63  }
.Ltmp181:
0x50b: {  	s28 =	sadd.s32 $0x19F8, s31;
	s29 =	sadd.s32 $0x50, s26;
	(pc) =	sbr.rel @!p1 .LBB2_333-.Ltmp181, $4  }
0x50c: {  	[hbm4b:s29+s3] =	stream.linear.scatter [tilespmem:s28], [sflag:$0x1], $0x80, $0x38;
	[tilespmem:$0x19080] =	vst v63  }
0x50d: {  	s28 =	simm.s32 $0x2800;
	s29 =	sadd.s32 $0x1EF8, s31;
	s31 =	sadd.s32 $0x23F8, s31  }
0x50e: {  	[hbm4b:s30+s3] =	stream.linear.scatter [tilespmem:s29], [sflag:$0x1], $0x80, $0x38;
	[tilespmem:$0x19080] =	vst v63  }
0x50f: {  	s29 =	simm.s32 $0x14000;
	s30 =	sadd.s32 $0x70, s26;
	s26 =	sadd.s32 $0x400, s26  }
.LBB2_332:
0x510: {  	[hbm4b:s30+s3] =	stream.linear.scatter [tilespmem:s31], [sflag:$0x1], $0x80, $0x38;
	[tilespmem:$0x19080] =	vst v63  }
0x511: {  	s30 =	smov.u32 s29  }
0x512: {  	s0 =	sadd.s32 $0xA000, s29;
	s31 =	sadd.s32 s28, s24;
	s28 =	sshra.s32 s30, $0x2  }
0x513: {  	p1 =	sne.s32 s29, $0x46000;
	s29 =	sadd.s32 $0xF8, s31  }
0x514: {  	[hbm4b:s26+s3] =	stream.linear.scatter [tilespmem:s29], [sflag:$0x1], $0x80, $0x38;
	[tilespmem:$0x19080] =	vst v63  }
0x515: {  	s30 =	sadd.s32 $0x10, s26;
	s29 =	sadd.s32 $0x5F8, s31  }
0x516: {  	[hbm4b:s30+s3] =	stream.linear.scatter [tilespmem:s29], [sflag:$0x1], $0x80, $0x38;
	[tilespmem:$0x19080] =	vst v63  }
0x517: {  	s29 =	sadd.s32 $0xAF8, s31;
	s30 =	sadd.s32 $0x20, s26  }
0x518: {  	[hbm4b:s30+s3] =	stream.linear.scatter [tilespmem:s29], [sflag:$0x1], $0x80, $0x38;
	[tilespmem:$0x19080] =	vst v63  }
0x519: {  	s29 =	sadd.s32 $0xFF8, s31;
	s30 =	sadd.s32 $0x30, s26  }
0x51a: {  	[hbm4b:s30+s3] =	stream.linear.scatter [tilespmem:s29], [sflag:$0x1], $0x80, $0x38;
	[tilespmem:$0x19080] =	vst v63  }
0x51b: {  	s29 =	sadd.s32 $0x14F8, s31;
	s30 =	sadd.s32 $0x40, s26  }
0x51c: {  	[hbm4b:s30+s3] =	stream.linear.scatter [tilespmem:s29], [sflag:$0x1], $0x80, $0x38;
	[tilespmem:$0x19080] =	vst v63  }
.Ltmp182:
0x51d: {  	s29 =	sadd.s32 $0x19F8, s31;
	s30 =	sadd.s32 $0x50, s26;
	(pc) =	sbr.rel @p1 .LBB2_332-.Ltmp182, $4  }
0x51e: {  	[hbm4b:s30+s3] =	stream.linear.scatter [tilespmem:s29], [sflag:$0x1], $0x80, $0x38;
	[tilespmem:$0x19080] =	vst v63  }
0x51f: {  	s29 =	sadd.s32 $0x1EF8, s31;
	s30 =	sadd.s32 $0x60, s26;
	s31 =	sadd.s32 $0x23F8, s31  }
0x520: {  	[hbm4b:s30+s3] =	stream.linear.scatter [tilespmem:s29], [sflag:$0x1], $0x80, $0x38;
	[tilespmem:$0x19080] =	vst v63  }
0x521: {  	s30 =	sadd.s32 $0x70, s26;
	s26 =	sadd.s32 $0x400, s26;
	s29 =	smov.u32 s0  }
.LBB2_333:
0x522: {  	[hbm4b:s30+s3] =	stream.linear.scatter @p0 [tilespmem:s31], [sflag:$0x1], $0x80, $0x38;
	[tilespmem:$0x19080] =	vst v63  }
0x523: {  	s0 =	sadd.s32 s28, s24  }
0x524: {  	s28 =	sadd.s32 $0xF8, s0  }
0x525: {  	[hbm4b:s26+s3] =	stream.linear.scatter [tilespmem:s28], [sflag:$0x1], $0x80, $0x38;
	[tilespmem:$0x19080] =	vst v63  }
0x526: {  	s29 =	sadd.s32 $0x10, s26;
	s28 =	sadd.s32 $0x5F8, s0  }
0x527: {  	[hbm4b:s29+s3] =	stream.linear.scatter [tilespmem:s28], [sflag:$0x1], $0x80, $0x38;
	[tilespmem:$0x19080] =	vst v63  }
0x528: {  	s28 =	sadd.s32 $0xAF8, s0;
	s29 =	sadd.s32 $0x20, s26  }
0x529: {  	[hbm4b:s29+s3] =	stream.linear.scatter [tilespmem:s28], [sflag:$0x1], $0x80, $0x38;
	[tilespmem:$0x19080] =	vst v63  }
0x52a: {  	s28 =	sadd.s32 $0xFF8, s0;
	s29 =	sadd.s32 $0x30, s26  }
0x52b: {  	[hbm4b:s29+s3] =	stream.linear.scatter [tilespmem:s28], [sflag:$0x1], $0x80, $0x38;
	[tilespmem:$0x19080] =	vst v63  }
0x52c: {  	s28 =	sadd.s32 $0x14F8, s0;
	s29 =	sadd.s32 $0x40, s26  }
0x52d: {  	[hbm4b:s29+s3] =	stream.linear.scatter [tilespmem:s28], [sflag:$0x1], $0x80, $0x38;
	[tilespmem:$0x19080] =	vst v63  }
0x52e: {  	s28 =	sadd.s32 $0x19F8, s0;
	s29 =	sadd.s32 $0x50, s26  }
0x52f: {  	[hbm4b:s29+s3] =	stream.linear.scatter [tilespmem:s28], [sflag:$0x1], $0x80, $0x38;
	[tilespmem:$0x19080] =	vst v63  }
0x530: {  	s28 =	sadd.s32 $0x1EF8, s0;
	s29 =	sadd.s32 $0x60, s26  }
0x531: {  	[hbm4b:s29+s3] =	stream.linear.scatter [tilespmem:s28], [sflag:$0x1], $0x80, $0x38;
	[tilespmem:$0x19080] =	vst v63  }
0x532: {  	s2 =	sadd.s32 $0x70, s26;
	s0 =	sadd.s32 $0x23F8, s0;
	s26 =	sadd.s32 $0x0, s24  }
0x533: {  	[hbm4b:s2+s3] =	stream.linear.scatter [tilespmem:s0], [sflag:$0x1], $0x80, $0x38;
	[tilespmem:$0x19080] =	vst v63  }
0x534: {  	s28 =	sadd.s32 $0x178, s26;
	s2 =	sadd.s32 s25, s9  }
0x535: {  	[hbm4b:s2+s3] =	stream.linear.scatter [tilespmem:s28], [sflag:$0x1], $0x80, $0x38;
	[tilespmem:$0x19080] =	vst v63  }
0x536: {  	s29 =	sadd.s32 $0x10, s2;
	s28 =	sadd.s32 $0x678, s26  }
0x537: {  	[hbm4b:s29+s3] =	stream.linear.scatter [tilespmem:s28], [sflag:$0x1], $0x80, $0x38;
	[tilespmem:$0x19080] =	vst v63  }
0x538: {  	s28 =	sadd.s32 $0xB78, s26;
	s29 =	sadd.s32 $0x20, s2  }
0x539: {  	[hbm4b:s29+s3] =	stream.linear.scatter [tilespmem:s28], [sflag:$0x1], $0x80, $0x38;
	[tilespmem:$0x19080] =	vst v63  }
0x53a: {  	s28 =	sadd.s32 $0x1078, s26;
	s29 =	sadd.s32 $0x30, s2  }
0x53b: {  	[hbm4b:s29+s3] =	stream.linear.scatter [tilespmem:s28], [sflag:$0x1], $0x80, $0x38;
	[tilespmem:$0x19080] =	vst v63  }
0x53c: {  	s28 =	sadd.s32 $0x1578, s26;
	s29 =	sadd.s32 $0x40, s2  }
0x53d: {  	[hbm4b:s29+s3] =	stream.linear.scatter [tilespmem:s28], [sflag:$0x1], $0x80, $0x38;
	[tilespmem:$0x19080] =	vst v63  }
0x53e: {  	s30 =	sadd.s32 $0x2478, s26;
	s28 =	sadd.s32 $0x1A78, s26;
	s29 =	sadd.s32 $0x50, s2  }
0x53f: {  	[hbm4b:s29+s3] =	stream.linear.scatter [tilespmem:s28], [sflag:$0x1], $0x80, $0x38;
	[tilespmem:$0x19080] =	vst v63  }
0x540: {  	s31 =	sadd.s32 $0x70, s2;
	s28 =	sadd.s32 $0x1F78, s26;
	s29 =	sadd.s32 $0x60, s2  }
0x541: {  	[hbm4b:s29+s3] =	stream.linear.scatter [tilespmem:s28], [sflag:$0x1], $0x80, $0x38;
	[tilespmem:$0x19080] =	vst v63  }
0x542: {  	s26 =	sadd.s32 $0x400, s2;
	s28 =	simm.s32 $0x2800;
	s29 =	simm.s32 $0x14000  }
.LBB2_334:
0x543: {  	[hbm4b:s31+s3] =	stream.linear.scatter [tilespmem:s30], [sflag:$0x1], $0x80, $0x38;
	[tilespmem:$0x19080] =	vst v63  }
0x544: {  	s0 =	smov.u32 s29  }
0x545: {  	s2 =	sadd.s32 $0xA000, s29;
	s30 =	sadd.s32 s28, s24;
	s28 =	sshra.s32 s0, $0x2  }
0x546: {  	p0 =	sne.s32 s29, $0x46000;
	s0 =	sadd.s32 $0x178, s30  }
0x547: {  	[hbm4b:s26+s3] =	stream.linear.scatter [tilespmem:s0], [sflag:$0x1], $0x80, $0x38;
	[tilespmem:$0x19080] =	vst v63  }
0x548: {  	s29 =	sadd.s32 $0x10, s26;
	s0 =	sadd.s32 $0x678, s30  }
0x549: {  	[hbm4b:s29+s3] =	stream.linear.scatter [tilespmem:s0], [sflag:$0x1], $0x80, $0x38;
	[tilespmem:$0x19080] =	vst v63  }
0x54a: {  	s0 =	sadd.s32 $0xB78, s30;
	s29 =	sadd.s32 $0x20, s26  }
0x54b: {  	[hbm4b:s29+s3] =	stream.linear.scatter [tilespmem:s0], [sflag:$0x1], $0x80, $0x38;
	[tilespmem:$0x19080] =	vst v63  }
0x54c: {  	s0 =	sadd.s32 $0x1078, s30;
	s29 =	sadd.s32 $0x30, s26  }
0x54d: {  	[hbm4b:s29+s3] =	stream.linear.scatter [tilespmem:s0], [sflag:$0x1], $0x80, $0x38;
	[tilespmem:$0x19080] =	vst v63  }
0x54e: {  	s0 =	sadd.s32 $0x1578, s30;
	s29 =	sadd.s32 $0x40, s26  }
0x54f: {  	[hbm4b:s29+s3] =	stream.linear.scatter [tilespmem:s0], [sflag:$0x1], $0x80, $0x38;
	[tilespmem:$0x19080] =	vst v63  }
.Ltmp183:
0x550: {  	s0 =	sadd.s32 $0x1A78, s30;
	s29 =	sadd.s32 $0x50, s26;
	(pc) =	sbr.rel @p0 .LBB2_334-.Ltmp183, $4  }
0x551: {  	[hbm4b:s29+s3] =	stream.linear.scatter [tilespmem:s0], [sflag:$0x1], $0x80, $0x38;
	[tilespmem:$0x19080] =	vst v63  }
0x552: {  	s31 =	sadd.s32 $0x70, s26;
	s0 =	sadd.s32 $0x1F78, s30;
	s29 =	sadd.s32 $0x60, s26  }
0x553: {  	[hbm4b:s29+s3] =	stream.linear.scatter [tilespmem:s0], [sflag:$0x1], $0x80, $0x38;
	[tilespmem:$0x19080] =	vst v63  }
0x554: {  	s30 =	sadd.s32 $0x2478, s30;
	s26 =	sadd.s32 $0x400, s26;
	s29 =	smov.u32 s2  }
0x555: {  	[hbm4b:s31+s3] =	stream.linear.scatter [tilespmem:s30], [sflag:$0x1], $0x80, $0x38;
	[tilespmem:$0x19080] =	vst v63  }
0x556: {  	s0 =	sadd.s32 s28, s24  }
0x557: {  	s2 =	sadd.s32 $0x178, s0  }
0x558: {  	[hbm4b:s26+s3] =	stream.linear.scatter [tilespmem:s2], [sflag:$0x1], $0x80, $0x38;
	[tilespmem:$0x19080] =	vst v63  }
0x559: {  	s28 =	sadd.s32 $0x10, s26;
	s2 =	sadd.s32 $0x678, s0  }
0x55a: {  	[hbm4b:s28+s3] =	stream.linear.scatter [tilespmem:s2], [sflag:$0x1], $0x80, $0x38;
	[tilespmem:$0x19080] =	vst v63  }
0x55b: {  	s2 =	sadd.s32 $0xB78, s0;
	s28 =	sadd.s32 $0x20, s26  }
0x55c: {  	[hbm4b:s28+s3] =	stream.linear.scatter [tilespmem:s2], [sflag:$0x1], $0x80, $0x38;
	[tilespmem:$0x19080] =	vst v63  }
0x55d: {  	s2 =	sadd.s32 $0x1078, s0;
	s28 =	sadd.s32 $0x30, s26  }
0x55e: {  	[hbm4b:s28+s3] =	stream.linear.scatter [tilespmem:s2], [sflag:$0x1], $0x80, $0x38;
	[tilespmem:$0x19080] =	vst v63  }
0x55f: {  	s2 =	sadd.s32 $0x1578, s0;
	s28 =	sadd.s32 $0x40, s26  }
0x560: {  	[hbm4b:s28+s3] =	stream.linear.scatter [tilespmem:s2], [sflag:$0x1], $0x80, $0x38;
	[tilespmem:$0x19080] =	vst v63  }
0x561: {  	s2 =	sadd.s32 $0x1A78, s0;
	s28 =	sadd.s32 $0x50, s26  }
0x562: {  	[hbm4b:s28+s3] =	stream.linear.scatter [tilespmem:s2], [sflag:$0x1], $0x80, $0x38;
	[tilespmem:$0x19080] =	vst v63  }
0x563: {  	s2 =	sadd.s32 $0x1F78, s0;
	s28 =	sadd.s32 $0x60, s26  }
0x564: {  	[hbm4b:s28+s3] =	stream.linear.scatter [tilespmem:s2], [sflag:$0x1], $0x80, $0x38;
	[tilespmem:$0x19080] =	vst v63  }
0x565: {  	s0 =	sadd.s32 $0x2478, s0;
	s26 =	sadd.s32 $0x70, s26  }
0x566: {  	[hbm4b:s26+s3] =	stream.linear.scatter [tilespmem:s0], [sflag:$0x1], $0x80, $0x38;
	[tilespmem:$0x19080] =	vst v63  }
0x567: {  	s0 =	sadd.s32 $0x0, s24  }
0x568: {  	s2 =	sadd.s32 s25, s10;
	s26 =	sadd.s32 $0x1F8, s0  }
0x569: {  	[hbm4b:s2+s3] =	stream.linear.scatter [tilespmem:s26], [sflag:$0x1], $0x80, $0x38;
	[tilespmem:$0x19080] =	vst v63  }
0x56a: {  	s28 =	sadd.s32 $0x10, s2;
	s26 =	sadd.s32 $0x6F8, s0  }
0x56b: {  	[hbm4b:s28+s3] =	stream.linear.scatter [tilespmem:s26], [sflag:$0x1], $0x80, $0x38;
	[tilespmem:$0x19080] =	vst v63  }
0x56c: {  	s26 =	sadd.s32 $0xBF8, s0;
	s28 =	sadd.s32 $0x20, s2  }
0x56d: {  	[hbm4b:s28+s3] =	stream.linear.scatter [tilespmem:s26], [sflag:$0x1], $0x80, $0x38;
	[tilespmem:$0x19080] =	vst v63  }
0x56e: {  	s26 =	sadd.s32 $0x10F8, s0;
	s28 =	sadd.s32 $0x30, s2  }
0x56f: {  	[hbm4b:s28+s3] =	stream.linear.scatter [tilespmem:s26], [sflag:$0x1], $0x80, $0x38;
	[tilespmem:$0x19080] =	vst v63  }
0x570: {  	s26 =	sadd.s32 $0x15F8, s0;
	s28 =	sadd.s32 $0x40, s2  }
0x571: {  	[hbm4b:s28+s3] =	stream.linear.scatter [tilespmem:s26], [sflag:$0x1], $0x80, $0x38;
	[tilespmem:$0x19080] =	vst v63  }
0x572: {  	s29 =	simm.s32 $0x14000;
	s26 =	sadd.s32 $0x1AF8, s0;
	s28 =	sadd.s32 $0x50, s2  }
0x573: {  	[hbm4b:s28+s3] =	stream.linear.scatter [tilespmem:s26], [sflag:$0x1], $0x80, $0x38;
	[tilespmem:$0x19080] =	vst v63  }
0x574: {  	s31 =	sadd.s32 $0x70, s2;
	s26 =	sadd.s32 $0x1FF8, s0;
	s28 =	sadd.s32 $0x60, s2  }
0x575: {  	[hbm4b:s28+s3] =	stream.linear.scatter [tilespmem:s26], [sflag:$0x1], $0x80, $0x38;
	[tilespmem:$0x19080] =	vst v63  }
0x576: {  	s30 =	sadd.s32 $0x24F8, s0;
	s28 =	simm.s32 $0x2800;
	s26 =	sadd.s32 $0x400, s2  }
.LBB2_336:
0x577: {  	[hbm4b:s31+s3] =	stream.linear.scatter [tilespmem:s30], [sflag:$0x1], $0x80, $0x38;
	[tilespmem:$0x19080] =	vst v63  }
0x578: {  	s0 =	smov.u32 s29  }
0x579: {  	s2 =	sadd.s32 $0xA000, s29;
	s30 =	sadd.s32 s28, s24;
	s28 =	sshra.s32 s0, $0x2  }
0x57a: {  	p0 =	sne.s32 s29, $0x46000;
	s0 =	sadd.s32 $0x1F8, s30  }
0x57b: {  	[hbm4b:s26+s3] =	stream.linear.scatter [tilespmem:s0], [sflag:$0x1], $0x80, $0x38;
	[tilespmem:$0x19080] =	vst v63  }
0x57c: {  	s29 =	sadd.s32 $0x10, s26;
	s0 =	sadd.s32 $0x6F8, s30  }
0x57d: {  	[hbm4b:s29+s3] =	stream.linear.scatter [tilespmem:s0], [sflag:$0x1], $0x80, $0x38;
	[tilespmem:$0x19080] =	vst v63  }
0x57e: {  	s0 =	sadd.s32 $0xBF8, s30;
	s29 =	sadd.s32 $0x20, s26  }
0x57f: {  	[hbm4b:s29+s3] =	stream.linear.scatter [tilespmem:s0], [sflag:$0x1], $0x80, $0x38;
	[tilespmem:$0x19080] =	vst v63  }
0x580: {  	s0 =	sadd.s32 $0x10F8, s30;
	s29 =	sadd.s32 $0x30, s26  }
0x581: {  	[hbm4b:s29+s3] =	stream.linear.scatter [tilespmem:s0], [sflag:$0x1], $0x80, $0x38;
	[tilespmem:$0x19080] =	vst v63  }
0x582: {  	s0 =	sadd.s32 $0x15F8, s30;
	s29 =	sadd.s32 $0x40, s26  }
0x583: {  	[hbm4b:s29+s3] =	stream.linear.scatter [tilespmem:s0], [sflag:$0x1], $0x80, $0x38;
	[tilespmem:$0x19080] =	vst v63  }
.Ltmp184:
0x584: {  	s0 =	sadd.s32 $0x1AF8, s30;
	s29 =	sadd.s32 $0x50, s26;
	(pc) =	sbr.rel @p0 .LBB2_336-.Ltmp184, $4  }
0x585: {  	[hbm4b:s29+s3] =	stream.linear.scatter [tilespmem:s0], [sflag:$0x1], $0x80, $0x38;
	[tilespmem:$0x19080] =	vst v63  }
0x586: {  	s31 =	sadd.s32 $0x70, s26;
	s0 =	sadd.s32 $0x1FF8, s30;
	s29 =	sadd.s32 $0x60, s26  }
0x587: {  	[hbm4b:s29+s3] =	stream.linear.scatter [tilespmem:s0], [sflag:$0x1], $0x80, $0x38;
	[tilespmem:$0x19080] =	vst v63  }
0x588: {  	s30 =	sadd.s32 $0x24F8, s30;
	s26 =	sadd.s32 $0x400, s26;
	s29 =	smov.u32 s2  }
0x589: {  	[hbm4b:s31+s3] =	stream.linear.scatter [tilespmem:s30], [sflag:$0x1], $0x80, $0x38;
	[tilespmem:$0x19080] =	vst v63  }
0x58a: {  	s0 =	sadd.s32 s28, s24  }
0x58b: {  	s2 =	sadd.s32 $0x1F8, s0  }
0x58c: {  	[hbm4b:s26+s3] =	stream.linear.scatter [tilespmem:s2], [sflag:$0x1], $0x80, $0x38;
	[tilespmem:$0x19080] =	vst v63  }
0x58d: {  	s28 =	sadd.s32 $0x10, s26;
	s2 =	sadd.s32 $0x6F8, s0  }
0x58e: {  	[hbm4b:s28+s3] =	stream.linear.scatter [tilespmem:s2], [sflag:$0x1], $0x80, $0x38;
	[tilespmem:$0x19080] =	vst v63  }
0x58f: {  	s2 =	sadd.s32 $0xBF8, s0;
	s28 =	sadd.s32 $0x20, s26  }
0x590: {  	[hbm4b:s28+s3] =	stream.linear.scatter [tilespmem:s2], [sflag:$0x1], $0x80, $0x38;
	[tilespmem:$0x19080] =	vst v63  }
0x591: {  	s2 =	sadd.s32 $0x10F8, s0;
	s28 =	sadd.s32 $0x30, s26  }
0x592: {  	[hbm4b:s28+s3] =	stream.linear.scatter [tilespmem:s2], [sflag:$0x1], $0x80, $0x38;
	[tilespmem:$0x19080] =	vst v63  }
0x593: {  	s2 =	sadd.s32 $0x15F8, s0;
	s28 =	sadd.s32 $0x40, s26  }
0x594: {  	[hbm4b:s28+s3] =	stream.linear.scatter [tilespmem:s2], [sflag:$0x1], $0x80, $0x38;
	[tilespmem:$0x19080] =	vst v63  }
0x595: {  	s2 =	sadd.s32 $0x1AF8, s0;
	s28 =	sadd.s32 $0x50, s26  }
0x596: {  	[hbm4b:s28+s3] =	stream.linear.scatter [tilespmem:s2], [sflag:$0x1], $0x80, $0x38;
	[tilespmem:$0x19080] =	vst v63  }
0x597: {  	s2 =	sadd.s32 $0x1FF8, s0;
	s28 =	sadd.s32 $0x60, s26  }
0x598: {  	[hbm4b:s28+s3] =	stream.linear.scatter [tilespmem:s2], [sflag:$0x1], $0x80, $0x38;
	[tilespmem:$0x19080] =	vst v63  }
0x599: {  	s0 =	sadd.s32 $0x24F8, s0;
	s26 =	sadd.s32 $0x70, s26  }
0x59a: {  	[hbm4b:s26+s3] =	stream.linear.scatter [tilespmem:s0], [sflag:$0x1], $0x80, $0x38;
	[tilespmem:$0x19080] =	vst v63  }
0x59b: {  	s0 =	sadd.s32 $0x0, s24  }
0x59c: {  	s2 =	sadd.s32 s25, s11;
	s26 =	sadd.s32 $0x278, s0  }
0x59d: {  	[hbm4b:s2+s3] =	stream.linear.scatter [tilespmem:s26], [sflag:$0x1], $0x80, $0x38;
	[tilespmem:$0x19080] =	vst v63  }
0x59e: {  	s28 =	sadd.s32 $0x10, s2;
	s26 =	sadd.s32 $0x778, s0  }
0x59f: {  	[hbm4b:s28+s3] =	stream.linear.scatter [tilespmem:s26], [sflag:$0x1], $0x80, $0x38;
	[tilespmem:$0x19080] =	vst v63  }
0x5a0: {  	s26 =	sadd.s32 $0xC78, s0;
	s28 =	sadd.s32 $0x20, s2  }
0x5a1: {  	[hbm4b:s28+s3] =	stream.linear.scatter [tilespmem:s26], [sflag:$0x1], $0x80, $0x38;
	[tilespmem:$0x19080] =	vst v63  }
0x5a2: {  	s26 =	sadd.s32 $0x1178, s0;
	s28 =	sadd.s32 $0x30, s2  }
0x5a3: {  	[hbm4b:s28+s3] =	stream.linear.scatter [tilespmem:s26], [sflag:$0x1], $0x80, $0x38;
	[tilespmem:$0x19080] =	vst v63  }
0x5a4: {  	s26 =	sadd.s32 $0x1678, s0;
	s28 =	sadd.s32 $0x40, s2  }
0x5a5: {  	[hbm4b:s28+s3] =	stream.linear.scatter [tilespmem:s26], [sflag:$0x1], $0x80, $0x38;
	[tilespmem:$0x19080] =	vst v63  }
0x5a6: {  	s29 =	simm.s32 $0x14000;
	s26 =	sadd.s32 $0x1B78, s0;
	s28 =	sadd.s32 $0x50, s2  }
0x5a7: {  	[hbm4b:s28+s3] =	stream.linear.scatter [tilespmem:s26], [sflag:$0x1], $0x80, $0x38;
	[tilespmem:$0x19080] =	vst v63  }
0x5a8: {  	s31 =	sadd.s32 $0x70, s2;
	s26 =	sadd.s32 $0x2078, s0;
	s28 =	sadd.s32 $0x60, s2  }
0x5a9: {  	[hbm4b:s28+s3] =	stream.linear.scatter [tilespmem:s26], [sflag:$0x1], $0x80, $0x38;
	[tilespmem:$0x19080] =	vst v63  }
0x5aa: {  	s30 =	sadd.s32 $0x2578, s0;
	s28 =	simm.s32 $0x2800;
	s26 =	sadd.s32 $0x400, s2  }
.LBB2_338:
0x5ab: {  	[hbm4b:s31+s3] =	stream.linear.scatter [tilespmem:s30], [sflag:$0x1], $0x80, $0x38;
	[tilespmem:$0x19080] =	vst v63  }
0x5ac: {  	s0 =	smov.u32 s29  }
0x5ad: {  	s2 =	sadd.s32 $0xA000, s29;
	s30 =	sadd.s32 s28, s24;
	s28 =	sshra.s32 s0, $0x2  }
0x5ae: {  	p0 =	sne.s32 s29, $0x46000;
	s0 =	sadd.s32 $0x278, s30  }
0x5af: {  	[hbm4b:s26+s3] =	stream.linear.scatter [tilespmem:s0], [sflag:$0x1], $0x80, $0x38;
	[tilespmem:$0x19080] =	vst v63  }
0x5b0: {  	s29 =	sadd.s32 $0x10, s26;
	s0 =	sadd.s32 $0x778, s30  }
0x5b1: {  	[hbm4b:s29+s3] =	stream.linear.scatter [tilespmem:s0], [sflag:$0x1], $0x80, $0x38;
	[tilespmem:$0x19080] =	vst v63  }
0x5b2: {  	s0 =	sadd.s32 $0xC78, s30;
	s29 =	sadd.s32 $0x20, s26  }
0x5b3: {  	[hbm4b:s29+s3] =	stream.linear.scatter [tilespmem:s0], [sflag:$0x1], $0x80, $0x38;
	[tilespmem:$0x19080] =	vst v63  }
0x5b4: {  	s0 =	sadd.s32 $0x1178, s30;
	s29 =	sadd.s32 $0x30, s26  }
0x5b5: {  	[hbm4b:s29+s3] =	stream.linear.scatter [tilespmem:s0], [sflag:$0x1], $0x80, $0x38;
	[tilespmem:$0x19080] =	vst v63  }
0x5b6: {  	s0 =	sadd.s32 $0x1678, s30;
	s29 =	sadd.s32 $0x40, s26  }
0x5b7: {  	[hbm4b:s29+s3] =	stream.linear.scatter [tilespmem:s0], [sflag:$0x1], $0x80, $0x38;
	[tilespmem:$0x19080] =	vst v63  }
.Ltmp185:
0x5b8: {  	s0 =	sadd.s32 $0x1B78, s30;
	s29 =	sadd.s32 $0x50, s26;
	(pc) =	sbr.rel @p0 .LBB2_338-.Ltmp185, $4  }
0x5b9: {  	[hbm4b:s29+s3] =	stream.linear.scatter [tilespmem:s0], [sflag:$0x1], $0x80, $0x38;
	[tilespmem:$0x19080] =	vst v63  }
0x5ba: {  	s31 =	sadd.s32 $0x70, s26;
	s0 =	sadd.s32 $0x2078, s30;
	s29 =	sadd.s32 $0x60, s26  }
0x5bb: {  	[hbm4b:s29+s3] =	stream.linear.scatter [tilespmem:s0], [sflag:$0x1], $0x80, $0x38;
	[tilespmem:$0x19080] =	vst v63  }
0x5bc: {  	s30 =	sadd.s32 $0x2578, s30;
	s26 =	sadd.s32 $0x400, s26;
	s29 =	smov.u32 s2  }
0x5bd: {  	[hbm4b:s31+s3] =	stream.linear.scatter [tilespmem:s30], [sflag:$0x1], $0x80, $0x38;
	[tilespmem:$0x19080] =	vst v63  }
0x5be: {  	s0 =	sadd.s32 s28, s24  }
0x5bf: {  	s2 =	sadd.s32 $0x278, s0  }
0x5c0: {  	[hbm4b:s26+s3] =	stream.linear.scatter [tilespmem:s2], [sflag:$0x1], $0x80, $0x38;
	[tilespmem:$0x19080] =	vst v63  }
0x5c1: {  	s28 =	sadd.s32 $0x10, s26;
	s2 =	sadd.s32 $0x778, s0  }
0x5c2: {  	[hbm4b:s28+s3] =	stream.linear.scatter [tilespmem:s2], [sflag:$0x1], $0x80, $0x38;
	[tilespmem:$0x19080] =	vst v63  }
0x5c3: {  	s2 =	sadd.s32 $0xC78, s0;
	s28 =	sadd.s32 $0x20, s26  }
0x5c4: {  	[hbm4b:s28+s3] =	stream.linear.scatter [tilespmem:s2], [sflag:$0x1], $0x80, $0x38;
	[tilespmem:$0x19080] =	vst v63  }
0x5c5: {  	s2 =	sadd.s32 $0x1178, s0;
	s28 =	sadd.s32 $0x30, s26  }
0x5c6: {  	[hbm4b:s28+s3] =	stream.linear.scatter [tilespmem:s2], [sflag:$0x1], $0x80, $0x38;
	[tilespmem:$0x19080] =	vst v63  }
0x5c7: {  	s2 =	sadd.s32 $0x1678, s0;
	s28 =	sadd.s32 $0x40, s26  }
0x5c8: {  	[hbm4b:s28+s3] =	stream.linear.scatter [tilespmem:s2], [sflag:$0x1], $0x80, $0x38;
	[tilespmem:$0x19080] =	vst v63  }
0x5c9: {  	s2 =	sadd.s32 $0x1B78, s0;
	s28 =	sadd.s32 $0x50, s26  }
0x5ca: {  	[hbm4b:s28+s3] =	stream.linear.scatter [tilespmem:s2], [sflag:$0x1], $0x80, $0x38;
	[tilespmem:$0x19080] =	vst v63  }
0x5cb: {  	s2 =	sadd.s32 $0x2078, s0;
	s28 =	sadd.s32 $0x60, s26  }
0x5cc: {  	[hbm4b:s28+s3] =	stream.linear.scatter [tilespmem:s2], [sflag:$0x1], $0x80, $0x38;
	[tilespmem:$0x19080] =	vst v63  }
0x5cd: {  	s0 =	sadd.s32 $0x2578, s0;
	s26 =	sadd.s32 $0x70, s26  }
0x5ce: {  	[hbm4b:s26+s3] =	stream.linear.scatter [tilespmem:s0], [sflag:$0x1], $0x80, $0x38;
	[tilespmem:$0x19080] =	vst v63  }
0x5cf: {  	s0 =	sadd.s32 $0x0, s24  }
0x5d0: {  	s2 =	sadd.s32 s25, s12;
	s26 =	sadd.s32 $0x2F8, s0  }
0x5d1: {  	[hbm4b:s2+s3] =	stream.linear.scatter [tilespmem:s26], [sflag:$0x1], $0x80, $0x38;
	[tilespmem:$0x19080] =	vst v63  }
0x5d2: {  	s28 =	sadd.s32 $0x10, s2;
	s26 =	sadd.s32 $0x7F8, s0  }
0x5d3: {  	[hbm4b:s28+s3] =	stream.linear.scatter [tilespmem:s26], [sflag:$0x1], $0x80, $0x38;
	[tilespmem:$0x19080] =	vst v63  }
0x5d4: {  	s26 =	sadd.s32 $0xCF8, s0;
	s28 =	sadd.s32 $0x20, s2  }
0x5d5: {  	[hbm4b:s28+s3] =	stream.linear.scatter [tilespmem:s26], [sflag:$0x1], $0x80, $0x38;
	[tilespmem:$0x19080] =	vst v63  }
0x5d6: {  	s26 =	sadd.s32 $0x11F8, s0;
	s28 =	sadd.s32 $0x30, s2  }
0x5d7: {  	[hbm4b:s28+s3] =	stream.linear.scatter [tilespmem:s26], [sflag:$0x1], $0x80, $0x38;
	[tilespmem:$0x19080] =	vst v63  }
0x5d8: {  	s26 =	sadd.s32 $0x16F8, s0;
	s28 =	sadd.s32 $0x40, s2  }
0x5d9: {  	[hbm4b:s28+s3] =	stream.linear.scatter [tilespmem:s26], [sflag:$0x1], $0x80, $0x38;
	[tilespmem:$0x19080] =	vst v63  }
0x5da: {  	s29 =	simm.s32 $0x14000;
	s26 =	sadd.s32 $0x1BF8, s0;
	s28 =	sadd.s32 $0x50, s2  }
0x5db: {  	[hbm4b:s28+s3] =	stream.linear.scatter [tilespmem:s26], [sflag:$0x1], $0x80, $0x38;
	[tilespmem:$0x19080] =	vst v63  }
0x5dc: {  	s31 =	sadd.s32 $0x70, s2;
	s26 =	sadd.s32 $0x20F8, s0;
	s28 =	sadd.s32 $0x60, s2  }
0x5dd: {  	[hbm4b:s28+s3] =	stream.linear.scatter [tilespmem:s26], [sflag:$0x1], $0x80, $0x38;
	[tilespmem:$0x19080] =	vst v63  }
0x5de: {  	s30 =	sadd.s32 $0x25F8, s0;
	s28 =	simm.s32 $0x2800;
	s26 =	sadd.s32 $0x400, s2  }
.LBB2_340:
0x5df: {  	[hbm4b:s31+s3] =	stream.linear.scatter [tilespmem:s30], [sflag:$0x1], $0x80, $0x38;
	[tilespmem:$0x19080] =	vst v63  }
0x5e0: {  	s0 =	smov.u32 s29  }
0x5e1: {  	s2 =	sadd.s32 $0xA000, s29;
	s30 =	sadd.s32 s28, s24;
	s28 =	sshra.s32 s0, $0x2  }
0x5e2: {  	p0 =	sne.s32 s29, $0x46000;
	s0 =	sadd.s32 $0x2F8, s30  }
0x5e3: {  	[hbm4b:s26+s3] =	stream.linear.scatter [tilespmem:s0], [sflag:$0x1], $0x80, $0x38;
	[tilespmem:$0x19080] =	vst v63  }
0x5e4: {  	s29 =	sadd.s32 $0x10, s26;
	s0 =	sadd.s32 $0x7F8, s30  }
0x5e5: {  	[hbm4b:s29+s3] =	stream.linear.scatter [tilespmem:s0], [sflag:$0x1], $0x80, $0x38;
	[tilespmem:$0x19080] =	vst v63  }
0x5e6: {  	s0 =	sadd.s32 $0xCF8, s30;
	s29 =	sadd.s32 $0x20, s26  }
0x5e7: {  	[hbm4b:s29+s3] =	stream.linear.scatter [tilespmem:s0], [sflag:$0x1], $0x80, $0x38;
	[tilespmem:$0x19080] =	vst v63  }
0x5e8: {  	s0 =	sadd.s32 $0x11F8, s30;
	s29 =	sadd.s32 $0x30, s26  }
0x5e9: {  	[hbm4b:s29+s3] =	stream.linear.scatter [tilespmem:s0], [sflag:$0x1], $0x80, $0x38;
	[tilespmem:$0x19080] =	vst v63  }
0x5ea: {  	s0 =	sadd.s32 $0x16F8, s30;
	s29 =	sadd.s32 $0x40, s26  }
0x5eb: {  	[hbm4b:s29+s3] =	stream.linear.scatter [tilespmem:s0], [sflag:$0x1], $0x80, $0x38;
	[tilespmem:$0x19080] =	vst v63  }
.Ltmp186:
0x5ec: {  	s0 =	sadd.s32 $0x1BF8, s30;
	s29 =	sadd.s32 $0x50, s26;
	(pc) =	sbr.rel @p0 .LBB2_340-.Ltmp186, $4  }
0x5ed: {  	[hbm4b:s29+s3] =	stream.linear.scatter [tilespmem:s0], [sflag:$0x1], $0x80, $0x38;
	[tilespmem:$0x19080] =	vst v63  }
0x5ee: {  	s31 =	sadd.s32 $0x70, s26;
	s0 =	sadd.s32 $0x20F8, s30;
	s29 =	sadd.s32 $0x60, s26  }
0x5ef: {  	[hbm4b:s29+s3] =	stream.linear.scatter [tilespmem:s0], [sflag:$0x1], $0x80, $0x38;
	[tilespmem:$0x19080] =	vst v63  }
0x5f0: {  	s30 =	sadd.s32 $0x25F8, s30;
	s26 =	sadd.s32 $0x400, s26;
	s29 =	smov.u32 s2  }
0x5f1: {  	[hbm4b:s31+s3] =	stream.linear.scatter [tilespmem:s30], [sflag:$0x1], $0x80, $0x38;
	[tilespmem:$0x19080] =	vst v63  }
0x5f2: {  	s0 =	sadd.s32 s28, s24  }
0x5f3: {  	s2 =	sadd.s32 $0x2F8, s0  }
0x5f4: {  	[hbm4b:s26+s3] =	stream.linear.scatter [tilespmem:s2], [sflag:$0x1], $0x80, $0x38;
	[tilespmem:$0x19080] =	vst v63  }
0x5f5: {  	s28 =	sadd.s32 $0x10, s26;
	s2 =	sadd.s32 $0x7F8, s0  }
0x5f6: {  	[hbm4b:s28+s3] =	stream.linear.scatter [tilespmem:s2], [sflag:$0x1], $0x80, $0x38;
	[tilespmem:$0x19080] =	vst v63  }
0x5f7: {  	s2 =	sadd.s32 $0xCF8, s0;
	s28 =	sadd.s32 $0x20, s26  }
0x5f8: {  	[hbm4b:s28+s3] =	stream.linear.scatter [tilespmem:s2], [sflag:$0x1], $0x80, $0x38;
	[tilespmem:$0x19080] =	vst v63  }
0x5f9: {  	s2 =	sadd.s32 $0x11F8, s0;
	s28 =	sadd.s32 $0x30, s26  }
0x5fa: {  	[hbm4b:s28+s3] =	stream.linear.scatter [tilespmem:s2], [sflag:$0x1], $0x80, $0x38;
	[tilespmem:$0x19080] =	vst v63  }
0x5fb: {  	s2 =	sadd.s32 $0x16F8, s0;
	s28 =	sadd.s32 $0x40, s26  }
0x5fc: {  	[hbm4b:s28+s3] =	stream.linear.scatter [tilespmem:s2], [sflag:$0x1], $0x80, $0x38;
	[tilespmem:$0x19080] =	vst v63  }
0x5fd: {  	s2 =	sadd.s32 $0x1BF8, s0;
	s28 =	sadd.s32 $0x50, s26  }
0x5fe: {  	[hbm4b:s28+s3] =	stream.linear.scatter [tilespmem:s2], [sflag:$0x1], $0x80, $0x38;
	[tilespmem:$0x19080] =	vst v63  }
0x5ff: {  	s2 =	sadd.s32 $0x20F8, s0;
	s28 =	sadd.s32 $0x60, s26  }
0x600: {  	[hbm4b:s28+s3] =	stream.linear.scatter [tilespmem:s2], [sflag:$0x1], $0x80, $0x38;
	[tilespmem:$0x19080] =	vst v63  }
0x601: {  	s0 =	sadd.s32 $0x25F8, s0;
	s26 =	sadd.s32 $0x70, s26  }
0x602: {  	[hbm4b:s26+s3] =	stream.linear.scatter [tilespmem:s0], [sflag:$0x1], $0x80, $0x38;
	[tilespmem:$0x19080] =	vst v63  }
0x603: {  	s0 =	sadd.s32 $0x0, s24  }
0x604: {  	s2 =	sadd.s32 s25, s13;
	s26 =	sadd.s32 $0x378, s0  }
0x605: {  	[hbm4b:s2+s3] =	stream.linear.scatter [tilespmem:s26], [sflag:$0x1], $0x80, $0x38;
	[tilespmem:$0x19080] =	vst v63  }
0x606: {  	s28 =	sadd.s32 $0x10, s2;
	s26 =	sadd.s32 $0x878, s0  }
0x607: {  	[hbm4b:s28+s3] =	stream.linear.scatter [tilespmem:s26], [sflag:$0x1], $0x80, $0x38;
	[tilespmem:$0x19080] =	vst v63  }
0x608: {  	s26 =	sadd.s32 $0xD78, s0;
	s28 =	sadd.s32 $0x20, s2  }
0x609: {  	[hbm4b:s28+s3] =	stream.linear.scatter [tilespmem:s26], [sflag:$0x1], $0x80, $0x38;
	[tilespmem:$0x19080] =	vst v63  }
0x60a: {  	s26 =	sadd.s32 $0x1278, s0;
	s28 =	sadd.s32 $0x30, s2  }
0x60b: {  	[hbm4b:s28+s3] =	stream.linear.scatter [tilespmem:s26], [sflag:$0x1], $0x80, $0x38;
	[tilespmem:$0x19080] =	vst v63  }
0x60c: {  	s26 =	sadd.s32 $0x1778, s0;
	s28 =	sadd.s32 $0x40, s2  }
0x60d: {  	[hbm4b:s28+s3] =	stream.linear.scatter [tilespmem:s26], [sflag:$0x1], $0x80, $0x38;
	[tilespmem:$0x19080] =	vst v63  }
0x60e: {  	s29 =	simm.s32 $0x14000;
	s26 =	sadd.s32 $0x1C78, s0;
	s28 =	sadd.s32 $0x50, s2  }
0x60f: {  	[hbm4b:s28+s3] =	stream.linear.scatter [tilespmem:s26], [sflag:$0x1], $0x80, $0x38;
	[tilespmem:$0x19080] =	vst v63  }
0x610: {  	s31 =	sadd.s32 $0x70, s2;
	s26 =	sadd.s32 $0x2178, s0;
	s28 =	sadd.s32 $0x60, s2  }
0x611: {  	[hbm4b:s28+s3] =	stream.linear.scatter [tilespmem:s26], [sflag:$0x1], $0x80, $0x38;
	[tilespmem:$0x19080] =	vst v63  }
0x612: {  	s30 =	sadd.s32 $0x2678, s0;
	s28 =	simm.s32 $0x2800;
	s26 =	sadd.s32 $0x400, s2  }
.LBB2_342:
0x613: {  	[hbm4b:s31+s3] =	stream.linear.scatter [tilespmem:s30], [sflag:$0x1], $0x80, $0x38;
	[tilespmem:$0x19080] =	vst v63  }
0x614: {  	s0 =	smov.u32 s29  }
0x615: {  	s2 =	sadd.s32 $0xA000, s29;
	s30 =	sadd.s32 s28, s24;
	s28 =	sshra.s32 s0, $0x2  }
0x616: {  	p0 =	sne.s32 s29, $0x46000;
	s0 =	sadd.s32 $0x378, s30  }
0x617: {  	[hbm4b:s26+s3] =	stream.linear.scatter [tilespmem:s0], [sflag:$0x1], $0x80, $0x38;
	[tilespmem:$0x19080] =	vst v63  }
0x618: {  	s29 =	sadd.s32 $0x10, s26;
	s0 =	sadd.s32 $0x878, s30  }
0x619: {  	[hbm4b:s29+s3] =	stream.linear.scatter [tilespmem:s0], [sflag:$0x1], $0x80, $0x38;
	[tilespmem:$0x19080] =	vst v63  }
0x61a: {  	s0 =	sadd.s32 $0xD78, s30;
	s29 =	sadd.s32 $0x20, s26  }
0x61b: {  	[hbm4b:s29+s3] =	stream.linear.scatter [tilespmem:s0], [sflag:$0x1], $0x80, $0x38;
	[tilespmem:$0x19080] =	vst v63  }
0x61c: {  	s0 =	sadd.s32 $0x1278, s30;
	s29 =	sadd.s32 $0x30, s26  }
0x61d: {  	[hbm4b:s29+s3] =	stream.linear.scatter [tilespmem:s0], [sflag:$0x1], $0x80, $0x38;
	[tilespmem:$0x19080] =	vst v63  }
0x61e: {  	s0 =	sadd.s32 $0x1778, s30;
	s29 =	sadd.s32 $0x40, s26  }
0x61f: {  	[hbm4b:s29+s3] =	stream.linear.scatter [tilespmem:s0], [sflag:$0x1], $0x80, $0x38;
	[tilespmem:$0x19080] =	vst v63  }
.Ltmp187:
0x620: {  	s0 =	sadd.s32 $0x1C78, s30;
	s29 =	sadd.s32 $0x50, s26;
	(pc) =	sbr.rel @p0 .LBB2_342-.Ltmp187, $4  }
0x621: {  	[hbm4b:s29+s3] =	stream.linear.scatter [tilespmem:s0], [sflag:$0x1], $0x80, $0x38;
	[tilespmem:$0x19080] =	vst v63  }
0x622: {  	s31 =	sadd.s32 $0x70, s26;
	s0 =	sadd.s32 $0x2178, s30;
	s29 =	sadd.s32 $0x60, s26  }
0x623: {  	[hbm4b:s29+s3] =	stream.linear.scatter [tilespmem:s0], [sflag:$0x1], $0x80, $0x38;
	[tilespmem:$0x19080] =	vst v63  }
0x624: {  	s30 =	sadd.s32 $0x2678, s30;
	s26 =	sadd.s32 $0x400, s26;
	s29 =	smov.u32 s2  }
0x625: {  	[hbm4b:s31+s3] =	stream.linear.scatter [tilespmem:s30], [sflag:$0x1], $0x80, $0x38;
	[tilespmem:$0x19080] =	vst v63  }
0x626: {  	s0 =	sadd.s32 s28, s24  }
0x627: {  	s2 =	sadd.s32 $0x378, s0  }
0x628: {  	[hbm4b:s26+s3] =	stream.linear.scatter [tilespmem:s2], [sflag:$0x1], $0x80, $0x38;
	[tilespmem:$0x19080] =	vst v63  }
0x629: {  	s28 =	sadd.s32 $0x10, s26;
	s2 =	sadd.s32 $0x878, s0  }
0x62a: {  	[hbm4b:s28+s3] =	stream.linear.scatter [tilespmem:s2], [sflag:$0x1], $0x80, $0x38;
	[tilespmem:$0x19080] =	vst v63  }
0x62b: {  	s2 =	sadd.s32 $0xD78, s0;
	s28 =	sadd.s32 $0x20, s26  }
0x62c: {  	[hbm4b:s28+s3] =	stream.linear.scatter [tilespmem:s2], [sflag:$0x1], $0x80, $0x38;
	[tilespmem:$0x19080] =	vst v63  }
0x62d: {  	s2 =	sadd.s32 $0x1278, s0;
	s28 =	sadd.s32 $0x30, s26  }
0x62e: {  	[hbm4b:s28+s3] =	stream.linear.scatter [tilespmem:s2], [sflag:$0x1], $0x80, $0x38;
	[tilespmem:$0x19080] =	vst v63  }
0x62f: {  	s2 =	sadd.s32 $0x1778, s0;
	s28 =	sadd.s32 $0x40, s26  }
0x630: {  	[hbm4b:s28+s3] =	stream.linear.scatter [tilespmem:s2], [sflag:$0x1], $0x80, $0x38;
	[tilespmem:$0x19080] =	vst v63  }
0x631: {  	s2 =	sadd.s32 $0x1C78, s0;
	s28 =	sadd.s32 $0x50, s26  }
0x632: {  	[hbm4b:s28+s3] =	stream.linear.scatter [tilespmem:s2], [sflag:$0x1], $0x80, $0x38;
	[tilespmem:$0x19080] =	vst v63  }
0x633: {  	s2 =	sadd.s32 $0x2178, s0;
	s28 =	sadd.s32 $0x60, s26  }
0x634: {  	[hbm4b:s28+s3] =	stream.linear.scatter [tilespmem:s2], [sflag:$0x1], $0x80, $0x38;
	[tilespmem:$0x19080] =	vst v63  }
0x635: {  	s0 =	sadd.s32 $0x2678, s0;
	s26 =	sadd.s32 $0x70, s26  }
0x636: {  	[hbm4b:s26+s3] =	stream.linear.scatter [tilespmem:s0], [sflag:$0x1], $0x80, $0x38;
	[tilespmem:$0x19080] =	vst v63  }
0x637: {  	s0 =	sadd.s32 $0x0, s24  }
0x638: {  	s2 =	sadd.s32 s25, s14;
	s26 =	sadd.s32 $0x3F8, s0  }
0x639: {  	[hbm4b:s2+s3] =	stream.linear.scatter [tilespmem:s26], [sflag:$0x1], $0x80, $0x38;
	[tilespmem:$0x19080] =	vst v63  }
0x63a: {  	s28 =	sadd.s32 $0x10, s2;
	s26 =	sadd.s32 $0x8F8, s0  }
0x63b: {  	[hbm4b:s28+s3] =	stream.linear.scatter [tilespmem:s26], [sflag:$0x1], $0x80, $0x38;
	[tilespmem:$0x19080] =	vst v63  }
0x63c: {  	s26 =	sadd.s32 $0xDF8, s0;
	s28 =	sadd.s32 $0x20, s2  }
0x63d: {  	[hbm4b:s28+s3] =	stream.linear.scatter [tilespmem:s26], [sflag:$0x1], $0x80, $0x38;
	[tilespmem:$0x19080] =	vst v63  }
0x63e: {  	s26 =	sadd.s32 $0x12F8, s0;
	s28 =	sadd.s32 $0x30, s2  }
0x63f: {  	[hbm4b:s28+s3] =	stream.linear.scatter [tilespmem:s26], [sflag:$0x1], $0x80, $0x38;
	[tilespmem:$0x19080] =	vst v63  }
0x640: {  	s26 =	sadd.s32 $0x17F8, s0;
	s28 =	sadd.s32 $0x40, s2  }
0x641: {  	[hbm4b:s28+s3] =	stream.linear.scatter [tilespmem:s26], [sflag:$0x1], $0x80, $0x38;
	[tilespmem:$0x19080] =	vst v63  }
0x642: {  	s29 =	simm.s32 $0x14000;
	s26 =	sadd.s32 $0x1CF8, s0;
	s28 =	sadd.s32 $0x50, s2  }
0x643: {  	[hbm4b:s28+s3] =	stream.linear.scatter [tilespmem:s26], [sflag:$0x1], $0x80, $0x38;
	[tilespmem:$0x19080] =	vst v63  }
0x644: {  	s31 =	sadd.s32 $0x70, s2;
	s26 =	sadd.s32 $0x21F8, s0;
	s28 =	sadd.s32 $0x60, s2  }
0x645: {  	[hbm4b:s28+s3] =	stream.linear.scatter [tilespmem:s26], [sflag:$0x1], $0x80, $0x38;
	[tilespmem:$0x19080] =	vst v63  }
0x646: {  	s30 =	sadd.s32 $0x26F8, s0;
	s28 =	simm.s32 $0x2800;
	s26 =	sadd.s32 $0x400, s2  }
.LBB2_344:
0x647: {  	[hbm4b:s31+s3] =	stream.linear.scatter [tilespmem:s30], [sflag:$0x1], $0x80, $0x38;
	[tilespmem:$0x19080] =	vst v63  }
0x648: {  	s0 =	smov.u32 s29  }
0x649: {  	s2 =	sadd.s32 $0xA000, s29;
	s30 =	sadd.s32 s28, s24;
	s28 =	sshra.s32 s0, $0x2  }
0x64a: {  	p0 =	sne.s32 s29, $0x46000;
	s0 =	sadd.s32 $0x3F8, s30  }
0x64b: {  	[hbm4b:s26+s3] =	stream.linear.scatter [tilespmem:s0], [sflag:$0x1], $0x80, $0x38;
	[tilespmem:$0x19080] =	vst v63  }
0x64c: {  	s29 =	sadd.s32 $0x10, s26;
	s0 =	sadd.s32 $0x8F8, s30  }
0x64d: {  	[hbm4b:s29+s3] =	stream.linear.scatter [tilespmem:s0], [sflag:$0x1], $0x80, $0x38;
	[tilespmem:$0x19080] =	vst v63  }
0x64e: {  	s0 =	sadd.s32 $0xDF8, s30;
	s29 =	sadd.s32 $0x20, s26  }
0x64f: {  	[hbm4b:s29+s3] =	stream.linear.scatter [tilespmem:s0], [sflag:$0x1], $0x80, $0x38;
	[tilespmem:$0x19080] =	vst v63  }
0x650: {  	s0 =	sadd.s32 $0x12F8, s30;
	s29 =	sadd.s32 $0x30, s26  }
0x651: {  	[hbm4b:s29+s3] =	stream.linear.scatter [tilespmem:s0], [sflag:$0x1], $0x80, $0x38;
	[tilespmem:$0x19080] =	vst v63  }
0x652: {  	s0 =	sadd.s32 $0x17F8, s30;
	s29 =	sadd.s32 $0x40, s26  }
0x653: {  	[hbm4b:s29+s3] =	stream.linear.scatter [tilespmem:s0], [sflag:$0x1], $0x80, $0x38;
	[tilespmem:$0x19080] =	vst v63  }
.Ltmp188:
0x654: {  	s0 =	sadd.s32 $0x1CF8, s30;
	s29 =	sadd.s32 $0x50, s26;
	(pc) =	sbr.rel @p0 .LBB2_344-.Ltmp188, $4  }
0x655: {  	[hbm4b:s29+s3] =	stream.linear.scatter [tilespmem:s0], [sflag:$0x1], $0x80, $0x38;
	[tilespmem:$0x19080] =	vst v63  }
0x656: {  	s31 =	sadd.s32 $0x70, s26;
	s0 =	sadd.s32 $0x21F8, s30;
	s29 =	sadd.s32 $0x60, s26  }
0x657: {  	[hbm4b:s29+s3] =	stream.linear.scatter [tilespmem:s0], [sflag:$0x1], $0x80, $0x38;
	[tilespmem:$0x19080] =	vst v63  }
0x658: {  	s30 =	sadd.s32 $0x26F8, s30;
	s26 =	sadd.s32 $0x400, s26;
	s29 =	smov.u32 s2  }
0x659: {  	[hbm4b:s31+s3] =	stream.linear.scatter [tilespmem:s30], [sflag:$0x1], $0x80, $0x38;
	[tilespmem:$0x19080] =	vst v63  }
0x65a: {  	s0 =	sadd.s32 s28, s24  }
0x65b: {  	s2 =	sadd.s32 $0x3F8, s0  }
0x65c: {  	[hbm4b:s26+s3] =	stream.linear.scatter [tilespmem:s2], [sflag:$0x1], $0x80, $0x38;
	[tilespmem:$0x19080] =	vst v63  }
0x65d: {  	s28 =	sadd.s32 $0x10, s26;
	s31 =	sadd.s32 $0x8F8, s0  }
0x65e: {  	[hbm4b:s28+s3] =	stream.linear.scatter [tilespmem:s31], [sflag:$0x1], $0x80, $0x38;
	[tilespmem:$0x19080] =	vst v63  }
0x65f: {  	s31 =	sadd.s32 $0xDF8, s0;
	s28 =	sadd.s32 $0x20, s26  }
0x660: {  	[hbm4b:s28+s3] =	stream.linear.scatter [tilespmem:s31], [sflag:$0x1], $0x80, $0x38;
	[tilespmem:$0x19080] =	vst v63  }
0x661: {  	s31 =	sadd.s32 $0x12F8, s0;
	s28 =	sadd.s32 $0x30, s26  }
0x662: {  	[hbm4b:s28+s3] =	stream.linear.scatter [tilespmem:s31], [sflag:$0x1], $0x80, $0x38;
	[tilespmem:$0x19080] =	vst v63  }
0x663: {  	s31 =	sadd.s32 $0x17F8, s0;
	s28 =	sadd.s32 $0x40, s26  }
0x664: {  	[hbm4b:s28+s3] =	stream.linear.scatter [tilespmem:s31], [sflag:$0x1], $0x80, $0x38;
	[tilespmem:$0x19080] =	vst v63  }
0x665: {  	s31 =	sadd.s32 $0x1CF8, s0;
	s28 =	sadd.s32 $0x50, s26  }
0x666: {  	[hbm4b:s28+s3] =	stream.linear.scatter [tilespmem:s31], [sflag:$0x1], $0x80, $0x38;
	[tilespmem:$0x19080] =	vst v63  }
0x667: {  	s31 =	sadd.s32 $0x21F8, s0;
	s28 =	sadd.s32 $0x60, s26  }
0x668: {  	[hbm4b:s28+s3] =	stream.linear.scatter [tilespmem:s31], [sflag:$0x1], $0x80, $0x38;
	[tilespmem:$0x19080] =	vst v63  }
0x669: {  	s0 =	sadd.s32 $0x26F8, s0;
	s26 =	sadd.s32 $0x70, s26  }
0x66a: {  	[hbm4b:s26+s3] =	stream.linear.scatter [tilespmem:s0], [sflag:$0x1], $0x80, $0x38;
	[tilespmem:$0x19080] =	vst v63  }
0x66b: {  	s0 =	sadd.s32 $0x0, s24  }
0x66c: {  	s2 =	sadd.s32 s25, s15;
	s31 =	sadd.s32 $0x478, s0  }
0x66d: {  	[hbm4b:s2+s3] =	stream.linear.scatter [tilespmem:s31], [sflag:$0x1], $0x80, $0x38;
	[tilespmem:$0x19080] =	vst v63  }
0x66e: {  	s26 =	sadd.s32 $0x978, s0;
	s31 =	sadd.s32 $0x10, s2  }
0x66f: {  	[hbm4b:s31+s3] =	stream.linear.scatter [tilespmem:s26], [sflag:$0x1], $0x80, $0x38;
	[tilespmem:$0x19080] =	vst v63  }
0x670: {  	s26 =	sadd.s32 $0xE78, s0;
	s31 =	sadd.s32 $0x20, s2  }
0x671: {  	[hbm4b:s31+s3] =	stream.linear.scatter [tilespmem:s26], [sflag:$0x1], $0x80, $0x38;
	[tilespmem:$0x19080] =	vst v63  }
0x672: {  	s26 =	sadd.s32 $0x1378, s0;
	s31 =	sadd.s32 $0x30, s2  }
0x673: {  	[hbm4b:s31+s3] =	stream.linear.scatter [tilespmem:s26], [sflag:$0x1], $0x80, $0x38;
	[tilespmem:$0x19080] =	vst v63  }
0x674: {  	s26 =	sadd.s32 $0x1878, s0;
	s31 =	sadd.s32 $0x40, s2  }
0x675: {  	[hbm4b:s31+s3] =	stream.linear.scatter [tilespmem:s26], [sflag:$0x1], $0x80, $0x38;
	[tilespmem:$0x19080] =	vst v63  }
0x676: {  	s30 =	sadd.s32 $0x70, s2;
	s26 =	sadd.s32 $0x1D78, s0;
	s31 =	sadd.s32 $0x50, s2  }
0x677: {  	[hbm4b:s31+s3] =	stream.linear.scatter [tilespmem:s26], [sflag:$0x1], $0x80, $0x38;
	[tilespmem:$0x19080] =	vst v63  }
0x678: {  	s25 =	sadd.s32 $0x400, s2;
	s26 =	sadd.s32 $0x2278, s0;
	s31 =	sadd.s32 $0x60, s2  }
0x679: {  	[hbm4b:s31+s3] =	stream.linear.scatter [tilespmem:s26], [sflag:$0x1], $0x80, $0x38;
	[tilespmem:$0x19080] =	vst v63  }
0x67a: {  	s28 =	simm.s32 $0x14000;
	s29 =	sadd.s32 $0x2778, s0;
	s26 =	simm.s32 $0x2800  }
.LBB2_346:
0x67b: {  	[hbm4b:s30+s3] =	stream.linear.scatter [tilespmem:s29], [sflag:$0x1], $0x80, $0x38;
	[tilespmem:$0x19080] =	vst v63  }
0x67c: {  	s0 =	smov.u32 s28  }
0x67d: {  	s2 =	sadd.s32 $0xA000, s28;
	s29 =	sadd.s32 s26, s24;
	s26 =	sshra.s32 s0, $0x2  }
0x67e: {  	p0 =	sne.s32 s28, $0x46000;
	s0 =	sadd.s32 $0x478, s29  }
0x67f: {  	[hbm4b:s25+s3] =	stream.linear.scatter [tilespmem:s0], [sflag:$0x1], $0x80, $0x38;
	[tilespmem:$0x19080] =	vst v63  }
0x680: {  	s28 =	sadd.s32 $0x10, s25;
	s0 =	sadd.s32 $0x978, s29  }
0x681: {  	[hbm4b:s28+s3] =	stream.linear.scatter [tilespmem:s0], [sflag:$0x1], $0x80, $0x38;
	[tilespmem:$0x19080] =	vst v63  }
0x682: {  	s0 =	sadd.s32 $0xE78, s29;
	s28 =	sadd.s32 $0x20, s25  }
0x683: {  	[hbm4b:s28+s3] =	stream.linear.scatter [tilespmem:s0], [sflag:$0x1], $0x80, $0x38;
	[tilespmem:$0x19080] =	vst v63  }
0x684: {  	s0 =	sadd.s32 $0x1378, s29;
	s28 =	sadd.s32 $0x30, s25  }
0x685: {  	[hbm4b:s28+s3] =	stream.linear.scatter [tilespmem:s0], [sflag:$0x1], $0x80, $0x38;
	[tilespmem:$0x19080] =	vst v63  }
0x686: {  	s0 =	sadd.s32 $0x1878, s29;
	s28 =	sadd.s32 $0x40, s25  }
0x687: {  	[hbm4b:s28+s3] =	stream.linear.scatter [tilespmem:s0], [sflag:$0x1], $0x80, $0x38;
	[tilespmem:$0x19080] =	vst v63  }
.Ltmp189:
0x688: {  	s0 =	sadd.s32 $0x1D78, s29;
	s28 =	sadd.s32 $0x50, s25;
	(pc) =	sbr.rel @p0 .LBB2_346-.Ltmp189, $4  }
0x689: {  	[hbm4b:s28+s3] =	stream.linear.scatter [tilespmem:s0], [sflag:$0x1], $0x80, $0x38;
	[tilespmem:$0x19080] =	vst v63  }
0x68a: {  	s30 =	sadd.s32 $0x70, s25;
	s0 =	sadd.s32 $0x2278, s29;
	s28 =	sadd.s32 $0x60, s25  }
0x68b: {  	[hbm4b:s28+s3] =	stream.linear.scatter [tilespmem:s0], [sflag:$0x1], $0x80, $0x38;
	[tilespmem:$0x19080] =	vst v63  }
0x68c: {  	s29 =	sadd.s32 $0x2778, s29;
	s25 =	sadd.s32 $0x400, s25;
	s28 =	smov.u32 s2  }
0x68d: {  	[hbm4b:s30+s3] =	stream.linear.scatter [tilespmem:s29], [sflag:$0x1], $0x80, $0x38;
	[tilespmem:$0x19080] =	vst v63  }
0x68e: {  	s0 =	sadd.s32 s26, s24  }
0x68f: {  	s2 =	sadd.s32 $0x478, s0  }
0x690: {  	[hbm4b:s25+s3] =	stream.linear.scatter [tilespmem:s2], [sflag:$0x1], $0x80, $0x38;
	[tilespmem:$0x19080] =	vst v63  }
0x691: {  	s29 =	sadd.s32 $0x10, s25;
	s28 =	sadd.s32 $0x978, s0  }
0x692: {  	[hbm4b:s29+s3] =	stream.linear.scatter [tilespmem:s28], [sflag:$0x1], $0x80, $0x38;
	[tilespmem:$0x19080] =	vst v63  }
0x693: {  	s31 =	sadd.s32 $0x20, s25;
	s30 =	sadd.s32 $0xE78, s0  }
0x694: {  	[hbm4b:s31+s3] =	stream.linear.scatter [tilespmem:s30], [sflag:$0x1], $0x80, $0x38;
	[tilespmem:$0x19080] =	vst v63  }
0x695: {  	s28 =	sadd.s32 $0x1378, s0;
	s29 =	sadd.s32 $0x30, s25  }
0x696: {  	[hbm4b:s29+s3] =	stream.linear.scatter [tilespmem:s28], [sflag:$0x1], $0x80, $0x38;
	[tilespmem:$0x19080] =	vst v63  }
0x697: {  	s30 =	sadd.s32 $0x1878, s0;
	s31 =	sadd.s32 $0x40, s25  }
0x698: {  	[hbm4b:s31+s3] =	stream.linear.scatter [tilespmem:s30], [sflag:$0x1], $0x80, $0x38;
	[tilespmem:$0x19080] =	vst v63  }
0x699: {  	s26 =	sadd.s32 $0x1D78, s0;
	s28 =	sadd.s32 $0x50, s25  }
0x69a: {  	[hbm4b:s28+s3] =	stream.linear.scatter [tilespmem:s26], [sflag:$0x1], $0x80, $0x38;
	[tilespmem:$0x19080] =	vst v63  }
0x69b: {  	s29 =	sadd.s32 $0x2278, s0;
	s30 =	sadd.s32 $0x60, s25  }
0x69c: {  	[hbm4b:s30+s3] =	stream.linear.scatter [tilespmem:s29], [sflag:$0x1], $0x80, $0x38;
	[tilespmem:$0x19080] =	vst v63  }
0x69d: {  	s0 =	sadd.s32 $0x2778, s0;
	s31 =	sadd.s32 $0x70, s25  }
0x69e: {  	[hbm4b:s31+s3] =	stream.linear.scatter [tilespmem:s0], [sflag:$0x1], $0x80, $0x38;
	[tilespmem:$0x19080] =	vst v63  }
0x69f: {  	_ =	swait.ge [sflag:s21], $0x2000  }
0x6a0: {  	[sflag:s21] =	ssyncset.done $0x0  }
0x6a1: {  	[sflag:s21] =	ssyncadd.s32 $0xFFFFE000  }
0x6a2: {  	_ =	swait.ge [sflag:s21], $0x2000  }
0x6a3: {  	[sflag:s21] =	ssyncset.done $0x0  }
0x6a4: {  	[sflag:s21] =	ssyncadd.s32 $0xFFFFE000  }
0x6a5: {  	_ =	swait.ge [sflag:s21], $0x2000  }
0x6a6: {  	[sflag:s21] =	ssyncset.done $0x0  }
0x6a7: {  	[sflag:s21] =	ssyncadd.s32 $0xFFFFE000  }
0x6a8: {  	_ =	swait.ge [sflag:s21], $0x2000  }
0x6a9: {  	[sflag:s21] =	ssyncset.done $0x0  }
0x6aa: {  	[sflag:s21] =	ssyncadd.s32 $0xFFFFE000  }
0x6ab: {  	_ =	swait.ge [sflag:s21], $0x2000  }
0x6ac: {  	[sflag:s21] =	ssyncset.done $0x0  }
0x6ad: {  	[sflag:s21] =	ssyncadd.s32 $0xFFFFE000  }
0x6ae: {  	_ =	swait.ge [sflag:s21], $0x2000  }
0x6af: {  	[sflag:s21] =	ssyncset.done $0x0  }
0x6b0: {  	s23 =	sadd.s32 $0x1, s23;
	[sflag:s21] =	ssyncadd.s32 $0xFFFFE000  }
0x6b1: {  	p0 =	sne.s32 s23, $0x20;
	_ =	swait.ge [sflag:s21], $0x2000  }
.Ltmp190:
0x6b2: {  	[sflag:s21] =	ssyncset.done $0x0;
	(pc) =	sbr.rel @p0 .LBB2_329-.Ltmp190, $4  }
.Ltmp191:
0x6b3: {  	[sflag:s21] =	ssyncadd.s32 $0xFFFFE000;
	(pc) =	sbr.rel @!p0 .LBB2_348-.Ltmp191, $4  }
0x6b4: {  	_ =	swait.ge [sflag:s21], $0x2000  }
0x6b5: {  	[sflag:s21] =	ssyncset.done $0x0  }
0x6b6: {  	s24 =	sadd.s32 $0xFFFFFFF8, s24;
	[sflag:s21] =	ssyncadd.s32 $0xFFFFE000  }
0x6b7: {  	_ = 	snop  }
.LBB2_330:
.Ltmp192:
0x6b8: {  	(pc) =	sbr.rel .LBB2_333-.Ltmp192, $2  }
0x6b9: {  	_ =	sdelay $0x2  }
0x6ba: {  	_ = 	snop  }
.LBB2_4:
.Ltmp193:
0x6bb: {  	(pc) =	sbr.rel .LBB2_8-.Ltmp193, $2  }
0x6bc: {  	_ =	sdelay $0x2  }
0x6bd: {  	s26 =	simm.s32 $0x0;
	p2 =	por $0x0, $0x0  }
.LBB2_9:
.Ltmp194:
0x6be: {  	(pc) =	sbr.rel .LBB2_14-.Ltmp194, $2  }
0x6bf: {  	_ =	sdelay $0x2  }
0x6c0: {  	_ = 	snop  }
.LBB2_15:
.Ltmp195:
0x6c1: {  	(pc) =	sbr.rel .LBB2_19-.Ltmp195, $2  }
0x6c2: {  	_ =	sdelay $0x2  }
0x6c3: {  	s26 =	simm.s32 $0x0;
	p2 =	por $0x0, $0x0  }
.LBB2_20:
.Ltmp196:
0x6c4: {  	(pc) =	sbr.rel .LBB2_25-.Ltmp196, $2  }
0x6c5: {  	_ =	sdelay $0x2  }
0x6c6: {  	_ = 	snop  }
.LBB2_26:
.Ltmp197:
0x6c7: {  	(pc) =	sbr.rel .LBB2_30-.Ltmp197, $2  }
0x6c8: {  	_ =	sdelay $0x2  }
0x6c9: {  	s26 =	simm.s32 $0x0;
	p2 =	por $0x0, $0x0  }
.LBB2_31:
.Ltmp198:
0x6ca: {  	(pc) =	sbr.rel .LBB2_36-.Ltmp198, $2  }
0x6cb: {  	_ =	sdelay $0x2  }
0x6cc: {  	_ = 	snop  }
.LBB2_37:
.Ltmp199:
0x6cd: {  	(pc) =	sbr.rel .LBB2_41-.Ltmp199, $2  }
0x6ce: {  	_ =	sdelay $0x2  }
0x6cf: {  	s26 =	simm.s32 $0x0;
	p2 =	por $0x0, $0x0  }
.LBB2_42:
.Ltmp200:
0x6d0: {  	(pc) =	sbr.rel .LBB2_47-.Ltmp200, $2  }
0x6d1: {  	_ =	sdelay $0x2  }
0x6d2: {  	_ = 	snop  }
.LBB2_48:
.Ltmp201:
0x6d3: {  	(pc) =	sbr.rel .LBB2_52-.Ltmp201, $2  }
0x6d4: {  	_ =	sdelay $0x2  }
0x6d5: {  	s26 =	simm.s32 $0x0;
	p2 =	por $0x0, $0x0  }
.LBB2_53:
.Ltmp202:
0x6d6: {  	(pc) =	sbr.rel .LBB2_58-.Ltmp202, $2  }
0x6d7: {  	_ =	sdelay $0x2  }
0x6d8: {  	_ = 	snop  }
.LBB2_59:
.Ltmp203:
0x6d9: {  	(pc) =	sbr.rel .LBB2_63-.Ltmp203, $2  }
0x6da: {  	_ =	sdelay $0x2  }
0x6db: {  	s26 =	simm.s32 $0x0;
	p2 =	por $0x0, $0x0  }
.LBB2_64:
.Ltmp204:
0x6dc: {  	(pc) =	sbr.rel .LBB2_69-.Ltmp204, $2  }
0x6dd: {  	_ =	sdelay $0x2  }
0x6de: {  	_ = 	snop  }
.LBB2_70:
.Ltmp205:
0x6df: {  	(pc) =	sbr.rel .LBB2_74-.Ltmp205, $2  }
0x6e0: {  	_ =	sdelay $0x2  }
0x6e1: {  	s26 =	simm.s32 $0x0;
	p2 =	por $0x0, $0x0  }
.LBB2_75:
.Ltmp206:
0x6e2: {  	(pc) =	sbr.rel .LBB2_80-.Ltmp206, $2  }
0x6e3: {  	_ =	sdelay $0x2  }
0x6e4: {  	_ = 	snop  }
.LBB2_81:
.Ltmp207:
0x6e5: {  	(pc) =	sbr.rel .LBB2_85-.Ltmp207, $2  }
0x6e6: {  	_ =	sdelay $0x2  }
0x6e7: {  	s26 =	simm.s32 $0x0  }
.LBB2_90:
.Ltmp208:
0x6e8: {  	(pc) =	sbr.rel .LBB2_94-.Ltmp208, $2  }
0x6e9: {  	_ =	sdelay $0x2  }
0x6ea: {  	s26 =	simm.s32 $0x0;
	p2 =	por $0x0, $0x0  }
.LBB2_95:
.Ltmp209:
0x6eb: {  	(pc) =	sbr.rel .LBB2_100-.Ltmp209, $2  }
0x6ec: {  	_ =	sdelay $0x2  }
0x6ed: {  	_ = 	snop  }
.LBB2_101:
.Ltmp210:
0x6ee: {  	(pc) =	sbr.rel .LBB2_105-.Ltmp210, $2  }
0x6ef: {  	_ =	sdelay $0x2  }
0x6f0: {  	s26 =	simm.s32 $0x0;
	p2 =	por $0x0, $0x0  }
.LBB2_106:
.Ltmp211:
0x6f1: {  	(pc) =	sbr.rel .LBB2_111-.Ltmp211, $2  }
0x6f2: {  	_ =	sdelay $0x2  }
0x6f3: {  	_ = 	snop  }
.LBB2_112:
.Ltmp212:
0x6f4: {  	(pc) =	sbr.rel .LBB2_116-.Ltmp212, $2  }
0x6f5: {  	_ =	sdelay $0x2  }
0x6f6: {  	s26 =	simm.s32 $0x0;
	p2 =	por $0x0, $0x0  }
.LBB2_117:
.Ltmp213:
0x6f7: {  	(pc) =	sbr.rel .LBB2_122-.Ltmp213, $2  }
0x6f8: {  	_ =	sdelay $0x2  }
0x6f9: {  	_ = 	snop  }
.LBB2_123:
.Ltmp214:
0x6fa: {  	(pc) =	sbr.rel .LBB2_127-.Ltmp214, $2  }
0x6fb: {  	_ =	sdelay $0x2  }
0x6fc: {  	s26 =	simm.s32 $0x0;
	p2 =	por $0x0, $0x0  }
.LBB2_128:
.Ltmp215:
0x6fd: {  	(pc) =	sbr.rel .LBB2_133-.Ltmp215, $2  }
0x6fe: {  	_ =	sdelay $0x2  }
0x6ff: {  	_ = 	snop  }
.LBB2_134:
.Ltmp216:
0x700: {  	(pc) =	sbr.rel .LBB2_138-.Ltmp216, $2  }
0x701: {  	_ =	sdelay $0x2  }
0x702: {  	s26 =	simm.s32 $0x0;
	p2 =	por $0x0, $0x0  }
.LBB2_139:
.Ltmp217:
0x703: {  	(pc) =	sbr.rel .LBB2_144-.Ltmp217, $2  }
0x704: {  	_ =	sdelay $0x2  }
0x705: {  	_ = 	snop  }
.LBB2_145:
.Ltmp218:
0x706: {  	(pc) =	sbr.rel .LBB2_149-.Ltmp218, $2  }
0x707: {  	_ =	sdelay $0x2  }
0x708: {  	s26 =	simm.s32 $0x0;
	p2 =	por $0x0, $0x0  }
.LBB2_150:
.Ltmp219:
0x709: {  	(pc) =	sbr.rel .LBB2_155-.Ltmp219, $2  }
0x70a: {  	_ =	sdelay $0x2  }
0x70b: {  	_ = 	snop  }
.LBB2_156:
.Ltmp220:
0x70c: {  	(pc) =	sbr.rel .LBB2_160-.Ltmp220, $2  }
0x70d: {  	_ =	sdelay $0x2  }
0x70e: {  	s26 =	simm.s32 $0x0;
	p2 =	por $0x0, $0x0  }
.LBB2_161:
.Ltmp221:
0x70f: {  	(pc) =	sbr.rel .LBB2_166-.Ltmp221, $2  }
0x710: {  	_ =	sdelay $0x2  }
0x711: {  	_ = 	snop  }
.LBB2_171:
.Ltmp222:
0x712: {  	(pc) =	sbr.rel .LBB2_175-.Ltmp222, $2  }
0x713: {  	_ =	sdelay $0x2  }
0x714: {  	s26 =	simm.s32 $0x0;
	p2 =	por $0x0, $0x0  }
.LBB2_176:
.Ltmp223:
0x715: {  	(pc) =	sbr.rel .LBB2_181-.Ltmp223, $2  }
0x716: {  	_ =	sdelay $0x2  }
0x717: {  	_ = 	snop  }
.LBB2_182:
.Ltmp224:
0x718: {  	(pc) =	sbr.rel .LBB2_186-.Ltmp224, $2  }
0x719: {  	_ =	sdelay $0x2  }
0x71a: {  	s26 =	simm.s32 $0x0;
	p2 =	por $0x0, $0x0  }
.LBB2_187:
.Ltmp225:
0x71b: {  	(pc) =	sbr.rel .LBB2_192-.Ltmp225, $2  }
0x71c: {  	_ =	sdelay $0x2  }
0x71d: {  	_ = 	snop  }
.LBB2_193:
.Ltmp226:
0x71e: {  	(pc) =	sbr.rel .LBB2_197-.Ltmp226, $2  }
0x71f: {  	_ =	sdelay $0x2  }
0x720: {  	s26 =	simm.s32 $0x0;
	p2 =	por $0x0, $0x0  }
.LBB2_198:
.Ltmp227:
0x721: {  	(pc) =	sbr.rel .LBB2_203-.Ltmp227, $2  }
0x722: {  	_ =	sdelay $0x2  }
0x723: {  	_ = 	snop  }
.LBB2_204:
.Ltmp228:
0x724: {  	(pc) =	sbr.rel .LBB2_208-.Ltmp228, $2  }
0x725: {  	_ =	sdelay $0x2  }
0x726: {  	s26 =	simm.s32 $0x0;
	p2 =	por $0x0, $0x0  }
.LBB2_209:
.Ltmp229:
0x727: {  	(pc) =	sbr.rel .LBB2_214-.Ltmp229, $2  }
0x728: {  	_ =	sdelay $0x2  }
0x729: {  	_ = 	snop  }
.LBB2_215:
.Ltmp230:
0x72a: {  	(pc) =	sbr.rel .LBB2_219-.Ltmp230, $2  }
0x72b: {  	_ =	sdelay $0x2  }
0x72c: {  	s26 =	simm.s32 $0x0;
	p2 =	por $0x0, $0x0  }
.LBB2_220:
.Ltmp231:
0x72d: {  	(pc) =	sbr.rel .LBB2_225-.Ltmp231, $2  }
0x72e: {  	_ =	sdelay $0x2  }
0x72f: {  	_ = 	snop  }
.LBB2_226:
.Ltmp232:
0x730: {  	(pc) =	sbr.rel .LBB2_230-.Ltmp232, $2  }
0x731: {  	_ =	sdelay $0x2  }
0x732: {  	s26 =	simm.s32 $0x0;
	p2 =	por $0x0, $0x0  }
.LBB2_231:
.Ltmp233:
0x733: {  	(pc) =	sbr.rel .LBB2_236-.Ltmp233, $2  }
0x734: {  	_ =	sdelay $0x2  }
0x735: {  	_ = 	snop  }
.LBB2_237:
.Ltmp234:
0x736: {  	(pc) =	sbr.rel .LBB2_241-.Ltmp234, $2  }
0x737: {  	_ =	sdelay $0x2  }
0x738: {  	s26 =	simm.s32 $0x0;
	p2 =	por $0x0, $0x0  }
.LBB2_242:
.Ltmp235:
0x739: {  	(pc) =	sbr.rel .LBB2_247-.Ltmp235, $2  }
0x73a: {  	_ =	sdelay $0x2  }
0x73b: {  	_ = 	snop  }
.LBB2_252:
.Ltmp236:
0x73c: {  	(pc) =	sbr.rel .LBB2_256-.Ltmp236, $2  }
0x73d: {  	_ =	sdelay $0x2  }
0x73e: {  	s26 =	simm.s32 $0x0;
	p2 =	por $0x0, $0x0  }
.LBB2_257:
.Ltmp237:
0x73f: {  	(pc) =	sbr.rel .LBB2_262-.Ltmp237, $2  }
0x740: {  	_ =	sdelay $0x2  }
0x741: {  	_ = 	snop  }
.LBB2_263:
.Ltmp238:
0x742: {  	(pc) =	sbr.rel .LBB2_267-.Ltmp238, $2  }
0x743: {  	_ =	sdelay $0x2  }
0x744: {  	s26 =	simm.s32 $0x0;
	p2 =	por $0x0, $0x0  }
.LBB2_268:
.Ltmp239:
0x745: {  	(pc) =	sbr.rel .LBB2_273-.Ltmp239, $2  }
0x746: {  	_ =	sdelay $0x2  }
0x747: {  	_ = 	snop  }
.LBB2_274:
.Ltmp240:
0x748: {  	(pc) =	sbr.rel .LBB2_278-.Ltmp240, $2  }
0x749: {  	_ =	sdelay $0x2  }
0x74a: {  	s26 =	simm.s32 $0x0;
	p2 =	por $0x0, $0x0  }
.LBB2_279:
.Ltmp241:
0x74b: {  	(pc) =	sbr.rel .LBB2_284-.Ltmp241, $2  }
0x74c: {  	_ =	sdelay $0x2  }
0x74d: {  	_ = 	snop  }
.LBB2_285:
.Ltmp242:
0x74e: {  	(pc) =	sbr.rel .LBB2_289-.Ltmp242, $2  }
0x74f: {  	_ =	sdelay $0x2  }
0x750: {  	s26 =	simm.s32 $0x0;
	p2 =	por $0x0, $0x0  }
.LBB2_290:
.Ltmp243:
0x751: {  	(pc) =	sbr.rel .LBB2_295-.Ltmp243, $2  }
0x752: {  	_ =	sdelay $0x2  }
0x753: {  	_ = 	snop  }
.LBB2_296:
.Ltmp244:
0x754: {  	(pc) =	sbr.rel .LBB2_300-.Ltmp244, $2  }
0x755: {  	_ =	sdelay $0x2  }
0x756: {  	s26 =	simm.s32 $0x0;
	p2 =	por $0x0, $0x0  }
.LBB2_301:
.Ltmp245:
0x757: {  	(pc) =	sbr.rel .LBB2_306-.Ltmp245, $2  }
0x758: {  	_ =	sdelay $0x2  }
0x759: {  	_ = 	snop  }
.LBB2_307:
.Ltmp246:
0x75a: {  	(pc) =	sbr.rel .LBB2_311-.Ltmp246, $2  }
0x75b: {  	_ =	sdelay $0x2  }
0x75c: {  	s26 =	simm.s32 $0x0;
	p2 =	por $0x0, $0x0  }
.LBB2_312:
.Ltmp247:
0x75d: {  	(pc) =	sbr.rel .LBB2_317-.Ltmp247, $2  }
0x75e: {  	_ =	sdelay $0x2  }
0x75f: {  	_ = 	snop  }
.LBB2_318:
.Ltmp248:
0x760: {  	(pc) =	sbr.rel .LBB2_322-.Ltmp248, $2  }
0x761: {  	_ =	sdelay $0x2  }
0x762: {  	s26 =	simm.s32 $0x0;
	p2 =	por $0x0, $0x0  }
.LBB2_323:
.Ltmp249:
0x763: {  	(pc) =	sbr.rel .LBB2_328-.Ltmp249, $2  }
0x764: {  	_ =	sdelay $0x2  }
0x765: {  	_ = 	snop  }
.LBB2_6:
.Ltmp250:
0x766: {  	(pc) =	sbr.rel .LBB2_8-.Ltmp250, $2  }
0x767: {  	_ =	sdelay $0x2  }
0x768: {  	s25 =	simm.s32 $0x0;
	s26 =	simm.s32 $0x40  }
.LBB2_11:
.Ltmp251:
0x769: {  	(pc) =	sbr.rel .LBB2_14-.Ltmp251, $2  }
0x76a: {  	_ =	sdelay $0x2  }
0x76b: {  	s25 =	simm.s32 $0x0;
	s23 =	simm.s32 $0x40  }
.LBB2_17:
.Ltmp252:
0x76c: {  	(pc) =	sbr.rel .LBB2_19-.Ltmp252, $2  }
0x76d: {  	_ =	sdelay $0x2  }
0x76e: {  	s25 =	simm.s32 $0x0;
	s26 =	simm.s32 $0x40  }
.LBB2_22:
.Ltmp253:
0x76f: {  	(pc) =	sbr.rel .LBB2_25-.Ltmp253, $2  }
0x770: {  	_ =	sdelay $0x2  }
0x771: {  	s25 =	simm.s32 $0x0;
	s24 =	simm.s32 $0x40  }
.LBB2_28:
.Ltmp254:
0x772: {  	(pc) =	sbr.rel .LBB2_30-.Ltmp254, $2  }
0x773: {  	_ =	sdelay $0x2  }
0x774: {  	s25 =	simm.s32 $0x0;
	s26 =	simm.s32 $0x40  }
.LBB2_33:
.Ltmp255:
0x775: {  	(pc) =	sbr.rel .LBB2_36-.Ltmp255, $2  }
0x776: {  	_ =	sdelay $0x2  }
0x777: {  	s25 =	simm.s32 $0x0;
	s23 =	simm.s32 $0x40  }
.LBB2_39:
.Ltmp256:
0x778: {  	(pc) =	sbr.rel .LBB2_41-.Ltmp256, $2  }
0x779: {  	_ =	sdelay $0x2  }
0x77a: {  	s25 =	simm.s32 $0x0;
	s26 =	simm.s32 $0x40  }
.LBB2_44:
.Ltmp257:
0x77b: {  	(pc) =	sbr.rel .LBB2_47-.Ltmp257, $2  }
0x77c: {  	_ =	sdelay $0x2  }
0x77d: {  	s25 =	simm.s32 $0x0;
	s24 =	simm.s32 $0x40  }
.LBB2_50:
.Ltmp258:
0x77e: {  	(pc) =	sbr.rel .LBB2_52-.Ltmp258, $2  }
0x77f: {  	_ =	sdelay $0x2  }
0x780: {  	s25 =	simm.s32 $0x0;
	s26 =	simm.s32 $0x40  }
.LBB2_55:
.Ltmp259:
0x781: {  	(pc) =	sbr.rel .LBB2_58-.Ltmp259, $2  }
0x782: {  	_ =	sdelay $0x2  }
0x783: {  	s25 =	simm.s32 $0x0;
	s23 =	simm.s32 $0x40  }
.LBB2_61:
.Ltmp260:
0x784: {  	(pc) =	sbr.rel .LBB2_63-.Ltmp260, $2  }
0x785: {  	_ =	sdelay $0x2  }
0x786: {  	s25 =	simm.s32 $0x0;
	s26 =	simm.s32 $0x40  }
.LBB2_66:
.Ltmp261:
0x787: {  	(pc) =	sbr.rel .LBB2_69-.Ltmp261, $2  }
0x788: {  	_ =	sdelay $0x2  }
0x789: {  	s25 =	simm.s32 $0x0;
	s24 =	simm.s32 $0x40  }
.LBB2_72:
.Ltmp262:
0x78a: {  	(pc) =	sbr.rel .LBB2_74-.Ltmp262, $2  }
0x78b: {  	_ =	sdelay $0x2  }
0x78c: {  	s24 =	simm.s32 $0x0;
	s26 =	simm.s32 $0x40  }
.LBB2_77:
.Ltmp263:
0x78d: {  	(pc) =	sbr.rel .LBB2_80-.Ltmp263, $2  }
0x78e: {  	_ =	sdelay $0x2  }
0x78f: {  	s24 =	simm.s32 $0x0;
	s25 =	simm.s32 $0x40  }
.LBB2_83:
.Ltmp264:
0x790: {  	(pc) =	sbr.rel .LBB2_85-.Ltmp264, $2  }
0x791: {  	_ =	sdelay $0x2  }
0x792: {  	s25 =	simm.s32 $0x0;
	s26 =	simm.s32 $0x40  }
.LBB2_92:
.Ltmp265:
0x793: {  	(pc) =	sbr.rel .LBB2_94-.Ltmp265, $2  }
0x794: {  	_ =	sdelay $0x2  }
0x795: {  	s25 =	simm.s32 $0x0;
	s26 =	simm.s32 $0x40  }
.LBB2_97:
.Ltmp266:
0x796: {  	(pc) =	sbr.rel .LBB2_100-.Ltmp266, $2  }
0x797: {  	_ =	sdelay $0x2  }
0x798: {  	s25 =	simm.s32 $0x0;
	s23 =	simm.s32 $0x40  }
.LBB2_103:
.Ltmp267:
0x799: {  	(pc) =	sbr.rel .LBB2_105-.Ltmp267, $2  }
0x79a: {  	_ =	sdelay $0x2  }
0x79b: {  	s25 =	simm.s32 $0x0;
	s26 =	simm.s32 $0x40  }
.LBB2_108:
.Ltmp268:
0x79c: {  	(pc) =	sbr.rel .LBB2_111-.Ltmp268, $2  }
0x79d: {  	_ =	sdelay $0x2  }
0x79e: {  	s25 =	simm.s32 $0x0;
	s24 =	simm.s32 $0x40  }
.LBB2_114:
.Ltmp269:
0x79f: {  	(pc) =	sbr.rel .LBB2_116-.Ltmp269, $2  }
0x7a0: {  	_ =	sdelay $0x2  }
0x7a1: {  	s25 =	simm.s32 $0x0;
	s26 =	simm.s32 $0x40  }
.LBB2_119:
.Ltmp270:
0x7a2: {  	(pc) =	sbr.rel .LBB2_122-.Ltmp270, $2  }
0x7a3: {  	_ =	sdelay $0x2  }
0x7a4: {  	s25 =	simm.s32 $0x0;
	s23 =	simm.s32 $0x40  }
.LBB2_125:
.Ltmp271:
0x7a5: {  	(pc) =	sbr.rel .LBB2_127-.Ltmp271, $2  }
0x7a6: {  	_ =	sdelay $0x2  }
0x7a7: {  	s25 =	simm.s32 $0x0;
	s26 =	simm.s32 $0x40  }
.LBB2_130:
.Ltmp272:
0x7a8: {  	(pc) =	sbr.rel .LBB2_133-.Ltmp272, $2  }
0x7a9: {  	_ =	sdelay $0x2  }
0x7aa: {  	s25 =	simm.s32 $0x0;
	s24 =	simm.s32 $0x40  }
.LBB2_136:
.Ltmp273:
0x7ab: {  	(pc) =	sbr.rel .LBB2_138-.Ltmp273, $2  }
0x7ac: {  	_ =	sdelay $0x2  }
0x7ad: {  	s25 =	simm.s32 $0x0;
	s26 =	simm.s32 $0x40  }
.LBB2_141:
.Ltmp274:
0x7ae: {  	(pc) =	sbr.rel .LBB2_144-.Ltmp274, $2  }
0x7af: {  	_ =	sdelay $0x2  }
0x7b0: {  	s25 =	simm.s32 $0x0;
	s23 =	simm.s32 $0x40  }
.LBB2_147:
.Ltmp275:
0x7b1: {  	(pc) =	sbr.rel .LBB2_149-.Ltmp275, $2  }
0x7b2: {  	_ =	sdelay $0x2  }
0x7b3: {  	s25 =	simm.s32 $0x0;
	s26 =	simm.s32 $0x40  }
.LBB2_152:
.Ltmp276:
0x7b4: {  	(pc) =	sbr.rel .LBB2_155-.Ltmp276, $2  }
0x7b5: {  	_ =	sdelay $0x2  }
0x7b6: {  	s25 =	simm.s32 $0x0;
	s24 =	simm.s32 $0x40  }
.LBB2_158:
.Ltmp277:
0x7b7: {  	(pc) =	sbr.rel .LBB2_160-.Ltmp277, $2  }
0x7b8: {  	_ =	sdelay $0x2  }
0x7b9: {  	s25 =	simm.s32 $0x0;
	s26 =	simm.s32 $0x40  }
.LBB2_163:
.Ltmp278:
0x7ba: {  	(pc) =	sbr.rel .LBB2_166-.Ltmp278, $2  }
0x7bb: {  	_ =	sdelay $0x2  }
0x7bc: {  	s25 =	simm.s32 $0x0;
	s23 =	simm.s32 $0x40  }
.LBB2_173:
.Ltmp279:
0x7bd: {  	(pc) =	sbr.rel .LBB2_175-.Ltmp279, $2  }
0x7be: {  	_ =	sdelay $0x2  }
0x7bf: {  	s25 =	simm.s32 $0x0;
	s26 =	simm.s32 $0x40  }
.LBB2_178:
.Ltmp280:
0x7c0: {  	(pc) =	sbr.rel .LBB2_181-.Ltmp280, $2  }
0x7c1: {  	_ =	sdelay $0x2  }
0x7c2: {  	s25 =	simm.s32 $0x0;
	s23 =	simm.s32 $0x40  }
.LBB2_184:
.Ltmp281:
0x7c3: {  	(pc) =	sbr.rel .LBB2_186-.Ltmp281, $2  }
0x7c4: {  	_ =	sdelay $0x2  }
0x7c5: {  	s25 =	simm.s32 $0x0;
	s26 =	simm.s32 $0x40  }
.LBB2_189:
.Ltmp282:
0x7c6: {  	(pc) =	sbr.rel .LBB2_192-.Ltmp282, $2  }
0x7c7: {  	_ =	sdelay $0x2  }
0x7c8: {  	s25 =	simm.s32 $0x0;
	s24 =	simm.s32 $0x40  }
.LBB2_195:
.Ltmp283:
0x7c9: {  	(pc) =	sbr.rel .LBB2_197-.Ltmp283, $2  }
0x7ca: {  	_ =	sdelay $0x2  }
0x7cb: {  	s25 =	simm.s32 $0x0;
	s26 =	simm.s32 $0x40  }
.LBB2_200:
.Ltmp284:
0x7cc: {  	(pc) =	sbr.rel .LBB2_203-.Ltmp284, $2  }
0x7cd: {  	_ =	sdelay $0x2  }
0x7ce: {  	s25 =	simm.s32 $0x0;
	s23 =	simm.s32 $0x40  }
.LBB2_206:
.Ltmp285:
0x7cf: {  	(pc) =	sbr.rel .LBB2_208-.Ltmp285, $2  }
0x7d0: {  	_ =	sdelay $0x2  }
0x7d1: {  	s25 =	simm.s32 $0x0;
	s26 =	simm.s32 $0x40  }
.LBB2_211:
.Ltmp286:
0x7d2: {  	(pc) =	sbr.rel .LBB2_214-.Ltmp286, $2  }
0x7d3: {  	_ =	sdelay $0x2  }
0x7d4: {  	s25 =	simm.s32 $0x0;
	s24 =	simm.s32 $0x40  }
.LBB2_217:
.Ltmp287:
0x7d5: {  	(pc) =	sbr.rel .LBB2_219-.Ltmp287, $2  }
0x7d6: {  	_ =	sdelay $0x2  }
0x7d7: {  	s25 =	simm.s32 $0x0;
	s26 =	simm.s32 $0x40  }
.LBB2_222:
.Ltmp288:
0x7d8: {  	(pc) =	sbr.rel .LBB2_225-.Ltmp288, $2  }
0x7d9: {  	_ =	sdelay $0x2  }
0x7da: {  	s25 =	simm.s32 $0x0;
	s23 =	simm.s32 $0x40  }
.LBB2_228:
.Ltmp289:
0x7db: {  	(pc) =	sbr.rel .LBB2_230-.Ltmp289, $2  }
0x7dc: {  	_ =	sdelay $0x2  }
0x7dd: {  	s25 =	simm.s32 $0x0;
	s26 =	simm.s32 $0x40  }
.LBB2_233:
.Ltmp290:
0x7de: {  	(pc) =	sbr.rel .LBB2_236-.Ltmp290, $2  }
0x7df: {  	_ =	sdelay $0x2  }
0x7e0: {  	s25 =	simm.s32 $0x0;
	s24 =	simm.s32 $0x40  }
.LBB2_239:
.Ltmp291:
0x7e1: {  	(pc) =	sbr.rel .LBB2_241-.Ltmp291, $2  }
0x7e2: {  	_ =	sdelay $0x2  }
0x7e3: {  	s25 =	simm.s32 $0x0;
	s26 =	simm.s32 $0x40  }
.LBB2_244:
.Ltmp292:
0x7e4: {  	(pc) =	sbr.rel .LBB2_247-.Ltmp292, $2  }
0x7e5: {  	_ =	sdelay $0x2  }
0x7e6: {  	s25 =	simm.s32 $0x0;
	s23 =	simm.s32 $0x40  }
.LBB2_254:
.Ltmp293:
0x7e7: {  	(pc) =	sbr.rel .LBB2_256-.Ltmp293, $2  }
0x7e8: {  	_ =	sdelay $0x2  }
0x7e9: {  	s25 =	simm.s32 $0x0;
	s26 =	simm.s32 $0x40  }
.LBB2_259:
.Ltmp294:
0x7ea: {  	(pc) =	sbr.rel .LBB2_262-.Ltmp294, $2  }
0x7eb: {  	_ =	sdelay $0x2  }
0x7ec: {  	s25 =	simm.s32 $0x0;
	s23 =	simm.s32 $0x40  }
.LBB2_265:
.Ltmp295:
0x7ed: {  	(pc) =	sbr.rel .LBB2_267-.Ltmp295, $2  }
0x7ee: {  	_ =	sdelay $0x2  }
0x7ef: {  	s25 =	simm.s32 $0x0;
	s26 =	simm.s32 $0x40  }
.LBB2_270:
.Ltmp296:
0x7f0: {  	(pc) =	sbr.rel .LBB2_273-.Ltmp296, $2  }
0x7f1: {  	_ =	sdelay $0x2  }
0x7f2: {  	s25 =	simm.s32 $0x0;
	s24 =	simm.s32 $0x40  }
.LBB2_276:
.Ltmp297:
0x7f3: {  	(pc) =	sbr.rel .LBB2_278-.Ltmp297, $2  }
0x7f4: {  	_ =	sdelay $0x2  }
0x7f5: {  	s25 =	simm.s32 $0x0;
	s26 =	simm.s32 $0x40  }
.LBB2_281:
.Ltmp298:
0x7f6: {  	(pc) =	sbr.rel .LBB2_284-.Ltmp298, $2  }
0x7f7: {  	_ =	sdelay $0x2  }
0x7f8: {  	s25 =	simm.s32 $0x0;
	s23 =	simm.s32 $0x40  }
.LBB2_287:
.Ltmp299:
0x7f9: {  	(pc) =	sbr.rel .LBB2_289-.Ltmp299, $2  }
0x7fa: {  	_ =	sdelay $0x2  }
0x7fb: {  	s25 =	simm.s32 $0x0;
	s26 =	simm.s32 $0x40  }
.LBB2_292:
.Ltmp300:
0x7fc: {  	(pc) =	sbr.rel .LBB2_295-.Ltmp300, $2  }
0x7fd: {  	_ =	sdelay $0x2  }
0x7fe: {  	s25 =	simm.s32 $0x0;
	s24 =	simm.s32 $0x40  }
.LBB2_298:
.Ltmp301:
0x7ff: {  	(pc) =	sbr.rel .LBB2_300-.Ltmp301, $2  }
0x800: {  	_ =	sdelay $0x2  }
0x801: {  	s25 =	simm.s32 $0x0;
	s26 =	simm.s32 $0x40  }
.LBB2_303:
.Ltmp302:
0x802: {  	(pc) =	sbr.rel .LBB2_306-.Ltmp302, $2  }
0x803: {  	_ =	sdelay $0x2  }
0x804: {  	s25 =	simm.s32 $0x0;
	s23 =	simm.s32 $0x40  }
.LBB2_309:
.Ltmp303:
0x805: {  	(pc) =	sbr.rel .LBB2_311-.Ltmp303, $2  }
0x806: {  	_ =	sdelay $0x2  }
0x807: {  	s25 =	simm.s32 $0x0;
	s26 =	simm.s32 $0x40  }
.LBB2_314:
.Ltmp304:
0x808: {  	(pc) =	sbr.rel .LBB2_317-.Ltmp304, $2  }
0x809: {  	_ =	sdelay $0x2  }
0x80a: {  	s25 =	simm.s32 $0x0;
	s24 =	simm.s32 $0x40  }
.LBB2_320:
.Ltmp305:
0x80b: {  	(pc) =	sbr.rel .LBB2_322-.Ltmp305, $2  }
0x80c: {  	_ =	sdelay $0x2  }
0x80d: {  	s24 =	simm.s32 $0x0;
	s26 =	simm.s32 $0x40  }
.LBB2_325:
.Ltmp306:
0x80e: {  	(pc) =	sbr.rel .LBB2_328-.Ltmp306, $2  }
0x80f: {  	_ =	sdelay $0x2  }
0x810: {  	s24 =	simm.s32 $0x0;
	s25 =	simm.s32 $0x40  }
.LBB2_349:
0x811: {  	_ =	sfence.sel $0x180000  }
0x812: {  	[bflag:$0x0] =	sbarrier.arrive $0xFFFF  }
0x813: {  	_ =	strace $0x90000047  }
0x814: {  	s0 =	stileid.u32;
	[bflag:$0x2] =	sbarrier.arrive $0xFFFF  }
0x815: {  	p0 =	sne.s32 s0, $0x0;
	s0 =	rddreg [dreg:$0x2]  }
0x816: {  	s0 =	sadd.s32 @!p0 $0x100000, s0  }
0x817: {  	[sflag:s0] =	ssyncadd.tile.s32 @!p0 $0x1;
	_ =	shalt  }
.Lfunc_end2:
_tile_overlayer_lowered:
.L_overlay_start_2:
0x818: {  	(tag) =	ssettag $0x2  }
0x819: {  	s0 =	rddreg [dreg:$0x0];
	s2 =	stileid.u32  }
0x81a: {  	s1 =	rddreg [dreg:$0x1];
	p0 =	sne.s32 s2, $0x0  }
0x81b: {  	s3 =	rddreg [dreg:$0x2];
	[bflag:$0x3] =	sbarrier.arrive $0xFFFF;
	s2 =	simm.s32 @!p0 $0x1C02  }
0x81c: {  	[timem:s3], [sflag:s2] =	dma.local @!p0 [hbm:s0], s1  }
0x81d: {  	s0 =	simm.s32 @!p0 $0x2  }
0x81e: {  	_ =	swait.ge @!p0 [sflag:s0], s1  }
0x81f: {  	s1 =	ssub.s32 @!p0 $0x0, s1;
	[sflag:s0] =	ssyncset.done @!p0 $0x0  }
0x820: {  	[sflag:s0] =	ssyncadd.s32 @!p0 s1  }
0x821: {  	[bflag:$0x3] =	sbarrier.arrive $0xFFFF  }
0x822: {  	_ =	shalt  }

</sc_bundles>
